<compile_context>
chip_gen: v7x
topology: tpu7x:2x2x1
jax: 0.10.2.dev20260603
libtpu: 0.0.44.dev20260713+nightly
codegen_flags: <defaults>
</compile_context>

<pallas_src>
import functools

import jax
import jax.numpy as jnp
from jax import lax
from jax.experimental import pallas as pl
from jax.experimental.pallas import tpu as pltpu
from jax.experimental.pallas import tpu_sc as plsc

N = 10000
NPAD = 10112
E = 320000
D = 128
NC = 2
NS = 16
NW = NC * NS
EP = E // NW
K = 80
NCHUNK = EP // K
RP = NPAD // NS
RCS = (80, 80, 80, 80, 80, 80, 80, 72)

_mesh = plsc.VectorSubcoreMesh(core_axis_name="c", subcore_axis_name="s")
_sc_params = pltpu.CompilerParams(needs_layout_passes=False)


@functools.partial(
    pl.kernel,
    out_type=jax.ShapeDtypeStruct((NW, NPAD), jnp.float32),
    mesh=_mesh,
    scratch_types=[
        pltpu.VMEM((EP,), jnp.int32),
        pltpu.VMEM((NPAD,), jnp.float32),
    ],
    compiler_params=_sc_params,
)
def _count(dst_hbm, cnt_hbm, dst_v, cnt_v):
    c = lax.axis_index("c")
    s = lax.axis_index("s")
    wid = c * NS + s

    def _zcnt(i, _):
        cnt_v[pl.ds(i * 16, 16)] = jnp.zeros((16,), jnp.float32)
        return 0
    lax.fori_loop(0, NPAD // 16, _zcnt, 0)

    pltpu.sync_copy(dst_hbm.at[wid], dst_v)

    ones16 = jnp.ones((16,), jnp.float32)

    def _body(i, _):
        di = dst_v[pl.ds(i * 16, 16)]
        plsc.addupdate_scatter(cnt_v, [di], ones16)
        return 0
    lax.fori_loop(0, EP // 16, _body, 0)

    pltpu.sync_copy(cnt_v, cnt_hbm.at[wid])


@functools.partial(
    pl.kernel,
    out_type=jax.ShapeDtypeStruct((NC, NPAD, D), jnp.float32),
    mesh=_mesh,
    scratch_types=[
        pltpu.VMEM((NCHUNK, K), jnp.int32),
        pltpu.VMEM((K,), jnp.int32),
        pltpu.VMEM((K,), jnp.int32),
        pltpu.VMEM((K, D), jnp.float32),
        pltpu.VMEM((K,), jnp.int32),
        pltpu.VMEM((K,), jnp.int32),
        pltpu.VMEM((K, D), jnp.float32),
        pltpu.VMEM_SHARED((NPAD, D), jnp.float32),
        pltpu.SemaphoreType.DMA,
        pltpu.SemaphoreType.DMA,
    ],
    compiler_params=_sc_params,
)
def _segsum(tab_hbm, edges_hbm, out_hbm,
            edges_v, src_a, dst_a, rows_a, src_b, dst_b, rows_b,
            acc_shared, sem_a, sem_b):
    c = lax.axis_index("c")
    s = lax.axis_index("s")
    wid = c * NS + s

    def _zrow(i, _):
        for j in range(D // 16):
            rows_a[i, pl.ds(j * 16, 16)] = jnp.zeros((16,), jnp.float32)
        return 0
    lax.fori_loop(0, K, _zrow, 0)
    off = 0
    for rc in RCS:
        pltpu.sync_copy(rows_a.at[pl.ds(0, rc), :],
                        acc_shared.at[pl.ds(s * RP + off, rc), :])
        off += rc

    pltpu.sync_copy(edges_hbm.at[wid], edges_v)

    plsc.subcore_barrier()

    def _prefetch(j, src_c, dst_c, rows_c, sem_c):
        for m in range(K // 16):
            p = edges_v[j, pl.ds(m * 16, 16)]
            src_c[pl.ds(m * 16, 16)] = jnp.bitwise_and(p, 16383)
            dst_c[pl.ds(m * 16, 16)] = lax.shift_right_logical(p, 14)
        pltpu.async_copy(tab_hbm.at[src_c], rows_c, sem_c)

    def _drain(src_c, dst_c, rows_c, sem_c):
        pltpu.make_async_copy(tab_hbm.at[src_c], rows_c, sem_c).wait()
        pltpu.sync_copy(rows_c, acc_shared.at[dst_c], add=True)

    _prefetch(0, src_a, dst_a, rows_a, sem_a)

    def _pair(i, _):
        ja = 2 * i
        _prefetch(ja + 1, src_b, dst_b, rows_b, sem_b)
        _drain(src_a, dst_a, rows_a, sem_a)

        @pl.when(ja + 2 < NCHUNK)
        def _():
            _prefetch(ja + 2, src_a, dst_a, rows_a, sem_a)
        _drain(src_b, dst_b, rows_b, sem_b)
        return 0
    lax.fori_loop(0, NCHUNK // 2, _pair, 0)

    _drain(src_a, dst_a, rows_a, sem_a)

    plsc.subcore_barrier()

    off = 0
    bufs = (rows_a, rows_b)
    for r, rc in enumerate(RCS):
        row0 = s * RP + off
        buf = bufs[r % 2]
        pltpu.sync_copy(acc_shared.at[pl.ds(row0, rc), :],
                        buf.at[pl.ds(0, rc), :])
        pltpu.sync_copy(buf.at[pl.ds(0, rc), :],
                        out_hbm.at[c, pl.ds(row0, rc), :])
        off += rc


@functools.partial(
    pl.kernel,
    out_type=jax.ShapeDtypeStruct((E,), jnp.float32),
    mesh=_mesh,
    scratch_types=[
        pltpu.VMEM((N,), jnp.float32),
        pltpu.VMEM((N,), jnp.float32),
        pltpu.VMEM((EP,), jnp.int32),
        pltpu.VMEM((EP,), jnp.int32),
        pltpu.VMEM((EP,), jnp.float32),
        pltpu.VMEM((2 * D,), jnp.float32),
        pltpu.VMEM((D,), jnp.float32),
        pltpu.VMEM((16,), jnp.float32),
    ],
    compiler_params=_sc_params,
)
def _head(s_hbm, t_hbm, src_hbm, dst_hbm, we_hbm, b2_hbm, be_hbm, out_hbm,
          s_v, t_v, src_v, dst_v, y_v, we_v, b2_v, be_v):
    c = lax.axis_index("c")
    s = lax.axis_index("s")
    wid = c * NS + s
    base = wid * EP

    pltpu.sync_copy(s_hbm, s_v)
    pltpu.sync_copy(t_hbm, t_v)
    pltpu.sync_copy(src_hbm.at[pl.ds(base, EP)], src_v)
    pltpu.sync_copy(dst_hbm.at[pl.ds(base, EP)], dst_v)
    pltpu.sync_copy(we_hbm, we_v)
    pltpu.sync_copy(b2_hbm, b2_v)
    pltpu.sync_copy(be_hbm, be_v)

    acc = be_v[...]
    for m in range(D // 16):
        b2c = b2_v[pl.ds(m * 16, 16)]
        acc = acc + b2c * (we_v[pl.ds(m * 16, 16)]
                           + we_v[pl.ds(D + m * 16, 16)])
    cconst = jnp.sum(acc, axis=0)

    def _body(i, _):
        for u in range(5):
            o = (5 * i + u) * 16
            si = src_v[pl.ds(o, 16)]
            di = dst_v[pl.ds(o, 16)]
            sv = plsc.load_gather(s_v, [si])
            tv = plsc.load_gather(t_v, [di])
            logit = sv + tv + cconst
            y_v[pl.ds(o, 16)] = 1.0 / (1.0 + jnp.exp(-logit))
        return 0
    lax.fori_loop(0, EP // 80, _body, 0)

    pltpu.sync_copy(y_v, out_hbm.at[pl.ds(base, EP)])


def _tc1_body(p_ref, cnt_ref, x_ref, wl_ref, b_ref, wr_ref, out_ref):
    cnt = jnp.sum(cnt_ref[...], axis=0)
    inv = (1.0 / jnp.maximum(cnt, 1.0))[:, None]
    mean = (p_ref[0] + p_ref[1]) * inv
    h = lax.dot_general(mean, wl_ref[...], (((1,), (1,)), ((), ())),
                        preferred_element_type=jnp.float32)
    h = h + b_ref[...] + lax.dot_general(x_ref[...], wr_ref[...],
                                         (((1,), (1,)), ((), ())),
                                         preferred_element_type=jnp.float32)
    out_ref[...] = jnp.maximum(h, 0.0)


def _tc2_body(q_ref, cnt_ref, h_ref, wl_ref, wr_ref, we_ref, out_ref):
    cnt = jnp.sum(cnt_ref[...], axis=0)
    inv = (1.0 / jnp.maximum(cnt, 1.0))[:, None]
    mean2 = (q_ref[0] + q_ref[1]) * inv
    h = h_ref[...]
    wel = we_ref[:, :D]
    wer = we_ref[:, D:]
    cdims = (((1,), (0,)), ((), ()))

    a_s = lax.dot_general(wel, wl_ref[...], cdims,
                          preferred_element_type=jnp.float32)
    b_s = lax.dot_general(wel, wr_ref[...], cdims,
                          preferred_element_type=jnp.float32)
    a_t = lax.dot_general(wer, wl_ref[...], cdims,
                          preferred_element_type=jnp.float32)
    b_t = lax.dot_general(wer, wr_ref[...], cdims,
                          preferred_element_type=jnp.float32)
    rdims = (((1,), (1,)), ((), ()))

    scol = (lax.dot_general(mean2, a_s, rdims, preferred_element_type=jnp.float32)
            + lax.dot_general(h, b_s, rdims, preferred_element_type=jnp.float32))
    tcol = (lax.dot_general(mean2, a_t, rdims, preferred_element_type=jnp.float32)
            + lax.dot_general(h, b_t, rdims, preferred_element_type=jnp.float32))
    lane = lax.broadcasted_iota(jnp.int32, out_ref.shape, 1)
    out_ref[...] = jnp.where(lane == 0, scol, 0.0) + jnp.where(lane == 1, tcol, 0.0)


def _tc1(P, cnt, x, W1_l, b1, W1_r):
    return pl.pallas_call(
        _tc1_body,
        out_shape=jax.ShapeDtypeStruct((NPAD, D), jnp.float32),
    )(P, cnt, x, W1_l, b1, W1_r)


def _tc2(Q, cnt, h, W2_l, W2_r, We):
    return pl.pallas_call(
        _tc2_body,
        out_shape=jax.ShapeDtypeStruct((NPAD, D), jnp.float32),
    )(Q, cnt, h, W2_l, W2_r, We)


def kernel(x, edge_index, edge_attr, W1_l, b1, W1_r, W2_l, b2, W2_r, We, be):
    del edge_attr
    src = edge_index[0].astype(jnp.int32)
    dst = edge_index[1].astype(jnp.int32)
    edges_t = jnp.bitwise_or(src, jnp.left_shift(dst, 14)).reshape(
        NW, NCHUNK, K)

    x_pad = jnp.pad(x, ((0, NPAD - N), (0, 0)))
    cnt = _count(dst.reshape(NW, EP))
    P = _segsum(x_pad, edges_t)
    h = _tc1(P, cnt, x_pad, W1_l, b1.reshape(1, D), W1_r)
    Q = _segsum(h, edges_t)
    st = _tc2(Q, cnt, h, W2_l, W2_r, We)
    s_arr = st[:N, 0]
    t_arr = st[:N, 1]
    be16 = jnp.pad(be.astype(jnp.float32), (0, 15))
    y = _head(s_arr, t_arr, src, dst, We.reshape(2 * D), b2, be16)
    return y.reshape(E, 1)

# --- scband reference (transcript-rebuilt; emitter-appended) ---
"""Pipeline reference for scband-graph-sage-16535624090440 (READ-ONLY COPY).

The authoritative reference and input builder live on the scoring server;
editing this copy changes nothing except your own understanding.
"""

import jax, jax.numpy as jnp
import numpy as np

N = 10000
E = 320000
D_IN = 128
H1 = 128
H2 = 128
D_EDGE = 4

def setup_inputs(seed: int = 0):
    key = jax.random.key(seed)
    ks = jax.random.split(key, 12)
    x = jax.random.normal(ks[0], (N, D_IN), dtype=jnp.float32)
    edge_index = jax.random.randint(ks[1], (2, E), 0, N)
    edge_attr = jax.random.normal(ks[2], (E, D_EDGE), dtype=jnp.float32)
    W1_l = jax.random.normal(ks[3], (H1, D_IN), dtype=jnp.float32) / np.sqrt(D_IN)
    b1 = jnp.zeros((H1,), dtype=jnp.float32)
    W1_r = jax.random.normal(ks[4], (H1, D_IN), dtype=jnp.float32) / np.sqrt(D_IN)
    W2_l = jax.random.normal(ks[5], (H2, H1), dtype=jnp.float32) / np.sqrt(H1)
    b2 = jnp.zeros((H2,), dtype=jnp.float32)
    W2_r = jax.random.normal(ks[6], (H2, H1), dtype=jnp.float32) / np.sqrt(H1)
    We = jax.random.normal(ks[7], (1, 2 * H2), dtype=jnp.float32) / np.sqrt(2 * H2)
    be = jnp.zeros((1,), dtype=jnp.float32)
    return {"x": x, "edge_index": edge_index, "edge_attr": edge_attr,
            "W1_l": W1_l, "b1": b1, "W1_r": W1_r,
            "W2_l": W2_l, "b2": b2, "W2_r": W2_r,
            "We": We, "be": be}

def _sage_conv(x, edge_index, Wl, b, Wr):
    # PyG SAGEConv: out = lin_l(mean_aggr(x[src] -> dst)) + lin_r(x)
    src = edge_index[0]
    dst = edge_index[1]
    msg = jnp.take(x, src, axis=0)
    summed = jax.ops.segment_sum(msg, dst, num_segments=N)
    cnt = jax.ops.segment_sum(jnp.ones((edge_index.shape[1],), x.dtype), dst, num_segments=N)
    mean = summed / jnp.clip(cnt, 1.0)[:, None]
    return mean @ Wl.T + b + x @ Wr.T

def reference(x, edge_index, edge_attr, W1_l, b1, W1_r, W2_l, b2, W2_r, We, be):
    # task_type == 'link-binary': encode -> gather src/tgt -> concat -> linear(1) -> sigmoid
    # dropout omitted (inference / training=False)
    h = jax.nn.relu(_sage_conv(x, edge_index, W1_l, b1, W1_r))
    z = _sage_conv(h, edge_index, W2_l, b2, W2_r)
    x_src = jnp.take(z, edge_index[0], axis=0)
    x_tgt = jnp.take(z, edge_index[1], axis=0)
    cat = jnp.concatenate((x_src, x_tgt), axis=-1)
    y = cat @ We.T + be
    return jax.nn.sigmoid(y)

if __name__ == "__main__":
    import jax
    _d = setup_inputs()
    print(jax.jit(kernel)(*tuple(_d.values())))

</pallas_src>

<mosaic_0001>
#map = affine_map<(d0, d1) -> (0, 0)>
module attributes {stable_mosaic.version = 14 : i64} {
  func.func @_count(%arg0: i32, %arg1: i32, %arg2: memref<32x10000xi32, #tpu.memory_space<hbm>>, %arg3: memref<32x10112xf32, #tpu.memory_space<hbm>>, %arg4: memref<10000xi32, #tpu.memory_space<vmem>>, %arg5: memref<10112xf32, #tpu.memory_space<vmem>>) attributes {dimension_semantics = [#tpu.dimension_semantics<core_parallel>, #tpu.dimension_semantics<subcore_parallel>], iteration_bounds = array<i64: 2, 16>, scalar_prefetch = 0 : i64, scratch_operands = 2 : i64, tpu.core_type = #tpu.core_type<sc_vector_subcore>, window_params = [{transform_indices = #map}, {transform_indices = #map}]} {
    %mul3A = arith.constant 16 : i32
    %mul3A_0 = arith.muli %arg0, %mul3A : i32
    %add3A = arith.addi %mul3A_0, %arg1 : i32
    %scan3A = arith.constant 0 : i32
    %scan3A_1 = arith.constant 0 : i32
    %scan3A_2 = arith.constant 632 : i32
    %scan3A_3 = arith.addi %scan3A_1, %scan3A_2 : i32
    %scan3A_4 = arith.constant 1 : i32
    %scan3A_5 = scf.for %scan3A_15 = %scan3A_1 to %scan3A_3 step %scan3A_4 iter_args(%scan3A_16 = %scan3A) -> (i32)  : i32 {
      %broadcast_in_dim3A_17 = arith.constant 0.000000e+00 : f32
      %broadcast_in_dim3A_18 = vector.broadcast %broadcast_in_dim3A_17 : f32 to vector<16xf32>
      %mul3A_19 = arith.constant 16 : i32
      %mul3A_20 = arith.muli %scan3A_15, %mul3A_19 : i32
      %swap3A = arith.index_cast %mul3A_20 : i32 to index
      %swap3A_21 = tpu.vector_load %arg5[%swap3A] {strides = array<i32>} : memref<10112xf32, #tpu.memory_space<vmem>>, vector<16xf32>,
      tpu.vector_store %arg5[%swap3A], %broadcast_in_dim3A_18 {strides = array<i32>} : memref<10112xf32, #tpu.memory_space<vmem>>, vector<16xf32>,
      %scan3A_22 = arith.constant 0 : i32
      scf.yield %scan3A_22 : i32
    }
    %scan3A_6 = arith.constant 632 : i32
    "tpu.region"() ({
      %run_scoped3A = tpu.sem_alloc : memref<!tpu.dma_semaphore, #tpu.memory_space<semaphore_mem>>
      %dma_start3A = arith.constant 0 : i32
      %dma_start3A_15 = tpu.memref_slice %arg2[%add3A, %dma_start3A] : memref<32x10000xi32, #tpu.memory_space<hbm>> -> memref<1x10000xi32, #tpu.memory_space<hbm>>
      %dma_start3A_16 = tpu.memref_squeeze %dma_start3A_15 : memref<1x10000xi32, #tpu.memory_space<hbm>> -> memref<10000xi32, #tpu.memory_space<hbm>>
      %dma_start3A_17 = arith.constant 0 : i32
      %dma_start3A_18 = tpu.memref_slice %arg2[%add3A, %dma_start3A_17] : memref<32x10000xi32, #tpu.memory_space<hbm>> -> memref<1x10000xi32, #tpu.memory_space<hbm>>
      %dma_start3A_19 = tpu.memref_squeeze %dma_start3A_18 : memref<1x10000xi32, #tpu.memory_space<hbm>> -> memref<10000xi32, #tpu.memory_space<hbm>>
      tpu.enqueue_dma source(%dma_start3A_19 : memref<10000xi32, #tpu.memory_space<hbm>>) target(%arg4 : memref<10000xi32, #tpu.memory_space<vmem>>) target_semaphore(%run_scoped3A : memref<!tpu.dma_semaphore, #tpu.memory_space<semaphore_mem>>)
      %dma_wait3A = arith.constant 0 : i32
      %dma_wait3A_20 = tpu.memref_slice %arg2[%add3A, %dma_wait3A] : memref<32x10000xi32, #tpu.memory_space<hbm>> -> memref<1x10000xi32, #tpu.memory_space<hbm>>
      %dma_wait3A_21 = tpu.memref_squeeze %dma_wait3A_20 : memref<1x10000xi32, #tpu.memory_space<hbm>> -> memref<10000xi32, #tpu.memory_space<hbm>>
      %dma_wait3A_22 = arith.constant 0 : i32
      %dma_wait3A_23 = tpu.memref_slice %arg2[%add3A, %dma_wait3A_22] : memref<32x10000xi32, #tpu.memory_space<hbm>> -> memref<1x10000xi32, #tpu.memory_space<hbm>>
      %dma_wait3A_24 = tpu.memref_squeeze %dma_wait3A_23 : memref<1x10000xi32, #tpu.memory_space<hbm>> -> memref<10000xi32, #tpu.memory_space<hbm>>
      tpu.wait_dma2 semaphore(%run_scoped3A : memref<!tpu.dma_semaphore, #tpu.memory_space<semaphore_mem>>) src(%dma_wait3A_24 : memref<10000xi32, #tpu.memory_space<hbm>>) dst(%arg4 : memref<10000xi32, #tpu.memory_space<vmem>>)
      tpu.yield
    }) : () -> ()
    %broadcast_in_dim3A = arith.constant 1.000000e+00 : f32
    %broadcast_in_dim3A_7 = vector.broadcast %broadcast_in_dim3A : f32 to vector<16xf32>
    %scan3A_8 = arith.constant 0 : i32
    %scan3A_9 = arith.constant 0 : i32
    %scan3A_10 = arith.constant 625 : i32
    %scan3A_11 = arith.addi %scan3A_9, %scan3A_10 : i32
    %scan3A_12 = arith.constant 1 : i32
    %scan3A_13 = scf.for %scan3A_15 = %scan3A_9 to %scan3A_11 step %scan3A_12 iter_args(%scan3A_16 = %scan3A_8) -> (i32)  : i32 {
      %mul3A_17 = arith.constant 16 : i32
      %mul3A_18 = arith.muli %scan3A_15, %mul3A_17 : i32
      %get3A = arith.index_cast %mul3A_18 : i32 to index
      %get3A_19 = tpu.vector_load %arg4[%get3A] {strides = array<i32>} : memref<10000xi32, #tpu.memory_space<vmem>>, vector<16xi32>,
      tpu.vector_store_idx %arg5[%get3A_19], %broadcast_in_dim3A_7 {add = true} : memref<10112xf32, #tpu.memory_space<vmem>>[vector<16xi32>], vector<16xf32>,
      %scan3A_20 = arith.constant 0 : i32
      scf.yield %scan3A_20 : i32
    }
    %scan3A_14 = arith.constant 625 : i32
    "tpu.region"() ({
      %run_scoped3A = tpu.sem_alloc : memref<!tpu.dma_semaphore, #tpu.memory_space<semaphore_mem>>
      %dma_start3A = arith.constant 0 : i32
      %dma_start3A_15 = tpu.memref_slice %arg3[%add3A, %dma_start3A] : memref<32x10112xf32, #tpu.memory_space<hbm>> -> memref<1x10112xf32, #tpu.memory_space<hbm>>
      %dma_start3A_16 = tpu.memref_squeeze %dma_start3A_15 : memref<1x10112xf32, #tpu.memory_space<hbm>> -> memref<10112xf32, #tpu.memory_space<hbm>>
      %dma_start3A_17 = arith.constant 0 : i32
      %dma_start3A_18 = tpu.memref_slice %arg3[%add3A, %dma_start3A_17] : memref<32x10112xf32, #tpu.memory_space<hbm>> -> memref<1x10112xf32, #tpu.memory_space<hbm>>
      %dma_start3A_19 = tpu.memref_squeeze %dma_start3A_18 : memref<1x10112xf32, #tpu.memory_space<hbm>> -> memref<10112xf32, #tpu.memory_space<hbm>>
      tpu.enqueue_dma source(%arg5 : memref<10112xf32, #tpu.memory_space<vmem>>) target(%dma_start3A_19 : memref<10112xf32, #tpu.memory_space<hbm>>) target_semaphore(%run_scoped3A : memref<!tpu.dma_semaphore, #tpu.memory_space<semaphore_mem>>)
      %dma_wait3A = arith.constant 0 : i32
      %dma_wait3A_20 = tpu.memref_slice %arg3[%add3A, %dma_wait3A] : memref<32x10112xf32, #tpu.memory_space<hbm>> -> memref<1x10112xf32, #tpu.memory_space<hbm>>
      %dma_wait3A_21 = tpu.memref_squeeze %dma_wait3A_20 : memref<1x10112xf32, #tpu.memory_space<hbm>> -> memref<10112xf32, #tpu.memory_space<hbm>>
      %dma_wait3A_22 = arith.constant 0 : i32
      %dma_wait3A_23 = tpu.memref_slice %arg3[%add3A, %dma_wait3A_22] : memref<32x10112xf32, #tpu.memory_space<hbm>> -> memref<1x10112xf32, #tpu.memory_space<hbm>>
      %dma_wait3A_24 = tpu.memref_squeeze %dma_wait3A_23 : memref<1x10112xf32, #tpu.memory_space<hbm>> -> memref<10112xf32, #tpu.memory_space<hbm>>
      tpu.wait_dma2 semaphore(%run_scoped3A : memref<!tpu.dma_semaphore, #tpu.memory_space<semaphore_mem>>) src(%arg5 : memref<10112xf32, #tpu.memory_space<vmem>>) dst(%dma_wait3A_24 : memref<10112xf32, #tpu.memory_space<hbm>>)
      tpu.yield
    }) : () -> ()
    return
  }
}

#map = affine_map<(d0, d1) -> (0, 0)>
#map1 = affine_map<(d0, d1) -> (0, 0, 0)>
module attributes {stable_mosaic.version = 14 : i64} {
  func.func @_segsum(%arg0: i32, %arg1: i32, %arg2: memref<10112x128xf32, #tpu.memory_space<hbm>>, %arg3: memref<32x125x80xi32, #tpu.memory_space<hbm>>, %arg4: memref<2x10112x128xf32, #tpu.memory_space<hbm>>, %arg5: memref<125x80xi32, #tpu.memory_space<vmem>>, %arg6: memref<80xi32, #tpu.memory_space<vmem>>, %arg7: memref<80xi32, #tpu.memory_space<vmem>>, %arg8: memref<80x128xf32, #tpu.memory_space<vmem>>, %arg9: memref<80xi32, #tpu.memory_space<vmem>>, %arg10: memref<80xi32, #tpu.memory_space<vmem>>, %arg11: memref<80x128xf32, #tpu.memory_space<vmem>>, %arg12: memref<10112x128xf32, #tpu.memory_space<vmem_shared>>, %arg13: memref<!tpu.dma_semaphore, #tpu.memory_space<semaphore_mem>>, %arg14: memref<!tpu.dma_semaphore, #tpu.memory_space<semaphore_mem>>) attributes {dimension_semantics = [#tpu.dimension_semantics<core_parallel>, #tpu.dimension_semantics<subcore_parallel>], iteration_bounds = array<i64: 2, 16>, scalar_prefetch = 0 : i64, scratch_operands = 10 : i64, tpu.core_type = #tpu.core_type<sc_vector_subcore>, window_params = [{transform_indices = #map}, {transform_indices = #map1}, {transform_indices = #map1}]} {
    %mul3A = arith.constant 16 : i32
    %mul3A_0 = arith.muli %arg0, %mul3A : i32
    %add3A = arith.addi %mul3A_0, %arg1 : i32
    %scan3A = arith.constant 0 : i32
    %scan3A_1 = arith.constant 0 : i32
    %scan3A_2 = arith.constant 80 : i32
    %scan3A_3 = arith.addi %scan3A_1, %scan3A_2 : i32
    %scan3A_4 = arith.constant 1 : i32
    %scan3A_5 = scf.for %scan3A_149 = %scan3A_1 to %scan3A_3 step %scan3A_4 iter_args(%scan3A_150 = %scan3A) -> (i32)  : i32 {
      %broadcast_in_dim3A = arith.constant 0.000000e+00 : f32
      %broadcast_in_dim3A_151 = vector.broadcast %broadcast_in_dim3A : f32 to vector<16xf32>
      %swap3A_152 = arith.index_cast %scan3A_149 : i32 to index
      %swap3A_153 = arith.constant 0 : index
      %swap3A_154 = tpu.vector_load %arg8[%swap3A_152, %swap3A_153] {strides = array<i32>} : memref<80x128xf32, #tpu.memory_space<vmem>>, vector<16xf32>,
      tpu.vector_store %arg8[%swap3A_152, %swap3A_153], %broadcast_in_dim3A_151 {strides = array<i32>} : memref<80x128xf32, #tpu.memory_space<vmem>>, vector<16xf32>,
      %broadcast_in_dim3A_155 = arith.constant 0.000000e+00 : f32
      %broadcast_in_dim3A_156 = vector.broadcast %broadcast_in_dim3A_155 : f32 to vector<16xf32>
      %swap3A_157 = arith.index_cast %scan3A_149 : i32 to index
      %swap3A_158 = arith.constant 16 : index
      %swap3A_159 = tpu.vector_load %arg8[%swap3A_157, %swap3A_158] {strides = array<i32>} : memref<80x128xf32, #tpu.memory_space<vmem>>, vector<16xf32>,
      tpu.vector_store %arg8[%swap3A_157, %swap3A_158], %broadcast_in_dim3A_156 {strides = array<i32>} : memref<80x128xf32, #tpu.memory_space<vmem>>, vector<16xf32>,
      %broadcast_in_dim3A_160 = arith.constant 0.000000e+00 : f32
      %broadcast_in_dim3A_161 = vector.broadcast %broadcast_in_dim3A_160 : f32 to vector<16xf32>
      %swap3A_162 = arith.index_cast %scan3A_149 : i32 to index
      %swap3A_163 = arith.constant 32 : index
      %swap3A_164 = tpu.vector_load %arg8[%swap3A_162, %swap3A_163] {strides = array<i32>} : memref<80x128xf32, #tpu.memory_space<vmem>>, vector<16xf32>,
      tpu.vector_store %arg8[%swap3A_162, %swap3A_163], %broadcast_in_dim3A_161 {strides = array<i32>} : memref<80x128xf32, #tpu.memory_space<vmem>>, vector<16xf32>,
      %broadcast_in_dim3A_165 = arith.constant 0.000000e+00 : f32
      %broadcast_in_dim3A_166 = vector.broadcast %broadcast_in_dim3A_165 : f32 to vector<16xf32>
      %swap3A_167 = arith.index_cast %scan3A_149 : i32 to index
      %swap3A_168 = arith.constant 48 : index
      %swap3A_169 = tpu.vector_load %arg8[%swap3A_167, %swap3A_168] {strides = array<i32>} : memref<80x128xf32, #tpu.memory_space<vmem>>, vector<16xf32>,
      tpu.vector_store %arg8[%swap3A_167, %swap3A_168], %broadcast_in_dim3A_166 {strides = array<i32>} : memref<80x128xf32, #tpu.memory_space<vmem>>, vector<16xf32>,
      %broadcast_in_dim3A_170 = arith.constant 0.000000e+00 : f32
      %broadcast_in_dim3A_171 = vector.broadcast %broadcast_in_dim3A_170 : f32 to vector<16xf32>
      %swap3A_172 = arith.index_cast %scan3A_149 : i32 to index
      %swap3A_173 = arith.constant 64 : index
      %swap3A_174 = tpu.vector_load %arg8[%swap3A_172, %swap3A_173] {strides = array<i32>} : memref<80x128xf32, #tpu.memory_space<vmem>>, vector<16xf32>,
      tpu.vector_store %arg8[%swap3A_172, %swap3A_173], %broadcast_in_dim3A_171 {strides = array<i32>} : memref<80x128xf32, #tpu.memory_space<vmem>>, vector<16xf32>,
      %broadcast_in_dim3A_175 = arith.constant 0.000000e+00 : f32
      %broadcast_in_dim3A_176 = vector.broadcast %broadcast_in_dim3A_175 : f32 to vector<16xf32>
      %swap3A_177 = arith.index_cast %scan3A_149 : i32 to index
      %swap3A_178 = arith.constant 80 : index
      %swap3A_179 = tpu.vector_load %arg8[%swap3A_177, %swap3A_178] {strides = array<i32>} : memref<80x128xf32, #tpu.memory_space<vmem>>, vector<16xf32>,
      tpu.vector_store %arg8[%swap3A_177, %swap3A_178], %broadcast_in_dim3A_176 {strides = array<i32>} : memref<80x128xf32, #tpu.memory_space<vmem>>, vector<16xf32>,
      %broadcast_in_dim3A_180 = arith.constant 0.000000e+00 : f32
      %broadcast_in_dim3A_181 = vector.broadcast %broadcast_in_dim3A_180 : f32 to vector<16xf32>
      %swap3A_182 = arith.index_cast %scan3A_149 : i32 to index
      %swap3A_183 = arith.constant 96 : index
      %swap3A_184 = tpu.vector_load %arg8[%swap3A_182, %swap3A_183] {strides = array<i32>} : memref<80x128xf32, #tpu.memory_space<vmem>>, vector<16xf32>,
      tpu.vector_store %arg8[%swap3A_182, %swap3A_183], %broadcast_in_dim3A_181 {strides = array<i32>} : memref<80x128xf32, #tpu.memory_space<vmem>>, vector<16xf32>,
      %broadcast_in_dim3A_185 = arith.constant 0.000000e+00 : f32
      %broadcast_in_dim3A_186 = vector.broadcast %broadcast_in_dim3A_185 : f32 to vector<16xf32>
      %swap3A_187 = arith.index_cast %scan3A_149 : i32 to index
      %swap3A_188 = arith.constant 112 : index
      %swap3A_189 = tpu.vector_load %arg8[%swap3A_187, %swap3A_188] {strides = array<i32>} : memref<80x128xf32, #tpu.memory_space<vmem>>, vector<16xf32>,
      tpu.vector_store %arg8[%swap3A_187, %swap3A_188], %broadcast_in_dim3A_186 {strides = array<i32>} : memref<80x128xf32, #tpu.memory_space<vmem>>, vector<16xf32>,
      %scan3A_190 = arith.constant 0 : i32
      scf.yield %scan3A_190 : i32
    }
    %scan3A_6 = arith.constant 80 : i32
    %mul3A_7 = arith.constant 632 : i32
    %mul3A_8 = arith.muli %arg1, %mul3A_7 : i32
    %add3A_9 = arith.constant 0 : i32
    %add3A_10 = arith.addi %mul3A_8, %add3A_9 : i32
    "tpu.region"() ({
      %run_scoped3A = tpu.sem_alloc : memref<!tpu.dma_semaphore, #tpu.memory_space<semaphore_mem>>
      %dma_start3A_149 = arith.constant 0 : i32
      %dma_start3A_150 = arith.constant 0 : i32
      %dma_start3A_151 = tpu.memref_slice %arg8[%dma_start3A_149, %dma_start3A_150] : memref<80x128xf32, #tpu.memory_space<vmem>> -> memref<80x128xf32, #tpu.memory_space<vmem>>
      %dma_start3A_152 = arith.constant 0 : i32
      %dma_start3A_153 = tpu.memref_slice %arg12[%add3A_10, %dma_start3A_152] : memref<10112x128xf32, #tpu.memory_space<vmem_shared>> -> memref<80x128xf32, #tpu.memory_space<vmem_shared>>
      %dma_start3A_154 = arith.constant 0 : i32
      %dma_start3A_155 = tpu.memref_slice %arg12[%add3A_10, %dma_start3A_154] : memref<10112x128xf32, #tpu.memory_space<vmem_shared>> -> memref<80x128xf32, #tpu.memory_space<vmem_shared>>
      %dma_start3A_156 = arith.constant 0 : i32
      %dma_start3A_157 = arith.constant 0 : i32
      %dma_start3A_158 = tpu.memref_slice %arg8[%dma_start3A_156, %dma_start3A_157] : memref<80x128xf32, #tpu.memory_space<vmem>> -> memref<80x128xf32, #tpu.memory_space<vmem>>
      tpu.enqueue_dma source(%dma_start3A_158 : memref<80x128xf32, #tpu.memory_space<vmem>>) target(%dma_start3A_155 : memref<80x128xf32, #tpu.memory_space<vmem_shared>>) target_semaphore(%run_scoped3A : memref<!tpu.dma_semaphore, #tpu.memory_space<semaphore_mem>>)
      %dma_wait3A_159 = arith.constant 0 : i32
      %dma_wait3A_160 = arith.constant 0 : i32
      %dma_wait3A_161 = tpu.memref_slice %arg8[%dma_wait3A_159, %dma_wait3A_160] : memref<80x128xf32, #tpu.memory_space<vmem>> -> memref<80x128xf32, #tpu.memory_space<vmem>>
      %dma_wait3A_162 = arith.constant 0 : i32
      %dma_wait3A_163 = tpu.memref_slice %arg12[%add3A_10, %dma_wait3A_162] : memref<10112x128xf32, #tpu.memory_space<vmem_shared>> -> memref<80x128xf32, #tpu.memory_space<vmem_shared>>
      %dma_wait3A_164 = arith.constant 0 : i32
      %dma_wait3A_165 = tpu.memref_slice %arg12[%add3A_10, %dma_wait3A_164] : memref<10112x128xf32, #tpu.memory_space<vmem_shared>> -> memref<80x128xf32, #tpu.memory_space<vmem_shared>>
      %dma_wait3A_166 = arith.constant 0 : i32
      %dma_wait3A_167 = arith.constant 0 : i32
      %dma_wait3A_168 = tpu.memref_slice %arg8[%dma_wait3A_166, %dma_wait3A_167] : memref<80x128xf32, #tpu.memory_space<vmem>> -> memref<80x128xf32, #tpu.memory_space<vmem>>
      tpu.wait_dma2 semaphore(%run_scoped3A : memref<!tpu.dma_semaphore, #tpu.memory_space<semaphore_mem>>) src(%dma_wait3A_168 : memref<80x128xf32, #tpu.memory_space<vmem>>) dst(%dma_wait3A_165 : memref<80x128xf32, #tpu.memory_space<vmem_shared>>)
      tpu.yield
    }) : () -> ()
    %mul3A_11 = arith.constant 632 : i32
    %mul3A_12 = arith.muli %arg1, %mul3A_11 : i32
    %add3A_13 = arith.constant 80 : i32
    %add3A_14 = arith.addi %mul3A_12, %add3A_13 : i32
    "tpu.region"() ({
      %run_scoped3A = tpu.sem_alloc : memref<!tpu.dma_semaphore, #tpu.memory_space<semaphore_mem>>
      %dma_start3A_149 = arith.constant 0 : i32
      %dma_start3A_150 = arith.constant 0 : i32
      %dma_start3A_151 = tpu.memref_slice %arg8[%dma_start3A_149, %dma_start3A_150] : memref<80x128xf32, #tpu.memory_space<vmem>> -> memref<80x128xf32, #tpu.memory_space<vmem>>
      %dma_start3A_152 = arith.constant 0 : i32
      %dma_start3A_153 = tpu.memref_slice %arg12[%add3A_14, %dma_start3A_152] : memref<10112x128xf32, #tpu.memory_space<vmem_shared>> -> memref<80x128xf32, #tpu.memory_space<vmem_shared>>
      %dma_start3A_154 = arith.constant 0 : i32
      %dma_start3A_155 = tpu.memref_slice %arg12[%add3A_14, %dma_start3A_154] : memref<10112x128xf32, #tpu.memory_space<vmem_shared>> -> memref<80x128xf32, #tpu.memory_space<vmem_shared>>
      %dma_start3A_156 = arith.constant 0 : i32
      %dma_start3A_157 = arith.constant 0 : i32
      %dma_start3A_158 = tpu.memref_slice %arg8[%dma_start3A_156, %dma_start3A_157] : memref<80x128xf32, #tpu.memory_space<vmem>> -> memref<80x128xf32, #tpu.memory_space<vmem>>
      tpu.enqueue_dma source(%dma_start3A_158 : memref<80x128xf32, #tpu.memory_space<vmem>>) target(%dma_start3A_155 : memref<80x128xf32, #tpu.memory_space<vmem_shared>>) target_semaphore(%run_scoped3A : memref<!tpu.dma_semaphore, #tpu.memory_space<semaphore_mem>>)
      %dma_wait3A_159 = arith.constant 0 : i32
      %dma_wait3A_160 = arith.constant 0 : i32
      %dma_wait3A_161 = tpu.memref_slice %arg8[%dma_wait3A_159, %dma_wait3A_160] : memref<80x128xf32, #tpu.memory_space<vmem>> -> memref<80x128xf32, #tpu.memory_space<vmem>>
      %dma_wait3A_162 = arith.constant 0 : i32
      %dma_wait3A_163 = tpu.memref_slice %arg12[%add3A_14, %dma_wait3A_162] : memref<10112x128xf32, #tpu.memory_space<vmem_shared>> -> memref<80x128xf32, #tpu.memory_space<vmem_shared>>
      %dma_wait3A_164 = arith.constant 0 : i32
      %dma_wait3A_165 = tpu.memref_slice %arg12[%add3A_14, %dma_wait3A_164] : memref<10112x128xf32, #tpu.memory_space<vmem_shared>> -> memref<80x128xf32, #tpu.memory_space<vmem_shared>>
      %dma_wait3A_166 = arith.constant 0 : i32
      %dma_wait3A_167 = arith.constant 0 : i32
      %dma_wait3A_168 = tpu.memref_slice %arg8[%dma_wait3A_166, %dma_wait3A_167] : memref<80x128xf32, #tpu.memory_space<vmem>> -> memref<80x128xf32, #tpu.memory_space<vmem>>
      tpu.wait_dma2 semaphore(%run_scoped3A : memref<!tpu.dma_semaphore, #tpu.memory_space<semaphore_mem>>) src(%dma_wait3A_168 : memref<80x128xf32, #tpu.memory_space<vmem>>) dst(%dma_wait3A_165 : memref<80x128xf32, #tpu.memory_space<vmem_shared>>)
      tpu.yield
    }) : () -> ()
    %mul3A_15 = arith.constant 632 : i32
    %mul3A_16 = arith.muli %arg1, %mul3A_15 : i32
    %add3A_17 = arith.constant 160 : i32
    %add3A_18 = arith.addi %mul3A_16, %add3A_17 : i32
    "tpu.region"() ({
      %run_scoped3A = tpu.sem_alloc : memref<!tpu.dma_semaphore, #tpu.memory_space<semaphore_mem>>
      %dma_start3A_149 = arith.constant 0 : i32
      %dma_start3A_150 = arith.constant 0 : i32
      %dma_start3A_151 = tpu.memref_slice %arg8[%dma_start3A_149, %dma_start3A_150] : memref<80x128xf32, #tpu.memory_space<vmem>> -> memref<80x128xf32, #tpu.memory_space<vmem>>
      %dma_start3A_152 = arith.constant 0 : i32
      %dma_start3A_153 = tpu.memref_slice %arg12[%add3A_18, %dma_start3A_152] : memref<10112x128xf32, #tpu.memory_space<vmem_shared>> -> memref<80x128xf32, #tpu.memory_space<vmem_shared>>
      %dma_start3A_154 = arith.constant 0 : i32
      %dma_start3A_155 = tpu.memref_slice %arg12[%add3A_18, %dma_start3A_154] : memref<10112x128xf32, #tpu.memory_space<vmem_shared>> -> memref<80x128xf32, #tpu.memory_space<vmem_shared>>
      %dma_start3A_156 = arith.constant 0 : i32
      %dma_start3A_157 = arith.constant 0 : i32
      %dma_start3A_158 = tpu.memref_slice %arg8[%dma_start3A_156, %dma_start3A_157] : memref<80x128xf32, #tpu.memory_space<vmem>> -> memref<80x128xf32, #tpu.memory_space<vmem>>
      tpu.enqueue_dma source(%dma_start3A_158 : memref<80x128xf32, #tpu.memory_space<vmem>>) target(%dma_start3A_155 : memref<80x128xf32, #tpu.memory_space<vmem_shared>>) target_semaphore(%run_scoped3A : memref<!tpu.dma_semaphore, #tpu.memory_space<semaphore_mem>>)
      %dma_wait3A_159 = arith.constant 0 : i32
      %dma_wait3A_160 = arith.constant 0 : i32
      %dma_wait3A_161 = tpu.memref_slice %arg8[%dma_wait3A_159, %dma_wait3A_160] : memref<80x128xf32, #tpu.memory_space<vmem>> -> memref<80x128xf32, #tpu.memory_space<vmem>>
      %dma_wait3A_162 = arith.constant 0 : i32
      %dma_wait3A_163 = tpu.memref_slice %arg12[%add3A_18, %dma_wait3A_162] : memref<10112x128xf32, #tpu.memory_space<vmem_shared>> -> memref<80x128xf32, #tpu.memory_space<vmem_shared>>
      %dma_wait3A_164 = arith.constant 0 : i32
      %dma_wait3A_165 = tpu.memref_slice %arg12[%add3A_18, %dma_wait3A_164] : memref<10112x128xf32, #tpu.memory_space<vmem_shared>> -> memref<80x128xf32, #tpu.memory_space<vmem_shared>>
      %dma_wait3A_166 = arith.constant 0 : i32
      %dma_wait3A_167 = arith.constant 0 : i32
      %dma_wait3A_168 = tpu.memref_slice %arg8[%dma_wait3A_166, %dma_wait3A_167] : memref<80x128xf32, #tpu.memory_space<vmem>> -> memref<80x128xf32, #tpu.memory_space<vmem>>
      tpu.wait_dma2 semaphore(%run_scoped3A : memref<!tpu.dma_semaphore, #tpu.memory_space<semaphore_mem>>) src(%dma_wait3A_168 : memref<80x128xf32, #tpu.memory_space<vmem>>) dst(%dma_wait3A_165 : memref<80x128xf32, #tpu.memory_space<vmem_shared>>)
      tpu.yield
    }) : () -> ()
    %mul3A_19 = arith.constant 632 : i32
    %mul3A_20 = arith.muli %arg1, %mul3A_19 : i32
    %add3A_21 = arith.constant 240 : i32
    %add3A_22 = arith.addi %mul3A_20, %add3A_21 : i32
    "tpu.region"() ({
      %run_scoped3A = tpu.sem_alloc : memref<!tpu.dma_semaphore, #tpu.memory_space<semaphore_mem>>
      %dma_start3A_149 = arith.constant 0 : i32
      %dma_start3A_150 = arith.constant 0 : i32
      %dma_start3A_151 = tpu.memref_slice %arg8[%dma_start3A_149, %dma_start3A_150] : memref<80x128xf32, #tpu.memory_space<vmem>> -> memref<80x128xf32, #tpu.memory_space<vmem>>
      %dma_start3A_152 = arith.constant 0 : i32
      %dma_start3A_153 = tpu.memref_slice %arg12[%add3A_22, %dma_start3A_152] : memref<10112x128xf32, #tpu.memory_space<vmem_shared>> -> memref<80x128xf32, #tpu.memory_space<vmem_shared>>
      %dma_start3A_154 = arith.constant 0 : i32
      %dma_start3A_155 = tpu.memref_slice %arg12[%add3A_22, %dma_start3A_154] : memref<10112x128xf32, #tpu.memory_space<vmem_shared>> -> memref<80x128xf32, #tpu.memory_space<vmem_shared>>
      %dma_start3A_156 = arith.constant 0 : i32
      %dma_start3A_157 = arith.constant 0 : i32
      %dma_start3A_158 = tpu.memref_slice %arg8[%dma_start3A_156, %dma_start3A_157] : memref<80x128xf32, #tpu.memory_space<vmem>> -> memref<80x128xf32, #tpu.memory_space<vmem>>
      tpu.enqueue_dma source(%dma_start3A_158 : memref<80x128xf32, #tpu.memory_space<vmem>>) target(%dma_start3A_155 : memref<80x128xf32, #tpu.memory_space<vmem_shared>>) target_semaphore(%run_scoped3A : memref<!tpu.dma_semaphore, #tpu.memory_space<semaphore_mem>>)
      %dma_wait3A_159 = arith.constant 0 : i32
      %dma_wait3A_160 = arith.constant 0 : i32
      %dma_wait3A_161 = tpu.memref_slice %arg8[%dma_wait3A_159, %dma_wait3A_160] : memref<80x128xf32, #tpu.memory_space<vmem>> -> memref<80x128xf32, #tpu.memory_space<vmem>>
      %dma_wait3A_162 = arith.constant 0 : i32
      %dma_wait3A_163 = tpu.memref_slice %arg12[%add3A_22, %dma_wait3A_162] : memref<10112x128xf32, #tpu.memory_space<vmem_shared>> -> memref<80x128xf32, #tpu.memory_space<vmem_shared>>
      %dma_wait3A_164 = arith.constant 0 : i32
      %dma_wait3A_165 = tpu.memref_slice %arg12[%add3A_22, %dma_wait3A_164] : memref<10112x128xf32, #tpu.memory_space<vmem_shared>> -> memref<80x128xf32, #tpu.memory_space<vmem_shared>>
      %dma_wait3A_166 = arith.constant 0 : i32
      %dma_wait3A_167 = arith.constant 0 : i32
      %dma_wait3A_168 = tpu.memref_slice %arg8[%dma_wait3A_166, %dma_wait3A_167] : memref<80x128xf32, #tpu.memory_space<vmem>> -> memref<80x128xf32, #tpu.memory_space<vmem>>
      tpu.wait_dma2 semaphore(%run_scoped3A : memref<!tpu.dma_semaphore, #tpu.memory_space<semaphore_mem>>) src(%dma_wait3A_168 : memref<80x128xf32, #tpu.memory_space<vmem>>) dst(%dma_wait3A_165 : memref<80x128xf32, #tpu.memory_space<vmem_shared>>)
      tpu.yield
    }) : () -> ()
    %mul3A_23 = arith.constant 632 : i32
    %mul3A_24 = arith.muli %arg1, %mul3A_23 : i32
    %add3A_25 = arith.constant 320 : i32
    %add3A_26 = arith.addi %mul3A_24, %add3A_25 : i32
    "tpu.region"() ({
      %run_scoped3A = tpu.sem_alloc : memref<!tpu.dma_semaphore, #tpu.memory_space<semaphore_mem>>
      %dma_start3A_149 = arith.constant 0 : i32
      %dma_start3A_150 = arith.constant 0 : i32
      %dma_start3A_151 = tpu.memref_slice %arg8[%dma_start3A_149, %dma_start3A_150] : memref<80x128xf32, #tpu.memory_space<vmem>> -> memref<80x128xf32, #tpu.memory_space<vmem>>
      %dma_start3A_152 = arith.constant 0 : i32
      %dma_start3A_153 = tpu.memref_slice %arg12[%add3A_26, %dma_start3A_152] : memref<10112x128xf32, #tpu.memory_space<vmem_shared>> -> memref<80x128xf32, #tpu.memory_space<vmem_shared>>
      %dma_start3A_154 = arith.constant 0 : i32
      %dma_start3A_155 = tpu.memref_slice %arg12[%add3A_26, %dma_start3A_154] : memref<10112x128xf32, #tpu.memory_space<vmem_shared>> -> memref<80x128xf32, #tpu.memory_space<vmem_shared>>
      %dma_start3A_156 = arith.constant 0 : i32
      %dma_start3A_157 = arith.constant 0 : i32
      %dma_start3A_158 = tpu.memref_slice %arg8[%dma_start3A_156, %dma_start3A_157] : memref<80x128xf32, #tpu.memory_space<vmem>> -> memref<80x128xf32, #tpu.memory_space<vmem>>
      tpu.enqueue_dma source(%dma_start3A_158 : memref<80x128xf32, #tpu.memory_space<vmem>>) target(%dma_start3A_155 : memref<80x128xf32, #tpu.memory_space<vmem_shared>>) target_semaphore(%run_scoped3A : memref<!tpu.dma_semaphore, #tpu.memory_space<semaphore_mem>>)
      %dma_wait3A_159 = arith.constant 0 : i32
      %dma_wait3A_160 = arith.constant 0 : i32
      %dma_wait3A_161 = tpu.memref_slice %arg8[%dma_wait3A_159, %dma_wait3A_160] : memref<80x128xf32, #tpu.memory_space<vmem>> -> memref<80x128xf32, #tpu.memory_space<vmem>>
      %dma_wait3A_162 = arith.constant 0 : i32
      %dma_wait3A_163 = tpu.memref_slice %arg12[%add3A_26, %dma_wait3A_162] : memref<10112x128xf32, #tpu.memory_space<vmem_shared>> -> memref<80x128xf32, #tpu.memory_space<vmem_shared>>
      %dma_wait3A_164 = arith.constant 0 : i32
      %dma_wait3A_165 = tpu.memref_slice %arg12[%add3A_26, %dma_wait3A_164] : memref<10112x128xf32, #tpu.memory_space<vmem_shared>> -> memref<80x128xf32, #tpu.memory_space<vmem_shared>>
      %dma_wait3A_166 = arith.constant 0 : i32
      %dma_wait3A_167 = arith.constant 0 : i32
      %dma_wait3A_168 = tpu.memref_slice %arg8[%dma_wait3A_166, %dma_wait3A_167] : memref<80x128xf32, #tpu.memory_space<vmem>> -> memref<80x128xf32, #tpu.memory_space<vmem>>
      tpu.wait_dma2 semaphore(%run_scoped3A : memref<!tpu.dma_semaphore, #tpu.memory_space<semaphore_mem>>) src(%dma_wait3A_168 : memref<80x128xf32, #tpu.memory_space<vmem>>) dst(%dma_wait3A_165 : memref<80x128xf32, #tpu.memory_space<vmem_shared>>)
      tpu.yield
    }) : () -> ()
    %mul3A_27 = arith.constant 632 : i32
    %mul3A_28 = arith.muli %arg1, %mul3A_27 : i32
    %add3A_29 = arith.constant 400 : i32
    %add3A_30 = arith.addi %mul3A_28, %add3A_29 : i32
    "tpu.region"() ({
      %run_scoped3A = tpu.sem_alloc : memref<!tpu.dma_semaphore, #tpu.memory_space<semaphore_mem>>
      %dma_start3A_149 = arith.constant 0 : i32
      %dma_start3A_150 = arith.constant 0 : i32
      %dma_start3A_151 = tpu.memref_slice %arg8[%dma_start3A_149, %dma_start3A_150] : memref<80x128xf32, #tpu.memory_space<vmem>> -> memref<80x128xf32, #tpu.memory_space<vmem>>
      %dma_start3A_152 = arith.constant 0 : i32
      %dma_start3A_153 = tpu.memref_slice %arg12[%add3A_30, %dma_start3A_152] : memref<10112x128xf32, #tpu.memory_space<vmem_shared>> -> memref<80x128xf32, #tpu.memory_space<vmem_shared>>
      %dma_start3A_154 = arith.constant 0 : i32
      %dma_start3A_155 = tpu.memref_slice %arg12[%add3A_30, %dma_start3A_154] : memref<10112x128xf32, #tpu.memory_space<vmem_shared>> -> memref<80x128xf32, #tpu.memory_space<vmem_shared>>
      %dma_start3A_156 = arith.constant 0 : i32
      %dma_start3A_157 = arith.constant 0 : i32
      %dma_start3A_158 = tpu.memref_slice %arg8[%dma_start3A_156, %dma_start3A_157] : memref<80x128xf32, #tpu.memory_space<vmem>> -> memref<80x128xf32, #tpu.memory_space<vmem>>
      tpu.enqueue_dma source(%dma_start3A_158 : memref<80x128xf32, #tpu.memory_space<vmem>>) target(%dma_start3A_155 : memref<80x128xf32, #tpu.memory_space<vmem_shared>>) target_semaphore(%run_scoped3A : memref<!tpu.dma_semaphore, #tpu.memory_space<semaphore_mem>>)
      %dma_wait3A_159 = arith.constant 0 : i32
      %dma_wait3A_160 = arith.constant 0 : i32
      %dma_wait3A_161 = tpu.memref_slice %arg8[%dma_wait3A_159, %dma_wait3A_160] : memref<80x128xf32, #tpu.memory_space<vmem>> -> memref<80x128xf32, #tpu.memory_space<vmem>>
      %dma_wait3A_162 = arith.constant 0 : i32
      %dma_wait3A_163 = tpu.memref_slice %arg12[%add3A_30, %dma_wait3A_162] : memref<10112x128xf32, #tpu.memory_space<vmem_shared>> -> memref<80x128xf32, #tpu.memory_space<vmem_shared>>
      %dma_wait3A_164 = arith.constant 0 : i32
      %dma_wait3A_165 = tpu.memref_slice %arg12[%add3A_30, %dma_wait3A_164] : memref<10112x128xf32, #tpu.memory_space<vmem_shared>> -> memref<80x128xf32, #tpu.memory_space<vmem_shared>>
      %dma_wait3A_166 = arith.constant 0 : i32
      %dma_wait3A_167 = arith.constant 0 : i32
      %dma_wait3A_168 = tpu.memref_slice %arg8[%dma_wait3A_166, %dma_wait3A_167] : memref<80x128xf32, #tpu.memory_space<vmem>> -> memref<80x128xf32, #tpu.memory_space<vmem>>
      tpu.wait_dma2 semaphore(%run_scoped3A : memref<!tpu.dma_semaphore, #tpu.memory_space<semaphore_mem>>) src(%dma_wait3A_168 : memref<80x128xf32, #tpu.memory_space<vmem>>) dst(%dma_wait3A_165 : memref<80x128xf32, #tpu.memory_space<vmem_shared>>)
      tpu.yield
    }) : () -> ()
    %mul3A_31 = arith.constant 632 : i32
    %mul3A_32 = arith.muli %arg1, %mul3A_31 : i32
    %add3A_33 = arith.constant 480 : i32
    %add3A_34 = arith.addi %mul3A_32, %add3A_33 : i32
    "tpu.region"() ({
      %run_scoped3A = tpu.sem_alloc : memref<!tpu.dma_semaphore, #tpu.memory_space<semaphore_mem>>
      %dma_start3A_149 = arith.constant 0 : i32
      %dma_start3A_150 = arith.constant 0 : i32
      %dma_start3A_151 = tpu.memref_slice %arg8[%dma_start3A_149, %dma_start3A_150] : memref<80x128xf32, #tpu.memory_space<vmem>> -> memref<80x128xf32, #tpu.memory_space<vmem>>
      %dma_start3A_152 = arith.constant 0 : i32
      %dma_start3A_153 = tpu.memref_slice %arg12[%add3A_34, %dma_start3A_152] : memref<10112x128xf32, #tpu.memory_space<vmem_shared>> -> memref<80x128xf32, #tpu.memory_space<vmem_shared>>
      %dma_start3A_154 = arith.constant 0 : i32
      %dma_start3A_155 = tpu.memref_slice %arg12[%add3A_34, %dma_start3A_154] : memref<10112x128xf32, #tpu.memory_space<vmem_shared>> -> memref<80x128xf32, #tpu.memory_space<vmem_shared>>
      %dma_start3A_156 = arith.constant 0 : i32
      %dma_start3A_157 = arith.constant 0 : i32
      %dma_start3A_158 = tpu.memref_slice %arg8[%dma_start3A_156, %dma_start3A_157] : memref<80x128xf32, #tpu.memory_space<vmem>> -> memref<80x128xf32, #tpu.memory_space<vmem>>
      tpu.enqueue_dma source(%dma_start3A_158 : memref<80x128xf32, #tpu.memory_space<vmem>>) target(%dma_start3A_155 : memref<80x128xf32, #tpu.memory_space<vmem_shared>>) target_semaphore(%run_scoped3A : memref<!tpu.dma_semaphore, #tpu.memory_space<semaphore_mem>>)
      %dma_wait3A_159 = arith.constant 0 : i32
      %dma_wait3A_160 = arith.constant 0 : i32
      %dma_wait3A_161 = tpu.memref_slice %arg8[%dma_wait3A_159, %dma_wait3A_160] : memref<80x128xf32, #tpu.memory_space<vmem>> -> memref<80x128xf32, #tpu.memory_space<vmem>>
      %dma_wait3A_162 = arith.constant 0 : i32
      %dma_wait3A_163 = tpu.memref_slice %arg12[%add3A_34, %dma_wait3A_162] : memref<10112x128xf32, #tpu.memory_space<vmem_shared>> -> memref<80x128xf32, #tpu.memory_space<vmem_shared>>
      %dma_wait3A_164 = arith.constant 0 : i32
      %dma_wait3A_165 = tpu.memref_slice %arg12[%add3A_34, %dma_wait3A_164] : memref<10112x128xf32, #tpu.memory_space<vmem_shared>> -> memref<80x128xf32, #tpu.memory_space<vmem_shared>>
      %dma_wait3A_166 = arith.constant 0 : i32
      %dma_wait3A_167 = arith.constant 0 : i32
      %dma_wait3A_168 = tpu.memref_slice %arg8[%dma_wait3A_166, %dma_wait3A_167] : memref<80x128xf32, #tpu.memory_space<vmem>> -> memref<80x128xf32, #tpu.memory_space<vmem>>
      tpu.wait_dma2 semaphore(%run_scoped3A : memref<!tpu.dma_semaphore, #tpu.memory_space<semaphore_mem>>) src(%dma_wait3A_168 : memref<80x128xf32, #tpu.memory_space<vmem>>) dst(%dma_wait3A_165 : memref<80x128xf32, #tpu.memory_space<vmem_shared>>)
      tpu.yield
    }) : () -> ()
    %mul3A_35 = arith.constant 632 : i32
    %mul3A_36 = arith.muli %arg1, %mul3A_35 : i32
    %add3A_37 = arith.constant 560 : i32
    %add3A_38 = arith.addi %mul3A_36, %add3A_37 : i32
    "tpu.region"() ({
      %run_scoped3A = tpu.sem_alloc : memref<!tpu.dma_semaphore, #tpu.memory_space<semaphore_mem>>
      %dma_start3A_149 = arith.constant 0 : i32
      %dma_start3A_150 = arith.constant 0 : i32
      %dma_start3A_151 = tpu.memref_slice %arg8[%dma_start3A_149, %dma_start3A_150] : memref<80x128xf32, #tpu.memory_space<vmem>> -> memref<72x128xf32, #tpu.memory_space<vmem>>
      %dma_start3A_152 = arith.constant 0 : i32
      %dma_start3A_153 = tpu.memref_slice %arg12[%add3A_38, %dma_start3A_152] : memref<10112x128xf32, #tpu.memory_space<vmem_shared>> -> memref<72x128xf32, #tpu.memory_space<vmem_shared>>
      %dma_start3A_154 = arith.constant 0 : i32
      %dma_start3A_155 = tpu.memref_slice %arg12[%add3A_38, %dma_start3A_154] : memref<10112x128xf32, #tpu.memory_space<vmem_shared>> -> memref<72x128xf32, #tpu.memory_space<vmem_shared>>
      %dma_start3A_156 = arith.constant 0 : i32
      %dma_start3A_157 = arith.constant 0 : i32
      %dma_start3A_158 = tpu.memref_slice %arg8[%dma_start3A_156, %dma_start3A_157] : memref<80x128xf32, #tpu.memory_space<vmem>> -> memref<72x128xf32, #tpu.memory_space<vmem>>
      tpu.enqueue_dma source(%dma_start3A_158 : memref<72x128xf32, #tpu.memory_space<vmem>>) target(%dma_start3A_155 : memref<72x128xf32, #tpu.memory_space<vmem_shared>>) target_semaphore(%run_scoped3A : memref<!tpu.dma_semaphore, #tpu.memory_space<semaphore_mem>>)
      %dma_wait3A_159 = arith.constant 0 : i32
      %dma_wait3A_160 = arith.constant 0 : i32
      %dma_wait3A_161 = tpu.memref_slice %arg8[%dma_wait3A_159, %dma_wait3A_160] : memref<80x128xf32, #tpu.memory_space<vmem>> -> memref<72x128xf32, #tpu.memory_space<vmem>>
      %dma_wait3A_162 = arith.constant 0 : i32
      %dma_wait3A_163 = tpu.memref_slice %arg12[%add3A_38, %dma_wait3A_162] : memref<10112x128xf32, #tpu.memory_space<vmem_shared>> -> memref<72x128xf32, #tpu.memory_space<vmem_shared>>
      %dma_wait3A_164 = arith.constant 0 : i32
      %dma_wait3A_165 = tpu.memref_slice %arg12[%add3A_38, %dma_wait3A_164] : memref<10112x128xf32, #tpu.memory_space<vmem_shared>> -> memref<72x128xf32, #tpu.memory_space<vmem_shared>>
      %dma_wait3A_166 = arith.constant 0 : i32
      %dma_wait3A_167 = arith.constant 0 : i32
      %dma_wait3A_168 = tpu.memref_slice %arg8[%dma_wait3A_166, %dma_wait3A_167] : memref<80x128xf32, #tpu.memory_space<vmem>> -> memref<72x128xf32, #tpu.memory_space<vmem>>
      tpu.wait_dma2 semaphore(%run_scoped3A : memref<!tpu.dma_semaphore, #tpu.memory_space<semaphore_mem>>) src(%dma_wait3A_168 : memref<72x128xf32, #tpu.memory_space<vmem>>) dst(%dma_wait3A_165 : memref<72x128xf32, #tpu.memory_space<vmem_shared>>)
      tpu.yield
    }) : () -> ()
    "tpu.region"() ({
      %run_scoped3A = tpu.sem_alloc : memref<!tpu.dma_semaphore, #tpu.memory_space<semaphore_mem>>
      %dma_start3A_149 = arith.constant 0 : i32
      %dma_start3A_150 = arith.constant 0 : i32
      %dma_start3A_151 = tpu.memref_slice %arg3[%add3A, %dma_start3A_149, %dma_start3A_150] : memref<32x125x80xi32, #tpu.memory_space<hbm>> -> memref<1x125x80xi32, #tpu.memory_space<hbm>>
      %dma_start3A_152 = tpu.memref_squeeze %dma_start3A_151 : memref<1x125x80xi32, #tpu.memory_space<hbm>> -> memref<125x80xi32, #tpu.memory_space<hbm>>
      %dma_start3A_153 = arith.constant 0 : i32
      %dma_start3A_154 = arith.constant 0 : i32
      %dma_start3A_155 = tpu.memref_slice %arg3[%add3A, %dma_start3A_153, %dma_start3A_154] : memref<32x125x80xi32, #tpu.memory_space<hbm>> -> memref<1x125x80xi32, #tpu.memory_space<hbm>>
      %dma_start3A_156 = tpu.memref_squeeze %dma_start3A_155 : memref<1x125x80xi32, #tpu.memory_space<hbm>> -> memref<125x80xi32, #tpu.memory_space<hbm>>
      tpu.enqueue_dma source(%dma_start3A_156 : memref<125x80xi32, #tpu.memory_space<hbm>>) target(%arg5 : memref<125x80xi32, #tpu.memory_space<vmem>>) target_semaphore(%run_scoped3A : memref<!tpu.dma_semaphore, #tpu.memory_space<semaphore_mem>>)
      %dma_wait3A_157 = arith.constant 0 : i32
      %dma_wait3A_158 = arith.constant 0 : i32
      %dma_wait3A_159 = tpu.memref_slice %arg3[%add3A, %dma_wait3A_157, %dma_wait3A_158] : memref<32x125x80xi32, #tpu.memory_space<hbm>> -> memref<1x125x80xi32, #tpu.memory_space<hbm>>
      %dma_wait3A_160 = tpu.memref_squeeze %dma_wait3A_159 : memref<1x125x80xi32, #tpu.memory_space<hbm>> -> memref<125x80xi32, #tpu.memory_space<hbm>>
      %dma_wait3A_161 = arith.constant 0 : i32
      %dma_wait3A_162 = arith.constant 0 : i32
      %dma_wait3A_163 = tpu.memref_slice %arg3[%add3A, %dma_wait3A_161, %dma_wait3A_162] : memref<32x125x80xi32, #tpu.memory_space<hbm>> -> memref<1x125x80xi32, #tpu.memory_space<hbm>>
      %dma_wait3A_164 = tpu.memref_squeeze %dma_wait3A_163 : memref<1x125x80xi32, #tpu.memory_space<hbm>> -> memref<125x80xi32, #tpu.memory_space<hbm>>
      tpu.wait_dma2 semaphore(%run_scoped3A : memref<!tpu.dma_semaphore, #tpu.memory_space<semaphore_mem>>) src(%dma_wait3A_164 : memref<125x80xi32, #tpu.memory_space<hbm>>) dst(%arg5 : memref<125x80xi32, #tpu.memory_space<vmem>>)
      tpu.yield
    }) : () -> ()
    %barrier3A = arith.constant 0 : index
    tpu.barrier barrier_id(%barrier3A)
    %get3A = arith.constant 0 : i32
    %get3A_39 = arith.index_cast %get3A : i32 to index
    %get3A_40 = arith.constant 0 : index
    %get3A_41 = tpu.vector_load %arg5[%get3A_39, %get3A_40] {strides = array<i32>} : memref<125x80xi32, #tpu.memory_space<vmem>>, vector<16xi32>,
    %and3A = arith.constant 16383 : i32
    %and3A_42 = vector.broadcast %and3A : i32 to vector<16xi32>
    %and3A_43 = arith.andi %get3A_41, %and3A_42 : vector<16xi32>
    %swap3A = arith.constant 0 : index
    %swap3A_44 = tpu.vector_load %arg6[%swap3A] {strides = array<i32>} : memref<80xi32, #tpu.memory_space<vmem>>, vector<16xi32>,
    tpu.vector_store %arg6[%swap3A], %and3A_43 {strides = array<i32>} : memref<80xi32, #tpu.memory_space<vmem>>, vector<16xi32>,
    %shift_right_logical3A = arith.constant 14 : i32
    %shift_right_logical3A_45 = vector.broadcast %shift_right_logical3A : i32 to vector<16xi32>
    %shift_right_logical3A_46 = arith.shrui %get3A_41, %shift_right_logical3A_45 : vector<16xi32>
    %swap3A_47 = arith.constant 0 : index
    %swap3A_48 = tpu.vector_load %arg7[%swap3A_47] {strides = array<i32>} : memref<80xi32, #tpu.memory_space<vmem>>, vector<16xi32>,
    tpu.vector_store %arg7[%swap3A_47], %shift_right_logical3A_46 {strides = array<i32>} : memref<80xi32, #tpu.memory_space<vmem>>, vector<16xi32>,
    %get3A_49 = arith.constant 0 : i32
    %get3A_50 = arith.index_cast %get3A_49 : i32 to index
    %get3A_51 = arith.constant 16 : index
    %get3A_52 = tpu.vector_load %arg5[%get3A_50, %get3A_51] {strides = array<i32>} : memref<125x80xi32, #tpu.memory_space<vmem>>, vector<16xi32>,
    %and3A_53 = arith.constant 16383 : i32
    %and3A_54 = vector.broadcast %and3A_53 : i32 to vector<16xi32>
    %and3A_55 = arith.andi %get3A_52, %and3A_54 : vector<16xi32>
    %swap3A_56 = arith.constant 16 : index
    %swap3A_57 = tpu.vector_load %arg6[%swap3A_56] {strides = array<i32>} : memref<80xi32, #tpu.memory_space<vmem>>, vector<16xi32>,
    tpu.vector_store %arg6[%swap3A_56], %and3A_55 {strides = array<i32>} : memref<80xi32, #tpu.memory_space<vmem>>, vector<16xi32>,
    %shift_right_logical3A_58 = arith.constant 14 : i32
    %shift_right_logical3A_59 = vector.broadcast %shift_right_logical3A_58 : i32 to vector<16xi32>
    %shift_right_logical3A_60 = arith.shrui %get3A_52, %shift_right_logical3A_59 : vector<16xi32>
    %swap3A_61 = arith.constant 16 : index
    %swap3A_62 = tpu.vector_load %arg7[%swap3A_61] {strides = array<i32>} : memref<80xi32, #tpu.memory_space<vmem>>, vector<16xi32>,
    tpu.vector_store %arg7[%swap3A_61], %shift_right_logical3A_60 {strides = array<i32>} : memref<80xi32, #tpu.memory_space<vmem>>, vector<16xi32>,
    %get3A_63 = arith.constant 0 : i32
    %get3A_64 = arith.index_cast %get3A_63 : i32 to index
    %get3A_65 = arith.constant 32 : index
    %get3A_66 = tpu.vector_load %arg5[%get3A_64, %get3A_65] {strides = array<i32>} : memref<125x80xi32, #tpu.memory_space<vmem>>, vector<16xi32>,
    %and3A_67 = arith.constant 16383 : i32
    %and3A_68 = vector.broadcast %and3A_67 : i32 to vector<16xi32>
    %and3A_69 = arith.andi %get3A_66, %and3A_68 : vector<16xi32>
    %swap3A_70 = arith.constant 32 : index
    %swap3A_71 = tpu.vector_load %arg6[%swap3A_70] {strides = array<i32>} : memref<80xi32, #tpu.memory_space<vmem>>, vector<16xi32>,
    tpu.vector_store %arg6[%swap3A_70], %and3A_69 {strides = array<i32>} : memref<80xi32, #tpu.memory_space<vmem>>, vector<16xi32>,
    %shift_right_logical3A_72 = arith.constant 14 : i32
    %shift_right_logical3A_73 = vector.broadcast %shift_right_logical3A_72 : i32 to vector<16xi32>
    %shift_right_logical3A_74 = arith.shrui %get3A_66, %shift_right_logical3A_73 : vector<16xi32>
    %swap3A_75 = arith.constant 32 : index
    %swap3A_76 = tpu.vector_load %arg7[%swap3A_75] {strides = array<i32>} : memref<80xi32, #tpu.memory_space<vmem>>, vector<16xi32>,
    tpu.vector_store %arg7[%swap3A_75], %shift_right_logical3A_74 {strides = array<i32>} : memref<80xi32, #tpu.memory_space<vmem>>, vector<16xi32>,
    %get3A_77 = arith.constant 0 : i32
    %get3A_78 = arith.index_cast %get3A_77 : i32 to index
    %get3A_79 = arith.constant 48 : index
    %get3A_80 = tpu.vector_load %arg5[%get3A_78, %get3A_79] {strides = array<i32>} : memref<125x80xi32, #tpu.memory_space<vmem>>, vector<16xi32>,
    %and3A_81 = arith.constant 16383 : i32
    %and3A_82 = vector.broadcast %and3A_81 : i32 to vector<16xi32>
    %and3A_83 = arith.andi %get3A_80, %and3A_82 : vector<16xi32>
    %swap3A_84 = arith.constant 48 : index
    %swap3A_85 = tpu.vector_load %arg6[%swap3A_84] {strides = array<i32>} : memref<80xi32, #tpu.memory_space<vmem>>, vector<16xi32>,
    tpu.vector_store %arg6[%swap3A_84], %and3A_83 {strides = array<i32>} : memref<80xi32, #tpu.memory_space<vmem>>, vector<16xi32>,
    %shift_right_logical3A_86 = arith.constant 14 : i32
    %shift_right_logical3A_87 = vector.broadcast %shift_right_logical3A_86 : i32 to vector<16xi32>
    %shift_right_logical3A_88 = arith.shrui %get3A_80, %shift_right_logical3A_87 : vector<16xi32>
    %swap3A_89 = arith.constant 48 : index
    %swap3A_90 = tpu.vector_load %arg7[%swap3A_89] {strides = array<i32>} : memref<80xi32, #tpu.memory_space<vmem>>, vector<16xi32>,
    tpu.vector_store %arg7[%swap3A_89], %shift_right_logical3A_88 {strides = array<i32>} : memref<80xi32, #tpu.memory_space<vmem>>, vector<16xi32>,
    %get3A_91 = arith.constant 0 : i32
    %get3A_92 = arith.index_cast %get3A_91 : i32 to index
    %get3A_93 = arith.constant 64 : index
    %get3A_94 = tpu.vector_load %arg5[%get3A_92, %get3A_93] {strides = array<i32>} : memref<125x80xi32, #tpu.memory_space<vmem>>, vector<16xi32>,
    %and3A_95 = arith.constant 16383 : i32
    %and3A_96 = vector.broadcast %and3A_95 : i32 to vector<16xi32>
    %and3A_97 = arith.andi %get3A_94, %and3A_96 : vector<16xi32>
    %swap3A_98 = arith.constant 64 : index
    %swap3A_99 = tpu.vector_load %arg6[%swap3A_98] {strides = array<i32>} : memref<80xi32, #tpu.memory_space<vmem>>, vector<16xi32>,
    tpu.vector_store %arg6[%swap3A_98], %and3A_97 {strides = array<i32>} : memref<80xi32, #tpu.memory_space<vmem>>, vector<16xi32>,
    %shift_right_logical3A_100 = arith.constant 14 : i32
    %shift_right_logical3A_101 = vector.broadcast %shift_right_logical3A_100 : i32 to vector<16xi32>
    %shift_right_logical3A_102 = arith.shrui %get3A_94, %shift_right_logical3A_101 : vector<16xi32>
    %swap3A_103 = arith.constant 64 : index
    %swap3A_104 = tpu.vector_load %arg7[%swap3A_103] {strides = array<i32>} : memref<80xi32, #tpu.memory_space<vmem>>, vector<16xi32>,
    tpu.vector_store %arg7[%swap3A_103], %shift_right_logical3A_102 {strides = array<i32>} : memref<80xi32, #tpu.memory_space<vmem>>, vector<16xi32>,
    %dma_start3A = arith.constant 0 : i32
    %dma_start3A_105 = arith.constant 0 : i32
    %dma_start3A_106 = tpu.memref_slice %arg2[%dma_start3A, %dma_start3A_105] : memref<10112x128xf32, #tpu.memory_space<hbm>> -> memref<10112x128xf32, #tpu.memory_space<hbm>>
    tpu.enqueue_indirect_dma source(%dma_start3A_106 : memref<10112x128xf32, #tpu.memory_space<hbm>>) target(%arg8 : memref<80x128xf32, #tpu.memory_space<vmem>>) offsets(%arg6 : memref<80xi32, #tpu.memory_space<vmem>>) semaphore(%arg13 : memref<!tpu.dma_semaphore, #tpu.memory_space<semaphore_mem>>)
    %scan3A_107 = arith.constant 0 : i32
    %scan3A_108 = arith.constant 0 : i32
    %scan3A_109 = arith.constant 62 : i32
    %scan3A_110 = arith.addi %scan3A_108, %scan3A_109 : i32
    %scan3A_111 = arith.constant 1 : i32
    %scan3A_112 = scf.for %scan3A_149 = %scan3A_108 to %scan3A_110 step %scan3A_111 iter_args(%scan3A_150 = %scan3A_107) -> (i32)  : i32 {
      %mul3A_151 = arith.constant 2 : i32
      %mul3A_152 = arith.muli %mul3A_151, %scan3A_149 : i32
      %add3A_153 = arith.constant 1 : i32
      %add3A_154 = arith.addi %mul3A_152, %add3A_153 : i32
      %get3A_155 = arith.index_cast %add3A_154 : i32 to index
      %get3A_156 = arith.constant 0 : index
      %get3A_157 = tpu.vector_load %arg5[%get3A_155, %get3A_156] {strides = array<i32>} : memref<125x80xi32, #tpu.memory_space<vmem>>, vector<16xi32>,
      %and3A_158 = arith.constant 16383 : i32
      %and3A_159 = vector.broadcast %and3A_158 : i32 to vector<16xi32>
      %and3A_160 = arith.andi %get3A_157, %and3A_159 : vector<16xi32>
      %swap3A_161 = arith.constant 0 : index
      %swap3A_162 = tpu.vector_load %arg9[%swap3A_161] {strides = array<i32>} : memref<80xi32, #tpu.memory_space<vmem>>, vector<16xi32>,
      tpu.vector_store %arg9[%swap3A_161], %and3A_160 {strides = array<i32>} : memref<80xi32, #tpu.memory_space<vmem>>, vector<16xi32>,
      %shift_right_logical3A_163 = arith.constant 14 : i32
      %shift_right_logical3A_164 = vector.broadcast %shift_right_logical3A_163 : i32 to vector<16xi32>
      %shift_right_logical3A_165 = arith.shrui %get3A_157, %shift_right_logical3A_164 : vector<16xi32>
      %swap3A_166 = arith.constant 0 : index
      %swap3A_167 = tpu.vector_load %arg10[%swap3A_166] {strides = array<i32>} : memref<80xi32, #tpu.memory_space<vmem>>, vector<16xi32>,
      tpu.vector_store %arg10[%swap3A_166], %shift_right_logical3A_165 {strides = array<i32>} : memref<80xi32, #tpu.memory_space<vmem>>, vector<16xi32>,
      %get3A_168 = arith.index_cast %add3A_154 : i32 to index
      %get3A_169 = arith.constant 16 : index
      %get3A_170 = tpu.vector_load %arg5[%get3A_168, %get3A_169] {strides = array<i32>} : memref<125x80xi32, #tpu.memory_space<vmem>>, vector<16xi32>,
      %and3A_171 = arith.constant 16383 : i32
      %and3A_172 = vector.broadcast %and3A_171 : i32 to vector<16xi32>
      %and3A_173 = arith.andi %get3A_170, %and3A_172 : vector<16xi32>
      %swap3A_174 = arith.constant 16 : index
      %swap3A_175 = tpu.vector_load %arg9[%swap3A_174] {strides = array<i32>} : memref<80xi32, #tpu.memory_space<vmem>>, vector<16xi32>,
      tpu.vector_store %arg9[%swap3A_174], %and3A_173 {strides = array<i32>} : memref<80xi32, #tpu.memory_space<vmem>>, vector<16xi32>,
      %shift_right_logical3A_176 = arith.constant 14 : i32
      %shift_right_logical3A_177 = vector.broadcast %shift_right_logical3A_176 : i32 to vector<16xi32>
      %shift_right_logical3A_178 = arith.shrui %get3A_170, %shift_right_logical3A_177 : vector<16xi32>
      %swap3A_179 = arith.constant 16 : index
      %swap3A_180 = tpu.vector_load %arg10[%swap3A_179] {strides = array<i32>} : memref<80xi32, #tpu.memory_space<vmem>>, vector<16xi32>,
      tpu.vector_store %arg10[%swap3A_179], %shift_right_logical3A_178 {strides = array<i32>} : memref<80xi32, #tpu.memory_space<vmem>>, vector<16xi32>,
      %get3A_181 = arith.index_cast %add3A_154 : i32 to index
      %get3A_182 = arith.constant 32 : index
      %get3A_183 = tpu.vector_load %arg5[%get3A_181, %get3A_182] {strides = array<i32>} : memref<125x80xi32, #tpu.memory_space<vmem>>, vector<16xi32>,
      %and3A_184 = arith.constant 16383 : i32
      %and3A_185 = vector.broadcast %and3A_184 : i32 to vector<16xi32>
      %and3A_186 = arith.andi %get3A_183, %and3A_185 : vector<16xi32>
      %swap3A_187 = arith.constant 32 : index
      %swap3A_188 = tpu.vector_load %arg9[%swap3A_187] {strides = array<i32>} : memref<80xi32, #tpu.memory_space<vmem>>, vector<16xi32>,
      tpu.vector_store %arg9[%swap3A_187], %and3A_186 {strides = array<i32>} : memref<80xi32, #tpu.memory_space<vmem>>, vector<16xi32>,
      %shift_right_logical3A_189 = arith.constant 14 : i32
      %shift_right_logical3A_190 = vector.broadcast %shift_right_logical3A_189 : i32 to vector<16xi32>
      %shift_right_logical3A_191 = arith.shrui %get3A_183, %shift_right_logical3A_190 : vector<16xi32>
      %swap3A_192 = arith.constant 32 : index
      %swap3A_193 = tpu.vector_load %arg10[%swap3A_192] {strides = array<i32>} : memref<80xi32, #tpu.memory_space<vmem>>, vector<16xi32>,
      tpu.vector_store %arg10[%swap3A_192], %shift_right_logical3A_191 {strides = array<i32>} : memref<80xi32, #tpu.memory_space<vmem>>, vector<16xi32>,
      %get3A_194 = arith.index_cast %add3A_154 : i32 to index
      %get3A_195 = arith.constant 48 : index
      %get3A_196 = tpu.vector_load %arg5[%get3A_194, %get3A_195] {strides = array<i32>} : memref<125x80xi32, #tpu.memory_space<vmem>>, vector<16xi32>,
      %and3A_197 = arith.constant 16383 : i32
      %and3A_198 = vector.broadcast %and3A_197 : i32 to vector<16xi32>
      %and3A_199 = arith.andi %get3A_196, %and3A_198 : vector<16xi32>
      %swap3A_200 = arith.constant 48 : index
      %swap3A_201 = tpu.vector_load %arg9[%swap3A_200] {strides = array<i32>} : memref<80xi32, #tpu.memory_space<vmem>>, vector<16xi32>,
      tpu.vector_store %arg9[%swap3A_200], %and3A_199 {strides = array<i32>} : memref<80xi32, #tpu.memory_space<vmem>>, vector<16xi32>,
      %shift_right_logical3A_202 = arith.constant 14 : i32
      %shift_right_logical3A_203 = vector.broadcast %shift_right_logical3A_202 : i32 to vector<16xi32>
      %shift_right_logical3A_204 = arith.shrui %get3A_196, %shift_right_logical3A_203 : vector<16xi32>
      %swap3A_205 = arith.constant 48 : index
      %swap3A_206 = tpu.vector_load %arg10[%swap3A_205] {strides = array<i32>} : memref<80xi32, #tpu.memory_space<vmem>>, vector<16xi32>,
      tpu.vector_store %arg10[%swap3A_205], %shift_right_logical3A_204 {strides = array<i32>} : memref<80xi32, #tpu.memory_space<vmem>>, vector<16xi32>,
      %get3A_207 = arith.index_cast %add3A_154 : i32 to index
      %get3A_208 = arith.constant 64 : index
      %get3A_209 = tpu.vector_load %arg5[%get3A_207, %get3A_208] {strides = array<i32>} : memref<125x80xi32, #tpu.memory_space<vmem>>, vector<16xi32>,
      %and3A_210 = arith.constant 16383 : i32
      %and3A_211 = vector.broadcast %and3A_210 : i32 to vector<16xi32>
      %and3A_212 = arith.andi %get3A_209, %and3A_211 : vector<16xi32>
      %swap3A_213 = arith.constant 64 : index
      %swap3A_214 = tpu.vector_load %arg9[%swap3A_213] {strides = array<i32>} : memref<80xi32, #tpu.memory_space<vmem>>, vector<16xi32>,
      tpu.vector_store %arg9[%swap3A_213], %and3A_212 {strides = array<i32>} : memref<80xi32, #tpu.memory_space<vmem>>, vector<16xi32>,
      %shift_right_logical3A_215 = arith.constant 14 : i32
      %shift_right_logical3A_216 = vector.broadcast %shift_right_logical3A_215 : i32 to vector<16xi32>
      %shift_right_logical3A_217 = arith.shrui %get3A_209, %shift_right_logical3A_216 : vector<16xi32>
      %swap3A_218 = arith.constant 64 : index
      %swap3A_219 = tpu.vector_load %arg10[%swap3A_218] {strides = array<i32>} : memref<80xi32, #tpu.memory_space<vmem>>, vector<16xi32>,
      tpu.vector_store %arg10[%swap3A_218], %shift_right_logical3A_217 {strides = array<i32>} : memref<80xi32, #tpu.memory_space<vmem>>, vector<16xi32>,
      %dma_start3A_220 = arith.constant 0 : i32
      %dma_start3A_221 = arith.constant 0 : i32
      %dma_start3A_222 = tpu.memref_slice %arg2[%dma_start3A_220, %dma_start3A_221] : memref<10112x128xf32, #tpu.memory_space<hbm>> -> memref<10112x128xf32, #tpu.memory_space<hbm>>
      tpu.enqueue_indirect_dma source(%dma_start3A_222 : memref<10112x128xf32, #tpu.memory_space<hbm>>) target(%arg11 : memref<80x128xf32, #tpu.memory_space<vmem>>) offsets(%arg9 : memref<80xi32, #tpu.memory_space<vmem>>) semaphore(%arg14 : memref<!tpu.dma_semaphore, #tpu.memory_space<semaphore_mem>>)
      %dma_wait3A_223 = arith.constant 0 : i32
      %dma_wait3A_224 = arith.constant 0 : i32
      %dma_wait3A_225 = tpu.memref_slice %arg2[%dma_wait3A_223, %dma_wait3A_224] : memref<10112x128xf32, #tpu.memory_space<hbm>> -> memref<10112x128xf32, #tpu.memory_space<hbm>>
      tpu.wait_indirect_dma semaphore(%arg13 : memref<!tpu.dma_semaphore, #tpu.memory_space<semaphore_mem>>) src(%dma_wait3A_225 : memref<10112x128xf32, #tpu.memory_space<hbm>>) dst(%arg8 : memref<80x128xf32, #tpu.memory_space<vmem>>)
      "tpu.region"() ({
        %run_scoped3A = tpu.sem_alloc : memref<!tpu.dma_semaphore, #tpu.memory_space<semaphore_mem>>
        %dma_start3A_234 = arith.constant 0 : i32
        %dma_start3A_235 = arith.constant 0 : i32
        %dma_start3A_236 = tpu.memref_slice %arg12[%dma_start3A_234, %dma_start3A_235] : memref<10112x128xf32, #tpu.memory_space<vmem_shared>> -> memref<10112x128xf32, #tpu.memory_space<vmem_shared>>
        tpu.enqueue_indirect_dma source(%arg8 : memref<80x128xf32, #tpu.memory_space<vmem>>) target(%dma_start3A_236 : memref<10112x128xf32, #tpu.memory_space<vmem_shared>>) offsets(%arg7 : memref<80xi32, #tpu.memory_space<vmem>>) semaphore(%run_scoped3A : memref<!tpu.dma_semaphore, #tpu.memory_space<semaphore_mem>>) {add = true}
        %dma_wait3A_237 = arith.constant 0 : i32
        %dma_wait3A_238 = arith.constant 0 : i32
        %dma_wait3A_239 = tpu.memref_slice %arg12[%dma_wait3A_237, %dma_wait3A_238] : memref<10112x128xf32, #tpu.memory_space<vmem_shared>> -> memref<10112x128xf32, #tpu.memory_space<vmem_shared>>
        tpu.wait_indirect_dma semaphore(%run_scoped3A : memref<!tpu.dma_semaphore, #tpu.memory_space<semaphore_mem>>) src(%arg8 : memref<80x128xf32, #tpu.memory_space<vmem>>) dst(%dma_wait3A_239 : memref<10112x128xf32, #tpu.memory_space<vmem_shared>>)
        tpu.yield
      }) : () -> ()
      %add3A_226 = arith.constant 2 : i32
      %add3A_227 = arith.addi %mul3A_152, %add3A_226 : i32
      %lt3A = arith.constant 125 : i32
      %lt3A_228 = arith.cmpi slt, %add3A_227, %lt3A : i32
      %convert_element_type3A = arith.extui %lt3A_228 : i1 to i32
      %cond3A = arith.constant 0 : i32
      %cond3A_229 = arith.cmpi ne, %convert_element_type3A, %cond3A : i32
      scf.if %cond3A_229 {
        %add3A_234 = arith.constant 2 : i32
        %add3A_235 = arith.addi %mul3A_152, %add3A_234 : i32
        %get3A_236 = arith.index_cast %add3A_235 : i32 to index
        %get3A_237 = arith.constant 0 : index
        %get3A_238 = tpu.vector_load %arg5[%get3A_236, %get3A_237] {strides = array<i32>} : memref<125x80xi32, #tpu.memory_space<vmem>>, vector<16xi32>,
        %and3A_239 = arith.constant 16383 : i32
        %and3A_240 = vector.broadcast %and3A_239 : i32 to vector<16xi32>
        %and3A_241 = arith.andi %get3A_238, %and3A_240 : vector<16xi32>
        %swap3A_242 = arith.constant 0 : index
        %swap3A_243 = tpu.vector_load %arg6[%swap3A_242] {strides = array<i32>} : memref<80xi32, #tpu.memory_space<vmem>>, vector<16xi32>,
        tpu.vector_store %arg6[%swap3A_242], %and3A_241 {strides = array<i32>} : memref<80xi32, #tpu.memory_space<vmem>>, vector<16xi32>,
        %shift_right_logical3A_244 = arith.constant 14 : i32
        %shift_right_logical3A_245 = vector.broadcast %shift_right_logical3A_244 : i32 to vector<16xi32>
        %shift_right_logical3A_246 = arith.shrui %get3A_238, %shift_right_logical3A_245 : vector<16xi32>
        %swap3A_247 = arith.constant 0 : index
        %swap3A_248 = tpu.vector_load %arg7[%swap3A_247] {strides = array<i32>} : memref<80xi32, #tpu.memory_space<vmem>>, vector<16xi32>,
        tpu.vector_store %arg7[%swap3A_247], %shift_right_logical3A_246 {strides = array<i32>} : memref<80xi32, #tpu.memory_space<vmem>>, vector<16xi32>,
        %get3A_249 = arith.index_cast %add3A_235 : i32 to index
        %get3A_250 = arith.constant 16 : index
        %get3A_251 = tpu.vector_load %arg5[%get3A_249, %get3A_250] {strides = array<i32>} : memref<125x80xi32, #tpu.memory_space<vmem>>, vector<16xi32>,
        %and3A_252 = arith.constant 16383 : i32
        %and3A_253 = vector.broadcast %and3A_252 : i32 to vector<16xi32>
        %and3A_254 = arith.andi %get3A_251, %and3A_253 : vector<16xi32>
        %swap3A_255 = arith.constant 16 : index
        %swap3A_256 = tpu.vector_load %arg6[%swap3A_255] {strides = array<i32>} : memref<80xi32, #tpu.memory_space<vmem>>, vector<16xi32>,
        tpu.vector_store %arg6[%swap3A_255], %and3A_254 {strides = array<i32>} : memref<80xi32, #tpu.memory_space<vmem>>, vector<16xi32>,
        %shift_right_logical3A_257 = arith.constant 14 : i32
        %shift_right_logical3A_258 = vector.broadcast %shift_right_logical3A_257 : i32 to vector<16xi32>
        %shift_right_logical3A_259 = arith.shrui %get3A_251, %shift_right_logical3A_258 : vector<16xi32>
        %swap3A_260 = arith.constant 16 : index
        %swap3A_261 = tpu.vector_load %arg7[%swap3A_260] {strides = array<i32>} : memref<80xi32, #tpu.memory_space<vmem>>, vector<16xi32>,
        tpu.vector_store %arg7[%swap3A_260], %shift_right_logical3A_259 {strides = array<i32>} : memref<80xi32, #tpu.memory_space<vmem>>, vector<16xi32>,
        %get3A_262 = arith.index_cast %add3A_235 : i32 to index
        %get3A_263 = arith.constant 32 : index
        %get3A_264 = tpu.vector_load %arg5[%get3A_262, %get3A_263] {strides = array<i32>} : memref<125x80xi32, #tpu.memory_space<vmem>>, vector<16xi32>,
        %and3A_265 = arith.constant 16383 : i32
        %and3A_266 = vector.broadcast %and3A_265 : i32 to vector<16xi32>
        %and3A_267 = arith.andi %get3A_264, %and3A_266 : vector<16xi32>
        %swap3A_268 = arith.constant 32 : index
        %swap3A_269 = tpu.vector_load %arg6[%swap3A_268] {strides = array<i32>} : memref<80xi32, #tpu.memory_space<vmem>>, vector<16xi32>,
        tpu.vector_store %arg6[%swap3A_268], %and3A_267 {strides = array<i32>} : memref<80xi32, #tpu.memory_space<vmem>>, vector<16xi32>,
        %shift_right_logical3A_270 = arith.constant 14 : i32
        %shift_right_logical3A_271 = vector.broadcast %shift_right_logical3A_270 : i32 to vector<16xi32>
        %shift_right_logical3A_272 = arith.shrui %get3A_264, %shift_right_logical3A_271 : vector<16xi32>
        %swap3A_273 = arith.constant 32 : index
        %swap3A_274 = tpu.vector_load %arg7[%swap3A_273] {strides = array<i32>} : memref<80xi32, #tpu.memory_space<vmem>>, vector<16xi32>,
        tpu.vector_store %arg7[%swap3A_273], %shift_right_logical3A_272 {strides = array<i32>} : memref<80xi32, #tpu.memory_space<vmem>>, vector<16xi32>,
        %get3A_275 = arith.index_cast %add3A_235 : i32 to index
        %get3A_276 = arith.constant 48 : index
        %get3A_277 = tpu.vector_load %arg5[%get3A_275, %get3A_276] {strides = array<i32>} : memref<125x80xi32, #tpu.memory_space<vmem>>, vector<16xi32>,
        %and3A_278 = arith.constant 16383 : i32
        %and3A_279 = vector.broadcast %and3A_278 : i32 to vector<16xi32>
        %and3A_280 = arith.andi %get3A_277, %and3A_279 : vector<16xi32>
        %swap3A_281 = arith.constant 48 : index
        %swap3A_282 = tpu.vector_load %arg6[%swap3A_281] {strides = array<i32>} : memref<80xi32, #tpu.memory_space<vmem>>, vector<16xi32>,
        tpu.vector_store %arg6[%swap3A_281], %and3A_280 {strides = array<i32>} : memref<80xi32, #tpu.memory_space<vmem>>, vector<16xi32>,
        %shift_right_logical3A_283 = arith.constant 14 : i32
        %shift_right_logical3A_284 = vector.broadcast %shift_right_logical3A_283 : i32 to vector<16xi32>
        %shift_right_logical3A_285 = arith.shrui %get3A_277, %shift_right_logical3A_284 : vector<16xi32>
        %swap3A_286 = arith.constant 48 : index
        %swap3A_287 = tpu.vector_load %arg7[%swap3A_286] {strides = array<i32>} : memref<80xi32, #tpu.memory_space<vmem>>, vector<16xi32>,
        tpu.vector_store %arg7[%swap3A_286], %shift_right_logical3A_285 {strides = array<i32>} : memref<80xi32, #tpu.memory_space<vmem>>, vector<16xi32>,
        %get3A_288 = arith.index_cast %add3A_235 : i32 to index
        %get3A_289 = arith.constant 64 : index
        %get3A_290 = tpu.vector_load %arg5[%get3A_288, %get3A_289] {strides = array<i32>} : memref<125x80xi32, #tpu.memory_space<vmem>>, vector<16xi32>,
        %and3A_291 = arith.constant 16383 : i32
        %and3A_292 = vector.broadcast %and3A_291 : i32 to vector<16xi32>
        %and3A_293 = arith.andi %get3A_290, %and3A_292 : vector<16xi32>
        %swap3A_294 = arith.constant 64 : index
        %swap3A_295 = tpu.vector_load %arg6[%swap3A_294] {strides = array<i32>} : memref<80xi32, #tpu.memory_space<vmem>>, vector<16xi32>,
        tpu.vector_store %arg6[%swap3A_294], %and3A_293 {strides = array<i32>} : memref<80xi32, #tpu.memory_space<vmem>>, vector<16xi32>,
        %shift_right_logical3A_296 = arith.constant 14 : i32
        %shift_right_logical3A_297 = vector.broadcast %shift_right_logical3A_296 : i32 to vector<16xi32>
        %shift_right_logical3A_298 = arith.shrui %get3A_290, %shift_right_logical3A_297 : vector<16xi32>
        %swap3A_299 = arith.constant 64 : index
        %swap3A_300 = tpu.vector_load %arg7[%swap3A_299] {strides = array<i32>} : memref<80xi32, #tpu.memory_space<vmem>>, vector<16xi32>,
        tpu.vector_store %arg7[%swap3A_299], %shift_right_logical3A_298 {strides = array<i32>} : memref<80xi32, #tpu.memory_space<vmem>>, vector<16xi32>,
        %dma_start3A_301 = arith.constant 0 : i32
        %dma_start3A_302 = arith.constant 0 : i32
        %dma_start3A_303 = tpu.memref_slice %arg2[%dma_start3A_301, %dma_start3A_302] : memref<10112x128xf32, #tpu.memory_space<hbm>> -> memref<10112x128xf32, #tpu.memory_space<hbm>>
        tpu.enqueue_indirect_dma source(%dma_start3A_303 : memref<10112x128xf32, #tpu.memory_space<hbm>>) target(%arg8 : memref<80x128xf32, #tpu.memory_space<vmem>>) offsets(%arg6 : memref<80xi32, #tpu.memory_space<vmem>>) semaphore(%arg13 : memref<!tpu.dma_semaphore, #tpu.memory_space<semaphore_mem>>)
      } else {
      }
      %dma_wait3A_230 = arith.constant 0 : i32
      %dma_wait3A_231 = arith.constant 0 : i32
      %dma_wait3A_232 = tpu.memref_slice %arg2[%dma_wait3A_230, %dma_wait3A_231] : memref<10112x128xf32, #tpu.memory_space<hbm>> -> memref<10112x128xf32, #tpu.memory_space<hbm>>
      tpu.wait_indirect_dma semaphore(%arg14 : memref<!tpu.dma_semaphore, #tpu.memory_space<semaphore_mem>>) src(%dma_wait3A_232 : memref<10112x128xf32, #tpu.memory_space<hbm>>) dst(%arg11 : memref<80x128xf32, #tpu.memory_space<vmem>>)
      "tpu.region"() ({
        %run_scoped3A = tpu.sem_alloc : memref<!tpu.dma_semaphore, #tpu.memory_space<semaphore_mem>>
        %dma_start3A_234 = arith.constant 0 : i32
        %dma_start3A_235 = arith.constant 0 : i32
        %dma_start3A_236 = tpu.memref_slice %arg12[%dma_start3A_234, %dma_start3A_235] : memref<10112x128xf32, #tpu.memory_space<vmem_shared>> -> memref<10112x128xf32, #tpu.memory_space<vmem_shared>>
        tpu.enqueue_indirect_dma source(%arg11 : memref<80x128xf32, #tpu.memory_space<vmem>>) target(%dma_start3A_236 : memref<10112x128xf32, #tpu.memory_space<vmem_shared>>) offsets(%arg10 : memref<80xi32, #tpu.memory_space<vmem>>) semaphore(%run_scoped3A : memref<!tpu.dma_semaphore, #tpu.memory_space<semaphore_mem>>) {add = true}
        %dma_wait3A_237 = arith.constant 0 : i32
        %dma_wait3A_238 = arith.constant 0 : i32
        %dma_wait3A_239 = tpu.memref_slice %arg12[%dma_wait3A_237, %dma_wait3A_238] : memref<10112x128xf32, #tpu.memory_space<vmem_shared>> -> memref<10112x128xf32, #tpu.memory_space<vmem_shared>>
        tpu.wait_indirect_dma semaphore(%run_scoped3A : memref<!tpu.dma_semaphore, #tpu.memory_space<semaphore_mem>>) src(%arg11 : memref<80x128xf32, #tpu.memory_space<vmem>>) dst(%dma_wait3A_239 : memref<10112x128xf32, #tpu.memory_space<vmem_shared>>)
        tpu.yield
      }) : () -> ()
      %scan3A_233 = arith.constant 0 : i32
      scf.yield %scan3A_233 : i32
    }
    %scan3A_113 = arith.constant 62 : i32
    %dma_wait3A = arith.constant 0 : i32
    %dma_wait3A_114 = arith.constant 0 : i32
    %dma_wait3A_115 = tpu.memref_slice %arg2[%dma_wait3A, %dma_wait3A_114] : memref<10112x128xf32, #tpu.memory_space<hbm>> -> memref<10112x128xf32, #tpu.memory_space<hbm>>
    tpu.wait_indirect_dma semaphore(%arg13 : memref<!tpu.dma_semaphore, #tpu.memory_space<semaphore_mem>>) src(%dma_wait3A_115 : memref<10112x128xf32, #tpu.memory_space<hbm>>) dst(%arg8 : memref<80x128xf32, #tpu.memory_space<vmem>>)
    "tpu.region"() ({
      %run_scoped3A = tpu.sem_alloc : memref<!tpu.dma_semaphore, #tpu.memory_space<semaphore_mem>>
      %dma_start3A_149 = arith.constant 0 : i32
      %dma_start3A_150 = arith.constant 0 : i32
      %dma_start3A_151 = tpu.memref_slice %arg12[%dma_start3A_149, %dma_start3A_150] : memref<10112x128xf32, #tpu.memory_space<vmem_shared>> -> memref<10112x128xf32, #tpu.memory_space<vmem_shared>>
      tpu.enqueue_indirect_dma source(%arg8 : memref<80x128xf32, #tpu.memory_space<vmem>>) target(%dma_start3A_151 : memref<10112x128xf32, #tpu.memory_space<vmem_shared>>) offsets(%arg7 : memref<80xi32, #tpu.memory_space<vmem>>) semaphore(%run_scoped3A : memref<!tpu.dma_semaphore, #tpu.memory_space<semaphore_mem>>) {add = true}
      %dma_wait3A_152 = arith.constant 0 : i32
      %dma_wait3A_153 = arith.constant 0 : i32
      %dma_wait3A_154 = tpu.memref_slice %arg12[%dma_wait3A_152, %dma_wait3A_153] : memref<10112x128xf32, #tpu.memory_space<vmem_shared>> -> memref<10112x128xf32, #tpu.memory_space<vmem_shared>>
      tpu.wait_indirect_dma semaphore(%run_scoped3A : memref<!tpu.dma_semaphore, #tpu.memory_space<semaphore_mem>>) src(%arg8 : memref<80x128xf32, #tpu.memory_space<vmem>>) dst(%dma_wait3A_154 : memref<10112x128xf32, #tpu.memory_space<vmem_shared>>)
      tpu.yield
    }) : () -> ()
    %barrier3A_116 = arith.constant 0 : index
    tpu.barrier barrier_id(%barrier3A_116)
    %mul3A_117 = arith.constant 632 : i32
    %mul3A_118 = arith.muli %arg1, %mul3A_117 : i32
    %add3A_119 = arith.constant 0 : i32
    %add3A_120 = arith.addi %mul3A_118, %add3A_119 : i32
    "tpu.region"() ({
      %run_scoped3A = tpu.sem_alloc : memref<!tpu.dma_semaphore, #tpu.memory_space<semaphore_mem>>
      %dma_start3A_149 = arith.constant 0 : i32
      %dma_start3A_150 = arith.constant 0 : i32
      %dma_start3A_151 = tpu.memref_slice %arg8[%dma_start3A_149, %dma_start3A_150] : memref<80x128xf32, #tpu.memory_space<vmem>> -> memref<80x128xf32, #tpu.memory_space<vmem>>
      %dma_start3A_152 = arith.constant 0 : i32
      %dma_start3A_153 = tpu.memref_slice %arg12[%add3A_120, %dma_start3A_152] : memref<10112x128xf32, #tpu.memory_space<vmem_shared>> -> memref<80x128xf32, #tpu.memory_space<vmem_shared>>
      %dma_start3A_154 = arith.constant 0 : i32
      %dma_start3A_155 = arith.constant 0 : i32
      %dma_start3A_156 = tpu.memref_slice %arg8[%dma_start3A_154, %dma_start3A_155] : memref<80x128xf32, #tpu.memory_space<vmem>> -> memref<80x128xf32, #tpu.memory_space<vmem>>
      %dma_start3A_157 = arith.constant 0 : i32
      %dma_start3A_158 = tpu.memref_slice %arg12[%add3A_120, %dma_start3A_157] : memref<10112x128xf32, #tpu.memory_space<vmem_shared>> -> memref<80x128xf32, #tpu.memory_space<vmem_shared>>
      tpu.enqueue_dma source(%dma_start3A_158 : memref<80x128xf32, #tpu.memory_space<vmem_shared>>) target(%dma_start3A_156 : memref<80x128xf32, #tpu.memory_space<vmem>>) target_semaphore(%run_scoped3A : memref<!tpu.dma_semaphore, #tpu.memory_space<semaphore_mem>>)
      %dma_wait3A_159 = arith.constant 0 : i32
      %dma_wait3A_160 = arith.constant 0 : i32
      %dma_wait3A_161 = tpu.memref_slice %arg8[%dma_wait3A_159, %dma_wait3A_160] : memref<80x128xf32, #tpu.memory_space<vmem>> -> memref<80x128xf32, #tpu.memory_space<vmem>>
      %dma_wait3A_162 = arith.constant 0 : i32
      %dma_wait3A_163 = tpu.memref_slice %arg12[%add3A_120, %dma_wait3A_162] : memref<10112x128xf32, #tpu.memory_space<vmem_shared>> -> memref<80x128xf32, #tpu.memory_space<vmem_shared>>
      %dma_wait3A_164 = arith.constant 0 : i32
      %dma_wait3A_165 = arith.constant 0 : i32
      %dma_wait3A_166 = tpu.memref_slice %arg8[%dma_wait3A_164, %dma_wait3A_165] : memref<80x128xf32, #tpu.memory_space<vmem>> -> memref<80x128xf32, #tpu.memory_space<vmem>>
      %dma_wait3A_167 = arith.constant 0 : i32
      %dma_wait3A_168 = tpu.memref_slice %arg12[%add3A_120, %dma_wait3A_167] : memref<10112x128xf32, #tpu.memory_space<vmem_shared>> -> memref<80x128xf32, #tpu.memory_space<vmem_shared>>
      tpu.wait_dma2 semaphore(%run_scoped3A : memref<!tpu.dma_semaphore, #tpu.memory_space<semaphore_mem>>) src(%dma_wait3A_168 : memref<80x128xf32, #tpu.memory_space<vmem_shared>>) dst(%dma_wait3A_166 : memref<80x128xf32, #tpu.memory_space<vmem>>)
      tpu.yield
    }) : () -> ()
    "tpu.region"() ({
      %run_scoped3A = tpu.sem_alloc : memref<!tpu.dma_semaphore, #tpu.memory_space<semaphore_mem>>
      %dma_start3A_149 = arith.constant 0 : i32
      %dma_start3A_150 = arith.constant 0 : i32
      %dma_start3A_151 = tpu.memref_slice %arg8[%dma_start3A_149, %dma_start3A_150] : memref<80x128xf32, #tpu.memory_space<vmem>> -> memref<80x128xf32, #tpu.memory_space<vmem>>
      %dma_start3A_152 = arith.constant 0 : i32
      %dma_start3A_153 = tpu.memref_slice %arg4[%arg0, %add3A_120, %dma_start3A_152] : memref<2x10112x128xf32, #tpu.memory_space<hbm>> -> memref<1x80x128xf32, #tpu.memory_space<hbm>>
      %dma_start3A_154 = tpu.memref_squeeze %dma_start3A_153 : memref<1x80x128xf32, #tpu.memory_space<hbm>> -> memref<80x128xf32, #tpu.memory_space<hbm>>
      %dma_start3A_155 = arith.constant 0 : i32
      %dma_start3A_156 = tpu.memref_slice %arg4[%arg0, %add3A_120, %dma_start3A_155] : memref<2x10112x128xf32, #tpu.memory_space<hbm>> -> memref<1x80x128xf32, #tpu.memory_space<hbm>>
      %dma_start3A_157 = tpu.memref_squeeze %dma_start3A_156 : memref<1x80x128xf32, #tpu.memory_space<hbm>> -> memref<80x128xf32, #tpu.memory_space<hbm>>
      %dma_start3A_158 = arith.constant 0 : i32
      %dma_start3A_159 = arith.constant 0 : i32
      %dma_start3A_160 = tpu.memref_slice %arg8[%dma_start3A_158, %dma_start3A_159] : memref<80x128xf32, #tpu.memory_space<vmem>> -> memref<80x128xf32, #tpu.memory_space<vmem>>
      tpu.enqueue_dma source(%dma_start3A_160 : memref<80x128xf32, #tpu.memory_space<vmem>>) target(%dma_start3A_157 : memref<80x128xf32, #tpu.memory_space<hbm>>) target_semaphore(%run_scoped3A : memref<!tpu.dma_semaphore, #tpu.memory_space<semaphore_mem>>)
      %dma_wait3A_161 = arith.constant 0 : i32
      %dma_wait3A_162 = arith.constant 0 : i32
      %dma_wait3A_163 = tpu.memref_slice %arg8[%dma_wait3A_161, %dma_wait3A_162] : memref<80x128xf32, #tpu.memory_space<vmem>> -> memref<80x128xf32, #tpu.memory_space<vmem>>
      %dma_wait3A_164 = arith.constant 0 : i32
      %dma_wait3A_165 = tpu.memref_slice %arg4[%arg0, %add3A_120, %dma_wait3A_164] : memref<2x10112x128xf32, #tpu.memory_space<hbm>> -> memref<1x80x128xf32, #tpu.memory_space<hbm>>
      %dma_wait3A_166 = tpu.memref_squeeze %dma_wait3A_165 : memref<1x80x128xf32, #tpu.memory_space<hbm>> -> memref<80x128xf32, #tpu.memory_space<hbm>>
      %dma_wait3A_167 = arith.constant 0 : i32
      %dma_wait3A_168 = tpu.memref_slice %arg4[%arg0, %add3A_120, %dma_wait3A_167] : memref<2x10112x128xf32, #tpu.memory_space<hbm>> -> memref<1x80x128xf32, #tpu.memory_space<hbm>>
      %dma_wait3A_169 = tpu.memref_squeeze %dma_wait3A_168 : memref<1x80x128xf32, #tpu.memory_space<hbm>> -> memref<80x128xf32, #tpu.memory_space<hbm>>
      %dma_wait3A_170 = arith.constant 0 : i32
      %dma_wait3A_171 = arith.constant 0 : i32
      %dma_wait3A_172 = tpu.memref_slice %arg8[%dma_wait3A_170, %dma_wait3A_171] : memref<80x128xf32, #tpu.memory_space<vmem>> -> memref<80x128xf32, #tpu.memory_space<vmem>>
      tpu.wait_dma2 semaphore(%run_scoped3A : memref<!tpu.dma_semaphore, #tpu.memory_space<semaphore_mem>>) src(%dma_wait3A_172 : memref<80x128xf32, #tpu.memory_space<vmem>>) dst(%dma_wait3A_169 : memref<80x128xf32, #tpu.memory_space<hbm>>)
      tpu.yield
    }) : () -> ()
    %mul3A_121 = arith.constant 632 : i32
    %mul3A_122 = arith.muli %arg1, %mul3A_121 : i32
    %add3A_123 = arith.constant 80 : i32
    %add3A_124 = arith.addi %mul3A_122, %add3A_123 : i32
    "tpu.region"() ({
      %run_scoped3A = tpu.sem_alloc : memref<!tpu.dma_semaphore, #tpu.memory_space<semaphore_mem>>
      %dma_start3A_149 = arith.constant 0 : i32
      %dma_start3A_150 = arith.constant 0 : i32
      %dma_start3A_151 = tpu.memref_slice %arg11[%dma_start3A_149, %dma_start3A_150] : memref<80x128xf32, #tpu.memory_space<vmem>> -> memref<80x128xf32, #tpu.memory_space<vmem>>
      %dma_start3A_152 = arith.constant 0 : i32
      %dma_start3A_153 = tpu.memref_slice %arg12[%add3A_124, %dma_start3A_152] : memref<10112x128xf32, #tpu.memory_space<vmem_shared>> -> memref<80x128xf32, #tpu.memory_space<vmem_shared>>
      %dma_start3A_154 = arith.constant 0 : i32
      %dma_start3A_155 = arith.constant 0 : i32
      %dma_start3A_156 = tpu.memref_slice %arg11[%dma_start3A_154, %dma_start3A_155] : memref<80x128xf32, #tpu.memory_space<vmem>> -> memref<80x128xf32, #tpu.memory_space<vmem>>
      %dma_start3A_157 = arith.constant 0 : i32
      %dma_start3A_158 = tpu.memref_slice %arg12[%add3A_124, %dma_start3A_157] : memref<10112x128xf32, #tpu.memory_space<vmem_shared>> -> memref<80x128xf32, #tpu.memory_space<vmem_shared>>
      tpu.enqueue_dma source(%dma_start3A_158 : memref<80x128xf32, #tpu.memory_space<vmem_shared>>) target(%dma_start3A_156 : memref<80x128xf32, #tpu.memory_space<vmem>>) target_semaphore(%run_scoped3A : memref<!tpu.dma_semaphore, #tpu.memory_space<semaphore_mem>>)
      %dma_wait3A_159 = arith.constant 0 : i32
      %dma_wait3A_160 = arith.constant 0 : i32
      %dma_wait3A_161 = tpu.memref_slice %arg11[%dma_wait3A_159, %dma_wait3A_160] : memref<80x128xf32, #tpu.memory_space<vmem>> -> memref<80x128xf32, #tpu.memory_space<vmem>>
      %dma_wait3A_162 = arith.constant 0 : i32
      %dma_wait3A_163 = tpu.memref_slice %arg12[%add3A_124, %dma_wait3A_162] : memref<10112x128xf32, #tpu.memory_space<vmem_shared>> -> memref<80x128xf32, #tpu.memory_space<vmem_shared>>
      %dma_wait3A_164 = arith.constant 0 : i32
      %dma_wait3A_165 = arith.constant 0 : i32
      %dma_wait3A_166 = tpu.memref_slice %arg11[%dma_wait3A_164, %dma_wait3A_165] : memref<80x128xf32, #tpu.memory_space<vmem>> -> memref<80x128xf32, #tpu.memory_space<vmem>>
      %dma_wait3A_167 = arith.constant 0 : i32
      %dma_wait3A_168 = tpu.memref_slice %arg12[%add3A_124, %dma_wait3A_167] : memref<10112x128xf32, #tpu.memory_space<vmem_shared>> -> memref<80x128xf32, #tpu.memory_space<vmem_shared>>
      tpu.wait_dma2 semaphore(%run_scoped3A : memref<!tpu.dma_semaphore, #tpu.memory_space<semaphore_mem>>) src(%dma_wait3A_168 : memref<80x128xf32, #tpu.memory_space<vmem_shared>>) dst(%dma_wait3A_166 : memref<80x128xf32, #tpu.memory_space<vmem>>)
      tpu.yield
    }) : () -> ()
    "tpu.region"() ({
      %run_scoped3A = tpu.sem_alloc : memref<!tpu.dma_semaphore, #tpu.memory_space<semaphore_mem>>
      %dma_start3A_149 = arith.constant 0 : i32
      %dma_start3A_150 = arith.constant 0 : i32
      %dma_start3A_151 = tpu.memref_slice %arg11[%dma_start3A_149, %dma_start3A_150] : memref<80x128xf32, #tpu.memory_space<vmem>> -> memref<80x128xf32, #tpu.memory_space<vmem>>
      %dma_start3A_152 = arith.constant 0 : i32
      %dma_start3A_153 = tpu.memref_slice %arg4[%arg0, %add3A_124, %dma_start3A_152] : memref<2x10112x128xf32, #tpu.memory_space<hbm>> -> memref<1x80x128xf32, #tpu.memory_space<hbm>>
      %dma_start3A_154 = tpu.memref_squeeze %dma_start3A_153 : memref<1x80x128xf32, #tpu.memory_space<hbm>> -> memref<80x128xf32, #tpu.memory_space<hbm>>
      %dma_start3A_155 = arith.constant 0 : i32
      %dma_start3A_156 = tpu.memref_slice %arg4[%arg0, %add3A_124, %dma_start3A_155] : memref<2x10112x128xf32, #tpu.memory_space<hbm>> -> memref<1x80x128xf32, #tpu.memory_space<hbm>>
      %dma_start3A_157 = tpu.memref_squeeze %dma_start3A_156 : memref<1x80x128xf32, #tpu.memory_space<hbm>> -> memref<80x128xf32, #tpu.memory_space<hbm>>
      %dma_start3A_158 = arith.constant 0 : i32
      %dma_start3A_159 = arith.constant 0 : i32
      %dma_start3A_160 = tpu.memref_slice %arg11[%dma_start3A_158, %dma_start3A_159] : memref<80x128xf32, #tpu.memory_space<vmem>> -> memref<80x128xf32, #tpu.memory_space<vmem>>
      tpu.enqueue_dma source(%dma_start3A_160 : memref<80x128xf32, #tpu.memory_space<vmem>>) target(%dma_start3A_157 : memref<80x128xf32, #tpu.memory_space<hbm>>) target_semaphore(%run_scoped3A : memref<!tpu.dma_semaphore, #tpu.memory_space<semaphore_mem>>)
      %dma_wait3A_161 = arith.constant 0 : i32
      %dma_wait3A_162 = arith.constant 0 : i32
      %dma_wait3A_163 = tpu.memref_slice %arg11[%dma_wait3A_161, %dma_wait3A_162] : memref<80x128xf32, #tpu.memory_space<vmem>> -> memref<80x128xf32, #tpu.memory_space<vmem>>
      %dma_wait3A_164 = arith.constant 0 : i32
      %dma_wait3A_165 = tpu.memref_slice %arg4[%arg0, %add3A_124, %dma_wait3A_164] : memref<2x10112x128xf32, #tpu.memory_space<hbm>> -> memref<1x80x128xf32, #tpu.memory_space<hbm>>
      %dma_wait3A_166 = tpu.memref_squeeze %dma_wait3A_165 : memref<1x80x128xf32, #tpu.memory_space<hbm>> -> memref<80x128xf32, #tpu.memory_space<hbm>>
      %dma_wait3A_167 = arith.constant 0 : i32
      %dma_wait3A_168 = tpu.memref_slice %arg4[%arg0, %add3A_124, %dma_wait3A_167] : memref<2x10112x128xf32, #tpu.memory_space<hbm>> -> memref<1x80x128xf32, #tpu.memory_space<hbm>>
      %dma_wait3A_169 = tpu.memref_squeeze %dma_wait3A_168 : memref<1x80x128xf32, #tpu.memory_space<hbm>> -> memref<80x128xf32, #tpu.memory_space<hbm>>
      %dma_wait3A_170 = arith.constant 0 : i32
      %dma_wait3A_171 = arith.constant 0 : i32
      %dma_wait3A_172 = tpu.memref_slice %arg11[%dma_wait3A_170, %dma_wait3A_171] : memref<80x128xf32, #tpu.memory_space<vmem>> -> memref<80x128xf32, #tpu.memory_space<vmem>>
      tpu.wait_dma2 semaphore(%run_scoped3A : memref<!tpu.dma_semaphore, #tpu.memory_space<semaphore_mem>>) src(%dma_wait3A_172 : memref<80x128xf32, #tpu.memory_space<vmem>>) dst(%dma_wait3A_169 : memref<80x128xf32, #tpu.memory_space<hbm>>)
      tpu.yield
    }) : () -> ()
    %mul3A_125 = arith.constant 632 : i32
    %mul3A_126 = arith.muli %arg1, %mul3A_125 : i32
    %add3A_127 = arith.constant 160 : i32
    %add3A_128 = arith.addi %mul3A_126, %add3A_127 : i32
    "tpu.region"() ({
      %run_scoped3A = tpu.sem_alloc : memref<!tpu.dma_semaphore, #tpu.memory_space<semaphore_mem>>
      %dma_start3A_149 = arith.constant 0 : i32
      %dma_start3A_150 = arith.constant 0 : i32
      %dma_start3A_151 = tpu.memref_slice %arg8[%dma_start3A_149, %dma_start3A_150] : memref<80x128xf32, #tpu.memory_space<vmem>> -> memref<80x128xf32, #tpu.memory_space<vmem>>
      %dma_start3A_152 = arith.constant 0 : i32
      %dma_start3A_153 = tpu.memref_slice %arg12[%add3A_128, %dma_start3A_152] : memref<10112x128xf32, #tpu.memory_space<vmem_shared>> -> memref<80x128xf32, #tpu.memory_space<vmem_shared>>
      %dma_start3A_154 = arith.constant 0 : i32
      %dma_start3A_155 = arith.constant 0 : i32
      %dma_start3A_156 = tpu.memref_slice %arg8[%dma_start3A_154, %dma_start3A_155] : memref<80x128xf32, #tpu.memory_space<vmem>> -> memref<80x128xf32, #tpu.memory_space<vmem>>
      %dma_start3A_157 = arith.constant 0 : i32
      %dma_start3A_158 = tpu.memref_slice %arg12[%add3A_128, %dma_start3A_157] : memref<10112x128xf32, #tpu.memory_space<vmem_shared>> -> memref<80x128xf32, #tpu.memory_space<vmem_shared>>
      tpu.enqueue_dma source(%dma_start3A_158 : memref<80x128xf32, #tpu.memory_space<vmem_shared>>) target(%dma_start3A_156 : memref<80x128xf32, #tpu.memory_space<vmem>>) target_semaphore(%run_scoped3A : memref<!tpu.dma_semaphore, #tpu.memory_space<semaphore_mem>>)
      %dma_wait3A_159 = arith.constant 0 : i32
      %dma_wait3A_160 = arith.constant 0 : i32
      %dma_wait3A_161 = tpu.memref_slice %arg8[%dma_wait3A_159, %dma_wait3A_160] : memref<80x128xf32, #tpu.memory_space<vmem>> -> memref<80x128xf32, #tpu.memory_space<vmem>>
      %dma_wait3A_162 = arith.constant 0 : i32
      %dma_wait3A_163 = tpu.memref_slice %arg12[%add3A_128, %dma_wait3A_162] : memref<10112x128xf32, #tpu.memory_space<vmem_shared>> -> memref<80x128xf32, #tpu.memory_space<vmem_shared>>
      %dma_wait3A_164 = arith.constant 0 : i32
      %dma_wait3A_165 = arith.constant 0 : i32
      %dma_wait3A_166 = tpu.memref_slice %arg8[%dma_wait3A_164, %dma_wait3A_165] : memref<80x128xf32, #tpu.memory_space<vmem>> -> memref<80x128xf32, #tpu.memory_space<vmem>>
      %dma_wait3A_167 = arith.constant 0 : i32
      %dma_wait3A_168 = tpu.memref_slice %arg12[%add3A_128, %dma_wait3A_167] : memref<10112x128xf32, #tpu.memory_space<vmem_shared>> -> memref<80x128xf32, #tpu.memory_space<vmem_shared>>
      tpu.wait_dma2 semaphore(%run_scoped3A : memref<!tpu.dma_semaphore, #tpu.memory_space<semaphore_mem>>) src(%dma_wait3A_168 : memref<80x128xf32, #tpu.memory_space<vmem_shared>>) dst(%dma_wait3A_166 : memref<80x128xf32, #tpu.memory_space<vmem>>)
      tpu.yield
    }) : () -> ()
    "tpu.region"() ({
      %run_scoped3A = tpu.sem_alloc : memref<!tpu.dma_semaphore, #tpu.memory_space<semaphore_mem>>
      %dma_start3A_149 = arith.constant 0 : i32
      %dma_start3A_150 = arith.constant 0 : i32
      %dma_start3A_151 = tpu.memref_slice %arg8[%dma_start3A_149, %dma_start3A_150] : memref<80x128xf32, #tpu.memory_space<vmem>> -> memref<80x128xf32, #tpu.memory_space<vmem>>
      %dma_start3A_152 = arith.constant 0 : i32
      %dma_start3A_153 = tpu.memref_slice %arg4[%arg0, %add3A_128, %dma_start3A_152] : memref<2x10112x128xf32, #tpu.memory_space<hbm>> -> memref<1x80x128xf32, #tpu.memory_space<hbm>>
      %dma_start3A_154 = tpu.memref_squeeze %dma_start3A_153 : memref<1x80x128xf32, #tpu.memory_space<hbm>> -> memref<80x128xf32, #tpu.memory_space<hbm>>
      %dma_start3A_155 = arith.constant 0 : i32
      %dma_start3A_156 = tpu.memref_slice %arg4[%arg0, %add3A_128, %dma_start3A_155] : memref<2x10112x128xf32, #tpu.memory_space<hbm>> -> memref<1x80x128xf32, #tpu.memory_space<hbm>>
      %dma_start3A_157 = tpu.memref_squeeze %dma_start3A_156 : memref<1x80x128xf32, #tpu.memory_space<hbm>> -> memref<80x128xf32, #tpu.memory_space<hbm>>
      %dma_start3A_158 = arith.constant 0 : i32
      %dma_start3A_159 = arith.constant 0 : i32
      %dma_start3A_160 = tpu.memref_slice %arg8[%dma_start3A_158, %dma_start3A_159] : memref<80x128xf32, #tpu.memory_space<vmem>> -> memref<80x128xf32, #tpu.memory_space<vmem>>
      tpu.enqueue_dma source(%dma_start3A_160 : memref<80x128xf32, #tpu.memory_space<vmem>>) target(%dma_start3A_157 : memref<80x128xf32, #tpu.memory_space<hbm>>) target_semaphore(%run_scoped3A : memref<!tpu.dma_semaphore, #tpu.memory_space<semaphore_mem>>)
      %dma_wait3A_161 = arith.constant 0 : i32
      %dma_wait3A_162 = arith.constant 0 : i32
      %dma_wait3A_163 = tpu.memref_slice %arg8[%dma_wait3A_161, %dma_wait3A_162] : memref<80x128xf32, #tpu.memory_space<vmem>> -> memref<80x128xf32, #tpu.memory_space<vmem>>
      %dma_wait3A_164 = arith.constant 0 : i32
      %dma_wait3A_165 = tpu.memref_slice %arg4[%arg0, %add3A_128, %dma_wait3A_164] : memref<2x10112x128xf32, #tpu.memory_space<hbm>> -> memref<1x80x128xf32, #tpu.memory_space<hbm>>
      %dma_wait3A_166 = tpu.memref_squeeze %dma_wait3A_165 : memref<1x80x128xf32, #tpu.memory_space<hbm>> -> memref<80x128xf32, #tpu.memory_space<hbm>>
      %dma_wait3A_167 = arith.constant 0 : i32
      %dma_wait3A_168 = tpu.memref_slice %arg4[%arg0, %add3A_128, %dma_wait3A_167] : memref<2x10112x128xf32, #tpu.memory_space<hbm>> -> memref<1x80x128xf32, #tpu.memory_space<hbm>>
      %dma_wait3A_169 = tpu.memref_squeeze %dma_wait3A_168 : memref<1x80x128xf32, #tpu.memory_space<hbm>> -> memref<80x128xf32, #tpu.memory_space<hbm>>
      %dma_wait3A_170 = arith.constant 0 : i32
      %dma_wait3A_171 = arith.constant 0 : i32
      %dma_wait3A_172 = tpu.memref_slice %arg8[%dma_wait3A_170, %dma_wait3A_171] : memref<80x128xf32, #tpu.memory_space<vmem>> -> memref<80x128xf32, #tpu.memory_space<vmem>>
      tpu.wait_dma2 semaphore(%run_scoped3A : memref<!tpu.dma_semaphore, #tpu.memory_space<semaphore_mem>>) src(%dma_wait3A_172 : memref<80x128xf32, #tpu.memory_space<vmem>>) dst(%dma_wait3A_169 : memref<80x128xf32, #tpu.memory_space<hbm>>)
      tpu.yield
    }) : () -> ()
    %mul3A_129 = arith.constant 632 : i32
    %mul3A_130 = arith.muli %arg1, %mul3A_129 : i32
    %add3A_131 = arith.constant 240 : i32
    %add3A_132 = arith.addi %mul3A_130, %add3A_131 : i32
    "tpu.region"() ({
      %run_scoped3A = tpu.sem_alloc : memref<!tpu.dma_semaphore, #tpu.memory_space<semaphore_mem>>
      %dma_start3A_149 = arith.constant 0 : i32
      %dma_start3A_150 = arith.constant 0 : i32
      %dma_start3A_151 = tpu.memref_slice %arg11[%dma_start3A_149, %dma_start3A_150] : memref<80x128xf32, #tpu.memory_space<vmem>> -> memref<80x128xf32, #tpu.memory_space<vmem>>
      %dma_start3A_152 = arith.constant 0 : i32
      %dma_start3A_153 = tpu.memref_slice %arg12[%add3A_132, %dma_start3A_152] : memref<10112x128xf32, #tpu.memory_space<vmem_shared>> -> memref<80x128xf32, #tpu.memory_space<vmem_shared>>
      %dma_start3A_154 = arith.constant 0 : i32
      %dma_start3A_155 = arith.constant 0 : i32
      %dma_start3A_156 = tpu.memref_slice %arg11[%dma_start3A_154, %dma_start3A_155] : memref<80x128xf32, #tpu.memory_space<vmem>> -> memref<80x128xf32, #tpu.memory_space<vmem>>
      %dma_start3A_157 = arith.constant 0 : i32
      %dma_start3A_158 = tpu.memref_slice %arg12[%add3A_132, %dma_start3A_157] : memref<10112x128xf32, #tpu.memory_space<vmem_shared>> -> memref<80x128xf32, #tpu.memory_space<vmem_shared>>
      tpu.enqueue_dma source(%dma_start3A_158 : memref<80x128xf32, #tpu.memory_space<vmem_shared>>) target(%dma_start3A_156 : memref<80x128xf32, #tpu.memory_space<vmem>>) target_semaphore(%run_scoped3A : memref<!tpu.dma_semaphore, #tpu.memory_space<semaphore_mem>>)
      %dma_wait3A_159 = arith.constant 0 : i32
      %dma_wait3A_160 = arith.constant 0 : i32
      %dma_wait3A_161 = tpu.memref_slice %arg11[%dma_wait3A_159, %dma_wait3A_160] : memref<80x128xf32, #tpu.memory_space<vmem>> -> memref<80x128xf32, #tpu.memory_space<vmem>>
      %dma_wait3A_162 = arith.constant 0 : i32
      %dma_wait3A_163 = tpu.memref_slice %arg12[%add3A_132, %dma_wait3A_162] : memref<10112x128xf32, #tpu.memory_space<vmem_shared>> -> memref<80x128xf32, #tpu.memory_space<vmem_shared>>
      %dma_wait3A_164 = arith.constant 0 : i32
      %dma_wait3A_165 = arith.constant 0 : i32
      %dma_wait3A_166 = tpu.memref_slice %arg11[%dma_wait3A_164, %dma_wait3A_165] : memref<80x128xf32, #tpu.memory_space<vmem>> -> memref<80x128xf32, #tpu.memory_space<vmem>>
      %dma_wait3A_167 = arith.constant 0 : i32
      %dma_wait3A_168 = tpu.memref_slice %arg12[%add3A_132, %dma_wait3A_167] : memref<10112x128xf32, #tpu.memory_space<vmem_shared>> -> memref<80x128xf32, #tpu.memory_space<vmem_shared>>
      tpu.wait_dma2 semaphore(%run_scoped3A : memref<!tpu.dma_semaphore, #tpu.memory_space<semaphore_mem>>) src(%dma_wait3A_168 : memref<80x128xf32, #tpu.memory_space<vmem_shared>>) dst(%dma_wait3A_166 : memref<80x128xf32, #tpu.memory_space<vmem>>)
      tpu.yield
    }) : () -> ()
    "tpu.region"() ({
      %run_scoped3A = tpu.sem_alloc : memref<!tpu.dma_semaphore, #tpu.memory_space<semaphore_mem>>
      %dma_start3A_149 = arith.constant 0 : i32
      %dma_start3A_150 = arith.constant 0 : i32
      %dma_start3A_151 = tpu.memref_slice %arg11[%dma_start3A_149, %dma_start3A_150] : memref<80x128xf32, #tpu.memory_space<vmem>> -> memref<80x128xf32, #tpu.memory_space<vmem>>
      %dma_start3A_152 = arith.constant 0 : i32
      %dma_start3A_153 = tpu.memref_slice %arg4[%arg0, %add3A_132, %dma_start3A_152] : memref<2x10112x128xf32, #tpu.memory_space<hbm>> -> memref<1x80x128xf32, #tpu.memory_space<hbm>>
      %dma_start3A_154 = tpu.memref_squeeze %dma_start3A_153 : memref<1x80x128xf32, #tpu.memory_space<hbm>> -> memref<80x128xf32, #tpu.memory_space<hbm>>
      %dma_start3A_155 = arith.constant 0 : i32
      %dma_start3A_156 = tpu.memref_slice %arg4[%arg0, %add3A_132, %dma_start3A_155] : memref<2x10112x128xf32, #tpu.memory_space<hbm>> -> memref<1x80x128xf32, #tpu.memory_space<hbm>>
      %dma_start3A_157 = tpu.memref_squeeze %dma_start3A_156 : memref<1x80x128xf32, #tpu.memory_space<hbm>> -> memref<80x128xf32, #tpu.memory_space<hbm>>
      %dma_start3A_158 = arith.constant 0 : i32
      %dma_start3A_159 = arith.constant 0 : i32
      %dma_start3A_160 = tpu.memref_slice %arg11[%dma_start3A_158, %dma_start3A_159] : memref<80x128xf32, #tpu.memory_space<vmem>> -> memref<80x128xf32, #tpu.memory_space<vmem>>
      tpu.enqueue_dma source(%dma_start3A_160 : memref<80x128xf32, #tpu.memory_space<vmem>>) target(%dma_start3A_157 : memref<80x128xf32, #tpu.memory_space<hbm>>) target_semaphore(%run_scoped3A : memref<!tpu.dma_semaphore, #tpu.memory_space<semaphore_mem>>)
      %dma_wait3A_161 = arith.constant 0 : i32
      %dma_wait3A_162 = arith.constant 0 : i32
      %dma_wait3A_163 = tpu.memref_slice %arg11[%dma_wait3A_161, %dma_wait3A_162] : memref<80x128xf32, #tpu.memory_space<vmem>> -> memref<80x128xf32, #tpu.memory_space<vmem>>
      %dma_wait3A_164 = arith.constant 0 : i32
      %dma_wait3A_165 = tpu.memref_slice %arg4[%arg0, %add3A_132, %dma_wait3A_164] : memref<2x10112x128xf32, #tpu.memory_space<hbm>> -> memref<1x80x128xf32, #tpu.memory_space<hbm>>
      %dma_wait3A_166 = tpu.memref_squeeze %dma_wait3A_165 : memref<1x80x128xf32, #tpu.memory_space<hbm>> -> memref<80x128xf32, #tpu.memory_space<hbm>>
      %dma_wait3A_167 = arith.constant 0 : i32
      %dma_wait3A_168 = tpu.memref_slice %arg4[%arg0, %add3A_132, %dma_wait3A_167] : memref<2x10112x128xf32, #tpu.memory_space<hbm>> -> memref<1x80x128xf32, #tpu.memory_space<hbm>>
      %dma_wait3A_169 = tpu.memref_squeeze %dma_wait3A_168 : memref<1x80x128xf32, #tpu.memory_space<hbm>> -> memref<80x128xf32, #tpu.memory_space<hbm>>
      %dma_wait3A_170 = arith.constant 0 : i32
      %dma_wait3A_171 = arith.constant 0 : i32
      %dma_wait3A_172 = tpu.memref_slice %arg11[%dma_wait3A_170, %dma_wait3A_171] : memref<80x128xf32, #tpu.memory_space<vmem>> -> memref<80x128xf32, #tpu.memory_space<vmem>>
      tpu.wait_dma2 semaphore(%run_scoped3A : memref<!tpu.dma_semaphore, #tpu.memory_space<semaphore_mem>>) src(%dma_wait3A_172 : memref<80x128xf32, #tpu.memory_space<vmem>>) dst(%dma_wait3A_169 : memref<80x128xf32, #tpu.memory_space<hbm>>)
      tpu.yield
    }) : () -> ()
    %mul3A_133 = arith.constant 632 : i32
    %mul3A_134 = arith.muli %arg1, %mul3A_133 : i32
    %add3A_135 = arith.constant 320 : i32
    %add3A_136 = arith.addi %mul3A_134, %add3A_135 : i32
    "tpu.region"() ({
      %run_scoped3A = tpu.sem_alloc : memref<!tpu.dma_semaphore, #tpu.memory_space<semaphore_mem>>
      %dma_start3A_149 = arith.constant 0 : i32
      %dma_start3A_150 = arith.constant 0 : i32
      %dma_start3A_151 = tpu.memref_slice %arg8[%dma_start3A_149, %dma_start3A_150] : memref<80x128xf32, #tpu.memory_space<vmem>> -> memref<80x128xf32, #tpu.memory_space<vmem>>
      %dma_start3A_152 = arith.constant 0 : i32
      %dma_start3A_153 = tpu.memref_slice %arg12[%add3A_136, %dma_start3A_152] : memref<10112x128xf32, #tpu.memory_space<vmem_shared>> -> memref<80x128xf32, #tpu.memory_space<vmem_shared>>
      %dma_start3A_154 = arith.constant 0 : i32
      %dma_start3A_155 = arith.constant 0 : i32
      %dma_start3A_156 = tpu.memref_slice %arg8[%dma_start3A_154, %dma_start3A_155] : memref<80x128xf32, #tpu.memory_space<vmem>> -> memref<80x128xf32, #tpu.memory_space<vmem>>
      %dma_start3A_157 = arith.constant 0 : i32
      %dma_start3A_158 = tpu.memref_slice %arg12[%add3A_136, %dma_start3A_157] : memref<10112x128xf32, #tpu.memory_space<vmem_shared>> -> memref<80x128xf32, #tpu.memory_space<vmem_shared>>
      tpu.enqueue_dma source(%dma_start3A_158 : memref<80x128xf32, #tpu.memory_space<vmem_shared>>) target(%dma_start3A_156 : memref<80x128xf32, #tpu.memory_space<vmem>>) target_semaphore(%run_scoped3A : memref<!tpu.dma_semaphore, #tpu.memory_space<semaphore_mem>>)
      %dma_wait3A_159 = arith.constant 0 : i32
      %dma_wait3A_160 = arith.constant 0 : i32
      %dma_wait3A_161 = tpu.memref_slice %arg8[%dma_wait3A_159, %dma_wait3A_160] : memref<80x128xf32, #tpu.memory_space<vmem>> -> memref<80x128xf32, #tpu.memory_space<vmem>>
      %dma_wait3A_162 = arith.constant 0 : i32
      %dma_wait3A_163 = tpu.memref_slice %arg12[%add3A_136, %dma_wait3A_162] : memref<10112x128xf32, #tpu.memory_space<vmem_shared>> -> memref<80x128xf32, #tpu.memory_space<vmem_shared>>
      %dma_wait3A_164 = arith.constant 0 : i32
      %dma_wait3A_165 = arith.constant 0 : i32
      %dma_wait3A_166 = tpu.memref_slice %arg8[%dma_wait3A_164, %dma_wait3A_165] : memref<80x128xf32, #tpu.memory_space<vmem>> -> memref<80x128xf32, #tpu.memory_space<vmem>>
      %dma_wait3A_167 = arith.constant 0 : i32
      %dma_wait3A_168 = tpu.memref_slice %arg12[%add3A_136, %dma_wait3A_167] : memref<10112x128xf32, #tpu.memory_space<vmem_shared>> -> memref<80x128xf32, #tpu.memory_space<vmem_shared>>
      tpu.wait_dma2 semaphore(%run_scoped3A : memref<!tpu.dma_semaphore, #tpu.memory_space<semaphore_mem>>) src(%dma_wait3A_168 : memref<80x128xf32, #tpu.memory_space<vmem_shared>>) dst(%dma_wait3A_166 : memref<80x128xf32, #tpu.memory_space<vmem>>)
      tpu.yield
    }) : () -> ()
    "tpu.region"() ({
      %run_scoped3A = tpu.sem_alloc : memref<!tpu.dma_semaphore, #tpu.memory_space<semaphore_mem>>
      %dma_start3A_149 = arith.constant 0 : i32
      %dma_start3A_150 = arith.constant 0 : i32
      %dma_start3A_151 = tpu.memref_slice %arg8[%dma_start3A_149, %dma_start3A_150] : memref<80x128xf32, #tpu.memory_space<vmem>> -> memref<80x128xf32, #tpu.memory_space<vmem>>
      %dma_start3A_152 = arith.constant 0 : i32
      %dma_start3A_153 = tpu.memref_slice %arg4[%arg0, %add3A_136, %dma_start3A_152] : memref<2x10112x128xf32, #tpu.memory_space<hbm>> -> memref<1x80x128xf32, #tpu.memory_space<hbm>>
      %dma_start3A_154 = tpu.memref_squeeze %dma_start3A_153 : memref<1x80x128xf32, #tpu.memory_space<hbm>> -> memref<80x128xf32, #tpu.memory_space<hbm>>
      %dma_start3A_155 = arith.constant 0 : i32
      %dma_start3A_156 = tpu.memref_slice %arg4[%arg0, %add3A_136, %dma_start3A_155] : memref<2x10112x128xf32, #tpu.memory_space<hbm>> -> memref<1x80x128xf32, #tpu.memory_space<hbm>>
      %dma_start3A_157 = tpu.memref_squeeze %dma_start3A_156 : memref<1x80x128xf32, #tpu.memory_space<hbm>> -> memref<80x128xf32, #tpu.memory_space<hbm>>
      %dma_start3A_158 = arith.constant 0 : i32
      %dma_start3A_159 = arith.constant 0 : i32
      %dma_start3A_160 = tpu.memref_slice %arg8[%dma_start3A_158, %dma_start3A_159] : memref<80x128xf32, #tpu.memory_space<vmem>> -> memref<80x128xf32, #tpu.memory_space<vmem>>
      tpu.enqueue_dma source(%dma_start3A_160 : memref<80x128xf32, #tpu.memory_space<vmem>>) target(%dma_start3A_157 : memref<80x128xf32, #tpu.memory_space<hbm>>) target_semaphore(%run_scoped3A : memref<!tpu.dma_semaphore, #tpu.memory_space<semaphore_mem>>)
      %dma_wait3A_161 = arith.constant 0 : i32
      %dma_wait3A_162 = arith.constant 0 : i32
      %dma_wait3A_163 = tpu.memref_slice %arg8[%dma_wait3A_161, %dma_wait3A_162] : memref<80x128xf32, #tpu.memory_space<vmem>> -> memref<80x128xf32, #tpu.memory_space<vmem>>
      %dma_wait3A_164 = arith.constant 0 : i32
      %dma_wait3A_165 = tpu.memref_slice %arg4[%arg0, %add3A_136, %dma_wait3A_164] : memref<2x10112x128xf32, #tpu.memory_space<hbm>> -> memref<1x80x128xf32, #tpu.memory_space<hbm>>
      %dma_wait3A_166 = tpu.memref_squeeze %dma_wait3A_165 : memref<1x80x128xf32, #tpu.memory_space<hbm>> -> memref<80x128xf32, #tpu.memory_space<hbm>>
      %dma_wait3A_167 = arith.constant 0 : i32
      %dma_wait3A_168 = tpu.memref_slice %arg4[%arg0, %add3A_136, %dma_wait3A_167] : memref<2x10112x128xf32, #tpu.memory_space<hbm>> -> memref<1x80x128xf32, #tpu.memory_space<hbm>>
      %dma_wait3A_169 = tpu.memref_squeeze %dma_wait3A_168 : memref<1x80x128xf32, #tpu.memory_space<hbm>> -> memref<80x128xf32, #tpu.memory_space<hbm>>
      %dma_wait3A_170 = arith.constant 0 : i32
      %dma_wait3A_171 = arith.constant 0 : i32
      %dma_wait3A_172 = tpu.memref_slice %arg8[%dma_wait3A_170, %dma_wait3A_171] : memref<80x128xf32, #tpu.memory_space<vmem>> -> memref<80x128xf32, #tpu.memory_space<vmem>>
      tpu.wait_dma2 semaphore(%run_scoped3A : memref<!tpu.dma_semaphore, #tpu.memory_space<semaphore_mem>>) src(%dma_wait3A_172 : memref<80x128xf32, #tpu.memory_space<vmem>>) dst(%dma_wait3A_169 : memref<80x128xf32, #tpu.memory_space<hbm>>)
      tpu.yield
    }) : () -> ()
    %mul3A_137 = arith.constant 632 : i32
    %mul3A_138 = arith.muli %arg1, %mul3A_137 : i32
    %add3A_139 = arith.constant 400 : i32
    %add3A_140 = arith.addi %mul3A_138, %add3A_139 : i32
    "tpu.region"() ({
      %run_scoped3A = tpu.sem_alloc : memref<!tpu.dma_semaphore, #tpu.memory_space<semaphore_mem>>
      %dma_start3A_149 = arith.constant 0 : i32
      %dma_start3A_150 = arith.constant 0 : i32
      %dma_start3A_151 = tpu.memref_slice %arg11[%dma_start3A_149, %dma_start3A_150] : memref<80x128xf32, #tpu.memory_space<vmem>> -> memref<80x128xf32, #tpu.memory_space<vmem>>
      %dma_start3A_152 = arith.constant 0 : i32
      %dma_start3A_153 = tpu.memref_slice %arg12[%add3A_140, %dma_start3A_152] : memref<10112x128xf32, #tpu.memory_space<vmem_shared>> -> memref<80x128xf32, #tpu.memory_space<vmem_shared>>
      %dma_start3A_154 = arith.constant 0 : i32
      %dma_start3A_155 = arith.constant 0 : i32
      %dma_start3A_156 = tpu.memref_slice %arg11[%dma_start3A_154, %dma_start3A_155] : memref<80x128xf32, #tpu.memory_space<vmem>> -> memref<80x128xf32, #tpu.memory_space<vmem>>
      %dma_start3A_157 = arith.constant 0 : i32
      %dma_start3A_158 = tpu.memref_slice %arg12[%add3A_140, %dma_start3A_157] : memref<10112x128xf32, #tpu.memory_space<vmem_shared>> -> memref<80x128xf32, #tpu.memory_space<vmem_shared>>
      tpu.enqueue_dma source(%dma_start3A_158 : memref<80x128xf32, #tpu.memory_space<vmem_shared>>) target(%dma_start3A_156 : memref<80x128xf32, #tpu.memory_space<vmem>>) target_semaphore(%run_scoped3A : memref<!tpu.dma_semaphore, #tpu.memory_space<semaphore_mem>>)
      %dma_wait3A_159 = arith.constant 0 : i32
      %dma_wait3A_160 = arith.constant 0 : i32
      %dma_wait3A_161 = tpu.memref_slice %arg11[%dma_wait3A_159, %dma_wait3A_160] : memref<80x128xf32, #tpu.memory_space<vmem>> -> memref<80x128xf32, #tpu.memory_space<vmem>>
      %dma_wait3A_162 = arith.constant 0 : i32
      %dma_wait3A_163 = tpu.memref_slice %arg12[%add3A_140, %dma_wait3A_162] : memref<10112x128xf32, #tpu.memory_space<vmem_shared>> -> memref<80x128xf32, #tpu.memory_space<vmem_shared>>
      %dma_wait3A_164 = arith.constant 0 : i32
      %dma_wait3A_165 = arith.constant 0 : i32
      %dma_wait3A_166 = tpu.memref_slice %arg11[%dma_wait3A_164, %dma_wait3A_165] : memref<80x128xf32, #tpu.memory_space<vmem>> -> memref<80x128xf32, #tpu.memory_space<vmem>>
      %dma_wait3A_167 = arith.constant 0 : i32
      %dma_wait3A_168 = tpu.memref_slice %arg12[%add3A_140, %dma_wait3A_167] : memref<10112x128xf32, #tpu.memory_space<vmem_shared>> -> memref<80x128xf32, #tpu.memory_space<vmem_shared>>
      tpu.wait_dma2 semaphore(%run_scoped3A : memref<!tpu.dma_semaphore, #tpu.memory_space<semaphore_mem>>) src(%dma_wait3A_168 : memref<80x128xf32, #tpu.memory_space<vmem_shared>>) dst(%dma_wait3A_166 : memref<80x128xf32, #tpu.memory_space<vmem>>)
      tpu.yield
    }) : () -> ()
    "tpu.region"() ({
      %run_scoped3A = tpu.sem_alloc : memref<!tpu.dma_semaphore, #tpu.memory_space<semaphore_mem>>
      %dma_start3A_149 = arith.constant 0 : i32
      %dma_start3A_150 = arith.constant 0 : i32
      %dma_start3A_151 = tpu.memref_slice %arg11[%dma_start3A_149, %dma_start3A_150] : memref<80x128xf32, #tpu.memory_space<vmem>> -> memref<80x128xf32, #tpu.memory_space<vmem>>
      %dma_start3A_152 = arith.constant 0 : i32
      %dma_start3A_153 = tpu.memref_slice %arg4[%arg0, %add3A_140, %dma_start3A_152] : memref<2x10112x128xf32, #tpu.memory_space<hbm>> -> memref<1x80x128xf32, #tpu.memory_space<hbm>>
      %dma_start3A_154 = tpu.memref_squeeze %dma_start3A_153 : memref<1x80x128xf32, #tpu.memory_space<hbm>> -> memref<80x128xf32, #tpu.memory_space<hbm>>
      %dma_start3A_155 = arith.constant 0 : i32
      %dma_start3A_156 = tpu.memref_slice %arg4[%arg0, %add3A_140, %dma_start3A_155] : memref<2x10112x128xf32, #tpu.memory_space<hbm>> -> memref<1x80x128xf32, #tpu.memory_space<hbm>>
      %dma_start3A_157 = tpu.memref_squeeze %dma_start3A_156 : memref<1x80x128xf32, #tpu.memory_space<hbm>> -> memref<80x128xf32, #tpu.memory_space<hbm>>
      %dma_start3A_158 = arith.constant 0 : i32
      %dma_start3A_159 = arith.constant 0 : i32
      %dma_start3A_160 = tpu.memref_slice %arg11[%dma_start3A_158, %dma_start3A_159] : memref<80x128xf32, #tpu.memory_space<vmem>> -> memref<80x128xf32, #tpu.memory_space<vmem>>
      tpu.enqueue_dma source(%dma_start3A_160 : memref<80x128xf32, #tpu.memory_space<vmem>>) target(%dma_start3A_157 : memref<80x128xf32, #tpu.memory_space<hbm>>) target_semaphore(%run_scoped3A : memref<!tpu.dma_semaphore, #tpu.memory_space<semaphore_mem>>)
      %dma_wait3A_161 = arith.constant 0 : i32
      %dma_wait3A_162 = arith.constant 0 : i32
      %dma_wait3A_163 = tpu.memref_slice %arg11[%dma_wait3A_161, %dma_wait3A_162] : memref<80x128xf32, #tpu.memory_space<vmem>> -> memref<80x128xf32, #tpu.memory_space<vmem>>
      %dma_wait3A_164 = arith.constant 0 : i32
      %dma_wait3A_165 = tpu.memref_slice %arg4[%arg0, %add3A_140, %dma_wait3A_164] : memref<2x10112x128xf32, #tpu.memory_space<hbm>> -> memref<1x80x128xf32, #tpu.memory_space<hbm>>
      %dma_wait3A_166 = tpu.memref_squeeze %dma_wait3A_165 : memref<1x80x128xf32, #tpu.memory_space<hbm>> -> memref<80x128xf32, #tpu.memory_space<hbm>>
      %dma_wait3A_167 = arith.constant 0 : i32
      %dma_wait3A_168 = tpu.memref_slice %arg4[%arg0, %add3A_140, %dma_wait3A_167] : memref<2x10112x128xf32, #tpu.memory_space<hbm>> -> memref<1x80x128xf32, #tpu.memory_space<hbm>>
      %dma_wait3A_169 = tpu.memref_squeeze %dma_wait3A_168 : memref<1x80x128xf32, #tpu.memory_space<hbm>> -> memref<80x128xf32, #tpu.memory_space<hbm>>
      %dma_wait3A_170 = arith.constant 0 : i32
      %dma_wait3A_171 = arith.constant 0 : i32
      %dma_wait3A_172 = tpu.memref_slice %arg11[%dma_wait3A_170, %dma_wait3A_171] : memref<80x128xf32, #tpu.memory_space<vmem>> -> memref<80x128xf32, #tpu.memory_space<vmem>>
      tpu.wait_dma2 semaphore(%run_scoped3A : memref<!tpu.dma_semaphore, #tpu.memory_space<semaphore_mem>>) src(%dma_wait3A_172 : memref<80x128xf32, #tpu.memory_space<vmem>>) dst(%dma_wait3A_169 : memref<80x128xf32, #tpu.memory_space<hbm>>)
      tpu.yield
    }) : () -> ()
    %mul3A_141 = arith.constant 632 : i32
    %mul3A_142 = arith.muli %arg1, %mul3A_141 : i32
    %add3A_143 = arith.constant 480 : i32
    %add3A_144 = arith.addi %mul3A_142, %add3A_143 : i32
    "tpu.region"() ({
      %run_scoped3A = tpu.sem_alloc : memref<!tpu.dma_semaphore, #tpu.memory_space<semaphore_mem>>
      %dma_start3A_149 = arith.constant 0 : i32
      %dma_start3A_150 = arith.constant 0 : i32
      %dma_start3A_151 = tpu.memref_slice %arg8[%dma_start3A_149, %dma_start3A_150] : memref<80x128xf32, #tpu.memory_space<vmem>> -> memref<80x128xf32, #tpu.memory_space<vmem>>
      %dma_start3A_152 = arith.constant 0 : i32
      %dma_start3A_153 = tpu.memref_slice %arg12[%add3A_144, %dma_start3A_152] : memref<10112x128xf32, #tpu.memory_space<vmem_shared>> -> memref<80x128xf32, #tpu.memory_space<vmem_shared>>
      %dma_start3A_154 = arith.constant 0 : i32
      %dma_start3A_155 = arith.constant 0 : i32
      %dma_start3A_156 = tpu.memref_slice %arg8[%dma_start3A_154, %dma_start3A_155] : memref<80x128xf32, #tpu.memory_space<vmem>> -> memref<80x128xf32, #tpu.memory_space<vmem>>
      %dma_start3A_157 = arith.constant 0 : i32
      %dma_start3A_158 = tpu.memref_slice %arg12[%add3A_144, %dma_start3A_157] : memref<10112x128xf32, #tpu.memory_space<vmem_shared>> -> memref<80x128xf32, #tpu.memory_space<vmem_shared>>
      tpu.enqueue_dma source(%dma_start3A_158 : memref<80x128xf32, #tpu.memory_space<vmem_shared>>) target(%dma_start3A_156 : memref<80x128xf32, #tpu.memory_space<vmem>>) target_semaphore(%run_scoped3A : memref<!tpu.dma_semaphore, #tpu.memory_space<semaphore_mem>>)
      %dma_wait3A_159 = arith.constant 0 : i32
      %dma_wait3A_160 = arith.constant 0 : i32
      %dma_wait3A_161 = tpu.memref_slice %arg8[%dma_wait3A_159, %dma_wait3A_160] : memref<80x128xf32, #tpu.memory_space<vmem>> -> memref<80x128xf32, #tpu.memory_space<vmem>>
      %dma_wait3A_162 = arith.constant 0 : i32
      %dma_wait3A_163 = tpu.memref_slice %arg12[%add3A_144, %dma_wait3A_162] : memref<10112x128xf32, #tpu.memory_space<vmem_shared>> -> memref<80x128xf32, #tpu.memory_space<vmem_shared>>
      %dma_wait3A_164 = arith.constant 0 : i32
      %dma_wait3A_165 = arith.constant 0 : i32
      %dma_wait3A_166 = tpu.memref_slice %arg8[%dma_wait3A_164, %dma_wait3A_165] : memref<80x128xf32, #tpu.memory_space<vmem>> -> memref<80x128xf32, #tpu.memory_space<vmem>>
      %dma_wait3A_167 = arith.constant 0 : i32
      %dma_wait3A_168 = tpu.memref_slice %arg12[%add3A_144, %dma_wait3A_167] : memref<10112x128xf32, #tpu.memory_space<vmem_shared>> -> memref<80x128xf32, #tpu.memory_space<vmem_shared>>
      tpu.wait_dma2 semaphore(%run_scoped3A : memref<!tpu.dma_semaphore, #tpu.memory_space<semaphore_mem>>) src(%dma_wait3A_168 : memref<80x128xf32, #tpu.memory_space<vmem_shared>>) dst(%dma_wait3A_166 : memref<80x128xf32, #tpu.memory_space<vmem>>)
      tpu.yield
    }) : () -> ()
    "tpu.region"() ({
      %run_scoped3A = tpu.sem_alloc : memref<!tpu.dma_semaphore, #tpu.memory_space<semaphore_mem>>
      %dma_start3A_149 = arith.constant 0 : i32
      %dma_start3A_150 = arith.constant 0 : i32
      %dma_start3A_151 = tpu.memref_slice %arg8[%dma_start3A_149, %dma_start3A_150] : memref<80x128xf32, #tpu.memory_space<vmem>> -> memref<80x128xf32, #tpu.memory_space<vmem>>
      %dma_start3A_152 = arith.constant 0 : i32
      %dma_start3A_153 = tpu.memref_slice %arg4[%arg0, %add3A_144, %dma_start3A_152] : memref<2x10112x128xf32, #tpu.memory_space<hbm>> -> memref<1x80x128xf32, #tpu.memory_space<hbm>>
      %dma_start3A_154 = tpu.memref_squeeze %dma_start3A_153 : memref<1x80x128xf32, #tpu.memory_space<hbm>> -> memref<80x128xf32, #tpu.memory_space<hbm>>
      %dma_start3A_155 = arith.constant 0 : i32
      %dma_start3A_156 = tpu.memref_slice %arg4[%arg0, %add3A_144, %dma_start3A_155] : memref<2x10112x128xf32, #tpu.memory_space<hbm>> -> memref<1x80x128xf32, #tpu.memory_space<hbm>>
      %dma_start3A_157 = tpu.memref_squeeze %dma_start3A_156 : memref<1x80x128xf32, #tpu.memory_space<hbm>> -> memref<80x128xf32, #tpu.memory_space<hbm>>
      %dma_start3A_158 = arith.constant 0 : i32
      %dma_start3A_159 = arith.constant 0 : i32
      %dma_start3A_160 = tpu.memref_slice %arg8[%dma_start3A_158, %dma_start3A_159] : memref<80x128xf32, #tpu.memory_space<vmem>> -> memref<80x128xf32, #tpu.memory_space<vmem>>
      tpu.enqueue_dma source(%dma_start3A_160 : memref<80x128xf32, #tpu.memory_space<vmem>>) target(%dma_start3A_157 : memref<80x128xf32, #tpu.memory_space<hbm>>) target_semaphore(%run_scoped3A : memref<!tpu.dma_semaphore, #tpu.memory_space<semaphore_mem>>)
      %dma_wait3A_161 = arith.constant 0 : i32
      %dma_wait3A_162 = arith.constant 0 : i32
      %dma_wait3A_163 = tpu.memref_slice %arg8[%dma_wait3A_161, %dma_wait3A_162] : memref<80x128xf32, #tpu.memory_space<vmem>> -> memref<80x128xf32, #tpu.memory_space<vmem>>
      %dma_wait3A_164 = arith.constant 0 : i32
      %dma_wait3A_165 = tpu.memref_slice %arg4[%arg0, %add3A_144, %dma_wait3A_164] : memref<2x10112x128xf32, #tpu.memory_space<hbm>> -> memref<1x80x128xf32, #tpu.memory_space<hbm>>
      %dma_wait3A_166 = tpu.memref_squeeze %dma_wait3A_165 : memref<1x80x128xf32, #tpu.memory_space<hbm>> -> memref<80x128xf32, #tpu.memory_space<hbm>>
      %dma_wait3A_167 = arith.constant 0 : i32
      %dma_wait3A_168 = tpu.memref_slice %arg4[%arg0, %add3A_144, %dma_wait3A_167] : memref<2x10112x128xf32, #tpu.memory_space<hbm>> -> memref<1x80x128xf32, #tpu.memory_space<hbm>>
      %dma_wait3A_169 = tpu.memref_squeeze %dma_wait3A_168 : memref<1x80x128xf32, #tpu.memory_space<hbm>> -> memref<80x128xf32, #tpu.memory_space<hbm>>
      %dma_wait3A_170 = arith.constant 0 : i32
      %dma_wait3A_171 = arith.constant 0 : i32
      %dma_wait3A_172 = tpu.memref_slice %arg8[%dma_wait3A_170, %dma_wait3A_171] : memref<80x128xf32, #tpu.memory_space<vmem>> -> memref<80x128xf32, #tpu.memory_space<vmem>>
      tpu.wait_dma2 semaphore(%run_scoped3A : memref<!tpu.dma_semaphore, #tpu.memory_space<semaphore_mem>>) src(%dma_wait3A_172 : memref<80x128xf32, #tpu.memory_space<vmem>>) dst(%dma_wait3A_169 : memref<80x128xf32, #tpu.memory_space<hbm>>)
      tpu.yield
    }) : () -> ()
    %mul3A_145 = arith.constant 632 : i32
    %mul3A_146 = arith.muli %arg1, %mul3A_145 : i32
    %add3A_147 = arith.constant 560 : i32
    %add3A_148 = arith.addi %mul3A_146, %add3A_147 : i32
    "tpu.region"() ({
      %run_scoped3A = tpu.sem_alloc : memref<!tpu.dma_semaphore, #tpu.memory_space<semaphore_mem>>
      %dma_start3A_149 = arith.constant 0 : i32
      %dma_start3A_150 = arith.constant 0 : i32
      %dma_start3A_151 = tpu.memref_slice %arg11[%dma_start3A_149, %dma_start3A_150] : memref<80x128xf32, #tpu.memory_space<vmem>> -> memref<72x128xf32, #tpu.memory_space<vmem>>
      %dma_start3A_152 = arith.constant 0 : i32
      %dma_start3A_153 = tpu.memref_slice %arg12[%add3A_148, %dma_start3A_152] : memref<10112x128xf32, #tpu.memory_space<vmem_shared>> -> memref<72x128xf32, #tpu.memory_space<vmem_shared>>
      %dma_start3A_154 = arith.constant 0 : i32
      %dma_start3A_155 = arith.constant 0 : i32
      %dma_start3A_156 = tpu.memref_slice %arg11[%dma_start3A_154, %dma_start3A_155] : memref<80x128xf32, #tpu.memory_space<vmem>> -> memref<72x128xf32, #tpu.memory_space<vmem>>
      %dma_start3A_157 = arith.constant 0 : i32
      %dma_start3A_158 = tpu.memref_slice %arg12[%add3A_148, %dma_start3A_157] : memref<10112x128xf32, #tpu.memory_space<vmem_shared>> -> memref<72x128xf32, #tpu.memory_space<vmem_shared>>
      tpu.enqueue_dma source(%dma_start3A_158 : memref<72x128xf32, #tpu.memory_space<vmem_shared>>) target(%dma_start3A_156 : memref<72x128xf32, #tpu.memory_space<vmem>>) target_semaphore(%run_scoped3A : memref<!tpu.dma_semaphore, #tpu.memory_space<semaphore_mem>>)
      %dma_wait3A_159 = arith.constant 0 : i32
      %dma_wait3A_160 = arith.constant 0 : i32
      %dma_wait3A_161 = tpu.memref_slice %arg11[%dma_wait3A_159, %dma_wait3A_160] : memref<80x128xf32, #tpu.memory_space<vmem>> -> memref<72x128xf32, #tpu.memory_space<vmem>>
      %dma_wait3A_162 = arith.constant 0 : i32
      %dma_wait3A_163 = tpu.memref_slice %arg12[%add3A_148, %dma_wait3A_162] : memref<10112x128xf32, #tpu.memory_space<vmem_shared>> -> memref<72x128xf32, #tpu.memory_space<vmem_shared>>
      %dma_wait3A_164 = arith.constant 0 : i32
      %dma_wait3A_165 = arith.constant 0 : i32
      %dma_wait3A_166 = tpu.memref_slice %arg11[%dma_wait3A_164, %dma_wait3A_165] : memref<80x128xf32, #tpu.memory_space<vmem>> -> memref<72x128xf32, #tpu.memory_space<vmem>>
      %dma_wait3A_167 = arith.constant 0 : i32
      %dma_wait3A_168 = tpu.memref_slice %arg12[%add3A_148, %dma_wait3A_167] : memref<10112x128xf32, #tpu.memory_space<vmem_shared>> -> memref<72x128xf32, #tpu.memory_space<vmem_shared>>
      tpu.wait_dma2 semaphore(%run_scoped3A : memref<!tpu.dma_semaphore, #tpu.memory_space<semaphore_mem>>) src(%dma_wait3A_168 : memref<72x128xf32, #tpu.memory_space<vmem_shared>>) dst(%dma_wait3A_166 : memref<72x128xf32, #tpu.memory_space<vmem>>)
      tpu.yield
    }) : () -> ()
    "tpu.region"() ({
      %run_scoped3A = tpu.sem_alloc : memref<!tpu.dma_semaphore, #tpu.memory_space<semaphore_mem>>
      %dma_start3A_149 = arith.constant 0 : i32
      %dma_start3A_150 = arith.constant 0 : i32
      %dma_start3A_151 = tpu.memref_slice %arg11[%dma_start3A_149, %dma_start3A_150] : memref<80x128xf32, #tpu.memory_space<vmem>> -> memref<72x128xf32, #tpu.memory_space<vmem>>
      %dma_start3A_152 = arith.constant 0 : i32
      %dma_start3A_153 = tpu.memref_slice %arg4[%arg0, %add3A_148, %dma_start3A_152] : memref<2x10112x128xf32, #tpu.memory_space<hbm>> -> memref<1x72x128xf32, #tpu.memory_space<hbm>>
      %dma_start3A_154 = tpu.memref_squeeze %dma_start3A_153 : memref<1x72x128xf32, #tpu.memory_space<hbm>> -> memref<72x128xf32, #tpu.memory_space<hbm>>
      %dma_start3A_155 = arith.constant 0 : i32
      %dma_start3A_156 = tpu.memref_slice %arg4[%arg0, %add3A_148, %dma_start3A_155] : memref<2x10112x128xf32, #tpu.memory_space<hbm>> -> memref<1x72x128xf32, #tpu.memory_space<hbm>>
      %dma_start3A_157 = tpu.memref_squeeze %dma_start3A_156 : memref<1x72x128xf32, #tpu.memory_space<hbm>> -> memref<72x128xf32, #tpu.memory_space<hbm>>
      %dma_start3A_158 = arith.constant 0 : i32
      %dma_start3A_159 = arith.constant 0 : i32
      %dma_start3A_160 = tpu.memref_slice %arg11[%dma_start3A_158, %dma_start3A_159] : memref<80x128xf32, #tpu.memory_space<vmem>> -> memref<72x128xf32, #tpu.memory_space<vmem>>
      tpu.enqueue_dma source(%dma_start3A_160 : memref<72x128xf32, #tpu.memory_space<vmem>>) target(%dma_start3A_157 : memref<72x128xf32, #tpu.memory_space<hbm>>) target_semaphore(%run_scoped3A : memref<!tpu.dma_semaphore, #tpu.memory_space<semaphore_mem>>)
      %dma_wait3A_161 = arith.constant 0 : i32
      %dma_wait3A_162 = arith.constant 0 : i32
      %dma_wait3A_163 = tpu.memref_slice %arg11[%dma_wait3A_161, %dma_wait3A_162] : memref<80x128xf32, #tpu.memory_space<vmem>> -> memref<72x128xf32, #tpu.memory_space<vmem>>
      %dma_wait3A_164 = arith.constant 0 : i32
      %dma_wait3A_165 = tpu.memref_slice %arg4[%arg0, %add3A_148, %dma_wait3A_164] : memref<2x10112x128xf32, #tpu.memory_space<hbm>> -> memref<1x72x128xf32, #tpu.memory_space<hbm>>
      %dma_wait3A_166 = tpu.memref_squeeze %dma_wait3A_165 : memref<1x72x128xf32, #tpu.memory_space<hbm>> -> memref<72x128xf32, #tpu.memory_space<hbm>>
      %dma_wait3A_167 = arith.constant 0 : i32
      %dma_wait3A_168 = tpu.memref_slice %arg4[%arg0, %add3A_148, %dma_wait3A_167] : memref<2x10112x128xf32, #tpu.memory_space<hbm>> -> memref<1x72x128xf32, #tpu.memory_space<hbm>>
      %dma_wait3A_169 = tpu.memref_squeeze %dma_wait3A_168 : memref<1x72x128xf32, #tpu.memory_space<hbm>> -> memref<72x128xf32, #tpu.memory_space<hbm>>
      %dma_wait3A_170 = arith.constant 0 : i32
      %dma_wait3A_171 = arith.constant 0 : i32
      %dma_wait3A_172 = tpu.memref_slice %arg11[%dma_wait3A_170, %dma_wait3A_171] : memref<80x128xf32, #tpu.memory_space<vmem>> -> memref<72x128xf32, #tpu.memory_space<vmem>>
      tpu.wait_dma2 semaphore(%run_scoped3A : memref<!tpu.dma_semaphore, #tpu.memory_space<semaphore_mem>>) src(%dma_wait3A_172 : memref<72x128xf32, #tpu.memory_space<vmem>>) dst(%dma_wait3A_169 : memref<72x128xf32, #tpu.memory_space<hbm>>)
      tpu.yield
    }) : () -> ()
    return
  }
}

#map = affine_map<(d0, d1) -> (0)>
module attributes {stable_mosaic.version = 14 : i64} {
  func.func @_head(%arg0: i32, %arg1: i32, %arg2: memref<10000xf32, #tpu.memory_space<hbm>>, %arg3: memref<10000xf32, #tpu.memory_space<hbm>>, %arg4: memref<320000xi32, #tpu.memory_space<hbm>>, %arg5: memref<320000xi32, #tpu.memory_space<hbm>>, %arg6: memref<256xf32, #tpu.memory_space<hbm>>, %arg7: memref<128xf32, #tpu.memory_space<hbm>>, %arg8: memref<16xf32, #tpu.memory_space<hbm>>, %arg9: memref<320000xf32, #tpu.memory_space<hbm>>, %arg10: memref<10000xf32, #tpu.memory_space<vmem>>, %arg11: memref<10000xf32, #tpu.memory_space<vmem>>, %arg12: memref<10000xi32, #tpu.memory_space<vmem>>, %arg13: memref<10000xi32, #tpu.memory_space<vmem>>, %arg14: memref<10000xf32, #tpu.memory_space<vmem>>, %arg15: memref<256xf32, #tpu.memory_space<vmem>>, %arg16: memref<128xf32, #tpu.memory_space<vmem>>, %arg17: memref<16xf32, #tpu.memory_space<vmem>>) attributes {dimension_semantics = [#tpu.dimension_semantics<core_parallel>, #tpu.dimension_semantics<subcore_parallel>], iteration_bounds = array<i64: 2, 16>, scalar_prefetch = 0 : i64, scratch_operands = 8 : i64, tpu.core_type = #tpu.core_type<sc_vector_subcore>, window_params = [{transform_indices = #map}, {transform_indices = #map}, {transform_indices = #map}, {transform_indices = #map}, {transform_indices = #map}, {transform_indices = #map}, {transform_indices = #map}, {transform_indices = #map}]} {
    %mul3A = arith.constant 16 : i32
    %mul3A_0 = arith.muli %arg0, %mul3A : i32
    %add3A = arith.addi %mul3A_0, %arg1 : i32
    %mul3A_1 = arith.constant 10000 : i32
    %mul3A_2 = arith.muli %add3A, %mul3A_1 : i32
    "tpu.region"() ({
      %run_scoped3A = tpu.sem_alloc : memref<!tpu.dma_semaphore, #tpu.memory_space<semaphore_mem>>
      tpu.enqueue_dma source(%arg2 : memref<10000xf32, #tpu.memory_space<hbm>>) target(%arg10 : memref<10000xf32, #tpu.memory_space<vmem>>) target_semaphore(%run_scoped3A : memref<!tpu.dma_semaphore, #tpu.memory_space<semaphore_mem>>)
      tpu.wait_dma2 semaphore(%run_scoped3A : memref<!tpu.dma_semaphore, #tpu.memory_space<semaphore_mem>>) src(%arg2 : memref<10000xf32, #tpu.memory_space<hbm>>) dst(%arg10 : memref<10000xf32, #tpu.memory_space<vmem>>)
      tpu.yield
    }) : () -> ()
    "tpu.region"() ({
      %run_scoped3A = tpu.sem_alloc : memref<!tpu.dma_semaphore, #tpu.memory_space<semaphore_mem>>
      tpu.enqueue_dma source(%arg3 : memref<10000xf32, #tpu.memory_space<hbm>>) target(%arg11 : memref<10000xf32, #tpu.memory_space<vmem>>) target_semaphore(%run_scoped3A : memref<!tpu.dma_semaphore, #tpu.memory_space<semaphore_mem>>)
      tpu.wait_dma2 semaphore(%run_scoped3A : memref<!tpu.dma_semaphore, #tpu.memory_space<semaphore_mem>>) src(%arg3 : memref<10000xf32, #tpu.memory_space<hbm>>) dst(%arg11 : memref<10000xf32, #tpu.memory_space<vmem>>)
      tpu.yield
    }) : () -> ()
    "tpu.region"() ({
      %run_scoped3A = tpu.sem_alloc : memref<!tpu.dma_semaphore, #tpu.memory_space<semaphore_mem>>
      %dma_start3A = tpu.memref_slice %arg4[%mul3A_2] : memref<320000xi32, #tpu.memory_space<hbm>> -> memref<10000xi32, #tpu.memory_space<hbm>>
      %dma_start3A_85 = tpu.memref_slice %arg4[%mul3A_2] : memref<320000xi32, #tpu.memory_space<hbm>> -> memref<10000xi32, #tpu.memory_space<hbm>>
      tpu.enqueue_dma source(%dma_start3A_85 : memref<10000xi32, #tpu.memory_space<hbm>>) target(%arg12 : memref<10000xi32, #tpu.memory_space<vmem>>) target_semaphore(%run_scoped3A : memref<!tpu.dma_semaphore, #tpu.memory_space<semaphore_mem>>)
      %dma_wait3A = tpu.memref_slice %arg4[%mul3A_2] : memref<320000xi32, #tpu.memory_space<hbm>> -> memref<10000xi32, #tpu.memory_space<hbm>>
      %dma_wait3A_86 = tpu.memref_slice %arg4[%mul3A_2] : memref<320000xi32, #tpu.memory_space<hbm>> -> memref<10000xi32, #tpu.memory_space<hbm>>
      tpu.wait_dma2 semaphore(%run_scoped3A : memref<!tpu.dma_semaphore, #tpu.memory_space<semaphore_mem>>) src(%dma_wait3A_86 : memref<10000xi32, #tpu.memory_space<hbm>>) dst(%arg12 : memref<10000xi32, #tpu.memory_space<vmem>>)
      tpu.yield
    }) : () -> ()
    "tpu.region"() ({
      %run_scoped3A = tpu.sem_alloc : memref<!tpu.dma_semaphore, #tpu.memory_space<semaphore_mem>>
      %dma_start3A = tpu.memref_slice %arg5[%mul3A_2] : memref<320000xi32, #tpu.memory_space<hbm>> -> memref<10000xi32, #tpu.memory_space<hbm>>
      %dma_start3A_85 = tpu.memref_slice %arg5[%mul3A_2] : memref<320000xi32, #tpu.memory_space<hbm>> -> memref<10000xi32, #tpu.memory_space<hbm>>
      tpu.enqueue_dma source(%dma_start3A_85 : memref<10000xi32, #tpu.memory_space<hbm>>) target(%arg13 : memref<10000xi32, #tpu.memory_space<vmem>>) target_semaphore(%run_scoped3A : memref<!tpu.dma_semaphore, #tpu.memory_space<semaphore_mem>>)
      %dma_wait3A = tpu.memref_slice %arg5[%mul3A_2] : memref<320000xi32, #tpu.memory_space<hbm>> -> memref<10000xi32, #tpu.memory_space<hbm>>
      %dma_wait3A_86 = tpu.memref_slice %arg5[%mul3A_2] : memref<320000xi32, #tpu.memory_space<hbm>> -> memref<10000xi32, #tpu.memory_space<hbm>>
      tpu.wait_dma2 semaphore(%run_scoped3A : memref<!tpu.dma_semaphore, #tpu.memory_space<semaphore_mem>>) src(%dma_wait3A_86 : memref<10000xi32, #tpu.memory_space<hbm>>) dst(%arg13 : memref<10000xi32, #tpu.memory_space<vmem>>)
      tpu.yield
    }) : () -> ()
    "tpu.region"() ({
      %run_scoped3A = tpu.sem_alloc : memref<!tpu.dma_semaphore, #tpu.memory_space<semaphore_mem>>
      tpu.enqueue_dma source(%arg6 : memref<256xf32, #tpu.memory_space<hbm>>) target(%arg15 : memref<256xf32, #tpu.memory_space<vmem>>) target_semaphore(%run_scoped3A : memref<!tpu.dma_semaphore, #tpu.memory_space<semaphore_mem>>)
      tpu.wait_dma2 semaphore(%run_scoped3A : memref<!tpu.dma_semaphore, #tpu.memory_space<semaphore_mem>>) src(%arg6 : memref<256xf32, #tpu.memory_space<hbm>>) dst(%arg15 : memref<256xf32, #tpu.memory_space<vmem>>)
      tpu.yield
    }) : () -> ()
    "tpu.region"() ({
      %run_scoped3A = tpu.sem_alloc : memref<!tpu.dma_semaphore, #tpu.memory_space<semaphore_mem>>
      tpu.enqueue_dma source(%arg7 : memref<128xf32, #tpu.memory_space<hbm>>) target(%arg16 : memref<128xf32, #tpu.memory_space<vmem>>) target_semaphore(%run_scoped3A : memref<!tpu.dma_semaphore, #tpu.memory_space<semaphore_mem>>)
      tpu.wait_dma2 semaphore(%run_scoped3A : memref<!tpu.dma_semaphore, #tpu.memory_space<semaphore_mem>>) src(%arg7 : memref<128xf32, #tpu.memory_space<hbm>>) dst(%arg16 : memref<128xf32, #tpu.memory_space<vmem>>)
      tpu.yield
    }) : () -> ()
    "tpu.region"() ({
      %run_scoped3A = tpu.sem_alloc : memref<!tpu.dma_semaphore, #tpu.memory_space<semaphore_mem>>
      tpu.enqueue_dma source(%arg8 : memref<16xf32, #tpu.memory_space<hbm>>) target(%arg17 : memref<16xf32, #tpu.memory_space<vmem>>) target_semaphore(%run_scoped3A : memref<!tpu.dma_semaphore, #tpu.memory_space<semaphore_mem>>)
      tpu.wait_dma2 semaphore(%run_scoped3A : memref<!tpu.dma_semaphore, #tpu.memory_space<semaphore_mem>>) src(%arg8 : memref<16xf32, #tpu.memory_space<hbm>>) dst(%arg17 : memref<16xf32, #tpu.memory_space<vmem>>)
      tpu.yield
    }) : () -> ()
    %get3A = arith.constant 0 : index
    %get3A_3 = tpu.vector_load %arg17[%get3A] {strides = array<i32>} : memref<16xf32, #tpu.memory_space<vmem>>, vector<16xf32>,
    %get3A_4 = arith.constant 0 : index
    %get3A_5 = tpu.vector_load %arg16[%get3A_4] {strides = array<i32>} : memref<128xf32, #tpu.memory_space<vmem>>, vector<16xf32>,
    %get3A_6 = arith.constant 0 : index
    %get3A_7 = tpu.vector_load %arg15[%get3A_6] {strides = array<i32>} : memref<256xf32, #tpu.memory_space<vmem>>, vector<16xf32>,
    %get3A_8 = arith.constant 128 : index
    %get3A_9 = tpu.vector_load %arg15[%get3A_8] {strides = array<i32>} : memref<256xf32, #tpu.memory_space<vmem>>, vector<16xf32>,
    %add3A_10 = arith.addf %get3A_7, %get3A_9 : vector<16xf32>
    %mul3A_11 = arith.mulf %get3A_5, %add3A_10 : vector<16xf32>
    %add3A_12 = arith.addf %get3A_3, %mul3A_11 : vector<16xf32>
    %get3A_13 = arith.constant 16 : index
    %get3A_14 = tpu.vector_load %arg16[%get3A_13] {strides = array<i32>} : memref<128xf32, #tpu.memory_space<vmem>>, vector<16xf32>,
    %get3A_15 = arith.constant 16 : index
    %get3A_16 = tpu.vector_load %arg15[%get3A_15] {strides = array<i32>} : memref<256xf32, #tpu.memory_space<vmem>>, vector<16xf32>,
    %get3A_17 = arith.constant 144 : index
    %get3A_18 = tpu.vector_load %arg15[%get3A_17] {strides = array<i32>} : memref<256xf32, #tpu.memory_space<vmem>>, vector<16xf32>,
    %add3A_19 = arith.addf %get3A_16, %get3A_18 : vector<16xf32>
    %mul3A_20 = arith.mulf %get3A_14, %add3A_19 : vector<16xf32>
    %add3A_21 = arith.addf %add3A_12, %mul3A_20 : vector<16xf32>
    %get3A_22 = arith.constant 32 : index
    %get3A_23 = tpu.vector_load %arg16[%get3A_22] {strides = array<i32>} : memref<128xf32, #tpu.memory_space<vmem>>, vector<16xf32>,
    %get3A_24 = arith.constant 32 : index
    %get3A_25 = tpu.vector_load %arg15[%get3A_24] {strides = array<i32>} : memref<256xf32, #tpu.memory_space<vmem>>, vector<16xf32>,
    %get3A_26 = arith.constant 160 : index
    %get3A_27 = tpu.vector_load %arg15[%get3A_26] {strides = array<i32>} : memref<256xf32, #tpu.memory_space<vmem>>, vector<16xf32>,
    %add3A_28 = arith.addf %get3A_25, %get3A_27 : vector<16xf32>
    %mul3A_29 = arith.mulf %get3A_23, %add3A_28 : vector<16xf32>
    %add3A_30 = arith.addf %add3A_21, %mul3A_29 : vector<16xf32>
    %get3A_31 = arith.constant 48 : index
    %get3A_32 = tpu.vector_load %arg16[%get3A_31] {strides = array<i32>} : memref<128xf32, #tpu.memory_space<vmem>>, vector<16xf32>,
    %get3A_33 = arith.constant 48 : index
    %get3A_34 = tpu.vector_load %arg15[%get3A_33] {strides = array<i32>} : memref<256xf32, #tpu.memory_space<vmem>>, vector<16xf32>,
    %get3A_35 = arith.constant 176 : index
    %get3A_36 = tpu.vector_load %arg15[%get3A_35] {strides = array<i32>} : memref<256xf32, #tpu.memory_space<vmem>>, vector<16xf32>,
    %add3A_37 = arith.addf %get3A_34, %get3A_36 : vector<16xf32>
    %mul3A_38 = arith.mulf %get3A_32, %add3A_37 : vector<16xf32>
    %add3A_39 = arith.addf %add3A_30, %mul3A_38 : vector<16xf32>
    %get3A_40 = arith.constant 64 : index
    %get3A_41 = tpu.vector_load %arg16[%get3A_40] {strides = array<i32>} : memref<128xf32, #tpu.memory_space<vmem>>, vector<16xf32>,
    %get3A_42 = arith.constant 64 : index
    %get3A_43 = tpu.vector_load %arg15[%get3A_42] {strides = array<i32>} : memref<256xf32, #tpu.memory_space<vmem>>, vector<16xf32>,
    %get3A_44 = arith.constant 192 : index
    %get3A_45 = tpu.vector_load %arg15[%get3A_44] {strides = array<i32>} : memref<256xf32, #tpu.memory_space<vmem>>, vector<16xf32>,
    %add3A_46 = arith.addf %get3A_43, %get3A_45 : vector<16xf32>
    %mul3A_47 = arith.mulf %get3A_41, %add3A_46 : vector<16xf32>
    %add3A_48 = arith.addf %add3A_39, %mul3A_47 : vector<16xf32>
    %get3A_49 = arith.constant 80 : index
    %get3A_50 = tpu.vector_load %arg16[%get3A_49] {strides = array<i32>} : memref<128xf32, #tpu.memory_space<vmem>>, vector<16xf32>,
    %get3A_51 = arith.constant 80 : index
    %get3A_52 = tpu.vector_load %arg15[%get3A_51] {strides = array<i32>} : memref<256xf32, #tpu.memory_space<vmem>>, vector<16xf32>,
    %get3A_53 = arith.constant 208 : index
    %get3A_54 = tpu.vector_load %arg15[%get3A_53] {strides = array<i32>} : memref<256xf32, #tpu.memory_space<vmem>>, vector<16xf32>,
    %add3A_55 = arith.addf %get3A_52, %get3A_54 : vector<16xf32>
    %mul3A_56 = arith.mulf %get3A_50, %add3A_55 : vector<16xf32>
    %add3A_57 = arith.addf %add3A_48, %mul3A_56 : vector<16xf32>
    %get3A_58 = arith.constant 96 : index
    %get3A_59 = tpu.vector_load %arg16[%get3A_58] {strides = array<i32>} : memref<128xf32, #tpu.memory_space<vmem>>, vector<16xf32>,
    %get3A_60 = arith.constant 96 : index
    %get3A_61 = tpu.vector_load %arg15[%get3A_60] {strides = array<i32>} : memref<256xf32, #tpu.memory_space<vmem>>, vector<16xf32>,
    %get3A_62 = arith.constant 224 : index
    %get3A_63 = tpu.vector_load %arg15[%get3A_62] {strides = array<i32>} : memref<256xf32, #tpu.memory_space<vmem>>, vector<16xf32>,
    %add3A_64 = arith.addf %get3A_61, %get3A_63 : vector<16xf32>
    %mul3A_65 = arith.mulf %get3A_59, %add3A_64 : vector<16xf32>
    %add3A_66 = arith.addf %add3A_57, %mul3A_65 : vector<16xf32>
    %get3A_67 = arith.constant 112 : index
    %get3A_68 = tpu.vector_load %arg16[%get3A_67] {strides = array<i32>} : memref<128xf32, #tpu.memory_space<vmem>>, vector<16xf32>,
    %get3A_69 = arith.constant 112 : index
    %get3A_70 = tpu.vector_load %arg15[%get3A_69] {strides = array<i32>} : memref<256xf32, #tpu.memory_space<vmem>>, vector<16xf32>,
    %get3A_71 = arith.constant 240 : index
    %get3A_72 = tpu.vector_load %arg15[%get3A_71] {strides = array<i32>} : memref<256xf32, #tpu.memory_space<vmem>>, vector<16xf32>,
    %add3A_73 = arith.addf %get3A_70, %get3A_72 : vector<16xf32>
    %mul3A_74 = arith.mulf %get3A_68, %add3A_73 : vector<16xf32>
    %add3A_75 = arith.addf %add3A_66, %mul3A_74 : vector<16xf32>
    %reduce_sum3A = arith.constant true
    %reduce_sum3A_76 = vector.broadcast %reduce_sum3A : i1 to vector<16xi1>
    %reduce_sum3A_77 = tpu.scan <sum>, %add3A_75 masked %reduce_sum3A_76 : vector<16xf32>, vector<16xi1> -> vector<16xf32>
    %reduce_sum3A_78 = vector.extract %reduce_sum3A_77[15] : f32 from vector<16xf32>
    %scan3A = arith.constant 0 : i32
    %scan3A_79 = arith.constant 0 : i32
    %scan3A_80 = arith.constant 125 : i32
    %scan3A_81 = arith.addi %scan3A_79, %scan3A_80 : i32
    %scan3A_82 = arith.constant 1 : i32
    %scan3A_83 = scf.for %scan3A_85 = %scan3A_79 to %scan3A_81 step %scan3A_82 iter_args(%scan3A_86 = %scan3A) -> (i32)  : i32 {
      %mul3A_87 = arith.constant 5 : i32
      %mul3A_88 = arith.muli %mul3A_87, %scan3A_85 : i32
      %add3A_89 = arith.constant 0 : i32
      %add3A_90 = arith.addi %mul3A_88, %add3A_89 : i32
      %mul3A_91 = arith.constant 16 : i32
      %mul3A_92 = arith.muli %add3A_90, %mul3A_91 : i32
      %get3A_93 = arith.index_cast %mul3A_92 : i32 to index
      %get3A_94 = tpu.vector_load %arg12[%get3A_93] {strides = array<i32>} : memref<10000xi32, #tpu.memory_space<vmem>>, vector<16xi32>,
      %get3A_95 = arith.index_cast %mul3A_92 : i32 to index
      %get3A_96 = tpu.vector_load %arg13[%get3A_95] {strides = array<i32>} : memref<10000xi32, #tpu.memory_space<vmem>>, vector<16xi32>,
      %gather3A = tpu.vector_load_idx %arg10[%get3A_94] : memref<10000xf32, #tpu.memory_space<vmem>>[vector<16xi32>], vector<16xf32>,
      %gather3A_97 = tpu.vector_load_idx %arg11[%get3A_96] : memref<10000xf32, #tpu.memory_space<vmem>>[vector<16xi32>], vector<16xf32>,
      %add3A_98 = arith.addf %gather3A, %gather3A_97 : vector<16xf32>
      %add3A_99 = vector.broadcast %reduce_sum3A_78 : f32 to vector<16xf32>
      %add3A_100 = arith.addf %add3A_98, %add3A_99 : vector<16xf32>
      %neg3A = arith.constant 0.000000e+00 : f32
      %neg3A_101 = vector.broadcast %neg3A : f32 to vector<16xf32>
      %neg3A_102 = arith.subf %neg3A_101, %add3A_100 : vector<16xf32>
      %exp3A = math.exp %neg3A_102 : vector<16xf32>
      %add3A_103 = arith.constant 1.000000e+00 : f32
      %add3A_104 = vector.broadcast %add3A_103 : f32 to vector<16xf32>
      %add3A_105 = arith.addf %add3A_104, %exp3A : vector<16xf32>
      %div3A = arith.constant 1.000000e+00 : f32
      %div3A_106 = vector.broadcast %div3A : f32 to vector<16xf32>
      %div3A_107 = arith.divf %div3A_106, %add3A_105 : vector<16xf32>
      %swap3A = arith.index_cast %mul3A_92 : i32 to index
      %swap3A_108 = tpu.vector_load %arg14[%swap3A] {strides = array<i32>} : memref<10000xf32, #tpu.memory_space<vmem>>, vector<16xf32>,
      tpu.vector_store %arg14[%swap3A], %div3A_107 {strides = array<i32>} : memref<10000xf32, #tpu.memory_space<vmem>>, vector<16xf32>,
      %mul3A_109 = arith.constant 5 : i32
      %mul3A_110 = arith.muli %mul3A_109, %scan3A_85 : i32
      %add3A_111 = arith.constant 1 : i32
      %add3A_112 = arith.addi %mul3A_110, %add3A_111 : i32
      %mul3A_113 = arith.constant 16 : i32
      %mul3A_114 = arith.muli %add3A_112, %mul3A_113 : i32
      %get3A_115 = arith.index_cast %mul3A_114 : i32 to index
      %get3A_116 = tpu.vector_load %arg12[%get3A_115] {strides = array<i32>} : memref<10000xi32, #tpu.memory_space<vmem>>, vector<16xi32>,
      %get3A_117 = arith.index_cast %mul3A_114 : i32 to index
      %get3A_118 = tpu.vector_load %arg13[%get3A_117] {strides = array<i32>} : memref<10000xi32, #tpu.memory_space<vmem>>, vector<16xi32>,
      %gather3A_119 = tpu.vector_load_idx %arg10[%get3A_116] : memref<10000xf32, #tpu.memory_space<vmem>>[vector<16xi32>], vector<16xf32>,
      %gather3A_120 = tpu.vector_load_idx %arg11[%get3A_118] : memref<10000xf32, #tpu.memory_space<vmem>>[vector<16xi32>], vector<16xf32>,
      %add3A_121 = arith.addf %gather3A_119, %gather3A_120 : vector<16xf32>
      %add3A_122 = vector.broadcast %reduce_sum3A_78 : f32 to vector<16xf32>
      %add3A_123 = arith.addf %add3A_121, %add3A_122 : vector<16xf32>
      %neg3A_124 = arith.constant 0.000000e+00 : f32
      %neg3A_125 = vector.broadcast %neg3A_124 : f32 to vector<16xf32>
      %neg3A_126 = arith.subf %neg3A_125, %add3A_123 : vector<16xf32>
      %exp3A_127 = math.exp %neg3A_126 : vector<16xf32>
      %add3A_128 = arith.constant 1.000000e+00 : f32
      %add3A_129 = vector.broadcast %add3A_128 : f32 to vector<16xf32>
      %add3A_130 = arith.addf %add3A_129, %exp3A_127 : vector<16xf32>
      %div3A_131 = arith.constant 1.000000e+00 : f32
      %div3A_132 = vector.broadcast %div3A_131 : f32 to vector<16xf32>
      %div3A_133 = arith.divf %div3A_132, %add3A_130 : vector<16xf32>
      %swap3A_134 = arith.index_cast %mul3A_114 : i32 to index
      %swap3A_135 = tpu.vector_load %arg14[%swap3A_134] {strides = array<i32>} : memref<10000xf32, #tpu.memory_space<vmem>>, vector<16xf32>,
      tpu.vector_store %arg14[%swap3A_134], %div3A_133 {strides = array<i32>} : memref<10000xf32, #tpu.memory_space<vmem>>, vector<16xf32>,
      %mul3A_136 = arith.constant 5 : i32
      %mul3A_137 = arith.muli %mul3A_136, %scan3A_85 : i32
      %add3A_138 = arith.constant 2 : i32
      %add3A_139 = arith.addi %mul3A_137, %add3A_138 : i32
      %mul3A_140 = arith.constant 16 : i32
      %mul3A_141 = arith.muli %add3A_139, %mul3A_140 : i32
      %get3A_142 = arith.index_cast %mul3A_141 : i32 to index
      %get3A_143 = tpu.vector_load %arg12[%get3A_142] {strides = array<i32>} : memref<10000xi32, #tpu.memory_space<vmem>>, vector<16xi32>,
      %get3A_144 = arith.index_cast %mul3A_141 : i32 to index
      %get3A_145 = tpu.vector_load %arg13[%get3A_144] {strides = array<i32>} : memref<10000xi32, #tpu.memory_space<vmem>>, vector<16xi32>,
      %gather3A_146 = tpu.vector_load_idx %arg10[%get3A_143] : memref<10000xf32, #tpu.memory_space<vmem>>[vector<16xi32>], vector<16xf32>,
      %gather3A_147 = tpu.vector_load_idx %arg11[%get3A_145] : memref<10000xf32, #tpu.memory_space<vmem>>[vector<16xi32>], vector<16xf32>,
      %add3A_148 = arith.addf %gather3A_146, %gather3A_147 : vector<16xf32>
      %add3A_149 = vector.broadcast %reduce_sum3A_78 : f32 to vector<16xf32>
      %add3A_150 = arith.addf %add3A_148, %add3A_149 : vector<16xf32>
      %neg3A_151 = arith.constant 0.000000e+00 : f32
      %neg3A_152 = vector.broadcast %neg3A_151 : f32 to vector<16xf32>
      %neg3A_153 = arith.subf %neg3A_152, %add3A_150 : vector<16xf32>
      %exp3A_154 = math.exp %neg3A_153 : vector<16xf32>
      %add3A_155 = arith.constant 1.000000e+00 : f32
      %add3A_156 = vector.broadcast %add3A_155 : f32 to vector<16xf32>
      %add3A_157 = arith.addf %add3A_156, %exp3A_154 : vector<16xf32>
      %div3A_158 = arith.constant 1.000000e+00 : f32
      %div3A_159 = vector.broadcast %div3A_158 : f32 to vector<16xf32>
      %div3A_160 = arith.divf %div3A_159, %add3A_157 : vector<16xf32>
      %swap3A_161 = arith.index_cast %mul3A_141 : i32 to index
      %swap3A_162 = tpu.vector_load %arg14[%swap3A_161] {strides = array<i32>} : memref<10000xf32, #tpu.memory_space<vmem>>, vector<16xf32>,
      tpu.vector_store %arg14[%swap3A_161], %div3A_160 {strides = array<i32>} : memref<10000xf32, #tpu.memory_space<vmem>>, vector<16xf32>,
      %mul3A_163 = arith.constant 5 : i32
      %mul3A_164 = arith.muli %mul3A_163, %scan3A_85 : i32
      %add3A_165 = arith.constant 3 : i32
      %add3A_166 = arith.addi %mul3A_164, %add3A_165 : i32
      %mul3A_167 = arith.constant 16 : i32
      %mul3A_168 = arith.muli %add3A_166, %mul3A_167 : i32
      %get3A_169 = arith.index_cast %mul3A_168 : i32 to index
      %get3A_170 = tpu.vector_load %arg12[%get3A_169] {strides = array<i32>} : memref<10000xi32, #tpu.memory_space<vmem>>, vector<16xi32>,
      %get3A_171 = arith.index_cast %mul3A_168 : i32 to index
      %get3A_172 = tpu.vector_load %arg13[%get3A_171] {strides = array<i32>} : memref<10000xi32, #tpu.memory_space<vmem>>, vector<16xi32>,
      %gather3A_173 = tpu.vector_load_idx %arg10[%get3A_170] : memref<10000xf32, #tpu.memory_space<vmem>>[vector<16xi32>], vector<16xf32>,
      %gather3A_174 = tpu.vector_load_idx %arg11[%get3A_172] : memref<10000xf32, #tpu.memory_space<vmem>>[vector<16xi32>], vector<16xf32>,
      %add3A_175 = arith.addf %gather3A_173, %gather3A_174 : vector<16xf32>
      %add3A_176 = vector.broadcast %reduce_sum3A_78 : f32 to vector<16xf32>
      %add3A_177 = arith.addf %add3A_175, %add3A_176 : vector<16xf32>
      %neg3A_178 = arith.constant 0.000000e+00 : f32
      %neg3A_179 = vector.broadcast %neg3A_178 : f32 to vector<16xf32>
      %neg3A_180 = arith.subf %neg3A_179, %add3A_177 : vector<16xf32>
      %exp3A_181 = math.exp %neg3A_180 : vector<16xf32>
      %add3A_182 = arith.constant 1.000000e+00 : f32
      %add3A_183 = vector.broadcast %add3A_182 : f32 to vector<16xf32>
      %add3A_184 = arith.addf %add3A_183, %exp3A_181 : vector<16xf32>
      %div3A_185 = arith.constant 1.000000e+00 : f32
      %div3A_186 = vector.broadcast %div3A_185 : f32 to vector<16xf32>
      %div3A_187 = arith.divf %div3A_186, %add3A_184 : vector<16xf32>
      %swap3A_188 = arith.index_cast %mul3A_168 : i32 to index
      %swap3A_189 = tpu.vector_load %arg14[%swap3A_188] {strides = array<i32>} : memref<10000xf32, #tpu.memory_space<vmem>>, vector<16xf32>,
      tpu.vector_store %arg14[%swap3A_188], %div3A_187 {strides = array<i32>} : memref<10000xf32, #tpu.memory_space<vmem>>, vector<16xf32>,
      %mul3A_190 = arith.constant 5 : i32
      %mul3A_191 = arith.muli %mul3A_190, %scan3A_85 : i32
      %add3A_192 = arith.constant 4 : i32
      %add3A_193 = arith.addi %mul3A_191, %add3A_192 : i32
      %mul3A_194 = arith.constant 16 : i32
      %mul3A_195 = arith.muli %add3A_193, %mul3A_194 : i32
      %get3A_196 = arith.index_cast %mul3A_195 : i32 to index
      %get3A_197 = tpu.vector_load %arg12[%get3A_196] {strides = array<i32>} : memref<10000xi32, #tpu.memory_space<vmem>>, vector<16xi32>,
      %get3A_198 = arith.index_cast %mul3A_195 : i32 to index
      %get3A_199 = tpu.vector_load %arg13[%get3A_198] {strides = array<i32>} : memref<10000xi32, #tpu.memory_space<vmem>>, vector<16xi32>,
      %gather3A_200 = tpu.vector_load_idx %arg10[%get3A_197] : memref<10000xf32, #tpu.memory_space<vmem>>[vector<16xi32>], vector<16xf32>,
      %gather3A_201 = tpu.vector_load_idx %arg11[%get3A_199] : memref<10000xf32, #tpu.memory_space<vmem>>[vector<16xi32>], vector<16xf32>,
      %add3A_202 = arith.addf %gather3A_200, %gather3A_201 : vector<16xf32>
      %add3A_203 = vector.broadcast %reduce_sum3A_78 : f32 to vector<16xf32>
      %add3A_204 = arith.addf %add3A_202, %add3A_203 : vector<16xf32>
      %neg3A_205 = arith.constant 0.000000e+00 : f32
      %neg3A_206 = vector.broadcast %neg3A_205 : f32 to vector<16xf32>
      %neg3A_207 = arith.subf %neg3A_206, %add3A_204 : vector<16xf32>
      %exp3A_208 = math.exp %neg3A_207 : vector<16xf32>
      %add3A_209 = arith.constant 1.000000e+00 : f32
      %add3A_210 = vector.broadcast %add3A_209 : f32 to vector<16xf32>
      %add3A_211 = arith.addf %add3A_210, %exp3A_208 : vector<16xf32>
      %div3A_212 = arith.constant 1.000000e+00 : f32
      %div3A_213 = vector.broadcast %div3A_212 : f32 to vector<16xf32>
      %div3A_214 = arith.divf %div3A_213, %add3A_211 : vector<16xf32>
      %swap3A_215 = arith.index_cast %mul3A_195 : i32 to index
      %swap3A_216 = tpu.vector_load %arg14[%swap3A_215] {strides = array<i32>} : memref<10000xf32, #tpu.memory_space<vmem>>, vector<16xf32>,
      tpu.vector_store %arg14[%swap3A_215], %div3A_214 {strides = array<i32>} : memref<10000xf32, #tpu.memory_space<vmem>>, vector<16xf32>,
      %scan3A_217 = arith.constant 0 : i32
      scf.yield %scan3A_217 : i32
    }
    %scan3A_84 = arith.constant 125 : i32
    "tpu.region"() ({
      %run_scoped3A = tpu.sem_alloc : memref<!tpu.dma_semaphore, #tpu.memory_space<semaphore_mem>>
      %dma_start3A = tpu.memref_slice %arg9[%mul3A_2] : memref<320000xf32, #tpu.memory_space<hbm>> -> memref<10000xf32, #tpu.memory_space<hbm>>
      %dma_start3A_85 = tpu.memref_slice %arg9[%mul3A_2] : memref<320000xf32, #tpu.memory_space<hbm>> -> memref<10000xf32, #tpu.memory_space<hbm>>
      tpu.enqueue_dma source(%arg14 : memref<10000xf32, #tpu.memory_space<vmem>>) target(%dma_start3A_85 : memref<10000xf32, #tpu.memory_space<hbm>>) target_semaphore(%run_scoped3A : memref<!tpu.dma_semaphore, #tpu.memory_space<semaphore_mem>>)
      %dma_wait3A = tpu.memref_slice %arg9[%mul3A_2] : memref<320000xf32, #tpu.memory_space<hbm>> -> memref<10000xf32, #tpu.memory_space<hbm>>
      %dma_wait3A_86 = tpu.memref_slice %arg9[%mul3A_2] : memref<320000xf32, #tpu.memory_space<hbm>> -> memref<10000xf32, #tpu.memory_space<hbm>>
      tpu.wait_dma2 semaphore(%run_scoped3A : memref<!tpu.dma_semaphore, #tpu.memory_space<semaphore_mem>>) src(%arg14 : memref<10000xf32, #tpu.memory_space<vmem>>) dst(%dma_wait3A_86 : memref<10000xf32, #tpu.memory_space<hbm>>)
      tpu.yield
    }) : () -> ()
    return
  }
}

#map = affine_map<(d0, d1) -> (0, 0)>
#map1 = affine_map<(d0, d1) -> (0, 0, 0)>
module attributes {stable_mosaic.version = 14 : i64} {
  func.func @_segsum(%arg0: i32, %arg1: i32, %arg2: memref<10112x128xf32, #tpu.memory_space<hbm>>, %arg3: memref<32x125x80xi32, #tpu.memory_space<hbm>>, %arg4: memref<2x10112x128xf32, #tpu.memory_space<hbm>>, %arg5: memref<125x80xi32, #tpu.memory_space<vmem>>, %arg6: memref<80xi32, #tpu.memory_space<vmem>>, %arg7: memref<80xi32, #tpu.memory_space<vmem>>, %arg8: memref<80x128xf32, #tpu.memory_space<vmem>>, %arg9: memref<80xi32, #tpu.memory_space<vmem>>, %arg10: memref<80xi32, #tpu.memory_space<vmem>>, %arg11: memref<80x128xf32, #tpu.memory_space<vmem>>, %arg12: memref<10112x128xf32, #tpu.memory_space<vmem_shared>>, %arg13: memref<!tpu.dma_semaphore, #tpu.memory_space<semaphore_mem>>, %arg14: memref<!tpu.dma_semaphore, #tpu.memory_space<semaphore_mem>>) attributes {dimension_semantics = [#tpu.dimension_semantics<core_parallel>, #tpu.dimension_semantics<subcore_parallel>], iteration_bounds = array<i64: 2, 16>, scalar_prefetch = 0 : i64, scratch_operands = 10 : i64, tpu.core_type = #tpu.core_type<sc_vector_subcore>, window_params = [{transform_indices = #map}, {transform_indices = #map1}, {transform_indices = #map1}]} {
    %mul3A = arith.constant 16 : i32
    %mul3A_0 = arith.muli %arg0, %mul3A : i32
    %add3A = arith.addi %mul3A_0, %arg1 : i32
    %scan3A = arith.constant 0 : i32
    %scan3A_1 = arith.constant 0 : i32
    %scan3A_2 = arith.constant 80 : i32
    %scan3A_3 = arith.addi %scan3A_1, %scan3A_2 : i32
    %scan3A_4 = arith.constant 1 : i32
    %scan3A_5 = scf.for %scan3A_149 = %scan3A_1 to %scan3A_3 step %scan3A_4 iter_args(%scan3A_150 = %scan3A) -> (i32)  : i32 {
      %broadcast_in_dim3A = arith.constant 0.000000e+00 : f32
      %broadcast_in_dim3A_151 = vector.broadcast %broadcast_in_dim3A : f32 to vector<16xf32>
      %swap3A_152 = arith.index_cast %scan3A_149 : i32 to index
      %swap3A_153 = arith.constant 0 : index
      %swap3A_154 = tpu.vector_load %arg8[%swap3A_152, %swap3A_153] {strides = array<i32>} : memref<80x128xf32, #tpu.memory_space<vmem>>, vector<16xf32>,
      tpu.vector_store %arg8[%swap3A_152, %swap3A_153], %broadcast_in_dim3A_151 {strides = array<i32>} : memref<80x128xf32, #tpu.memory_space<vmem>>, vector<16xf32>,
      %broadcast_in_dim3A_155 = arith.constant 0.000000e+00 : f32
      %broadcast_in_dim3A_156 = vector.broadcast %broadcast_in_dim3A_155 : f32 to vector<16xf32>
      %swap3A_157 = arith.index_cast %scan3A_149 : i32 to index
      %swap3A_158 = arith.constant 16 : index
      %swap3A_159 = tpu.vector_load %arg8[%swap3A_157, %swap3A_158] {strides = array<i32>} : memref<80x128xf32, #tpu.memory_space<vmem>>, vector<16xf32>,
      tpu.vector_store %arg8[%swap3A_157, %swap3A_158], %broadcast_in_dim3A_156 {strides = array<i32>} : memref<80x128xf32, #tpu.memory_space<vmem>>, vector<16xf32>,
      %broadcast_in_dim3A_160 = arith.constant 0.000000e+00 : f32
      %broadcast_in_dim3A_161 = vector.broadcast %broadcast_in_dim3A_160 : f32 to vector<16xf32>
      %swap3A_162 = arith.index_cast %scan3A_149 : i32 to index
      %swap3A_163 = arith.constant 32 : index
      %swap3A_164 = tpu.vector_load %arg8[%swap3A_162, %swap3A_163] {strides = array<i32>} : memref<80x128xf32, #tpu.memory_space<vmem>>, vector<16xf32>,
      tpu.vector_store %arg8[%swap3A_162, %swap3A_163], %broadcast_in_dim3A_161 {strides = array<i32>} : memref<80x128xf32, #tpu.memory_space<vmem>>, vector<16xf32>,
      %broadcast_in_dim3A_165 = arith.constant 0.000000e+00 : f32
      %broadcast_in_dim3A_166 = vector.broadcast %broadcast_in_dim3A_165 : f32 to vector<16xf32>
      %swap3A_167 = arith.index_cast %scan3A_149 : i32 to index
      %swap3A_168 = arith.constant 48 : index
      %swap3A_169 = tpu.vector_load %arg8[%swap3A_167, %swap3A_168] {strides = array<i32>} : memref<80x128xf32, #tpu.memory_space<vmem>>, vector<16xf32>,
      tpu.vector_store %arg8[%swap3A_167, %swap3A_168], %broadcast_in_dim3A_166 {strides = array<i32>} : memref<80x128xf32, #tpu.memory_space<vmem>>, vector<16xf32>,
      %broadcast_in_dim3A_170 = arith.constant 0.000000e+00 : f32
      %broadcast_in_dim3A_171 = vector.broadcast %broadcast_in_dim3A_170 : f32 to vector<16xf32>
      %swap3A_172 = arith.index_cast %scan3A_149 : i32 to index
      %swap3A_173 = arith.constant 64 : index
      %swap3A_174 = tpu.vector_load %arg8[%swap3A_172, %swap3A_173] {strides = array<i32>} : memref<80x128xf32, #tpu.memory_space<vmem>>, vector<16xf32>,
      tpu.vector_store %arg8[%swap3A_172, %swap3A_173], %broadcast_in_dim3A_171 {strides = array<i32>} : memref<80x128xf32, #tpu.memory_space<vmem>>, vector<16xf32>,
      %broadcast_in_dim3A_175 = arith.constant 0.000000e+00 : f32
      %broadcast_in_dim3A_176 = vector.broadcast %broadcast_in_dim3A_175 : f32 to vector<16xf32>
      %swap3A_177 = arith.index_cast %scan3A_149 : i32 to index
      %swap3A_178 = arith.constant 80 : index
      %swap3A_179 = tpu.vector_load %arg8[%swap3A_177, %swap3A_178] {strides = array<i32>} : memref<80x128xf32, #tpu.memory_space<vmem>>, vector<16xf32>,
      tpu.vector_store %arg8[%swap3A_177, %swap3A_178], %broadcast_in_dim3A_176 {strides = array<i32>} : memref<80x128xf32, #tpu.memory_space<vmem>>, vector<16xf32>,
      %broadcast_in_dim3A_180 = arith.constant 0.000000e+00 : f32
      %broadcast_in_dim3A_181 = vector.broadcast %broadcast_in_dim3A_180 : f32 to vector<16xf32>
      %swap3A_182 = arith.index_cast %scan3A_149 : i32 to index
      %swap3A_183 = arith.constant 96 : index
      %swap3A_184 = tpu.vector_load %arg8[%swap3A_182, %swap3A_183] {strides = array<i32>} : memref<80x128xf32, #tpu.memory_space<vmem>>, vector<16xf32>,
      tpu.vector_store %arg8[%swap3A_182, %swap3A_183], %broadcast_in_dim3A_181 {strides = array<i32>} : memref<80x128xf32, #tpu.memory_space<vmem>>, vector<16xf32>,
      %broadcast_in_dim3A_185 = arith.constant 0.000000e+00 : f32
      %broadcast_in_dim3A_186 = vector.broadcast %broadcast_in_dim3A_185 : f32 to vector<16xf32>
      %swap3A_187 = arith.index_cast %scan3A_149 : i32 to index
      %swap3A_188 = arith.constant 112 : index
      %swap3A_189 = tpu.vector_load %arg8[%swap3A_187, %swap3A_188] {strides = array<i32>} : memref<80x128xf32, #tpu.memory_space<vmem>>, vector<16xf32>,
      tpu.vector_store %arg8[%swap3A_187, %swap3A_188], %broadcast_in_dim3A_186 {strides = array<i32>} : memref<80x128xf32, #tpu.memory_space<vmem>>, vector<16xf32>,
      %scan3A_190 = arith.constant 0 : i32
      scf.yield %scan3A_190 : i32
    }
    %scan3A_6 = arith.constant 80 : i32
    %mul3A_7 = arith.constant 632 : i32
    %mul3A_8 = arith.muli %arg1, %mul3A_7 : i32
    %add3A_9 = arith.constant 0 : i32
    %add3A_10 = arith.addi %mul3A_8, %add3A_9 : i32
    "tpu.region"() ({
      %run_scoped3A = tpu.sem_alloc : memref<!tpu.dma_semaphore, #tpu.memory_space<semaphore_mem>>
      %dma_start3A_149 = arith.constant 0 : i32
      %dma_start3A_150 = arith.constant 0 : i32
      %dma_start3A_151 = tpu.memref_slice %arg8[%dma_start3A_149, %dma_start3A_150] : memref<80x128xf32, #tpu.memory_space<vmem>> -> memref<80x128xf32, #tpu.memory_space<vmem>>
      %dma_start3A_152 = arith.constant 0 : i32
      %dma_start3A_153 = tpu.memref_slice %arg12[%add3A_10, %dma_start3A_152] : memref<10112x128xf32, #tpu.memory_space<vmem_shared>> -> memref<80x128xf32, #tpu.memory_space<vmem_shared>>
      %dma_start3A_154 = arith.constant 0 : i32
      %dma_start3A_155 = tpu.memref_slice %arg12[%add3A_10, %dma_start3A_154] : memref<10112x128xf32, #tpu.memory_space<vmem_shared>> -> memref<80x128xf32, #tpu.memory_space<vmem_shared>>
      %dma_start3A_156 = arith.constant 0 : i32
      %dma_start3A_157 = arith.constant 0 : i32
      %dma_start3A_158 = tpu.memref_slice %arg8[%dma_start3A_156, %dma_start3A_157] : memref<80x128xf32, #tpu.memory_space<vmem>> -> memref<80x128xf32, #tpu.memory_space<vmem>>
      tpu.enqueue_dma source(%dma_start3A_158 : memref<80x128xf32, #tpu.memory_space<vmem>>) target(%dma_start3A_155 : memref<80x128xf32, #tpu.memory_space<vmem_shared>>) target_semaphore(%run_scoped3A : memref<!tpu.dma_semaphore, #tpu.memory_space<semaphore_mem>>)
      %dma_wait3A_159 = arith.constant 0 : i32
      %dma_wait3A_160 = arith.constant 0 : i32
      %dma_wait3A_161 = tpu.memref_slice %arg8[%dma_wait3A_159, %dma_wait3A_160] : memref<80x128xf32, #tpu.memory_space<vmem>> -> memref<80x128xf32, #tpu.memory_space<vmem>>
      %dma_wait3A_162 = arith.constant 0 : i32
      %dma_wait3A_163 = tpu.memref_slice %arg12[%add3A_10, %dma_wait3A_162] : memref<10112x128xf32, #tpu.memory_space<vmem_shared>> -> memref<80x128xf32, #tpu.memory_space<vmem_shared>>
      %dma_wait3A_164 = arith.constant 0 : i32
      %dma_wait3A_165 = tpu.memref_slice %arg12[%add3A_10, %dma_wait3A_164] : memref<10112x128xf32, #tpu.memory_space<vmem_shared>> -> memref<80x128xf32, #tpu.memory_space<vmem_shared>>
      %dma_wait3A_166 = arith.constant 0 : i32
      %dma_wait3A_167 = arith.constant 0 : i32
      %dma_wait3A_168 = tpu.memref_slice %arg8[%dma_wait3A_166, %dma_wait3A_167] : memref<80x128xf32, #tpu.memory_space<vmem>> -> memref<80x128xf32, #tpu.memory_space<vmem>>
      tpu.wait_dma2 semaphore(%run_scoped3A : memref<!tpu.dma_semaphore, #tpu.memory_space<semaphore_mem>>) src(%dma_wait3A_168 : memref<80x128xf32, #tpu.memory_space<vmem>>) dst(%dma_wait3A_165 : memref<80x128xf32, #tpu.memory_space<vmem_shared>>)
      tpu.yield
    }) : () -> ()
    %mul3A_11 = arith.constant 632 : i32
    %mul3A_12 = arith.muli %arg1, %mul3A_11 : i32
    %add3A_13 = arith.constant 80 : i32
    %add3A_14 = arith.addi %mul3A_12, %add3A_13 : i32
    "tpu.region"() ({
      %run_scoped3A = tpu.sem_alloc : memref<!tpu.dma_semaphore, #tpu.memory_space<semaphore_mem>>
      %dma_start3A_149 = arith.constant 0 : i32
      %dma_start3A_150 = arith.constant 0 : i32
      %dma_start3A_151 = tpu.memref_slice %arg8[%dma_start3A_149, %dma_start3A_150] : memref<80x128xf32, #tpu.memory_space<vmem>> -> memref<80x128xf32, #tpu.memory_space<vmem>>
      %dma_start3A_152 = arith.constant 0 : i32
      %dma_start3A_153 = tpu.memref_slice %arg12[%add3A_14, %dma_start3A_152] : memref<10112x128xf32, #tpu.memory_space<vmem_shared>> -> memref<80x128xf32, #tpu.memory_space<vmem_shared>>
      %dma_start3A_154 = arith.constant 0 : i32
      %dma_start3A_155 = tpu.memref_slice %arg12[%add3A_14, %dma_start3A_154] : memref<10112x128xf32, #tpu.memory_space<vmem_shared>> -> memref<80x128xf32, #tpu.memory_space<vmem_shared>>
      %dma_start3A_156 = arith.constant 0 : i32
      %dma_start3A_157 = arith.constant 0 : i32
      %dma_start3A_158 = tpu.memref_slice %arg8[%dma_start3A_156, %dma_start3A_157] : memref<80x128xf32, #tpu.memory_space<vmem>> -> memref<80x128xf32, #tpu.memory_space<vmem>>
      tpu.enqueue_dma source(%dma_start3A_158 : memref<80x128xf32, #tpu.memory_space<vmem>>) target(%dma_start3A_155 : memref<80x128xf32, #tpu.memory_space<vmem_shared>>) target_semaphore(%run_scoped3A : memref<!tpu.dma_semaphore, #tpu.memory_space<semaphore_mem>>)
      %dma_wait3A_159 = arith.constant 0 : i32
      %dma_wait3A_160 = arith.constant 0 : i32
      %dma_wait3A_161 = tpu.memref_slice %arg8[%dma_wait3A_159, %dma_wait3A_160] : memref<80x128xf32, #tpu.memory_space<vmem>> -> memref<80x128xf32, #tpu.memory_space<vmem>>
      %dma_wait3A_162 = arith.constant 0 : i32
      %dma_wait3A_163 = tpu.memref_slice %arg12[%add3A_14, %dma_wait3A_162] : memref<10112x128xf32, #tpu.memory_space<vmem_shared>> -> memref<80x128xf32, #tpu.memory_space<vmem_shared>>
      %dma_wait3A_164 = arith.constant 0 : i32
      %dma_wait3A_165 = tpu.memref_slice %arg12[%add3A_14, %dma_wait3A_164] : memref<10112x128xf32, #tpu.memory_space<vmem_shared>> -> memref<80x128xf32, #tpu.memory_space<vmem_shared>>
      %dma_wait3A_166 = arith.constant 0 : i32
      %dma_wait3A_167 = arith.constant 0 : i32
      %dma_wait3A_168 = tpu.memref_slice %arg8[%dma_wait3A_166, %dma_wait3A_167] : memref<80x128xf32, #tpu.memory_space<vmem>> -> memref<80x128xf32, #tpu.memory_space<vmem>>
      tpu.wait_dma2 semaphore(%run_scoped3A : memref<!tpu.dma_semaphore, #tpu.memory_space<semaphore_mem>>) src(%dma_wait3A_168 : memref<80x128xf32, #tpu.memory_space<vmem>>) dst(%dma_wait3A_165 : memref<80x128xf32, #tpu.memory_space<vmem_shared>>)
      tpu.yield
    }) : () -> ()
    %mul3A_15 = arith.constant 632 : i32
    %mul3A_16 = arith.muli %arg1, %mul3A_15 : i32
    %add3A_17 = arith.constant 160 : i32
    %add3A_18 = arith.addi %mul3A_16, %add3A_17 : i32
    "tpu.region"() ({
      %run_scoped3A = tpu.sem_alloc : memref<!tpu.dma_semaphore, #tpu.memory_space<semaphore_mem>>
      %dma_start3A_149 = arith.constant 0 : i32
      %dma_start3A_150 = arith.constant 0 : i32
      %dma_start3A_151 = tpu.memref_slice %arg8[%dma_start3A_149, %dma_start3A_150] : memref<80x128xf32, #tpu.memory_space<vmem>> -> memref<80x128xf32, #tpu.memory_space<vmem>>
      %dma_start3A_152 = arith.constant 0 : i32
      %dma_start3A_153 = tpu.memref_slice %arg12[%add3A_18, %dma_start3A_152] : memref<10112x128xf32, #tpu.memory_space<vmem_shared>> -> memref<80x128xf32, #tpu.memory_space<vmem_shared>>
      %dma_start3A_154 = arith.constant 0 : i32
      %dma_start3A_155 = tpu.memref_slice %arg12[%add3A_18, %dma_start3A_154] : memref<10112x128xf32, #tpu.memory_space<vmem_shared>> -> memref<80x128xf32, #tpu.memory_space<vmem_shared>>
      %dma_start3A_156 = arith.constant 0 : i32
      %dma_start3A_157 = arith.constant 0 : i32
      %dma_start3A_158 = tpu.memref_slice %arg8[%dma_start3A_156, %dma_start3A_157] : memref<80x128xf32, #tpu.memory_space<vmem>> -> memref<80x128xf32, #tpu.memory_space<vmem>>
      tpu.enqueue_dma source(%dma_start3A_158 : memref<80x128xf32, #tpu.memory_space<vmem>>) target(%dma_start3A_155 : memref<80x128xf32, #tpu.memory_space<vmem_shared>>) target_semaphore(%run_scoped3A : memref<!tpu.dma_semaphore, #tpu.memory_space<semaphore_mem>>)
      %dma_wait3A_159 = arith.constant 0 : i32
      %dma_wait3A_160 = arith.constant 0 : i32
      %dma_wait3A_161 = tpu.memref_slice %arg8[%dma_wait3A_159, %dma_wait3A_160] : memref<80x128xf32, #tpu.memory_space<vmem>> -> memref<80x128xf32, #tpu.memory_space<vmem>>
      %dma_wait3A_162 = arith.constant 0 : i32
      %dma_wait3A_163 = tpu.memref_slice %arg12[%add3A_18, %dma_wait3A_162] : memref<10112x128xf32, #tpu.memory_space<vmem_shared>> -> memref<80x128xf32, #tpu.memory_space<vmem_shared>>
      %dma_wait3A_164 = arith.constant 0 : i32
      %dma_wait3A_165 = tpu.memref_slice %arg12[%add3A_18, %dma_wait3A_164] : memref<10112x128xf32, #tpu.memory_space<vmem_shared>> -> memref<80x128xf32, #tpu.memory_space<vmem_shared>>
      %dma_wait3A_166 = arith.constant 0 : i32
      %dma_wait3A_167 = arith.constant 0 : i32
      %dma_wait3A_168 = tpu.memref_slice %arg8[%dma_wait3A_166, %dma_wait3A_167] : memref<80x128xf32, #tpu.memory_space<vmem>> -> memref<80x128xf32, #tpu.memory_space<vmem>>
      tpu.wait_dma2 semaphore(%run_scoped3A : memref<!tpu.dma_semaphore, #tpu.memory_space<semaphore_mem>>) src(%dma_wait3A_168 : memref<80x128xf32, #tpu.memory_space<vmem>>) dst(%dma_wait3A_165 : memref<80x128xf32, #tpu.memory_space<vmem_shared>>)
      tpu.yield
    }) : () -> ()
    %mul3A_19 = arith.constant 632 : i32
    %mul3A_20 = arith.muli %arg1, %mul3A_19 : i32
    %add3A_21 = arith.constant 240 : i32
    %add3A_22 = arith.addi %mul3A_20, %add3A_21 : i32
    "tpu.region"() ({
      %run_scoped3A = tpu.sem_alloc : memref<!tpu.dma_semaphore, #tpu.memory_space<semaphore_mem>>
      %dma_start3A_149 = arith.constant 0 : i32
      %dma_start3A_150 = arith.constant 0 : i32
      %dma_start3A_151 = tpu.memref_slice %arg8[%dma_start3A_149, %dma_start3A_150] : memref<80x128xf32, #tpu.memory_space<vmem>> -> memref<80x128xf32, #tpu.memory_space<vmem>>
      %dma_start3A_152 = arith.constant 0 : i32
      %dma_start3A_153 = tpu.memref_slice %arg12[%add3A_22, %dma_start3A_152] : memref<10112x128xf32, #tpu.memory_space<vmem_shared>> -> memref<80x128xf32, #tpu.memory_space<vmem_shared>>
      %dma_start3A_154 = arith.constant 0 : i32
      %dma_start3A_155 = tpu.memref_slice %arg12[%add3A_22, %dma_start3A_154] : memref<10112x128xf32, #tpu.memory_space<vmem_shared>> -> memref<80x128xf32, #tpu.memory_space<vmem_shared>>
      %dma_start3A_156 = arith.constant 0 : i32
      %dma_start3A_157 = arith.constant 0 : i32
      %dma_start3A_158 = tpu.memref_slice %arg8[%dma_start3A_156, %dma_start3A_157] : memref<80x128xf32, #tpu.memory_space<vmem>> -> memref<80x128xf32, #tpu.memory_space<vmem>>
      tpu.enqueue_dma source(%dma_start3A_158 : memref<80x128xf32, #tpu.memory_space<vmem>>) target(%dma_start3A_155 : memref<80x128xf32, #tpu.memory_space<vmem_shared>>) target_semaphore(%run_scoped3A : memref<!tpu.dma_semaphore, #tpu.memory_space<semaphore_mem>>)
      %dma_wait3A_159 = arith.constant 0 : i32
      %dma_wait3A_160 = arith.constant 0 : i32
      %dma_wait3A_161 = tpu.memref_slice %arg8[%dma_wait3A_159, %dma_wait3A_160] : memref<80x128xf32, #tpu.memory_space<vmem>> -> memref<80x128xf32, #tpu.memory_space<vmem>>
      %dma_wait3A_162 = arith.constant 0 : i32
      %dma_wait3A_163 = tpu.memref_slice %arg12[%add3A_22, %dma_wait3A_162] : memref<10112x128xf32, #tpu.memory_space<vmem_shared>> -> memref<80x128xf32, #tpu.memory_space<vmem_shared>>
      %dma_wait3A_164 = arith.constant 0 : i32
      %dma_wait3A_165 = tpu.memref_slice %arg12[%add3A_22, %dma_wait3A_164] : memref<10112x128xf32, #tpu.memory_space<vmem_shared>> -> memref<80x128xf32, #tpu.memory_space<vmem_shared>>
      %dma_wait3A_166 = arith.constant 0 : i32
      %dma_wait3A_167 = arith.constant 0 : i32
      %dma_wait3A_168 = tpu.memref_slice %arg8[%dma_wait3A_166, %dma_wait3A_167] : memref<80x128xf32, #tpu.memory_space<vmem>> -> memref<80x128xf32, #tpu.memory_space<vmem>>
      tpu.wait_dma2 semaphore(%run_scoped3A : memref<!tpu.dma_semaphore, #tpu.memory_space<semaphore_mem>>) src(%dma_wait3A_168 : memref<80x128xf32, #tpu.memory_space<vmem>>) dst(%dma_wait3A_165 : memref<80x128xf32, #tpu.memory_space<vmem_shared>>)
      tpu.yield
    }) : () -> ()
    %mul3A_23 = arith.constant 632 : i32
    %mul3A_24 = arith.muli %arg1, %mul3A_23 : i32
    %add3A_25 = arith.constant 320 : i32
    %add3A_26 = arith.addi %mul3A_24, %add3A_25 : i32
    "tpu.region"() ({
      %run_scoped3A = tpu.sem_alloc : memref<!tpu.dma_semaphore, #tpu.memory_space<semaphore_mem>>
      %dma_start3A_149 = arith.constant 0 : i32
      %dma_start3A_150 = arith.constant 0 : i32
      %dma_start3A_151 = tpu.memref_slice %arg8[%dma_start3A_149, %dma_start3A_150] : memref<80x128xf32, #tpu.memory_space<vmem>> -> memref<80x128xf32, #tpu.memory_space<vmem>>
      %dma_start3A_152 = arith.constant 0 : i32
      %dma_start3A_153 = tpu.memref_slice %arg12[%add3A_26, %dma_start3A_152] : memref<10112x128xf32, #tpu.memory_space<vmem_shared>> -> memref<80x128xf32, #tpu.memory_space<vmem_shared>>
      %dma_start3A_154 = arith.constant 0 : i32
      %dma_start3A_155 = tpu.memref_slice %arg12[%add3A_26, %dma_start3A_154] : memref<10112x128xf32, #tpu.memory_space<vmem_shared>> -> memref<80x128xf32, #tpu.memory_space<vmem_shared>>
      %dma_start3A_156 = arith.constant 0 : i32
      %dma_start3A_157 = arith.constant 0 : i32
      %dma_start3A_158 = tpu.memref_slice %arg8[%dma_start3A_156, %dma_start3A_157] : memref<80x128xf32, #tpu.memory_space<vmem>> -> memref<80x128xf32, #tpu.memory_space<vmem>>
      tpu.enqueue_dma source(%dma_start3A_158 : memref<80x128xf32, #tpu.memory_space<vmem>>) target(%dma_start3A_155 : memref<80x128xf32, #tpu.memory_space<vmem_shared>>) target_semaphore(%run_scoped3A : memref<!tpu.dma_semaphore, #tpu.memory_space<semaphore_mem>>)
      %dma_wait3A_159 = arith.constant 0 : i32
      %dma_wait3A_160 = arith.constant 0 : i32
      %dma_wait3A_161 = tpu.memref_slice %arg8[%dma_wait3A_159, %dma_wait3A_160] : memref<80x128xf32, #tpu.memory_space<vmem>> -> memref<80x128xf32, #tpu.memory_space<vmem>>
      %dma_wait3A_162 = arith.constant 0 : i32
      %dma_wait3A_163 = tpu.memref_slice %arg12[%add3A_26, %dma_wait3A_162] : memref<10112x128xf32, #tpu.memory_space<vmem_shared>> -> memref<80x128xf32, #tpu.memory_space<vmem_shared>>
      %dma_wait3A_164 = arith.constant 0 : i32
      %dma_wait3A_165 = tpu.memref_slice %arg12[%add3A_26, %dma_wait3A_164] : memref<10112x128xf32, #tpu.memory_space<vmem_shared>> -> memref<80x128xf32, #tpu.memory_space<vmem_shared>>
      %dma_wait3A_166 = arith.constant 0 : i32
      %dma_wait3A_167 = arith.constant 0 : i32
      %dma_wait3A_168 = tpu.memref_slice %arg8[%dma_wait3A_166, %dma_wait3A_167] : memref<80x128xf32, #tpu.memory_space<vmem>> -> memref<80x128xf32, #tpu.memory_space<vmem>>
      tpu.wait_dma2 semaphore(%run_scoped3A : memref<!tpu.dma_semaphore, #tpu.memory_space<semaphore_mem>>) src(%dma_wait3A_168 : memref<80x128xf32, #tpu.memory_space<vmem>>) dst(%dma_wait3A_165 : memref<80x128xf32, #tpu.memory_space<vmem_shared>>)
      tpu.yield
    }) : () -> ()
    %mul3A_27 = arith.constant 632 : i32
    %mul3A_28 = arith.muli %arg1, %mul3A_27 : i32
    %add3A_29 = arith.constant 400 : i32
    %add3A_30 = arith.addi %mul3A_28, %add3A_29 : i32
    "tpu.region"() ({
      %run_scoped3A = tpu.sem_alloc : memref<!tpu.dma_semaphore, #tpu.memory_space<semaphore_mem>>
      %dma_start3A_149 = arith.constant 0 : i32
      %dma_start3A_150 = arith.constant 0 : i32
      %dma_start3A_151 = tpu.memref_slice %arg8[%dma_start3A_149, %dma_start3A_150] : memref<80x128xf32, #tpu.memory_space<vmem>> -> memref<80x128xf32, #tpu.memory_space<vmem>>
      %dma_start3A_152 = arith.constant 0 : i32
      %dma_start3A_153 = tpu.memref_slice %arg12[%add3A_30, %dma_start3A_152] : memref<10112x128xf32, #tpu.memory_space<vmem_shared>> -> memref<80x128xf32, #tpu.memory_space<vmem_shared>>
      %dma_start3A_154 = arith.constant 0 : i32
      %dma_start3A_155 = tpu.memref_slice %arg12[%add3A_30, %dma_start3A_154] : memref<10112x128xf32, #tpu.memory_space<vmem_shared>> -> memref<80x128xf32, #tpu.memory_space<vmem_shared>>
      %dma_start3A_156 = arith.constant 0 : i32
      %dma_start3A_157 = arith.constant 0 : i32
      %dma_start3A_158 = tpu.memref_slice %arg8[%dma_start3A_156, %dma_start3A_157] : memref<80x128xf32, #tpu.memory_space<vmem>> -> memref<80x128xf32, #tpu.memory_space<vmem>>
      tpu.enqueue_dma source(%dma_start3A_158 : memref<80x128xf32, #tpu.memory_space<vmem>>) target(%dma_start3A_155 : memref<80x128xf32, #tpu.memory_space<vmem_shared>>) target_semaphore(%run_scoped3A : memref<!tpu.dma_semaphore, #tpu.memory_space<semaphore_mem>>)
      %dma_wait3A_159 = arith.constant 0 : i32
      %dma_wait3A_160 = arith.constant 0 : i32
      %dma_wait3A_161 = tpu.memref_slice %arg8[%dma_wait3A_159, %dma_wait3A_160] : memref<80x128xf32, #tpu.memory_space<vmem>> -> memref<80x128xf32, #tpu.memory_space<vmem>>
      %dma_wait3A_162 = arith.constant 0 : i32
      %dma_wait3A_163 = tpu.memref_slice %arg12[%add3A_30, %dma_wait3A_162] : memref<10112x128xf32, #tpu.memory_space<vmem_shared>> -> memref<80x128xf32, #tpu.memory_space<vmem_shared>>
      %dma_wait3A_164 = arith.constant 0 : i32
      %dma_wait3A_165 = tpu.memref_slice %arg12[%add3A_30, %dma_wait3A_164] : memref<10112x128xf32, #tpu.memory_space<vmem_shared>> -> memref<80x128xf32, #tpu.memory_space<vmem_shared>>
      %dma_wait3A_166 = arith.constant 0 : i32
      %dma_wait3A_167 = arith.constant 0 : i32
      %dma_wait3A_168 = tpu.memref_slice %arg8[%dma_wait3A_166, %dma_wait3A_167] : memref<80x128xf32, #tpu.memory_space<vmem>> -> memref<80x128xf32, #tpu.memory_space<vmem>>
      tpu.wait_dma2 semaphore(%run_scoped3A : memref<!tpu.dma_semaphore, #tpu.memory_space<semaphore_mem>>) src(%dma_wait3A_168 : memref<80x128xf32, #tpu.memory_space<vmem>>) dst(%dma_wait3A_165 : memref<80x128xf32, #tpu.memory_space<vmem_shared>>)
      tpu.yield
    }) : () -> ()
    %mul3A_31 = arith.constant 632 : i32
    %mul3A_32 = arith.muli %arg1, %mul3A_31 : i32
    %add3A_33 = arith.constant 480 : i32
    %add3A_34 = arith.addi %mul3A_32, %add3A_33 : i32
    "tpu.region"() ({
      %run_scoped3A = tpu.sem_alloc : memref<!tpu.dma_semaphore, #tpu.memory_space<semaphore_mem>>
      %dma_start3A_149 = arith.constant 0 : i32
      %dma_start3A_150 = arith.constant 0 : i32
      %dma_start3A_151 = tpu.memref_slice %arg8[%dma_start3A_149, %dma_start3A_150] : memref<80x128xf32, #tpu.memory_space<vmem>> -> memref<80x128xf32, #tpu.memory_space<vmem>>
      %dma_start3A_152 = arith.constant 0 : i32
      %dma_start3A_153 = tpu.memref_slice %arg12[%add3A_34, %dma_start3A_152] : memref<10112x128xf32, #tpu.memory_space<vmem_shared>> -> memref<80x128xf32, #tpu.memory_space<vmem_shared>>
      %dma_start3A_154 = arith.constant 0 : i32
      %dma_start3A_155 = tpu.memref_slice %arg12[%add3A_34, %dma_start3A_154] : memref<10112x128xf32, #tpu.memory_space<vmem_shared>> -> memref<80x128xf32, #tpu.memory_space<vmem_shared>>
      %dma_start3A_156 = arith.constant 0 : i32
      %dma_start3A_157 = arith.constant 0 : i32
      %dma_start3A_158 = tpu.memref_slice %arg8[%dma_start3A_156, %dma_start3A_157] : memref<80x128xf32, #tpu.memory_space<vmem>> -> memref<80x128xf32, #tpu.memory_space<vmem>>
      tpu.enqueue_dma source(%dma_start3A_158 : memref<80x128xf32, #tpu.memory_space<vmem>>) target(%dma_start3A_155 : memref<80x128xf32, #tpu.memory_space<vmem_shared>>) target_semaphore(%run_scoped3A : memref<!tpu.dma_semaphore, #tpu.memory_space<semaphore_mem>>)
      %dma_wait3A_159 = arith.constant 0 : i32
      %dma_wait3A_160 = arith.constant 0 : i32
      %dma_wait3A_161 = tpu.memref_slice %arg8[%dma_wait3A_159, %dma_wait3A_160] : memref<80x128xf32, #tpu.memory_space<vmem>> -> memref<80x128xf32, #tpu.memory_space<vmem>>
      %dma_wait3A_162 = arith.constant 0 : i32
      %dma_wait3A_163 = tpu.memref_slice %arg12[%add3A_34, %dma_wait3A_162] : memref<10112x128xf32, #tpu.memory_space<vmem_shared>> -> memref<80x128xf32, #tpu.memory_space<vmem_shared>>
      %dma_wait3A_164 = arith.constant 0 : i32
      %dma_wait3A_165 = tpu.memref_slice %arg12[%add3A_34, %dma_wait3A_164] : memref<10112x128xf32, #tpu.memory_space<vmem_shared>> -> memref<80x128xf32, #tpu.memory_space<vmem_shared>>
      %dma_wait3A_166 = arith.constant 0 : i32
      %dma_wait3A_167 = arith.constant 0 : i32
      %dma_wait3A_168 = tpu.memref_slice %arg8[%dma_wait3A_166, %dma_wait3A_167] : memref<80x128xf32, #tpu.memory_space<vmem>> -> memref<80x128xf32, #tpu.memory_space<vmem>>
      tpu.wait_dma2 semaphore(%run_scoped3A : memref<!tpu.dma_semaphore, #tpu.memory_space<semaphore_mem>>) src(%dma_wait3A_168 : memref<80x128xf32, #tpu.memory_space<vmem>>) dst(%dma_wait3A_165 : memref<80x128xf32, #tpu.memory_space<vmem_shared>>)
      tpu.yield
    }) : () -> ()
    %mul3A_35 = arith.constant 632 : i32
    %mul3A_36 = arith.muli %arg1, %mul3A_35 : i32
    %add3A_37 = arith.constant 560 : i32
    %add3A_38 = arith.addi %mul3A_36, %add3A_37 : i32
    "tpu.region"() ({
      %run_scoped3A = tpu.sem_alloc : memref<!tpu.dma_semaphore, #tpu.memory_space<semaphore_mem>>
      %dma_start3A_149 = arith.constant 0 : i32
      %dma_start3A_150 = arith.constant 0 : i32
      %dma_start3A_151 = tpu.memref_slice %arg8[%dma_start3A_149, %dma_start3A_150] : memref<80x128xf32, #tpu.memory_space<vmem>> -> memref<72x128xf32, #tpu.memory_space<vmem>>
      %dma_start3A_152 = arith.constant 0 : i32
      %dma_start3A_153 = tpu.memref_slice %arg12[%add3A_38, %dma_start3A_152] : memref<10112x128xf32, #tpu.memory_space<vmem_shared>> -> memref<72x128xf32, #tpu.memory_space<vmem_shared>>
      %dma_start3A_154 = arith.constant 0 : i32
      %dma_start3A_155 = tpu.memref_slice %arg12[%add3A_38, %dma_start3A_154] : memref<10112x128xf32, #tpu.memory_space<vmem_shared>> -> memref<72x128xf32, #tpu.memory_space<vmem_shared>>
      %dma_start3A_156 = arith.constant 0 : i32
      %dma_start3A_157 = arith.constant 0 : i32
      %dma_start3A_158 = tpu.memref_slice %arg8[%dma_start3A_156, %dma_start3A_157] : memref<80x128xf32, #tpu.memory_space<vmem>> -> memref<72x128xf32, #tpu.memory_space<vmem>>
      tpu.enqueue_dma source(%dma_start3A_158 : memref<72x128xf32, #tpu.memory_space<vmem>>) target(%dma_start3A_155 : memref<72x128xf32, #tpu.memory_space<vmem_shared>>) target_semaphore(%run_scoped3A : memref<!tpu.dma_semaphore, #tpu.memory_space<semaphore_mem>>)
      %dma_wait3A_159 = arith.constant 0 : i32
      %dma_wait3A_160 = arith.constant 0 : i32
      %dma_wait3A_161 = tpu.memref_slice %arg8[%dma_wait3A_159, %dma_wait3A_160] : memref<80x128xf32, #tpu.memory_space<vmem>> -> memref<72x128xf32, #tpu.memory_space<vmem>>
      %dma_wait3A_162 = arith.constant 0 : i32
      %dma_wait3A_163 = tpu.memref_slice %arg12[%add3A_38, %dma_wait3A_162] : memref<10112x128xf32, #tpu.memory_space<vmem_shared>> -> memref<72x128xf32, #tpu.memory_space<vmem_shared>>
      %dma_wait3A_164 = arith.constant 0 : i32
      %dma_wait3A_165 = tpu.memref_slice %arg12[%add3A_38, %dma_wait3A_164] : memref<10112x128xf32, #tpu.memory_space<vmem_shared>> -> memref<72x128xf32, #tpu.memory_space<vmem_shared>>
      %dma_wait3A_166 = arith.constant 0 : i32
      %dma_wait3A_167 = arith.constant 0 : i32
      %dma_wait3A_168 = tpu.memref_slice %arg8[%dma_wait3A_166, %dma_wait3A_167] : memref<80x128xf32, #tpu.memory_space<vmem>> -> memref<72x128xf32, #tpu.memory_space<vmem>>
      tpu.wait_dma2 semaphore(%run_scoped3A : memref<!tpu.dma_semaphore, #tpu.memory_space<semaphore_mem>>) src(%dma_wait3A_168 : memref<72x128xf32, #tpu.memory_space<vmem>>) dst(%dma_wait3A_165 : memref<72x128xf32, #tpu.memory_space<vmem_shared>>)
      tpu.yield
    }) : () -> ()
    "tpu.region"() ({
      %run_scoped3A = tpu.sem_alloc : memref<!tpu.dma_semaphore, #tpu.memory_space<semaphore_mem>>
      %dma_start3A_149 = arith.constant 0 : i32
      %dma_start3A_150 = arith.constant 0 : i32
      %dma_start3A_151 = tpu.memref_slice %arg3[%add3A, %dma_start3A_149, %dma_start3A_150] : memref<32x125x80xi32, #tpu.memory_space<hbm>> -> memref<1x125x80xi32, #tpu.memory_space<hbm>>
      %dma_start3A_152 = tpu.memref_squeeze %dma_start3A_151 : memref<1x125x80xi32, #tpu.memory_space<hbm>> -> memref<125x80xi32, #tpu.memory_space<hbm>>
      %dma_start3A_153 = arith.constant 0 : i32
      %dma_start3A_154 = arith.constant 0 : i32
      %dma_start3A_155 = tpu.memref_slice %arg3[%add3A, %dma_start3A_153, %dma_start3A_154] : memref<32x125x80xi32, #tpu.memory_space<hbm>> -> memref<1x125x80xi32, #tpu.memory_space<hbm>>
      %dma_start3A_156 = tpu.memref_squeeze %dma_start3A_155 : memref<1x125x80xi32, #tpu.memory_space<hbm>> -> memref<125x80xi32, #tpu.memory_space<hbm>>
      tpu.enqueue_dma source(%dma_start3A_156 : memref<125x80xi32, #tpu.memory_space<hbm>>) target(%arg5 : memref<125x80xi32, #tpu.memory_space<vmem>>) target_semaphore(%run_scoped3A : memref<!tpu.dma_semaphore, #tpu.memory_space<semaphore_mem>>)
      %dma_wait3A_157 = arith.constant 0 : i32
      %dma_wait3A_158 = arith.constant 0 : i32
      %dma_wait3A_159 = tpu.memref_slice %arg3[%add3A, %dma_wait3A_157, %dma_wait3A_158] : memref<32x125x80xi32, #tpu.memory_space<hbm>> -> memref<1x125x80xi32, #tpu.memory_space<hbm>>
      %dma_wait3A_160 = tpu.memref_squeeze %dma_wait3A_159 : memref<1x125x80xi32, #tpu.memory_space<hbm>> -> memref<125x80xi32, #tpu.memory_space<hbm>>
      %dma_wait3A_161 = arith.constant 0 : i32
      %dma_wait3A_162 = arith.constant 0 : i32
      %dma_wait3A_163 = tpu.memref_slice %arg3[%add3A, %dma_wait3A_161, %dma_wait3A_162] : memref<32x125x80xi32, #tpu.memory_space<hbm>> -> memref<1x125x80xi32, #tpu.memory_space<hbm>>
      %dma_wait3A_164 = tpu.memref_squeeze %dma_wait3A_163 : memref<1x125x80xi32, #tpu.memory_space<hbm>> -> memref<125x80xi32, #tpu.memory_space<hbm>>
      tpu.wait_dma2 semaphore(%run_scoped3A : memref<!tpu.dma_semaphore, #tpu.memory_space<semaphore_mem>>) src(%dma_wait3A_164 : memref<125x80xi32, #tpu.memory_space<hbm>>) dst(%arg5 : memref<125x80xi32, #tpu.memory_space<vmem>>)
      tpu.yield
    }) : () -> ()
    %barrier3A = arith.constant 0 : index
    tpu.barrier barrier_id(%barrier3A)
    %get3A = arith.constant 0 : i32
    %get3A_39 = arith.index_cast %get3A : i32 to index
    %get3A_40 = arith.constant 0 : index
    %get3A_41 = tpu.vector_load %arg5[%get3A_39, %get3A_40] {strides = array<i32>} : memref<125x80xi32, #tpu.memory_space<vmem>>, vector<16xi32>,
    %and3A = arith.constant 16383 : i32
    %and3A_42 = vector.broadcast %and3A : i32 to vector<16xi32>
    %and3A_43 = arith.andi %get3A_41, %and3A_42 : vector<16xi32>
    %swap3A = arith.constant 0 : index
    %swap3A_44 = tpu.vector_load %arg6[%swap3A] {strides = array<i32>} : memref<80xi32, #tpu.memory_space<vmem>>, vector<16xi32>,
    tpu.vector_store %arg6[%swap3A], %and3A_43 {strides = array<i32>} : memref<80xi32, #tpu.memory_space<vmem>>, vector<16xi32>,
    %shift_right_logical3A = arith.constant 14 : i32
    %shift_right_logical3A_45 = vector.broadcast %shift_right_logical3A : i32 to vector<16xi32>
    %shift_right_logical3A_46 = arith.shrui %get3A_41, %shift_right_logical3A_45 : vector<16xi32>
    %swap3A_47 = arith.constant 0 : index
    %swap3A_48 = tpu.vector_load %arg7[%swap3A_47] {strides = array<i32>} : memref<80xi32, #tpu.memory_space<vmem>>, vector<16xi32>,
    tpu.vector_store %arg7[%swap3A_47], %shift_right_logical3A_46 {strides = array<i32>} : memref<80xi32, #tpu.memory_space<vmem>>, vector<16xi32>,
    %get3A_49 = arith.constant 0 : i32
    %get3A_50 = arith.index_cast %get3A_49 : i32 to index
    %get3A_51 = arith.constant 16 : index
    %get3A_52 = tpu.vector_load %arg5[%get3A_50, %get3A_51] {strides = array<i32>} : memref<125x80xi32, #tpu.memory_space<vmem>>, vector<16xi32>,
    %and3A_53 = arith.constant 16383 : i32
    %and3A_54 = vector.broadcast %and3A_53 : i32 to vector<16xi32>
    %and3A_55 = arith.andi %get3A_52, %and3A_54 : vector<16xi32>
    %swap3A_56 = arith.constant 16 : index
    %swap3A_57 = tpu.vector_load %arg6[%swap3A_56] {strides = array<i32>} : memref<80xi32, #tpu.memory_space<vmem>>, vector<16xi32>,
    tpu.vector_store %arg6[%swap3A_56], %and3A_55 {strides = array<i32>} : memref<80xi32, #tpu.memory_space<vmem>>, vector<16xi32>,
    %shift_right_logical3A_58 = arith.constant 14 : i32
    %shift_right_logical3A_59 = vector.broadcast %shift_right_logical3A_58 : i32 to vector<16xi32>
    %shift_right_logical3A_60 = arith.shrui %get3A_52, %shift_right_logical3A_59 : vector<16xi32>
    %swap3A_61 = arith.constant 16 : index
    %swap3A_62 = tpu.vector_load %arg7[%swap3A_61] {strides = array<i32>} : memref<80xi32, #tpu.memory_space<vmem>>, vector<16xi32>,
    tpu.vector_store %arg7[%swap3A_61], %shift_right_logical3A_60 {strides = array<i32>} : memref<80xi32, #tpu.memory_space<vmem>>, vector<16xi32>,
    %get3A_63 = arith.constant 0 : i32
    %get3A_64 = arith.index_cast %get3A_63 : i32 to index
    %get3A_65 = arith.constant 32 : index
    %get3A_66 = tpu.vector_load %arg5[%get3A_64, %get3A_65] {strides = array<i32>} : memref<125x80xi32, #tpu.memory_space<vmem>>, vector<16xi32>,
    %and3A_67 = arith.constant 16383 : i32
    %and3A_68 = vector.broadcast %and3A_67 : i32 to vector<16xi32>
    %and3A_69 = arith.andi %get3A_66, %and3A_68 : vector<16xi32>
    %swap3A_70 = arith.constant 32 : index
    %swap3A_71 = tpu.vector_load %arg6[%swap3A_70] {strides = array<i32>} : memref<80xi32, #tpu.memory_space<vmem>>, vector<16xi32>,
    tpu.vector_store %arg6[%swap3A_70], %and3A_69 {strides = array<i32>} : memref<80xi32, #tpu.memory_space<vmem>>, vector<16xi32>,
    %shift_right_logical3A_72 = arith.constant 14 : i32
    %shift_right_logical3A_73 = vector.broadcast %shift_right_logical3A_72 : i32 to vector<16xi32>
    %shift_right_logical3A_74 = arith.shrui %get3A_66, %shift_right_logical3A_73 : vector<16xi32>
    %swap3A_75 = arith.constant 32 : index
    %swap3A_76 = tpu.vector_load %arg7[%swap3A_75] {strides = array<i32>} : memref<80xi32, #tpu.memory_space<vmem>>, vector<16xi32>,
    tpu.vector_store %arg7[%swap3A_75], %shift_right_logical3A_74 {strides = array<i32>} : memref<80xi32, #tpu.memory_space<vmem>>, vector<16xi32>,
    %get3A_77 = arith.constant 0 : i32
    %get3A_78 = arith.index_cast %get3A_77 : i32 to index
    %get3A_79 = arith.constant 48 : index
    %get3A_80 = tpu.vector_load %arg5[%get3A_78, %get3A_79] {strides = array<i32>} : memref<125x80xi32, #tpu.memory_space<vmem>>, vector<16xi32>,
    %and3A_81 = arith.constant 16383 : i32
    %and3A_82 = vector.broadcast %and3A_81 : i32 to vector<16xi32>
    %and3A_83 = arith.andi %get3A_80, %and3A_82 : vector<16xi32>
    %swap3A_84 = arith.constant 48 : index
    %swap3A_85 = tpu.vector_load %arg6[%swap3A_84] {strides = array<i32>} : memref<80xi32, #tpu.memory_space<vmem>>, vector<16xi32>,
    tpu.vector_store %arg6[%swap3A_84], %and3A_83 {strides = array<i32>} : memref<80xi32, #tpu.memory_space<vmem>>, vector<16xi32>,
    %shift_right_logical3A_86 = arith.constant 14 : i32
    %shift_right_logical3A_87 = vector.broadcast %shift_right_logical3A_86 : i32 to vector<16xi32>
    %shift_right_logical3A_88 = arith.shrui %get3A_80, %shift_right_logical3A_87 : vector<16xi32>
    %swap3A_89 = arith.constant 48 : index
    %swap3A_90 = tpu.vector_load %arg7[%swap3A_89] {strides = array<i32>} : memref<80xi32, #tpu.memory_space<vmem>>, vector<16xi32>,
    tpu.vector_store %arg7[%swap3A_89], %shift_right_logical3A_88 {strides = array<i32>} : memref<80xi32, #tpu.memory_space<vmem>>, vector<16xi32>,
    %get3A_91 = arith.constant 0 : i32
    %get3A_92 = arith.index_cast %get3A_91 : i32 to index
    %get3A_93 = arith.constant 64 : index
    %get3A_94 = tpu.vector_load %arg5[%get3A_92, %get3A_93] {strides = array<i32>} : memref<125x80xi32, #tpu.memory_space<vmem>>, vector<16xi32>,
    %and3A_95 = arith.constant 16383 : i32
    %and3A_96 = vector.broadcast %and3A_95 : i32 to vector<16xi32>
    %and3A_97 = arith.andi %get3A_94, %and3A_96 : vector<16xi32>
    %swap3A_98 = arith.constant 64 : index
    %swap3A_99 = tpu.vector_load %arg6[%swap3A_98] {strides = array<i32>} : memref<80xi32, #tpu.memory_space<vmem>>, vector<16xi32>,
    tpu.vector_store %arg6[%swap3A_98], %and3A_97 {strides = array<i32>} : memref<80xi32, #tpu.memory_space<vmem>>, vector<16xi32>,
    %shift_right_logical3A_100 = arith.constant 14 : i32
    %shift_right_logical3A_101 = vector.broadcast %shift_right_logical3A_100 : i32 to vector<16xi32>
    %shift_right_logical3A_102 = arith.shrui %get3A_94, %shift_right_logical3A_101 : vector<16xi32>
    %swap3A_103 = arith.constant 64 : index
    %swap3A_104 = tpu.vector_load %arg7[%swap3A_103] {strides = array<i32>} : memref<80xi32, #tpu.memory_space<vmem>>, vector<16xi32>,
    tpu.vector_store %arg7[%swap3A_103], %shift_right_logical3A_102 {strides = array<i32>} : memref<80xi32, #tpu.memory_space<vmem>>, vector<16xi32>,
    %dma_start3A = arith.constant 0 : i32
    %dma_start3A_105 = arith.constant 0 : i32
    %dma_start3A_106 = tpu.memref_slice %arg2[%dma_start3A, %dma_start3A_105] : memref<10112x128xf32, #tpu.memory_space<hbm>> -> memref<10112x128xf32, #tpu.memory_space<hbm>>
    tpu.enqueue_indirect_dma source(%dma_start3A_106 : memref<10112x128xf32, #tpu.memory_space<hbm>>) target(%arg8 : memref<80x128xf32, #tpu.memory_space<vmem>>) offsets(%arg6 : memref<80xi32, #tpu.memory_space<vmem>>) semaphore(%arg13 : memref<!tpu.dma_semaphore, #tpu.memory_space<semaphore_mem>>)
    %scan3A_107 = arith.constant 0 : i32
    %scan3A_108 = arith.constant 0 : i32
    %scan3A_109 = arith.constant 62 : i32
    %scan3A_110 = arith.addi %scan3A_108, %scan3A_109 : i32
    %scan3A_111 = arith.constant 1 : i32
    %scan3A_112 = scf.for %scan3A_149 = %scan3A_108 to %scan3A_110 step %scan3A_111 iter_args(%scan3A_150 = %scan3A_107) -> (i32)  : i32 {
      %mul3A_151 = arith.constant 2 : i32
      %mul3A_152 = arith.muli %mul3A_151, %scan3A_149 : i32
      %add3A_153 = arith.constant 1 : i32
      %add3A_154 = arith.addi %mul3A_152, %add3A_153 : i32
      %get3A_155 = arith.index_cast %add3A_154 : i32 to index
      %get3A_156 = arith.constant 0 : index
      %get3A_157 = tpu.vector_load %arg5[%get3A_155, %get3A_156] {strides = array<i32>} : memref<125x80xi32, #tpu.memory_space<vmem>>, vector<16xi32>,
      %and3A_158 = arith.constant 16383 : i32
      %and3A_159 = vector.broadcast %and3A_158 : i32 to vector<16xi32>
      %and3A_160 = arith.andi %get3A_157, %and3A_159 : vector<16xi32>
      %swap3A_161 = arith.constant 0 : index
      %swap3A_162 = tpu.vector_load %arg9[%swap3A_161] {strides = array<i32>} : memref<80xi32, #tpu.memory_space<vmem>>, vector<16xi32>,
      tpu.vector_store %arg9[%swap3A_161], %and3A_160 {strides = array<i32>} : memref<80xi32, #tpu.memory_space<vmem>>, vector<16xi32>,
      %shift_right_logical3A_163 = arith.constant 14 : i32
      %shift_right_logical3A_164 = vector.broadcast %shift_right_logical3A_163 : i32 to vector<16xi32>
      %shift_right_logical3A_165 = arith.shrui %get3A_157, %shift_right_logical3A_164 : vector<16xi32>
      %swap3A_166 = arith.constant 0 : index
      %swap3A_167 = tpu.vector_load %arg10[%swap3A_166] {strides = array<i32>} : memref<80xi32, #tpu.memory_space<vmem>>, vector<16xi32>,
      tpu.vector_store %arg10[%swap3A_166], %shift_right_logical3A_165 {strides = array<i32>} : memref<80xi32, #tpu.memory_space<vmem>>, vector<16xi32>,
      %get3A_168 = arith.index_cast %add3A_154 : i32 to index
      %get3A_169 = arith.constant 16 : index
      %get3A_170 = tpu.vector_load %arg5[%get3A_168, %get3A_169] {strides = array<i32>} : memref<125x80xi32, #tpu.memory_space<vmem>>, vector<16xi32>,
      %and3A_171 = arith.constant 16383 : i32
      %and3A_172 = vector.broadcast %and3A_171 : i32 to vector<16xi32>
      %and3A_173 = arith.andi %get3A_170, %and3A_172 : vector<16xi32>
      %swap3A_174 = arith.constant 16 : index
      %swap3A_175 = tpu.vector_load %arg9[%swap3A_174] {strides = array<i32>} : memref<80xi32, #tpu.memory_space<vmem>>, vector<16xi32>,
      tpu.vector_store %arg9[%swap3A_174], %and3A_173 {strides = array<i32>} : memref<80xi32, #tpu.memory_space<vmem>>, vector<16xi32>,
      %shift_right_logical3A_176 = arith.constant 14 : i32
      %shift_right_logical3A_177 = vector.broadcast %shift_right_logical3A_176 : i32 to vector<16xi32>
      %shift_right_logical3A_178 = arith.shrui %get3A_170, %shift_right_logical3A_177 : vector<16xi32>
      %swap3A_179 = arith.constant 16 : index
      %swap3A_180 = tpu.vector_load %arg10[%swap3A_179] {strides = array<i32>} : memref<80xi32, #tpu.memory_space<vmem>>, vector<16xi32>,
      tpu.vector_store %arg10[%swap3A_179], %shift_right_logical3A_178 {strides = array<i32>} : memref<80xi32, #tpu.memory_space<vmem>>, vector<16xi32>,
      %get3A_181 = arith.index_cast %add3A_154 : i32 to index
      %get3A_182 = arith.constant 32 : index
      %get3A_183 = tpu.vector_load %arg5[%get3A_181, %get3A_182] {strides = array<i32>} : memref<125x80xi32, #tpu.memory_space<vmem>>, vector<16xi32>,
      %and3A_184 = arith.constant 16383 : i32
      %and3A_185 = vector.broadcast %and3A_184 : i32 to vector<16xi32>
      %and3A_186 = arith.andi %get3A_183, %and3A_185 : vector<16xi32>
      %swap3A_187 = arith.constant 32 : index
      %swap3A_188 = tpu.vector_load %arg9[%swap3A_187] {strides = array<i32>} : memref<80xi32, #tpu.memory_space<vmem>>, vector<16xi32>,
      tpu.vector_store %arg9[%swap3A_187], %and3A_186 {strides = array<i32>} : memref<80xi32, #tpu.memory_space<vmem>>, vector<16xi32>,
      %shift_right_logical3A_189 = arith.constant 14 : i32
      %shift_right_logical3A_190 = vector.broadcast %shift_right_logical3A_189 : i32 to vector<16xi32>
      %shift_right_logical3A_191 = arith.shrui %get3A_183, %shift_right_logical3A_190 : vector<16xi32>
      %swap3A_192 = arith.constant 32 : index
      %swap3A_193 = tpu.vector_load %arg10[%swap3A_192] {strides = array<i32>} : memref<80xi32, #tpu.memory_space<vmem>>, vector<16xi32>,
      tpu.vector_store %arg10[%swap3A_192], %shift_right_logical3A_191 {strides = array<i32>} : memref<80xi32, #tpu.memory_space<vmem>>, vector<16xi32>,
      %get3A_194 = arith.index_cast %add3A_154 : i32 to index
      %get3A_195 = arith.constant 48 : index
      %get3A_196 = tpu.vector_load %arg5[%get3A_194, %get3A_195] {strides = array<i32>} : memref<125x80xi32, #tpu.memory_space<vmem>>, vector<16xi32>,
      %and3A_197 = arith.constant 16383 : i32
      %and3A_198 = vector.broadcast %and3A_197 : i32 to vector<16xi32>
      %and3A_199 = arith.andi %get3A_196, %and3A_198 : vector<16xi32>
      %swap3A_200 = arith.constant 48 : index
      %swap3A_201 = tpu.vector_load %arg9[%swap3A_200] {strides = array<i32>} : memref<80xi32, #tpu.memory_space<vmem>>, vector<16xi32>,
      tpu.vector_store %arg9[%swap3A_200], %and3A_199 {strides = array<i32>} : memref<80xi32, #tpu.memory_space<vmem>>, vector<16xi32>,
      %shift_right_logical3A_202 = arith.constant 14 : i32
      %shift_right_logical3A_203 = vector.broadcast %shift_right_logical3A_202 : i32 to vector<16xi32>
      %shift_right_logical3A_204 = arith.shrui %get3A_196, %shift_right_logical3A_203 : vector<16xi32>
      %swap3A_205 = arith.constant 48 : index
      %swap3A_206 = tpu.vector_load %arg10[%swap3A_205] {strides = array<i32>} : memref<80xi32, #tpu.memory_space<vmem>>, vector<16xi32>,
      tpu.vector_store %arg10[%swap3A_205], %shift_right_logical3A_204 {strides = array<i32>} : memref<80xi32, #tpu.memory_space<vmem>>, vector<16xi32>,
      %get3A_207 = arith.index_cast %add3A_154 : i32 to index
      %get3A_208 = arith.constant 64 : index
      %get3A_209 = tpu.vector_load %arg5[%get3A_207, %get3A_208] {strides = array<i32>} : memref<125x80xi32, #tpu.memory_space<vmem>>, vector<16xi32>,
      %and3A_210 = arith.constant 16383 : i32
      %and3A_211 = vector.broadcast %and3A_210 : i32 to vector<16xi32>
      %and3A_212 = arith.andi %get3A_209, %and3A_211 : vector<16xi32>
      %swap3A_213 = arith.constant 64 : index
      %swap3A_214 = tpu.vector_load %arg9[%swap3A_213] {strides = array<i32>} : memref<80xi32, #tpu.memory_space<vmem>>, vector<16xi32>,
      tpu.vector_store %arg9[%swap3A_213], %and3A_212 {strides = array<i32>} : memref<80xi32, #tpu.memory_space<vmem>>, vector<16xi32>,
      %shift_right_logical3A_215 = arith.constant 14 : i32
      %shift_right_logical3A_216 = vector.broadcast %shift_right_logical3A_215 : i32 to vector<16xi32>
      %shift_right_logical3A_217 = arith.shrui %get3A_209, %shift_right_logical3A_216 : vector<16xi32>
      %swap3A_218 = arith.constant 64 : index
      %swap3A_219 = tpu.vector_load %arg10[%swap3A_218] {strides = array<i32>} : memref<80xi32, #tpu.memory_space<vmem>>, vector<16xi32>,
      tpu.vector_store %arg10[%swap3A_218], %shift_right_logical3A_217 {strides = array<i32>} : memref<80xi32, #tpu.memory_space<vmem>>, vector<16xi32>,
      %dma_start3A_220 = arith.constant 0 : i32
      %dma_start3A_221 = arith.constant 0 : i32
      %dma_start3A_222 = tpu.memref_slice %arg2[%dma_start3A_220, %dma_start3A_221] : memref<10112x128xf32, #tpu.memory_space<hbm>> -> memref<10112x128xf32, #tpu.memory_space<hbm>>
      tpu.enqueue_indirect_dma source(%dma_start3A_222 : memref<10112x128xf32, #tpu.memory_space<hbm>>) target(%arg11 : memref<80x128xf32, #tpu.memory_space<vmem>>) offsets(%arg9 : memref<80xi32, #tpu.memory_space<vmem>>) semaphore(%arg14 : memref<!tpu.dma_semaphore, #tpu.memory_space<semaphore_mem>>)
      %dma_wait3A_223 = arith.constant 0 : i32
      %dma_wait3A_224 = arith.constant 0 : i32
      %dma_wait3A_225 = tpu.memref_slice %arg2[%dma_wait3A_223, %dma_wait3A_224] : memref<10112x128xf32, #tpu.memory_space<hbm>> -> memref<10112x128xf32, #tpu.memory_space<hbm>>
      tpu.wait_indirect_dma semaphore(%arg13 : memref<!tpu.dma_semaphore, #tpu.memory_space<semaphore_mem>>) src(%dma_wait3A_225 : memref<10112x128xf32, #tpu.memory_space<hbm>>) dst(%arg8 : memref<80x128xf32, #tpu.memory_space<vmem>>)
      "tpu.region"() ({
        %run_scoped3A = tpu.sem_alloc : memref<!tpu.dma_semaphore, #tpu.memory_space<semaphore_mem>>
        %dma_start3A_234 = arith.constant 0 : i32
        %dma_start3A_235 = arith.constant 0 : i32
        %dma_start3A_236 = tpu.memref_slice %arg12[%dma_start3A_234, %dma_start3A_235] : memref<10112x128xf32, #tpu.memory_space<vmem_shared>> -> memref<10112x128xf32, #tpu.memory_space<vmem_shared>>
        tpu.enqueue_indirect_dma source(%arg8 : memref<80x128xf32, #tpu.memory_space<vmem>>) target(%dma_start3A_236 : memref<10112x128xf32, #tpu.memory_space<vmem_shared>>) offsets(%arg7 : memref<80xi32, #tpu.memory_space<vmem>>) semaphore(%run_scoped3A : memref<!tpu.dma_semaphore, #tpu.memory_space<semaphore_mem>>) {add = true}
        %dma_wait3A_237 = arith.constant 0 : i32
        %dma_wait3A_238 = arith.constant 0 : i32
        %dma_wait3A_239 = tpu.memref_slice %arg12[%dma_wait3A_237, %dma_wait3A_238] : memref<10112x128xf32, #tpu.memory_space<vmem_shared>> -> memref<10112x128xf32, #tpu.memory_space<vmem_shared>>
        tpu.wait_indirect_dma semaphore(%run_scoped3A : memref<!tpu.dma_semaphore, #tpu.memory_space<semaphore_mem>>) src(%arg8 : memref<80x128xf32, #tpu.memory_space<vmem>>) dst(%dma_wait3A_239 : memref<10112x128xf32, #tpu.memory_space<vmem_shared>>)
        tpu.yield
      }) : () -> ()
      %add3A_226 = arith.constant 2 : i32
      %add3A_227 = arith.addi %mul3A_152, %add3A_226 : i32
      %lt3A = arith.constant 125 : i32
      %lt3A_228 = arith.cmpi slt, %add3A_227, %lt3A : i32
      %convert_element_type3A = arith.extui %lt3A_228 : i1 to i32
      %cond3A = arith.constant 0 : i32
      %cond3A_229 = arith.cmpi ne, %convert_element_type3A, %cond3A : i32
      scf.if %cond3A_229 {
        %add3A_234 = arith.constant 2 : i32
        %add3A_235 = arith.addi %mul3A_152, %add3A_234 : i32
        %get3A_236 = arith.index_cast %add3A_235 : i32 to index
        %get3A_237 = arith.constant 0 : index
        %get3A_238 = tpu.vector_load %arg5[%get3A_236, %get3A_237] {strides = array<i32>} : memref<125x80xi32, #tpu.memory_space<vmem>>, vector<16xi32>,
        %and3A_239 = arith.constant 16383 : i32
        %and3A_240 = vector.broadcast %and3A_239 : i32 to vector<16xi32>
        %and3A_241 = arith.andi %get3A_238, %and3A_240 : vector<16xi32>
        %swap3A_242 = arith.constant 0 : index
        %swap3A_243 = tpu.vector_load %arg6[%swap3A_242] {strides = array<i32>} : memref<80xi32, #tpu.memory_space<vmem>>, vector<16xi32>,
        tpu.vector_store %arg6[%swap3A_242], %and3A_241 {strides = array<i32>} : memref<80xi32, #tpu.memory_space<vmem>>, vector<16xi32>,
        %shift_right_logical3A_244 = arith.constant 14 : i32
        %shift_right_logical3A_245 = vector.broadcast %shift_right_logical3A_244 : i32 to vector<16xi32>
        %shift_right_logical3A_246 = arith.shrui %get3A_238, %shift_right_logical3A_245 : vector<16xi32>
        %swap3A_247 = arith.constant 0 : index
        %swap3A_248 = tpu.vector_load %arg7[%swap3A_247] {strides = array<i32>} : memref<80xi32, #tpu.memory_space<vmem>>, vector<16xi32>,
        tpu.vector_store %arg7[%swap3A_247], %shift_right_logical3A_246 {strides = array<i32>} : memref<80xi32, #tpu.memory_space<vmem>>, vector<16xi32>,
        %get3A_249 = arith.index_cast %add3A_235 : i32 to index
        %get3A_250 = arith.constant 16 : index
        %get3A_251 = tpu.vector_load %arg5[%get3A_249, %get3A_250] {strides = array<i32>} : memref<125x80xi32, #tpu.memory_space<vmem>>, vector<16xi32>,
        %and3A_252 = arith.constant 16383 : i32
        %and3A_253 = vector.broadcast %and3A_252 : i32 to vector<16xi32>
        %and3A_254 = arith.andi %get3A_251, %and3A_253 : vector<16xi32>
        %swap3A_255 = arith.constant 16 : index
        %swap3A_256 = tpu.vector_load %arg6[%swap3A_255] {strides = array<i32>} : memref<80xi32, #tpu.memory_space<vmem>>, vector<16xi32>,
        tpu.vector_store %arg6[%swap3A_255], %and3A_254 {strides = array<i32>} : memref<80xi32, #tpu.memory_space<vmem>>, vector<16xi32>,
        %shift_right_logical3A_257 = arith.constant 14 : i32
        %shift_right_logical3A_258 = vector.broadcast %shift_right_logical3A_257 : i32 to vector<16xi32>
        %shift_right_logical3A_259 = arith.shrui %get3A_251, %shift_right_logical3A_258 : vector<16xi32>
        %swap3A_260 = arith.constant 16 : index
        %swap3A_261 = tpu.vector_load %arg7[%swap3A_260] {strides = array<i32>} : memref<80xi32, #tpu.memory_space<vmem>>, vector<16xi32>,
        tpu.vector_store %arg7[%swap3A_260], %shift_right_logical3A_259 {strides = array<i32>} : memref<80xi32, #tpu.memory_space<vmem>>, vector<16xi32>,
        %get3A_262 = arith.index_cast %add3A_235 : i32 to index
        %get3A_263 = arith.constant 32 : index
        %get3A_264 = tpu.vector_load %arg5[%get3A_262, %get3A_263] {strides = array<i32>} : memref<125x80xi32, #tpu.memory_space<vmem>>, vector<16xi32>,
        %and3A_265 = arith.constant 16383 : i32
        %and3A_266 = vector.broadcast %and3A_265 : i32 to vector<16xi32>
        %and3A_267 = arith.andi %get3A_264, %and3A_266 : vector<16xi32>
        %swap3A_268 = arith.constant 32 : index
        %swap3A_269 = tpu.vector_load %arg6[%swap3A_268] {strides = array<i32>} : memref<80xi32, #tpu.memory_space<vmem>>, vector<16xi32>,
        tpu.vector_store %arg6[%swap3A_268], %and3A_267 {strides = array<i32>} : memref<80xi32, #tpu.memory_space<vmem>>, vector<16xi32>,
        %shift_right_logical3A_270 = arith.constant 14 : i32
        %shift_right_logical3A_271 = vector.broadcast %shift_right_logical3A_270 : i32 to vector<16xi32>
        %shift_right_logical3A_272 = arith.shrui %get3A_264, %shift_right_logical3A_271 : vector<16xi32>
        %swap3A_273 = arith.constant 32 : index
        %swap3A_274 = tpu.vector_load %arg7[%swap3A_273] {strides = array<i32>} : memref<80xi32, #tpu.memory_space<vmem>>, vector<16xi32>,
        tpu.vector_store %arg7[%swap3A_273], %shift_right_logical3A_272 {strides = array<i32>} : memref<80xi32, #tpu.memory_space<vmem>>, vector<16xi32>,
        %get3A_275 = arith.index_cast %add3A_235 : i32 to index
        %get3A_276 = arith.constant 48 : index
        %get3A_277 = tpu.vector_load %arg5[%get3A_275, %get3A_276] {strides = array<i32>} : memref<125x80xi32, #tpu.memory_space<vmem>>, vector<16xi32>,
        %and3A_278 = arith.constant 16383 : i32
        %and3A_279 = vector.broadcast %and3A_278 : i32 to vector<16xi32>
        %and3A_280 = arith.andi %get3A_277, %and3A_279 : vector<16xi32>
        %swap3A_281 = arith.constant 48 : index
        %swap3A_282 = tpu.vector_load %arg6[%swap3A_281] {strides = array<i32>} : memref<80xi32, #tpu.memory_space<vmem>>, vector<16xi32>,
        tpu.vector_store %arg6[%swap3A_281], %and3A_280 {strides = array<i32>} : memref<80xi32, #tpu.memory_space<vmem>>, vector<16xi32>,
        %shift_right_logical3A_283 = arith.constant 14 : i32
        %shift_right_logical3A_284 = vector.broadcast %shift_right_logical3A_283 : i32 to vector<16xi32>
        %shift_right_logical3A_285 = arith.shrui %get3A_277, %shift_right_logical3A_284 : vector<16xi32>
        %swap3A_286 = arith.constant 48 : index
        %swap3A_287 = tpu.vector_load %arg7[%swap3A_286] {strides = array<i32>} : memref<80xi32, #tpu.memory_space<vmem>>, vector<16xi32>,
        tpu.vector_store %arg7[%swap3A_286], %shift_right_logical3A_285 {strides = array<i32>} : memref<80xi32, #tpu.memory_space<vmem>>, vector<16xi32>,
        %get3A_288 = arith.index_cast %add3A_235 : i32 to index
        %get3A_289 = arith.constant 64 : index
        %get3A_290 = tpu.vector_load %arg5[%get3A_288, %get3A_289] {strides = array<i32>} : memref<125x80xi32, #tpu.memory_space<vmem>>, vector<16xi32>,
        %and3A_291 = arith.constant 16383 : i32
        %and3A_292 = vector.broadcast %and3A_291 : i32 to vector<16xi32>
        %and3A_293 = arith.andi %get3A_290, %and3A_292 : vector<16xi32>
        %swap3A_294 = arith.constant 64 : index
        %swap3A_295 = tpu.vector_load %arg6[%swap3A_294] {strides = array<i32>} : memref<80xi32, #tpu.memory_space<vmem>>, vector<16xi32>,
        tpu.vector_store %arg6[%swap3A_294], %and3A_293 {strides = array<i32>} : memref<80xi32, #tpu.memory_space<vmem>>, vector<16xi32>,
        %shift_right_logical3A_296 = arith.constant 14 : i32
        %shift_right_logical3A_297 = vector.broadcast %shift_right_logical3A_296 : i32 to vector<16xi32>
        %shift_right_logical3A_298 = arith.shrui %get3A_290, %shift_right_logical3A_297 : vector<16xi32>
        %swap3A_299 = arith.constant 64 : index
        %swap3A_300 = tpu.vector_load %arg7[%swap3A_299] {strides = array<i32>} : memref<80xi32, #tpu.memory_space<vmem>>, vector<16xi32>,
        tpu.vector_store %arg7[%swap3A_299], %shift_right_logical3A_298 {strides = array<i32>} : memref<80xi32, #tpu.memory_space<vmem>>, vector<16xi32>,
        %dma_start3A_301 = arith.constant 0 : i32
        %dma_start3A_302 = arith.constant 0 : i32
        %dma_start3A_303 = tpu.memref_slice %arg2[%dma_start3A_301, %dma_start3A_302] : memref<10112x128xf32, #tpu.memory_space<hbm>> -> memref<10112x128xf32, #tpu.memory_space<hbm>>
        tpu.enqueue_indirect_dma source(%dma_start3A_303 : memref<10112x128xf32, #tpu.memory_space<hbm>>) target(%arg8 : memref<80x128xf32, #tpu.memory_space<vmem>>) offsets(%arg6 : memref<80xi32, #tpu.memory_space<vmem>>) semaphore(%arg13 : memref<!tpu.dma_semaphore, #tpu.memory_space<semaphore_mem>>)
      } else {
      }
      %dma_wait3A_230 = arith.constant 0 : i32
      %dma_wait3A_231 = arith.constant 0 : i32
      %dma_wait3A_232 = tpu.memref_slice %arg2[%dma_wait3A_230, %dma_wait3A_231] : memref<10112x128xf32, #tpu.memory_space<hbm>> -> memref<10112x128xf32, #tpu.memory_space<hbm>>
      tpu.wait_indirect_dma semaphore(%arg14 : memref<!tpu.dma_semaphore, #tpu.memory_space<semaphore_mem>>) src(%dma_wait3A_232 : memref<10112x128xf32, #tpu.memory_space<hbm>>) dst(%arg11 : memref<80x128xf32, #tpu.memory_space<vmem>>)
      "tpu.region"() ({
        %run_scoped3A = tpu.sem_alloc : memref<!tpu.dma_semaphore, #tpu.memory_space<semaphore_mem>>
        %dma_start3A_234 = arith.constant 0 : i32
        %dma_start3A_235 = arith.constant 0 : i32
        %dma_start3A_236 = tpu.memref_slice %arg12[%dma_start3A_234, %dma_start3A_235] : memref<10112x128xf32, #tpu.memory_space<vmem_shared>> -> memref<10112x128xf32, #tpu.memory_space<vmem_shared>>
        tpu.enqueue_indirect_dma source(%arg11 : memref<80x128xf32, #tpu.memory_space<vmem>>) target(%dma_start3A_236 : memref<10112x128xf32, #tpu.memory_space<vmem_shared>>) offsets(%arg10 : memref<80xi32, #tpu.memory_space<vmem>>) semaphore(%run_scoped3A : memref<!tpu.dma_semaphore, #tpu.memory_space<semaphore_mem>>) {add = true}
        %dma_wait3A_237 = arith.constant 0 : i32
        %dma_wait3A_238 = arith.constant 0 : i32
        %dma_wait3A_239 = tpu.memref_slice %arg12[%dma_wait3A_237, %dma_wait3A_238] : memref<10112x128xf32, #tpu.memory_space<vmem_shared>> -> memref<10112x128xf32, #tpu.memory_space<vmem_shared>>
        tpu.wait_indirect_dma semaphore(%run_scoped3A : memref<!tpu.dma_semaphore, #tpu.memory_space<semaphore_mem>>) src(%arg11 : memref<80x128xf32, #tpu.memory_space<vmem>>) dst(%dma_wait3A_239 : memref<10112x128xf32, #tpu.memory_space<vmem_shared>>)
        tpu.yield
      }) : () -> ()
      %scan3A_233 = arith.constant 0 : i32
      scf.yield %scan3A_233 : i32
    }
    %scan3A_113 = arith.constant 62 : i32
    %dma_wait3A = arith.constant 0 : i32
    %dma_wait3A_114 = arith.constant 0 : i32
    %dma_wait3A_115 = tpu.memref_slice %arg2[%dma_wait3A, %dma_wait3A_114] : memref<10112x128xf32, #tpu.memory_space<hbm>> -> memref<10112x128xf32, #tpu.memory_space<hbm>>
    tpu.wait_indirect_dma semaphore(%arg13 : memref<!tpu.dma_semaphore, #tpu.memory_space<semaphore_mem>>) src(%dma_wait3A_115 : memref<10112x128xf32, #tpu.memory_space<hbm>>) dst(%arg8 : memref<80x128xf32, #tpu.memory_space<vmem>>)
    "tpu.region"() ({
      %run_scoped3A = tpu.sem_alloc : memref<!tpu.dma_semaphore, #tpu.memory_space<semaphore_mem>>
      %dma_start3A_149 = arith.constant 0 : i32
      %dma_start3A_150 = arith.constant 0 : i32
      %dma_start3A_151 = tpu.memref_slice %arg12[%dma_start3A_149, %dma_start3A_150] : memref<10112x128xf32, #tpu.memory_space<vmem_shared>> -> memref<10112x128xf32, #tpu.memory_space<vmem_shared>>
      tpu.enqueue_indirect_dma source(%arg8 : memref<80x128xf32, #tpu.memory_space<vmem>>) target(%dma_start3A_151 : memref<10112x128xf32, #tpu.memory_space<vmem_shared>>) offsets(%arg7 : memref<80xi32, #tpu.memory_space<vmem>>) semaphore(%run_scoped3A : memref<!tpu.dma_semaphore, #tpu.memory_space<semaphore_mem>>) {add = true}
      %dma_wait3A_152 = arith.constant 0 : i32
      %dma_wait3A_153 = arith.constant 0 : i32
      %dma_wait3A_154 = tpu.memref_slice %arg12[%dma_wait3A_152, %dma_wait3A_153] : memref<10112x128xf32, #tpu.memory_space<vmem_shared>> -> memref<10112x128xf32, #tpu.memory_space<vmem_shared>>
      tpu.wait_indirect_dma semaphore(%run_scoped3A : memref<!tpu.dma_semaphore, #tpu.memory_space<semaphore_mem>>) src(%arg8 : memref<80x128xf32, #tpu.memory_space<vmem>>) dst(%dma_wait3A_154 : memref<10112x128xf32, #tpu.memory_space<vmem_shared>>)
      tpu.yield
    }) : () -> ()
    %barrier3A_116 = arith.constant 0 : index
    tpu.barrier barrier_id(%barrier3A_116)
    %mul3A_117 = arith.constant 632 : i32
    %mul3A_118 = arith.muli %arg1, %mul3A_117 : i32
    %add3A_119 = arith.constant 0 : i32
    %add3A_120 = arith.addi %mul3A_118, %add3A_119 : i32
    "tpu.region"() ({
      %run_scoped3A = tpu.sem_alloc : memref<!tpu.dma_semaphore, #tpu.memory_space<semaphore_mem>>
      %dma_start3A_149 = arith.constant 0 : i32
      %dma_start3A_150 = arith.constant 0 : i32
      %dma_start3A_151 = tpu.memref_slice %arg8[%dma_start3A_149, %dma_start3A_150] : memref<80x128xf32, #tpu.memory_space<vmem>> -> memref<80x128xf32, #tpu.memory_space<vmem>>
      %dma_start3A_152 = arith.constant 0 : i32
      %dma_start3A_153 = tpu.memref_slice %arg12[%add3A_120, %dma_start3A_152] : memref<10112x128xf32, #tpu.memory_space<vmem_shared>> -> memref<80x128xf32, #tpu.memory_space<vmem_shared>>
      %dma_start3A_154 = arith.constant 0 : i32
      %dma_start3A_155 = arith.constant 0 : i32
      %dma_start3A_156 = tpu.memref_slice %arg8[%dma_start3A_154, %dma_start3A_155] : memref<80x128xf32, #tpu.memory_space<vmem>> -> memref<80x128xf32, #tpu.memory_space<vmem>>
      %dma_start3A_157 = arith.constant 0 : i32
      %dma_start3A_158 = tpu.memref_slice %arg12[%add3A_120, %dma_start3A_157] : memref<10112x128xf32, #tpu.memory_space<vmem_shared>> -> memref<80x128xf32, #tpu.memory_space<vmem_shared>>
      tpu.enqueue_dma source(%dma_start3A_158 : memref<80x128xf32, #tpu.memory_space<vmem_shared>>) target(%dma_start3A_156 : memref<80x128xf32, #tpu.memory_space<vmem>>) target_semaphore(%run_scoped3A : memref<!tpu.dma_semaphore, #tpu.memory_space<semaphore_mem>>)
      %dma_wait3A_159 = arith.constant 0 : i32
      %dma_wait3A_160 = arith.constant 0 : i32
      %dma_wait3A_161 = tpu.memref_slice %arg8[%dma_wait3A_159, %dma_wait3A_160] : memref<80x128xf32, #tpu.memory_space<vmem>> -> memref<80x128xf32, #tpu.memory_space<vmem>>
      %dma_wait3A_162 = arith.constant 0 : i32
      %dma_wait3A_163 = tpu.memref_slice %arg12[%add3A_120, %dma_wait3A_162] : memref<10112x128xf32, #tpu.memory_space<vmem_shared>> -> memref<80x128xf32, #tpu.memory_space<vmem_shared>>
      %dma_wait3A_164 = arith.constant 0 : i32
      %dma_wait3A_165 = arith.constant 0 : i32
      %dma_wait3A_166 = tpu.memref_slice %arg8[%dma_wait3A_164, %dma_wait3A_165] : memref<80x128xf32, #tpu.memory_space<vmem>> -> memref<80x128xf32, #tpu.memory_space<vmem>>
      %dma_wait3A_167 = arith.constant 0 : i32
      %dma_wait3A_168 = tpu.memref_slice %arg12[%add3A_120, %dma_wait3A_167] : memref<10112x128xf32, #tpu.memory_space<vmem_shared>> -> memref<80x128xf32, #tpu.memory_space<vmem_shared>>
      tpu.wait_dma2 semaphore(%run_scoped3A : memref<!tpu.dma_semaphore, #tpu.memory_space<semaphore_mem>>) src(%dma_wait3A_168 : memref<80x128xf32, #tpu.memory_space<vmem_shared>>) dst(%dma_wait3A_166 : memref<80x128xf32, #tpu.memory_space<vmem>>)
      tpu.yield
    }) : () -> ()
    "tpu.region"() ({
      %run_scoped3A = tpu.sem_alloc : memref<!tpu.dma_semaphore, #tpu.memory_space<semaphore_mem>>
      %dma_start3A_149 = arith.constant 0 : i32
      %dma_start3A_150 = arith.constant 0 : i32
      %dma_start3A_151 = tpu.memref_slice %arg8[%dma_start3A_149, %dma_start3A_150] : memref<80x128xf32, #tpu.memory_space<vmem>> -> memref<80x128xf32, #tpu.memory_space<vmem>>
      %dma_start3A_152 = arith.constant 0 : i32
      %dma_start3A_153 = tpu.memref_slice %arg4[%arg0, %add3A_120, %dma_start3A_152] : memref<2x10112x128xf32, #tpu.memory_space<hbm>> -> memref<1x80x128xf32, #tpu.memory_space<hbm>>
      %dma_start3A_154 = tpu.memref_squeeze %dma_start3A_153 : memref<1x80x128xf32, #tpu.memory_space<hbm>> -> memref<80x128xf32, #tpu.memory_space<hbm>>
      %dma_start3A_155 = arith.constant 0 : i32
      %dma_start3A_156 = tpu.memref_slice %arg4[%arg0, %add3A_120, %dma_start3A_155] : memref<2x10112x128xf32, #tpu.memory_space<hbm>> -> memref<1x80x128xf32, #tpu.memory_space<hbm>>
      %dma_start3A_157 = tpu.memref_squeeze %dma_start3A_156 : memref<1x80x128xf32, #tpu.memory_space<hbm>> -> memref<80x128xf32, #tpu.memory_space<hbm>>
      %dma_start3A_158 = arith.constant 0 : i32
      %dma_start3A_159 = arith.constant 0 : i32
      %dma_start3A_160 = tpu.memref_slice %arg8[%dma_start3A_158, %dma_start3A_159] : memref<80x128xf32, #tpu.memory_space<vmem>> -> memref<80x128xf32, #tpu.memory_space<vmem>>
      tpu.enqueue_dma source(%dma_start3A_160 : memref<80x128xf32, #tpu.memory_space<vmem>>) target(%dma_start3A_157 : memref<80x128xf32, #tpu.memory_space<hbm>>) target_semaphore(%run_scoped3A : memref<!tpu.dma_semaphore, #tpu.memory_space<semaphore_mem>>)
      %dma_wait3A_161 = arith.constant 0 : i32
      %dma_wait3A_162 = arith.constant 0 : i32
      %dma_wait3A_163 = tpu.memref_slice %arg8[%dma_wait3A_161, %dma_wait3A_162] : memref<80x128xf32, #tpu.memory_space<vmem>> -> memref<80x128xf32, #tpu.memory_space<vmem>>
      %dma_wait3A_164 = arith.constant 0 : i32
      %dma_wait3A_165 = tpu.memref_slice %arg4[%arg0, %add3A_120, %dma_wait3A_164] : memref<2x10112x128xf32, #tpu.memory_space<hbm>> -> memref<1x80x128xf32, #tpu.memory_space<hbm>>
      %dma_wait3A_166 = tpu.memref_squeeze %dma_wait3A_165 : memref<1x80x128xf32, #tpu.memory_space<hbm>> -> memref<80x128xf32, #tpu.memory_space<hbm>>
      %dma_wait3A_167 = arith.constant 0 : i32
      %dma_wait3A_168 = tpu.memref_slice %arg4[%arg0, %add3A_120, %dma_wait3A_167] : memref<2x10112x128xf32, #tpu.memory_space<hbm>> -> memref<1x80x128xf32, #tpu.memory_space<hbm>>
      %dma_wait3A_169 = tpu.memref_squeeze %dma_wait3A_168 : memref<1x80x128xf32, #tpu.memory_space<hbm>> -> memref<80x128xf32, #tpu.memory_space<hbm>>
      %dma_wait3A_170 = arith.constant 0 : i32
      %dma_wait3A_171 = arith.constant 0 : i32
      %dma_wait3A_172 = tpu.memref_slice %arg8[%dma_wait3A_170, %dma_wait3A_171] : memref<80x128xf32, #tpu.memory_space<vmem>> -> memref<80x128xf32, #tpu.memory_space<vmem>>
      tpu.wait_dma2 semaphore(%run_scoped3A : memref<!tpu.dma_semaphore, #tpu.memory_space<semaphore_mem>>) src(%dma_wait3A_172 : memref<80x128xf32, #tpu.memory_space<vmem>>) dst(%dma_wait3A_169 : memref<80x128xf32, #tpu.memory_space<hbm>>)
      tpu.yield
    }) : () -> ()
    %mul3A_121 = arith.constant 632 : i32
    %mul3A_122 = arith.muli %arg1, %mul3A_121 : i32
    %add3A_123 = arith.constant 80 : i32
    %add3A_124 = arith.addi %mul3A_122, %add3A_123 : i32
    "tpu.region"() ({
      %run_scoped3A = tpu.sem_alloc : memref<!tpu.dma_semaphore, #tpu.memory_space<semaphore_mem>>
      %dma_start3A_149 = arith.constant 0 : i32
      %dma_start3A_150 = arith.constant 0 : i32
      %dma_start3A_151 = tpu.memref_slice %arg11[%dma_start3A_149, %dma_start3A_150] : memref<80x128xf32, #tpu.memory_space<vmem>> -> memref<80x128xf32, #tpu.memory_space<vmem>>
      %dma_start3A_152 = arith.constant 0 : i32
      %dma_start3A_153 = tpu.memref_slice %arg12[%add3A_124, %dma_start3A_152] : memref<10112x128xf32, #tpu.memory_space<vmem_shared>> -> memref<80x128xf32, #tpu.memory_space<vmem_shared>>
      %dma_start3A_154 = arith.constant 0 : i32
      %dma_start3A_155 = arith.constant 0 : i32
      %dma_start3A_156 = tpu.memref_slice %arg11[%dma_start3A_154, %dma_start3A_155] : memref<80x128xf32, #tpu.memory_space<vmem>> -> memref<80x128xf32, #tpu.memory_space<vmem>>
      %dma_start3A_157 = arith.constant 0 : i32
      %dma_start3A_158 = tpu.memref_slice %arg12[%add3A_124, %dma_start3A_157] : memref<10112x128xf32, #tpu.memory_space<vmem_shared>> -> memref<80x128xf32, #tpu.memory_space<vmem_shared>>
      tpu.enqueue_dma source(%dma_start3A_158 : memref<80x128xf32, #tpu.memory_space<vmem_shared>>) target(%dma_start3A_156 : memref<80x128xf32, #tpu.memory_space<vmem>>) target_semaphore(%run_scoped3A : memref<!tpu.dma_semaphore, #tpu.memory_space<semaphore_mem>>)
      %dma_wait3A_159 = arith.constant 0 : i32
      %dma_wait3A_160 = arith.constant 0 : i32
      %dma_wait3A_161 = tpu.memref_slice %arg11[%dma_wait3A_159, %dma_wait3A_160] : memref<80x128xf32, #tpu.memory_space<vmem>> -> memref<80x128xf32, #tpu.memory_space<vmem>>
      %dma_wait3A_162 = arith.constant 0 : i32
      %dma_wait3A_163 = tpu.memref_slice %arg12[%add3A_124, %dma_wait3A_162] : memref<10112x128xf32, #tpu.memory_space<vmem_shared>> -> memref<80x128xf32, #tpu.memory_space<vmem_shared>>
      %dma_wait3A_164 = arith.constant 0 : i32
      %dma_wait3A_165 = arith.constant 0 : i32
      %dma_wait3A_166 = tpu.memref_slice %arg11[%dma_wait3A_164, %dma_wait3A_165] : memref<80x128xf32, #tpu.memory_space<vmem>> -> memref<80x128xf32, #tpu.memory_space<vmem>>
      %dma_wait3A_167 = arith.constant 0 : i32
      %dma_wait3A_168 = tpu.memref_slice %arg12[%add3A_124, %dma_wait3A_167] : memref<10112x128xf32, #tpu.memory_space<vmem_shared>> -> memref<80x128xf32, #tpu.memory_space<vmem_shared>>
      tpu.wait_dma2 semaphore(%run_scoped3A : memref<!tpu.dma_semaphore, #tpu.memory_space<semaphore_mem>>) src(%dma_wait3A_168 : memref<80x128xf32, #tpu.memory_space<vmem_shared>>) dst(%dma_wait3A_166 : memref<80x128xf32, #tpu.memory_space<vmem>>)
      tpu.yield
    }) : () -> ()
    "tpu.region"() ({
      %run_scoped3A = tpu.sem_alloc : memref<!tpu.dma_semaphore, #tpu.memory_space<semaphore_mem>>
      %dma_start3A_149 = arith.constant 0 : i32
      %dma_start3A_150 = arith.constant 0 : i32
      %dma_start3A_151 = tpu.memref_slice %arg11[%dma_start3A_149, %dma_start3A_150] : memref<80x128xf32, #tpu.memory_space<vmem>> -> memref<80x128xf32, #tpu.memory_space<vmem>>
      %dma_start3A_152 = arith.constant 0 : i32
      %dma_start3A_153 = tpu.memref_slice %arg4[%arg0, %add3A_124, %dma_start3A_152] : memref<2x10112x128xf32, #tpu.memory_space<hbm>> -> memref<1x80x128xf32, #tpu.memory_space<hbm>>
      %dma_start3A_154 = tpu.memref_squeeze %dma_start3A_153 : memref<1x80x128xf32, #tpu.memory_space<hbm>> -> memref<80x128xf32, #tpu.memory_space<hbm>>
      %dma_start3A_155 = arith.constant 0 : i32
      %dma_start3A_156 = tpu.memref_slice %arg4[%arg0, %add3A_124, %dma_start3A_155] : memref<2x10112x128xf32, #tpu.memory_space<hbm>> -> memref<1x80x128xf32, #tpu.memory_space<hbm>>
      %dma_start3A_157 = tpu.memref_squeeze %dma_start3A_156 : memref<1x80x128xf32, #tpu.memory_space<hbm>> -> memref<80x128xf32, #tpu.memory_space<hbm>>
      %dma_start3A_158 = arith.constant 0 : i32
      %dma_start3A_159 = arith.constant 0 : i32
      %dma_start3A_160 = tpu.memref_slice %arg11[%dma_start3A_158, %dma_start3A_159] : memref<80x128xf32, #tpu.memory_space<vmem>> -> memref<80x128xf32, #tpu.memory_space<vmem>>
      tpu.enqueue_dma source(%dma_start3A_160 : memref<80x128xf32, #tpu.memory_space<vmem>>) target(%dma_start3A_157 : memref<80x128xf32, #tpu.memory_space<hbm>>) target_semaphore(%run_scoped3A : memref<!tpu.dma_semaphore, #tpu.memory_space<semaphore_mem>>)
      %dma_wait3A_161 = arith.constant 0 : i32
      %dma_wait3A_162 = arith.constant 0 : i32
      %dma_wait3A_163 = tpu.memref_slice %arg11[%dma_wait3A_161, %dma_wait3A_162] : memref<80x128xf32, #tpu.memory_space<vmem>> -> memref<80x128xf32, #tpu.memory_space<vmem>>
      %dma_wait3A_164 = arith.constant 0 : i32
      %dma_wait3A_165 = tpu.memref_slice %arg4[%arg0, %add3A_124, %dma_wait3A_164] : memref<2x10112x128xf32, #tpu.memory_space<hbm>> -> memref<1x80x128xf32, #tpu.memory_space<hbm>>
      %dma_wait3A_166 = tpu.memref_squeeze %dma_wait3A_165 : memref<1x80x128xf32, #tpu.memory_space<hbm>> -> memref<80x128xf32, #tpu.memory_space<hbm>>
      %dma_wait3A_167 = arith.constant 0 : i32
      %dma_wait3A_168 = tpu.memref_slice %arg4[%arg0, %add3A_124, %dma_wait3A_167] : memref<2x10112x128xf32, #tpu.memory_space<hbm>> -> memref<1x80x128xf32, #tpu.memory_space<hbm>>
      %dma_wait3A_169 = tpu.memref_squeeze %dma_wait3A_168 : memref<1x80x128xf32, #tpu.memory_space<hbm>> -> memref<80x128xf32, #tpu.memory_space<hbm>>
      %dma_wait3A_170 = arith.constant 0 : i32
      %dma_wait3A_171 = arith.constant 0 : i32
      %dma_wait3A_172 = tpu.memref_slice %arg11[%dma_wait3A_170, %dma_wait3A_171] : memref<80x128xf32, #tpu.memory_space<vmem>> -> memref<80x128xf32, #tpu.memory_space<vmem>>
      tpu.wait_dma2 semaphore(%run_scoped3A : memref<!tpu.dma_semaphore, #tpu.memory_space<semaphore_mem>>) src(%dma_wait3A_172 : memref<80x128xf32, #tpu.memory_space<vmem>>) dst(%dma_wait3A_169 : memref<80x128xf32, #tpu.memory_space<hbm>>)
      tpu.yield
    }) : () -> ()
    %mul3A_125 = arith.constant 632 : i32
    %mul3A_126 = arith.muli %arg1, %mul3A_125 : i32
    %add3A_127 = arith.constant 160 : i32
    %add3A_128 = arith.addi %mul3A_126, %add3A_127 : i32
    "tpu.region"() ({
      %run_scoped3A = tpu.sem_alloc : memref<!tpu.dma_semaphore, #tpu.memory_space<semaphore_mem>>
      %dma_start3A_149 = arith.constant 0 : i32
      %dma_start3A_150 = arith.constant 0 : i32
      %dma_start3A_151 = tpu.memref_slice %arg8[%dma_start3A_149, %dma_start3A_150] : memref<80x128xf32, #tpu.memory_space<vmem>> -> memref<80x128xf32, #tpu.memory_space<vmem>>
      %dma_start3A_152 = arith.constant 0 : i32
      %dma_start3A_153 = tpu.memref_slice %arg12[%add3A_128, %dma_start3A_152] : memref<10112x128xf32, #tpu.memory_space<vmem_shared>> -> memref<80x128xf32, #tpu.memory_space<vmem_shared>>
      %dma_start3A_154 = arith.constant 0 : i32
      %dma_start3A_155 = arith.constant 0 : i32
      %dma_start3A_156 = tpu.memref_slice %arg8[%dma_start3A_154, %dma_start3A_155] : memref<80x128xf32, #tpu.memory_space<vmem>> -> memref<80x128xf32, #tpu.memory_space<vmem>>
      %dma_start3A_157 = arith.constant 0 : i32
      %dma_start3A_158 = tpu.memref_slice %arg12[%add3A_128, %dma_start3A_157] : memref<10112x128xf32, #tpu.memory_space<vmem_shared>> -> memref<80x128xf32, #tpu.memory_space<vmem_shared>>
      tpu.enqueue_dma source(%dma_start3A_158 : memref<80x128xf32, #tpu.memory_space<vmem_shared>>) target(%dma_start3A_156 : memref<80x128xf32, #tpu.memory_space<vmem>>) target_semaphore(%run_scoped3A : memref<!tpu.dma_semaphore, #tpu.memory_space<semaphore_mem>>)
      %dma_wait3A_159 = arith.constant 0 : i32
      %dma_wait3A_160 = arith.constant 0 : i32
      %dma_wait3A_161 = tpu.memref_slice %arg8[%dma_wait3A_159, %dma_wait3A_160] : memref<80x128xf32, #tpu.memory_space<vmem>> -> memref<80x128xf32, #tpu.memory_space<vmem>>
      %dma_wait3A_162 = arith.constant 0 : i32
      %dma_wait3A_163 = tpu.memref_slice %arg12[%add3A_128, %dma_wait3A_162] : memref<10112x128xf32, #tpu.memory_space<vmem_shared>> -> memref<80x128xf32, #tpu.memory_space<vmem_shared>>
      %dma_wait3A_164 = arith.constant 0 : i32
      %dma_wait3A_165 = arith.constant 0 : i32
      %dma_wait3A_166 = tpu.memref_slice %arg8[%dma_wait3A_164, %dma_wait3A_165] : memref<80x128xf32, #tpu.memory_space<vmem>> -> memref<80x128xf32, #tpu.memory_space<vmem>>
      %dma_wait3A_167 = arith.constant 0 : i32
      %dma_wait3A_168 = tpu.memref_slice %arg12[%add3A_128, %dma_wait3A_167] : memref<10112x128xf32, #tpu.memory_space<vmem_shared>> -> memref<80x128xf32, #tpu.memory_space<vmem_shared>>
      tpu.wait_dma2 semaphore(%run_scoped3A : memref<!tpu.dma_semaphore, #tpu.memory_space<semaphore_mem>>) src(%dma_wait3A_168 : memref<80x128xf32, #tpu.memory_space<vmem_shared>>) dst(%dma_wait3A_166 : memref<80x128xf32, #tpu.memory_space<vmem>>)
      tpu.yield
    }) : () -> ()
    "tpu.region"() ({
      %run_scoped3A = tpu.sem_alloc : memref<!tpu.dma_semaphore, #tpu.memory_space<semaphore_mem>>
      %dma_start3A_149 = arith.constant 0 : i32
      %dma_start3A_150 = arith.constant 0 : i32
      %dma_start3A_151 = tpu.memref_slice %arg8[%dma_start3A_149, %dma_start3A_150] : memref<80x128xf32, #tpu.memory_space<vmem>> -> memref<80x128xf32, #tpu.memory_space<vmem>>
      %dma_start3A_152 = arith.constant 0 : i32
      %dma_start3A_153 = tpu.memref_slice %arg4[%arg0, %add3A_128, %dma_start3A_152] : memref<2x10112x128xf32, #tpu.memory_space<hbm>> -> memref<1x80x128xf32, #tpu.memory_space<hbm>>
      %dma_start3A_154 = tpu.memref_squeeze %dma_start3A_153 : memref<1x80x128xf32, #tpu.memory_space<hbm>> -> memref<80x128xf32, #tpu.memory_space<hbm>>
      %dma_start3A_155 = arith.constant 0 : i32
      %dma_start3A_156 = tpu.memref_slice %arg4[%arg0, %add3A_128, %dma_start3A_155] : memref<2x10112x128xf32, #tpu.memory_space<hbm>> -> memref<1x80x128xf32, #tpu.memory_space<hbm>>
      %dma_start3A_157 = tpu.memref_squeeze %dma_start3A_156 : memref<1x80x128xf32, #tpu.memory_space<hbm>> -> memref<80x128xf32, #tpu.memory_space<hbm>>
      %dma_start3A_158 = arith.constant 0 : i32
      %dma_start3A_159 = arith.constant 0 : i32
      %dma_start3A_160 = tpu.memref_slice %arg8[%dma_start3A_158, %dma_start3A_159] : memref<80x128xf32, #tpu.memory_space<vmem>> -> memref<80x128xf32, #tpu.memory_space<vmem>>
      tpu.enqueue_dma source(%dma_start3A_160 : memref<80x128xf32, #tpu.memory_space<vmem>>) target(%dma_start3A_157 : memref<80x128xf32, #tpu.memory_space<hbm>>) target_semaphore(%run_scoped3A : memref<!tpu.dma_semaphore, #tpu.memory_space<semaphore_mem>>)
      %dma_wait3A_161 = arith.constant 0 : i32
      %dma_wait3A_162 = arith.constant 0 : i32
      %dma_wait3A_163 = tpu.memref_slice %arg8[%dma_wait3A_161, %dma_wait3A_162] : memref<80x128xf32, #tpu.memory_space<vmem>> -> memref<80x128xf32, #tpu.memory_space<vmem>>
      %dma_wait3A_164 = arith.constant 0 : i32
      %dma_wait3A_165 = tpu.memref_slice %arg4[%arg0, %add3A_128, %dma_wait3A_164] : memref<2x10112x128xf32, #tpu.memory_space<hbm>> -> memref<1x80x128xf32, #tpu.memory_space<hbm>>
      %dma_wait3A_166 = tpu.memref_squeeze %dma_wait3A_165 : memref<1x80x128xf32, #tpu.memory_space<hbm>> -> memref<80x128xf32, #tpu.memory_space<hbm>>
      %dma_wait3A_167 = arith.constant 0 : i32
      %dma_wait3A_168 = tpu.memref_slice %arg4[%arg0, %add3A_128, %dma_wait3A_167] : memref<2x10112x128xf32, #tpu.memory_space<hbm>> -> memref<1x80x128xf32, #tpu.memory_space<hbm>>
      %dma_wait3A_169 = tpu.memref_squeeze %dma_wait3A_168 : memref<1x80x128xf32, #tpu.memory_space<hbm>> -> memref<80x128xf32, #tpu.memory_space<hbm>>
      %dma_wait3A_170 = arith.constant 0 : i32
      %dma_wait3A_171 = arith.constant 0 : i32
      %dma_wait3A_172 = tpu.memref_slice %arg8[%dma_wait3A_170, %dma_wait3A_171] : memref<80x128xf32, #tpu.memory_space<vmem>> -> memref<80x128xf32, #tpu.memory_space<vmem>>
      tpu.wait_dma2 semaphore(%run_scoped3A : memref<!tpu.dma_semaphore, #tpu.memory_space<semaphore_mem>>) src(%dma_wait3A_172 : memref<80x128xf32, #tpu.memory_space<vmem>>) dst(%dma_wait3A_169 : memref<80x128xf32, #tpu.memory_space<hbm>>)
      tpu.yield
    }) : () -> ()
    %mul3A_129 = arith.constant 632 : i32
    %mul3A_130 = arith.muli %arg1, %mul3A_129 : i32
    %add3A_131 = arith.constant 240 : i32
    %add3A_132 = arith.addi %mul3A_130, %add3A_131 : i32
    "tpu.region"() ({
      %run_scoped3A = tpu.sem_alloc : memref<!tpu.dma_semaphore, #tpu.memory_space<semaphore_mem>>
      %dma_start3A_149 = arith.constant 0 : i32
      %dma_start3A_150 = arith.constant 0 : i32
      %dma_start3A_151 = tpu.memref_slice %arg11[%dma_start3A_149, %dma_start3A_150] : memref<80x128xf32, #tpu.memory_space<vmem>> -> memref<80x128xf32, #tpu.memory_space<vmem>>
      %dma_start3A_152 = arith.constant 0 : i32
      %dma_start3A_153 = tpu.memref_slice %arg12[%add3A_132, %dma_start3A_152] : memref<10112x128xf32, #tpu.memory_space<vmem_shared>> -> memref<80x128xf32, #tpu.memory_space<vmem_shared>>
      %dma_start3A_154 = arith.constant 0 : i32
      %dma_start3A_155 = arith.constant 0 : i32
      %dma_start3A_156 = tpu.memref_slice %arg11[%dma_start3A_154, %dma_start3A_155] : memref<80x128xf32, #tpu.memory_space<vmem>> -> memref<80x128xf32, #tpu.memory_space<vmem>>
      %dma_start3A_157 = arith.constant 0 : i32
      %dma_start3A_158 = tpu.memref_slice %arg12[%add3A_132, %dma_start3A_157] : memref<10112x128xf32, #tpu.memory_space<vmem_shared>> -> memref<80x128xf32, #tpu.memory_space<vmem_shared>>
      tpu.enqueue_dma source(%dma_start3A_158 : memref<80x128xf32, #tpu.memory_space<vmem_shared>>) target(%dma_start3A_156 : memref<80x128xf32, #tpu.memory_space<vmem>>) target_semaphore(%run_scoped3A : memref<!tpu.dma_semaphore, #tpu.memory_space<semaphore_mem>>)
      %dma_wait3A_159 = arith.constant 0 : i32
      %dma_wait3A_160 = arith.constant 0 : i32
      %dma_wait3A_161 = tpu.memref_slice %arg11[%dma_wait3A_159, %dma_wait3A_160] : memref<80x128xf32, #tpu.memory_space<vmem>> -> memref<80x128xf32, #tpu.memory_space<vmem>>
      %dma_wait3A_162 = arith.constant 0 : i32
      %dma_wait3A_163 = tpu.memref_slice %arg12[%add3A_132, %dma_wait3A_162] : memref<10112x128xf32, #tpu.memory_space<vmem_shared>> -> memref<80x128xf32, #tpu.memory_space<vmem_shared>>
      %dma_wait3A_164 = arith.constant 0 : i32
      %dma_wait3A_165 = arith.constant 0 : i32
      %dma_wait3A_166 = tpu.memref_slice %arg11[%dma_wait3A_164, %dma_wait3A_165] : memref<80x128xf32, #tpu.memory_space<vmem>> -> memref<80x128xf32, #tpu.memory_space<vmem>>
      %dma_wait3A_167 = arith.constant 0 : i32
      %dma_wait3A_168 = tpu.memref_slice %arg12[%add3A_132, %dma_wait3A_167] : memref<10112x128xf32, #tpu.memory_space<vmem_shared>> -> memref<80x128xf32, #tpu.memory_space<vmem_shared>>
      tpu.wait_dma2 semaphore(%run_scoped3A : memref<!tpu.dma_semaphore, #tpu.memory_space<semaphore_mem>>) src(%dma_wait3A_168 : memref<80x128xf32, #tpu.memory_space<vmem_shared>>) dst(%dma_wait3A_166 : memref<80x128xf32, #tpu.memory_space<vmem>>)
      tpu.yield
    }) : () -> ()
    "tpu.region"() ({
      %run_scoped3A = tpu.sem_alloc : memref<!tpu.dma_semaphore, #tpu.memory_space<semaphore_mem>>
      %dma_start3A_149 = arith.constant 0 : i32
      %dma_start3A_150 = arith.constant 0 : i32
      %dma_start3A_151 = tpu.memref_slice %arg11[%dma_start3A_149, %dma_start3A_150] : memref<80x128xf32, #tpu.memory_space<vmem>> -> memref<80x128xf32, #tpu.memory_space<vmem>>
      %dma_start3A_152 = arith.constant 0 : i32
      %dma_start3A_153 = tpu.memref_slice %arg4[%arg0, %add3A_132, %dma_start3A_152] : memref<2x10112x128xf32, #tpu.memory_space<hbm>> -> memref<1x80x128xf32, #tpu.memory_space<hbm>>
      %dma_start3A_154 = tpu.memref_squeeze %dma_start3A_153 : memref<1x80x128xf32, #tpu.memory_space<hbm>> -> memref<80x128xf32, #tpu.memory_space<hbm>>
      %dma_start3A_155 = arith.constant 0 : i32
      %dma_start3A_156 = tpu.memref_slice %arg4[%arg0, %add3A_132, %dma_start3A_155] : memref<2x10112x128xf32, #tpu.memory_space<hbm>> -> memref<1x80x128xf32, #tpu.memory_space<hbm>>
      %dma_start3A_157 = tpu.memref_squeeze %dma_start3A_156 : memref<1x80x128xf32, #tpu.memory_space<hbm>> -> memref<80x128xf32, #tpu.memory_space<hbm>>
      %dma_start3A_158 = arith.constant 0 : i32
      %dma_start3A_159 = arith.constant 0 : i32
      %dma_start3A_160 = tpu.memref_slice %arg11[%dma_start3A_158, %dma_start3A_159] : memref<80x128xf32, #tpu.memory_space<vmem>> -> memref<80x128xf32, #tpu.memory_space<vmem>>
      tpu.enqueue_dma source(%dma_start3A_160 : memref<80x128xf32, #tpu.memory_space<vmem>>) target(%dma_start3A_157 : memref<80x128xf32, #tpu.memory_space<hbm>>) target_semaphore(%run_scoped3A : memref<!tpu.dma_semaphore, #tpu.memory_space<semaphore_mem>>)
      %dma_wait3A_161 = arith.constant 0 : i32
      %dma_wait3A_162 = arith.constant 0 : i32
      %dma_wait3A_163 = tpu.memref_slice %arg11[%dma_wait3A_161, %dma_wait3A_162] : memref<80x128xf32, #tpu.memory_space<vmem>> -> memref<80x128xf32, #tpu.memory_space<vmem>>
      %dma_wait3A_164 = arith.constant 0 : i32
      %dma_wait3A_165 = tpu.memref_slice %arg4[%arg0, %add3A_132, %dma_wait3A_164] : memref<2x10112x128xf32, #tpu.memory_space<hbm>> -> memref<1x80x128xf32, #tpu.memory_space<hbm>>
      %dma_wait3A_166 = tpu.memref_squeeze %dma_wait3A_165 : memref<1x80x128xf32, #tpu.memory_space<hbm>> -> memref<80x128xf32, #tpu.memory_space<hbm>>
      %dma_wait3A_167 = arith.constant 0 : i32
      %dma_wait3A_168 = tpu.memref_slice %arg4[%arg0, %add3A_132, %dma_wait3A_167] : memref<2x10112x128xf32, #tpu.memory_space<hbm>> -> memref<1x80x128xf32, #tpu.memory_space<hbm>>
      %dma_wait3A_169 = tpu.memref_squeeze %dma_wait3A_168 : memref<1x80x128xf32, #tpu.memory_space<hbm>> -> memref<80x128xf32, #tpu.memory_space<hbm>>
      %dma_wait3A_170 = arith.constant 0 : i32
      %dma_wait3A_171 = arith.constant 0 : i32
      %dma_wait3A_172 = tpu.memref_slice %arg11[%dma_wait3A_170, %dma_wait3A_171] : memref<80x128xf32, #tpu.memory_space<vmem>> -> memref<80x128xf32, #tpu.memory_space<vmem>>
      tpu.wait_dma2 semaphore(%run_scoped3A : memref<!tpu.dma_semaphore, #tpu.memory_space<semaphore_mem>>) src(%dma_wait3A_172 : memref<80x128xf32, #tpu.memory_space<vmem>>) dst(%dma_wait3A_169 : memref<80x128xf32, #tpu.memory_space<hbm>>)
      tpu.yield
    }) : () -> ()
    %mul3A_133 = arith.constant 632 : i32
    %mul3A_134 = arith.muli %arg1, %mul3A_133 : i32
    %add3A_135 = arith.constant 320 : i32
    %add3A_136 = arith.addi %mul3A_134, %add3A_135 : i32
    "tpu.region"() ({
      %run_scoped3A = tpu.sem_alloc : memref<!tpu.dma_semaphore, #tpu.memory_space<semaphore_mem>>
      %dma_start3A_149 = arith.constant 0 : i32
      %dma_start3A_150 = arith.constant 0 : i32
      %dma_start3A_151 = tpu.memref_slice %arg8[%dma_start3A_149, %dma_start3A_150] : memref<80x128xf32, #tpu.memory_space<vmem>> -> memref<80x128xf32, #tpu.memory_space<vmem>>
      %dma_start3A_152 = arith.constant 0 : i32
      %dma_start3A_153 = tpu.memref_slice %arg12[%add3A_136, %dma_start3A_152] : memref<10112x128xf32, #tpu.memory_space<vmem_shared>> -> memref<80x128xf32, #tpu.memory_space<vmem_shared>>
      %dma_start3A_154 = arith.constant 0 : i32
      %dma_start3A_155 = arith.constant 0 : i32
      %dma_start3A_156 = tpu.memref_slice %arg8[%dma_start3A_154, %dma_start3A_155] : memref<80x128xf32, #tpu.memory_space<vmem>> -> memref<80x128xf32, #tpu.memory_space<vmem>>
      %dma_start3A_157 = arith.constant 0 : i32
      %dma_start3A_158 = tpu.memref_slice %arg12[%add3A_136, %dma_start3A_157] : memref<10112x128xf32, #tpu.memory_space<vmem_shared>> -> memref<80x128xf32, #tpu.memory_space<vmem_shared>>
      tpu.enqueue_dma source(%dma_start3A_158 : memref<80x128xf32, #tpu.memory_space<vmem_shared>>) target(%dma_start3A_156 : memref<80x128xf32, #tpu.memory_space<vmem>>) target_semaphore(%run_scoped3A : memref<!tpu.dma_semaphore, #tpu.memory_space<semaphore_mem>>)
      %dma_wait3A_159 = arith.constant 0 : i32
      %dma_wait3A_160 = arith.constant 0 : i32
      %dma_wait3A_161 = tpu.memref_slice %arg8[%dma_wait3A_159, %dma_wait3A_160] : memref<80x128xf32, #tpu.memory_space<vmem>> -> memref<80x128xf32, #tpu.memory_space<vmem>>
      %dma_wait3A_162 = arith.constant 0 : i32
      %dma_wait3A_163 = tpu.memref_slice %arg12[%add3A_136, %dma_wait3A_162] : memref<10112x128xf32, #tpu.memory_space<vmem_shared>> -> memref<80x128xf32, #tpu.memory_space<vmem_shared>>
      %dma_wait3A_164 = arith.constant 0 : i32
      %dma_wait3A_165 = arith.constant 0 : i32
      %dma_wait3A_166 = tpu.memref_slice %arg8[%dma_wait3A_164, %dma_wait3A_165] : memref<80x128xf32, #tpu.memory_space<vmem>> -> memref<80x128xf32, #tpu.memory_space<vmem>>
      %dma_wait3A_167 = arith.constant 0 : i32
      %dma_wait3A_168 = tpu.memref_slice %arg12[%add3A_136, %dma_wait3A_167] : memref<10112x128xf32, #tpu.memory_space<vmem_shared>> -> memref<80x128xf32, #tpu.memory_space<vmem_shared>>
      tpu.wait_dma2 semaphore(%run_scoped3A : memref<!tpu.dma_semaphore, #tpu.memory_space<semaphore_mem>>) src(%dma_wait3A_168 : memref<80x128xf32, #tpu.memory_space<vmem_shared>>) dst(%dma_wait3A_166 : memref<80x128xf32, #tpu.memory_space<vmem>>)
      tpu.yield
    }) : () -> ()
    "tpu.region"() ({
      %run_scoped3A = tpu.sem_alloc : memref<!tpu.dma_semaphore, #tpu.memory_space<semaphore_mem>>
      %dma_start3A_149 = arith.constant 0 : i32
      %dma_start3A_150 = arith.constant 0 : i32
      %dma_start3A_151 = tpu.memref_slice %arg8[%dma_start3A_149, %dma_start3A_150] : memref<80x128xf32, #tpu.memory_space<vmem>> -> memref<80x128xf32, #tpu.memory_space<vmem>>
      %dma_start3A_152 = arith.constant 0 : i32
      %dma_start3A_153 = tpu.memref_slice %arg4[%arg0, %add3A_136, %dma_start3A_152] : memref<2x10112x128xf32, #tpu.memory_space<hbm>> -> memref<1x80x128xf32, #tpu.memory_space<hbm>>
      %dma_start3A_154 = tpu.memref_squeeze %dma_start3A_153 : memref<1x80x128xf32, #tpu.memory_space<hbm>> -> memref<80x128xf32, #tpu.memory_space<hbm>>
      %dma_start3A_155 = arith.constant 0 : i32
      %dma_start3A_156 = tpu.memref_slice %arg4[%arg0, %add3A_136, %dma_start3A_155] : memref<2x10112x128xf32, #tpu.memory_space<hbm>> -> memref<1x80x128xf32, #tpu.memory_space<hbm>>
      %dma_start3A_157 = tpu.memref_squeeze %dma_start3A_156 : memref<1x80x128xf32, #tpu.memory_space<hbm>> -> memref<80x128xf32, #tpu.memory_space<hbm>>
      %dma_start3A_158 = arith.constant 0 : i32
      %dma_start3A_159 = arith.constant 0 : i32
      %dma_start3A_160 = tpu.memref_slice %arg8[%dma_start3A_158, %dma_start3A_159] : memref<80x128xf32, #tpu.memory_space<vmem>> -> memref<80x128xf32, #tpu.memory_space<vmem>>
      tpu.enqueue_dma source(%dma_start3A_160 : memref<80x128xf32, #tpu.memory_space<vmem>>) target(%dma_start3A_157 : memref<80x128xf32, #tpu.memory_space<hbm>>) target_semaphore(%run_scoped3A : memref<!tpu.dma_semaphore, #tpu.memory_space<semaphore_mem>>)
      %dma_wait3A_161 = arith.constant 0 : i32
      %dma_wait3A_162 = arith.constant 0 : i32
      %dma_wait3A_163 = tpu.memref_slice %arg8[%dma_wait3A_161, %dma_wait3A_162] : memref<80x128xf32, #tpu.memory_space<vmem>> -> memref<80x128xf32, #tpu.memory_space<vmem>>
      %dma_wait3A_164 = arith.constant 0 : i32
      %dma_wait3A_165 = tpu.memref_slice %arg4[%arg0, %add3A_136, %dma_wait3A_164] : memref<2x10112x128xf32, #tpu.memory_space<hbm>> -> memref<1x80x128xf32, #tpu.memory_space<hbm>>
      %dma_wait3A_166 = tpu.memref_squeeze %dma_wait3A_165 : memref<1x80x128xf32, #tpu.memory_space<hbm>> -> memref<80x128xf32, #tpu.memory_space<hbm>>
      %dma_wait3A_167 = arith.constant 0 : i32
      %dma_wait3A_168 = tpu.memref_slice %arg4[%arg0, %add3A_136, %dma_wait3A_167] : memref<2x10112x128xf32, #tpu.memory_space<hbm>> -> memref<1x80x128xf32, #tpu.memory_space<hbm>>
      %dma_wait3A_169 = tpu.memref_squeeze %dma_wait3A_168 : memref<1x80x128xf32, #tpu.memory_space<hbm>> -> memref<80x128xf32, #tpu.memory_space<hbm>>
      %dma_wait3A_170 = arith.constant 0 : i32
      %dma_wait3A_171 = arith.constant 0 : i32
      %dma_wait3A_172 = tpu.memref_slice %arg8[%dma_wait3A_170, %dma_wait3A_171] : memref<80x128xf32, #tpu.memory_space<vmem>> -> memref<80x128xf32, #tpu.memory_space<vmem>>
      tpu.wait_dma2 semaphore(%run_scoped3A : memref<!tpu.dma_semaphore, #tpu.memory_space<semaphore_mem>>) src(%dma_wait3A_172 : memref<80x128xf32, #tpu.memory_space<vmem>>) dst(%dma_wait3A_169 : memref<80x128xf32, #tpu.memory_space<hbm>>)
      tpu.yield
    }) : () -> ()
    %mul3A_137 = arith.constant 632 : i32
    %mul3A_138 = arith.muli %arg1, %mul3A_137 : i32
    %add3A_139 = arith.constant 400 : i32
    %add3A_140 = arith.addi %mul3A_138, %add3A_139 : i32
    "tpu.region"() ({
      %run_scoped3A = tpu.sem_alloc : memref<!tpu.dma_semaphore, #tpu.memory_space<semaphore_mem>>
      %dma_start3A_149 = arith.constant 0 : i32
      %dma_start3A_150 = arith.constant 0 : i32
      %dma_start3A_151 = tpu.memref_slice %arg11[%dma_start3A_149, %dma_start3A_150] : memref<80x128xf32, #tpu.memory_space<vmem>> -> memref<80x128xf32, #tpu.memory_space<vmem>>
      %dma_start3A_152 = arith.constant 0 : i32
      %dma_start3A_153 = tpu.memref_slice %arg12[%add3A_140, %dma_start3A_152] : memref<10112x128xf32, #tpu.memory_space<vmem_shared>> -> memref<80x128xf32, #tpu.memory_space<vmem_shared>>
      %dma_start3A_154 = arith.constant 0 : i32
      %dma_start3A_155 = arith.constant 0 : i32
      %dma_start3A_156 = tpu.memref_slice %arg11[%dma_start3A_154, %dma_start3A_155] : memref<80x128xf32, #tpu.memory_space<vmem>> -> memref<80x128xf32, #tpu.memory_space<vmem>>
      %dma_start3A_157 = arith.constant 0 : i32
      %dma_start3A_158 = tpu.memref_slice %arg12[%add3A_140, %dma_start3A_157] : memref<10112x128xf32, #tpu.memory_space<vmem_shared>> -> memref<80x128xf32, #tpu.memory_space<vmem_shared>>
      tpu.enqueue_dma source(%dma_start3A_158 : memref<80x128xf32, #tpu.memory_space<vmem_shared>>) target(%dma_start3A_156 : memref<80x128xf32, #tpu.memory_space<vmem>>) target_semaphore(%run_scoped3A : memref<!tpu.dma_semaphore, #tpu.memory_space<semaphore_mem>>)
      %dma_wait3A_159 = arith.constant 0 : i32
      %dma_wait3A_160 = arith.constant 0 : i32
      %dma_wait3A_161 = tpu.memref_slice %arg11[%dma_wait3A_159, %dma_wait3A_160] : memref<80x128xf32, #tpu.memory_space<vmem>> -> memref<80x128xf32, #tpu.memory_space<vmem>>
      %dma_wait3A_162 = arith.constant 0 : i32
      %dma_wait3A_163 = tpu.memref_slice %arg12[%add3A_140, %dma_wait3A_162] : memref<10112x128xf32, #tpu.memory_space<vmem_shared>> -> memref<80x128xf32, #tpu.memory_space<vmem_shared>>
      %dma_wait3A_164 = arith.constant 0 : i32
      %dma_wait3A_165 = arith.constant 0 : i32
      %dma_wait3A_166 = tpu.memref_slice %arg11[%dma_wait3A_164, %dma_wait3A_165] : memref<80x128xf32, #tpu.memory_space<vmem>> -> memref<80x128xf32, #tpu.memory_space<vmem>>
      %dma_wait3A_167 = arith.constant 0 : i32
      %dma_wait3A_168 = tpu.memref_slice %arg12[%add3A_140, %dma_wait3A_167] : memref<10112x128xf32, #tpu.memory_space<vmem_shared>> -> memref<80x128xf32, #tpu.memory_space<vmem_shared>>
      tpu.wait_dma2 semaphore(%run_scoped3A : memref<!tpu.dma_semaphore, #tpu.memory_space<semaphore_mem>>) src(%dma_wait3A_168 : memref<80x128xf32, #tpu.memory_space<vmem_shared>>) dst(%dma_wait3A_166 : memref<80x128xf32, #tpu.memory_space<vmem>>)
      tpu.yield
    }) : () -> ()
    "tpu.region"() ({
      %run_scoped3A = tpu.sem_alloc : memref<!tpu.dma_semaphore, #tpu.memory_space<semaphore_mem>>
      %dma_start3A_149 = arith.constant 0 : i32
      %dma_start3A_150 = arith.constant 0 : i32
      %dma_start3A_151 = tpu.memref_slice %arg11[%dma_start3A_149, %dma_start3A_150] : memref<80x128xf32, #tpu.memory_space<vmem>> -> memref<80x128xf32, #tpu.memory_space<vmem>>
      %dma_start3A_152 = arith.constant 0 : i32
      %dma_start3A_153 = tpu.memref_slice %arg4[%arg0, %add3A_140, %dma_start3A_152] : memref<2x10112x128xf32, #tpu.memory_space<hbm>> -> memref<1x80x128xf32, #tpu.memory_space<hbm>>
      %dma_start3A_154 = tpu.memref_squeeze %dma_start3A_153 : memref<1x80x128xf32, #tpu.memory_space<hbm>> -> memref<80x128xf32, #tpu.memory_space<hbm>>
      %dma_start3A_155 = arith.constant 0 : i32
      %dma_start3A_156 = tpu.memref_slice %arg4[%arg0, %add3A_140, %dma_start3A_155] : memref<2x10112x128xf32, #tpu.memory_space<hbm>> -> memref<1x80x128xf32, #tpu.memory_space<hbm>>
      %dma_start3A_157 = tpu.memref_squeeze %dma_start3A_156 : memref<1x80x128xf32, #tpu.memory_space<hbm>> -> memref<80x128xf32, #tpu.memory_space<hbm>>
      %dma_start3A_158 = arith.constant 0 : i32
      %dma_start3A_159 = arith.constant 0 : i32
      %dma_start3A_160 = tpu.memref_slice %arg11[%dma_start3A_158, %dma_start3A_159] : memref<80x128xf32, #tpu.memory_space<vmem>> -> memref<80x128xf32, #tpu.memory_space<vmem>>
      tpu.enqueue_dma source(%dma_start3A_160 : memref<80x128xf32, #tpu.memory_space<vmem>>) target(%dma_start3A_157 : memref<80x128xf32, #tpu.memory_space<hbm>>) target_semaphore(%run_scoped3A : memref<!tpu.dma_semaphore, #tpu.memory_space<semaphore_mem>>)
      %dma_wait3A_161 = arith.constant 0 : i32
      %dma_wait3A_162 = arith.constant 0 : i32
      %dma_wait3A_163 = tpu.memref_slice %arg11[%dma_wait3A_161, %dma_wait3A_162] : memref<80x128xf32, #tpu.memory_space<vmem>> -> memref<80x128xf32, #tpu.memory_space<vmem>>
      %dma_wait3A_164 = arith.constant 0 : i32
      %dma_wait3A_165 = tpu.memref_slice %arg4[%arg0, %add3A_140, %dma_wait3A_164] : memref<2x10112x128xf32, #tpu.memory_space<hbm>> -> memref<1x80x128xf32, #tpu.memory_space<hbm>>
      %dma_wait3A_166 = tpu.memref_squeeze %dma_wait3A_165 : memref<1x80x128xf32, #tpu.memory_space<hbm>> -> memref<80x128xf32, #tpu.memory_space<hbm>>
      %dma_wait3A_167 = arith.constant 0 : i32
      %dma_wait3A_168 = tpu.memref_slice %arg4[%arg0, %add3A_140, %dma_wait3A_167] : memref<2x10112x128xf32, #tpu.memory_space<hbm>> -> memref<1x80x128xf32, #tpu.memory_space<hbm>>
      %dma_wait3A_169 = tpu.memref_squeeze %dma_wait3A_168 : memref<1x80x128xf32, #tpu.memory_space<hbm>> -> memref<80x128xf32, #tpu.memory_space<hbm>>
      %dma_wait3A_170 = arith.constant 0 : i32
      %dma_wait3A_171 = arith.constant 0 : i32
      %dma_wait3A_172 = tpu.memref_slice %arg11[%dma_wait3A_170, %dma_wait3A_171] : memref<80x128xf32, #tpu.memory_space<vmem>> -> memref<80x128xf32, #tpu.memory_space<vmem>>
      tpu.wait_dma2 semaphore(%run_scoped3A : memref<!tpu.dma_semaphore, #tpu.memory_space<semaphore_mem>>) src(%dma_wait3A_172 : memref<80x128xf32, #tpu.memory_space<vmem>>) dst(%dma_wait3A_169 : memref<80x128xf32, #tpu.memory_space<hbm>>)
      tpu.yield
    }) : () -> ()
    %mul3A_141 = arith.constant 632 : i32
    %mul3A_142 = arith.muli %arg1, %mul3A_141 : i32
    %add3A_143 = arith.constant 480 : i32
    %add3A_144 = arith.addi %mul3A_142, %add3A_143 : i32
    "tpu.region"() ({
      %run_scoped3A = tpu.sem_alloc : memref<!tpu.dma_semaphore, #tpu.memory_space<semaphore_mem>>
      %dma_start3A_149 = arith.constant 0 : i32
      %dma_start3A_150 = arith.constant 0 : i32
      %dma_start3A_151 = tpu.memref_slice %arg8[%dma_start3A_149, %dma_start3A_150] : memref<80x128xf32, #tpu.memory_space<vmem>> -> memref<80x128xf32, #tpu.memory_space<vmem>>
      %dma_start3A_152 = arith.constant 0 : i32
      %dma_start3A_153 = tpu.memref_slice %arg12[%add3A_144, %dma_start3A_152] : memref<10112x128xf32, #tpu.memory_space<vmem_shared>> -> memref<80x128xf32, #tpu.memory_space<vmem_shared>>
      %dma_start3A_154 = arith.constant 0 : i32
      %dma_start3A_155 = arith.constant 0 : i32
      %dma_start3A_156 = tpu.memref_slice %arg8[%dma_start3A_154, %dma_start3A_155] : memref<80x128xf32, #tpu.memory_space<vmem>> -> memref<80x128xf32, #tpu.memory_space<vmem>>
      %dma_start3A_157 = arith.constant 0 : i32
      %dma_start3A_158 = tpu.memref_slice %arg12[%add3A_144, %dma_start3A_157] : memref<10112x128xf32, #tpu.memory_space<vmem_shared>> -> memref<80x128xf32, #tpu.memory_space<vmem_shared>>
      tpu.enqueue_dma source(%dma_start3A_158 : memref<80x128xf32, #tpu.memory_space<vmem_shared>>) target(%dma_start3A_156 : memref<80x128xf32, #tpu.memory_space<vmem>>) target_semaphore(%run_scoped3A : memref<!tpu.dma_semaphore, #tpu.memory_space<semaphore_mem>>)
      %dma_wait3A_159 = arith.constant 0 : i32
      %dma_wait3A_160 = arith.constant 0 : i32
      %dma_wait3A_161 = tpu.memref_slice %arg8[%dma_wait3A_159, %dma_wait3A_160] : memref<80x128xf32, #tpu.memory_space<vmem>> -> memref<80x128xf32, #tpu.memory_space<vmem>>
      %dma_wait3A_162 = arith.constant 0 : i32
      %dma_wait3A_163 = tpu.memref_slice %arg12[%add3A_144, %dma_wait3A_162] : memref<10112x128xf32, #tpu.memory_space<vmem_shared>> -> memref<80x128xf32, #tpu.memory_space<vmem_shared>>
      %dma_wait3A_164 = arith.constant 0 : i32
      %dma_wait3A_165 = arith.constant 0 : i32
      %dma_wait3A_166 = tpu.memref_slice %arg8[%dma_wait3A_164, %dma_wait3A_165] : memref<80x128xf32, #tpu.memory_space<vmem>> -> memref<80x128xf32, #tpu.memory_space<vmem>>
      %dma_wait3A_167 = arith.constant 0 : i32
      %dma_wait3A_168 = tpu.memref_slice %arg12[%add3A_144, %dma_wait3A_167] : memref<10112x128xf32, #tpu.memory_space<vmem_shared>> -> memref<80x128xf32, #tpu.memory_space<vmem_shared>>
      tpu.wait_dma2 semaphore(%run_scoped3A : memref<!tpu.dma_semaphore, #tpu.memory_space<semaphore_mem>>) src(%dma_wait3A_168 : memref<80x128xf32, #tpu.memory_space<vmem_shared>>) dst(%dma_wait3A_166 : memref<80x128xf32, #tpu.memory_space<vmem>>)
      tpu.yield
    }) : () -> ()
    "tpu.region"() ({
      %run_scoped3A = tpu.sem_alloc : memref<!tpu.dma_semaphore, #tpu.memory_space<semaphore_mem>>
      %dma_start3A_149 = arith.constant 0 : i32
      %dma_start3A_150 = arith.constant 0 : i32
      %dma_start3A_151 = tpu.memref_slice %arg8[%dma_start3A_149, %dma_start3A_150] : memref<80x128xf32, #tpu.memory_space<vmem>> -> memref<80x128xf32, #tpu.memory_space<vmem>>
      %dma_start3A_152 = arith.constant 0 : i32
      %dma_start3A_153 = tpu.memref_slice %arg4[%arg0, %add3A_144, %dma_start3A_152] : memref<2x10112x128xf32, #tpu.memory_space<hbm>> -> memref<1x80x128xf32, #tpu.memory_space<hbm>>
      %dma_start3A_154 = tpu.memref_squeeze %dma_start3A_153 : memref<1x80x128xf32, #tpu.memory_space<hbm>> -> memref<80x128xf32, #tpu.memory_space<hbm>>
      %dma_start3A_155 = arith.constant 0 : i32
      %dma_start3A_156 = tpu.memref_slice %arg4[%arg0, %add3A_144, %dma_start3A_155] : memref<2x10112x128xf32, #tpu.memory_space<hbm>> -> memref<1x80x128xf32, #tpu.memory_space<hbm>>
      %dma_start3A_157 = tpu.memref_squeeze %dma_start3A_156 : memref<1x80x128xf32, #tpu.memory_space<hbm>> -> memref<80x128xf32, #tpu.memory_space<hbm>>
      %dma_start3A_158 = arith.constant 0 : i32
      %dma_start3A_159 = arith.constant 0 : i32
      %dma_start3A_160 = tpu.memref_slice %arg8[%dma_start3A_158, %dma_start3A_159] : memref<80x128xf32, #tpu.memory_space<vmem>> -> memref<80x128xf32, #tpu.memory_space<vmem>>
      tpu.enqueue_dma source(%dma_start3A_160 : memref<80x128xf32, #tpu.memory_space<vmem>>) target(%dma_start3A_157 : memref<80x128xf32, #tpu.memory_space<hbm>>) target_semaphore(%run_scoped3A : memref<!tpu.dma_semaphore, #tpu.memory_space<semaphore_mem>>)
      %dma_wait3A_161 = arith.constant 0 : i32
      %dma_wait3A_162 = arith.constant 0 : i32
      %dma_wait3A_163 = tpu.memref_slice %arg8[%dma_wait3A_161, %dma_wait3A_162] : memref<80x128xf32, #tpu.memory_space<vmem>> -> memref<80x128xf32, #tpu.memory_space<vmem>>
      %dma_wait3A_164 = arith.constant 0 : i32
      %dma_wait3A_165 = tpu.memref_slice %arg4[%arg0, %add3A_144, %dma_wait3A_164] : memref<2x10112x128xf32, #tpu.memory_space<hbm>> -> memref<1x80x128xf32, #tpu.memory_space<hbm>>
      %dma_wait3A_166 = tpu.memref_squeeze %dma_wait3A_165 : memref<1x80x128xf32, #tpu.memory_space<hbm>> -> memref<80x128xf32, #tpu.memory_space<hbm>>
      %dma_wait3A_167 = arith.constant 0 : i32
      %dma_wait3A_168 = tpu.memref_slice %arg4[%arg0, %add3A_144, %dma_wait3A_167] : memref<2x10112x128xf32, #tpu.memory_space<hbm>> -> memref<1x80x128xf32, #tpu.memory_space<hbm>>
      %dma_wait3A_169 = tpu.memref_squeeze %dma_wait3A_168 : memref<1x80x128xf32, #tpu.memory_space<hbm>> -> memref<80x128xf32, #tpu.memory_space<hbm>>
      %dma_wait3A_170 = arith.constant 0 : i32
      %dma_wait3A_171 = arith.constant 0 : i32
      %dma_wait3A_172 = tpu.memref_slice %arg8[%dma_wait3A_170, %dma_wait3A_171] : memref<80x128xf32, #tpu.memory_space<vmem>> -> memref<80x128xf32, #tpu.memory_space<vmem>>
      tpu.wait_dma2 semaphore(%run_scoped3A : memref<!tpu.dma_semaphore, #tpu.memory_space<semaphore_mem>>) src(%dma_wait3A_172 : memref<80x128xf32, #tpu.memory_space<vmem>>) dst(%dma_wait3A_169 : memref<80x128xf32, #tpu.memory_space<hbm>>)
      tpu.yield
    }) : () -> ()
    %mul3A_145 = arith.constant 632 : i32
    %mul3A_146 = arith.muli %arg1, %mul3A_145 : i32
    %add3A_147 = arith.constant 560 : i32
    %add3A_148 = arith.addi %mul3A_146, %add3A_147 : i32
    "tpu.region"() ({
      %run_scoped3A = tpu.sem_alloc : memref<!tpu.dma_semaphore, #tpu.memory_space<semaphore_mem>>
      %dma_start3A_149 = arith.constant 0 : i32
      %dma_start3A_150 = arith.constant 0 : i32
      %dma_start3A_151 = tpu.memref_slice %arg11[%dma_start3A_149, %dma_start3A_150] : memref<80x128xf32, #tpu.memory_space<vmem>> -> memref<72x128xf32, #tpu.memory_space<vmem>>
      %dma_start3A_152 = arith.constant 0 : i32
      %dma_start3A_153 = tpu.memref_slice %arg12[%add3A_148, %dma_start3A_152] : memref<10112x128xf32, #tpu.memory_space<vmem_shared>> -> memref<72x128xf32, #tpu.memory_space<vmem_shared>>
      %dma_start3A_154 = arith.constant 0 : i32
      %dma_start3A_155 = arith.constant 0 : i32
      %dma_start3A_156 = tpu.memref_slice %arg11[%dma_start3A_154, %dma_start3A_155] : memref<80x128xf32, #tpu.memory_space<vmem>> -> memref<72x128xf32, #tpu.memory_space<vmem>>
      %dma_start3A_157 = arith.constant 0 : i32
      %dma_start3A_158 = tpu.memref_slice %arg12[%add3A_148, %dma_start3A_157] : memref<10112x128xf32, #tpu.memory_space<vmem_shared>> -> memref<72x128xf32, #tpu.memory_space<vmem_shared>>
      tpu.enqueue_dma source(%dma_start3A_158 : memref<72x128xf32, #tpu.memory_space<vmem_shared>>) target(%dma_start3A_156 : memref<72x128xf32, #tpu.memory_space<vmem>>) target_semaphore(%run_scoped3A : memref<!tpu.dma_semaphore, #tpu.memory_space<semaphore_mem>>)
      %dma_wait3A_159 = arith.constant 0 : i32
      %dma_wait3A_160 = arith.constant 0 : i32
      %dma_wait3A_161 = tpu.memref_slice %arg11[%dma_wait3A_159, %dma_wait3A_160] : memref<80x128xf32, #tpu.memory_space<vmem>> -> memref<72x128xf32, #tpu.memory_space<vmem>>
      %dma_wait3A_162 = arith.constant 0 : i32
      %dma_wait3A_163 = tpu.memref_slice %arg12[%add3A_148, %dma_wait3A_162] : memref<10112x128xf32, #tpu.memory_space<vmem_shared>> -> memref<72x128xf32, #tpu.memory_space<vmem_shared>>
      %dma_wait3A_164 = arith.constant 0 : i32
      %dma_wait3A_165 = arith.constant 0 : i32
      %dma_wait3A_166 = tpu.memref_slice %arg11[%dma_wait3A_164, %dma_wait3A_165] : memref<80x128xf32, #tpu.memory_space<vmem>> -> memref<72x128xf32, #tpu.memory_space<vmem>>
      %dma_wait3A_167 = arith.constant 0 : i32
      %dma_wait3A_168 = tpu.memref_slice %arg12[%add3A_148, %dma_wait3A_167] : memref<10112x128xf32, #tpu.memory_space<vmem_shared>> -> memref<72x128xf32, #tpu.memory_space<vmem_shared>>
      tpu.wait_dma2 semaphore(%run_scoped3A : memref<!tpu.dma_semaphore, #tpu.memory_space<semaphore_mem>>) src(%dma_wait3A_168 : memref<72x128xf32, #tpu.memory_space<vmem_shared>>) dst(%dma_wait3A_166 : memref<72x128xf32, #tpu.memory_space<vmem>>)
      tpu.yield
    }) : () -> ()
    "tpu.region"() ({
      %run_scoped3A = tpu.sem_alloc : memref<!tpu.dma_semaphore, #tpu.memory_space<semaphore_mem>>
      %dma_start3A_149 = arith.constant 0 : i32
      %dma_start3A_150 = arith.constant 0 : i32
      %dma_start3A_151 = tpu.memref_slice %arg11[%dma_start3A_149, %dma_start3A_150] : memref<80x128xf32, #tpu.memory_space<vmem>> -> memref<72x128xf32, #tpu.memory_space<vmem>>
      %dma_start3A_152 = arith.constant 0 : i32
      %dma_start3A_153 = tpu.memref_slice %arg4[%arg0, %add3A_148, %dma_start3A_152] : memref<2x10112x128xf32, #tpu.memory_space<hbm>> -> memref<1x72x128xf32, #tpu.memory_space<hbm>>
      %dma_start3A_154 = tpu.memref_squeeze %dma_start3A_153 : memref<1x72x128xf32, #tpu.memory_space<hbm>> -> memref<72x128xf32, #tpu.memory_space<hbm>>
      %dma_start3A_155 = arith.constant 0 : i32
      %dma_start3A_156 = tpu.memref_slice %arg4[%arg0, %add3A_148, %dma_start3A_155] : memref<2x10112x128xf32, #tpu.memory_space<hbm>> -> memref<1x72x128xf32, #tpu.memory_space<hbm>>
      %dma_start3A_157 = tpu.memref_squeeze %dma_start3A_156 : memref<1x72x128xf32, #tpu.memory_space<hbm>> -> memref<72x128xf32, #tpu.memory_space<hbm>>
      %dma_start3A_158 = arith.constant 0 : i32
      %dma_start3A_159 = arith.constant 0 : i32
      %dma_start3A_160 = tpu.memref_slice %arg11[%dma_start3A_158, %dma_start3A_159] : memref<80x128xf32, #tpu.memory_space<vmem>> -> memref<72x128xf32, #tpu.memory_space<vmem>>
      tpu.enqueue_dma source(%dma_start3A_160 : memref<72x128xf32, #tpu.memory_space<vmem>>) target(%dma_start3A_157 : memref<72x128xf32, #tpu.memory_space<hbm>>) target_semaphore(%run_scoped3A : memref<!tpu.dma_semaphore, #tpu.memory_space<semaphore_mem>>)
      %dma_wait3A_161 = arith.constant 0 : i32
      %dma_wait3A_162 = arith.constant 0 : i32
      %dma_wait3A_163 = tpu.memref_slice %arg11[%dma_wait3A_161, %dma_wait3A_162] : memref<80x128xf32, #tpu.memory_space<vmem>> -> memref<72x128xf32, #tpu.memory_space<vmem>>
      %dma_wait3A_164 = arith.constant 0 : i32
      %dma_wait3A_165 = tpu.memref_slice %arg4[%arg0, %add3A_148, %dma_wait3A_164] : memref<2x10112x128xf32, #tpu.memory_space<hbm>> -> memref<1x72x128xf32, #tpu.memory_space<hbm>>
      %dma_wait3A_166 = tpu.memref_squeeze %dma_wait3A_165 : memref<1x72x128xf32, #tpu.memory_space<hbm>> -> memref<72x128xf32, #tpu.memory_space<hbm>>
      %dma_wait3A_167 = arith.constant 0 : i32
      %dma_wait3A_168 = tpu.memref_slice %arg4[%arg0, %add3A_148, %dma_wait3A_167] : memref<2x10112x128xf32, #tpu.memory_space<hbm>> -> memref<1x72x128xf32, #tpu.memory_space<hbm>>
      %dma_wait3A_169 = tpu.memref_squeeze %dma_wait3A_168 : memref<1x72x128xf32, #tpu.memory_space<hbm>> -> memref<72x128xf32, #tpu.memory_space<hbm>>
      %dma_wait3A_170 = arith.constant 0 : i32
      %dma_wait3A_171 = arith.constant 0 : i32
      %dma_wait3A_172 = tpu.memref_slice %arg11[%dma_wait3A_170, %dma_wait3A_171] : memref<80x128xf32, #tpu.memory_space<vmem>> -> memref<72x128xf32, #tpu.memory_space<vmem>>
      tpu.wait_dma2 semaphore(%run_scoped3A : memref<!tpu.dma_semaphore, #tpu.memory_space<semaphore_mem>>) src(%dma_wait3A_172 : memref<72x128xf32, #tpu.memory_space<vmem>>) dst(%dma_wait3A_169 : memref<72x128xf32, #tpu.memory_space<hbm>>)
      tpu.yield
    }) : () -> ()
    return
  }
}

module attributes {stable_mosaic.version = 14 : i64} {
  func.func @_tc1_body(%arg0: memref<2x10112x128xf32, #tpu.memory_space<vmem>>, %arg1: memref<32x10112xf32, #tpu.memory_space<vmem>>, %arg2: memref<10112x128xf32, #tpu.memory_space<vmem>>, %arg3: memref<128x128xf32, #tpu.memory_space<vmem>>, %arg4: memref<1x128xf32, #tpu.memory_space<vmem>>, %arg5: memref<128x128xf32, #tpu.memory_space<vmem>>, %arg6: memref<10112x128xf32, #tpu.memory_space<vmem>>) attributes {dimension_semantics = [], scalar_prefetch = 0 : i64, scratch_operands = 0 : i64, tpu.core_type = #tpu.core_type<tc>} {
    %get3A = arith.constant 0 : index
    %get3A_0 = arith.constant 0 : index
    %get3A_1 = vector.load %arg1[%get3A, %get3A_0] : memref<32x10112xf32, #tpu.memory_space<vmem>>, vector<32x10112xf32>
    %reduce_sum3A = arith.constant dense<0.000000e+00> : vector<10112xf32>
    %reduce_sum3A_2 = vector.multi_reduction <add>, %get3A_1, %reduce_sum3A [0] : vector<32x10112xf32> to vector<10112xf32>
    %max3A = arith.constant 1.000000e+00 : f32
    %max3A_3 = vector.broadcast %max3A : f32 to vector<10112xf32>
    %max3A_4 = arith.maximumf %reduce_sum3A_2, %max3A_3 : vector<10112xf32>
    %div3A = arith.constant 1.000000e+00 : f32
    %div3A_5 = vector.broadcast %div3A : f32 to vector<10112xf32>
    %div3A_6 = arith.divf %div3A_5, %max3A_4 : vector<10112xf32>
    %broadcast_in_dim3A = vector.shape_cast %div3A_6 : vector<10112xf32> to vector<10112x1xf32>
    %get3A_7 = arith.constant 0 : index
    %get3A_8 = arith.constant 0 : index
    %get3A_9 = arith.constant 0 : index
    %get3A_10 = vector.load %arg0[%get3A_7, %get3A_8, %get3A_9] : memref<2x10112x128xf32, #tpu.memory_space<vmem>>, vector<1x10112x128xf32>
    %get3A_11 = vector.shape_cast %get3A_10 : vector<1x10112x128xf32> to vector<10112x128xf32>
    %get3A_12 = arith.constant 1 : index
    %get3A_13 = arith.constant 0 : index
    %get3A_14 = arith.constant 0 : index
    %get3A_15 = vector.load %arg0[%get3A_12, %get3A_13, %get3A_14] : memref<2x10112x128xf32, #tpu.memory_space<vmem>>, vector<1x10112x128xf32>
    %get3A_16 = vector.shape_cast %get3A_15 : vector<1x10112x128xf32> to vector<10112x128xf32>
    %add3A = arith.addf %get3A_11, %get3A_16 : vector<10112x128xf32>
    %mul3A = vector.broadcast %broadcast_in_dim3A : vector<10112x1xf32> to vector<10112x128xf32>
    %mul3A_17 = arith.mulf %add3A, %mul3A : vector<10112x128xf32>
    %get3A_18 = arith.constant 0 : index
    %get3A_19 = arith.constant 0 : index
    %get3A_20 = vector.load %arg3[%get3A_18, %get3A_19] : memref<128x128xf32, #tpu.memory_space<vmem>>, vector<128x128xf32>
    %dot_general3A = arith.constant dense<0.000000e+00> : vector<10112x128xf32>
    %dot_general3A_21 = tpu.matmul %mul3A_17, %get3A_20, %dot_general3A {dimension_numbers = #tpu.dot_dimension_numbers<[1], [1], [0], [0], [0, 0, 1, 0], [], []>, transpose_lhs_hint = false} : vector<10112x128xf32>, vector<128x128xf32>, vector<10112x128xf32> -> vector<10112x128xf32>
    %get3A_22 = arith.constant 0 : index
    %get3A_23 = arith.constant 0 : index
    %get3A_24 = vector.load %arg4[%get3A_22, %get3A_23] : memref<1x128xf32, #tpu.memory_space<vmem>>, vector<1x128xf32>
    %add3A_25 = vector.broadcast %get3A_24 : vector<1x128xf32> to vector<10112x128xf32>
    %add3A_26 = arith.addf %dot_general3A_21, %add3A_25 : vector<10112x128xf32>
    %get3A_27 = arith.constant 0 : index
    %get3A_28 = arith.constant 0 : index
    %get3A_29 = vector.load %arg2[%get3A_27, %get3A_28] : memref<10112x128xf32, #tpu.memory_space<vmem>>, vector<10112x128xf32>
    %get3A_30 = arith.constant 0 : index
    %get3A_31 = arith.constant 0 : index
    %get3A_32 = vector.load %arg5[%get3A_30, %get3A_31] : memref<128x128xf32, #tpu.memory_space<vmem>>, vector<128x128xf32>
    %dot_general3A_33 = arith.constant dense<0.000000e+00> : vector<10112x128xf32>
    %dot_general3A_34 = tpu.matmul %get3A_29, %get3A_32, %dot_general3A_33 {dimension_numbers = #tpu.dot_dimension_numbers<[1], [1], [0], [0], [0, 0, 1, 0], [], []>, transpose_lhs_hint = false} : vector<10112x128xf32>, vector<128x128xf32>, vector<10112x128xf32> -> vector<10112x128xf32>
    %add3A_35 = arith.addf %add3A_26, %dot_general3A_34 : vector<10112x128xf32>
    %max3A_36 = arith.constant 0.000000e+00 : f32
    %max3A_37 = vector.broadcast %max3A_36 : f32 to vector<10112x128xf32>
    %max3A_38 = arith.maximumf %add3A_35, %max3A_37 : vector<10112x128xf32>
    %swap3A = arith.constant 0 : index
    %swap3A_39 = arith.constant 0 : index
    %swap3A_40 = vector.load %arg6[%swap3A, %swap3A_39] : memref<10112x128xf32, #tpu.memory_space<vmem>>, vector<10112x128xf32>
    tpu.vector_store %arg6[%swap3A, %swap3A_39], %max3A_38 {strides = array<i32>} : memref<10112x128xf32, #tpu.memory_space<vmem>>, vector<10112x128xf32>,
    return
  }
}

module attributes {stable_mosaic.version = 14 : i64} {
  func.func @_tc2_body(%arg0: memref<2x10112x128xf32, #tpu.memory_space<vmem>>, %arg1: memref<32x10112xf32, #tpu.memory_space<vmem>>, %arg2: memref<10112x128xf32, #tpu.memory_space<vmem>>, %arg3: memref<128x128xf32, #tpu.memory_space<vmem>>, %arg4: memref<128x128xf32, #tpu.memory_space<vmem>>, %arg5: memref<1x256xf32, #tpu.memory_space<vmem>>, %arg6: memref<10112x128xf32, #tpu.memory_space<vmem>>) attributes {dimension_semantics = [], scalar_prefetch = 0 : i64, scratch_operands = 0 : i64, tpu.core_type = #tpu.core_type<tc>} {
    %get3A = arith.constant 0 : index
    %get3A_0 = arith.constant 0 : index
    %get3A_1 = vector.load %arg1[%get3A, %get3A_0] : memref<32x10112xf32, #tpu.memory_space<vmem>>, vector<32x10112xf32>
    %reduce_sum3A = arith.constant dense<0.000000e+00> : vector<10112xf32>
    %reduce_sum3A_2 = vector.multi_reduction <add>, %get3A_1, %reduce_sum3A [0] : vector<32x10112xf32> to vector<10112xf32>
    %max3A = arith.constant 1.000000e+00 : f32
    %max3A_3 = vector.broadcast %max3A : f32 to vector<10112xf32>
    %max3A_4 = arith.maximumf %reduce_sum3A_2, %max3A_3 : vector<10112xf32>
    %div3A = arith.constant 1.000000e+00 : f32
    %div3A_5 = vector.broadcast %div3A : f32 to vector<10112xf32>
    %div3A_6 = arith.divf %div3A_5, %max3A_4 : vector<10112xf32>
    %broadcast_in_dim3A = vector.shape_cast %div3A_6 : vector<10112xf32> to vector<10112x1xf32>
    %get3A_7 = arith.constant 0 : index
    %get3A_8 = arith.constant 0 : index
    %get3A_9 = arith.constant 0 : index
    %get3A_10 = vector.load %arg0[%get3A_7, %get3A_8, %get3A_9] : memref<2x10112x128xf32, #tpu.memory_space<vmem>>, vector<1x10112x128xf32>
    %get3A_11 = vector.shape_cast %get3A_10 : vector<1x10112x128xf32> to vector<10112x128xf32>
    %get3A_12 = arith.constant 1 : index
    %get3A_13 = arith.constant 0 : index
    %get3A_14 = arith.constant 0 : index
    %get3A_15 = vector.load %arg0[%get3A_12, %get3A_13, %get3A_14] : memref<2x10112x128xf32, #tpu.memory_space<vmem>>, vector<1x10112x128xf32>
    %get3A_16 = vector.shape_cast %get3A_15 : vector<1x10112x128xf32> to vector<10112x128xf32>
    %add3A = arith.addf %get3A_11, %get3A_16 : vector<10112x128xf32>
    %mul3A = vector.broadcast %broadcast_in_dim3A : vector<10112x1xf32> to vector<10112x128xf32>
    %mul3A_17 = arith.mulf %add3A, %mul3A : vector<10112x128xf32>
    %get3A_18 = arith.constant 0 : index
    %get3A_19 = arith.constant 0 : index
    %get3A_20 = vector.load %arg2[%get3A_18, %get3A_19] : memref<10112x128xf32, #tpu.memory_space<vmem>>, vector<10112x128xf32>
    %get3A_21 = arith.constant 0 : index
    %get3A_22 = arith.constant 0 : index
    %get3A_23 = vector.load %arg5[%get3A_21, %get3A_22] : memref<1x256xf32, #tpu.memory_space<vmem>>, vector<1x128xf32>
    %get3A_24 = arith.constant 0 : index
    %get3A_25 = arith.constant 128 : index
    %get3A_26 = vector.load %arg5[%get3A_24, %get3A_25] : memref<1x256xf32, #tpu.memory_space<vmem>>, vector<1x128xf32>
    %get3A_27 = arith.constant 0 : index
    %get3A_28 = arith.constant 0 : index
    %get3A_29 = vector.load %arg3[%get3A_27, %get3A_28] : memref<128x128xf32, #tpu.memory_space<vmem>>, vector<128x128xf32>
    %dot_general3A = arith.constant dense<0.000000e+00> : vector<1x128xf32>
    %dot_general3A_30 = tpu.matmul %get3A_23, %get3A_29, %dot_general3A {dimension_numbers = #tpu.dot_dimension_numbers<[1], [0], [0], [1], [0, 0, 1, 1], [], []>, transpose_lhs_hint = false} : vector<1x128xf32>, vector<128x128xf32>, vector<1x128xf32> -> vector<1x128xf32>
    %get3A_31 = arith.constant 0 : index
    %get3A_32 = arith.constant 0 : index
    %get3A_33 = vector.load %arg4[%get3A_31, %get3A_32] : memref<128x128xf32, #tpu.memory_space<vmem>>, vector<128x128xf32>
    %dot_general3A_34 = arith.constant dense<0.000000e+00> : vector<1x128xf32>
    %dot_general3A_35 = tpu.matmul %get3A_23, %get3A_33, %dot_general3A_34 {dimension_numbers = #tpu.dot_dimension_numbers<[1], [0], [0], [1], [0, 0, 1, 1], [], []>, transpose_lhs_hint = false} : vector<1x128xf32>, vector<128x128xf32>, vector<1x128xf32> -> vector<1x128xf32>
    %get3A_36 = arith.constant 0 : index
    %get3A_37 = arith.constant 0 : index
    %get3A_38 = vector.load %arg3[%get3A_36, %get3A_37] : memref<128x128xf32, #tpu.memory_space<vmem>>, vector<128x128xf32>
    %dot_general3A_39 = arith.constant dense<0.000000e+00> : vector<1x128xf32>
    %dot_general3A_40 = tpu.matmul %get3A_26, %get3A_38, %dot_general3A_39 {dimension_numbers = #tpu.dot_dimension_numbers<[1], [0], [0], [1], [0, 0, 1, 1], [], []>, transpose_lhs_hint = false} : vector<1x128xf32>, vector<128x128xf32>, vector<1x128xf32> -> vector<1x128xf32>
    %get3A_41 = arith.constant 0 : index
    %get3A_42 = arith.constant 0 : index
    %get3A_43 = vector.load %arg4[%get3A_41, %get3A_42] : memref<128x128xf32, #tpu.memory_space<vmem>>, vector<128x128xf32>
    %dot_general3A_44 = arith.constant dense<0.000000e+00> : vector<1x128xf32>
    %dot_general3A_45 = tpu.matmul %get3A_26, %get3A_43, %dot_general3A_44 {dimension_numbers = #tpu.dot_dimension_numbers<[1], [0], [0], [1], [0, 0, 1, 1], [], []>, transpose_lhs_hint = false} : vector<1x128xf32>, vector<128x128xf32>, vector<1x128xf32> -> vector<1x128xf32>
    %dot_general3A_46 = arith.constant dense<0.000000e+00> : vector<10112x1xf32>
    %dot_general3A_47 = tpu.matmul %mul3A_17, %dot_general3A_30, %dot_general3A_46 {dimension_numbers = #tpu.dot_dimension_numbers<[1], [1], [0], [0], [0, 0, 1, 0], [], []>, transpose_lhs_hint = false} : vector<10112x128xf32>, vector<1x128xf32>, vector<10112x1xf32> -> vector<10112x1xf32>
    %dot_general3A_48 = arith.constant dense<0.000000e+00> : vector<10112x1xf32>
    %dot_general3A_49 = tpu.matmul %get3A_20, %dot_general3A_35, %dot_general3A_48 {dimension_numbers = #tpu.dot_dimension_numbers<[1], [1], [0], [0], [0, 0, 1, 0], [], []>, transpose_lhs_hint = false} : vector<10112x128xf32>, vector<1x128xf32>, vector<10112x1xf32> -> vector<10112x1xf32>
    %add3A_50 = arith.addf %dot_general3A_47, %dot_general3A_49 : vector<10112x1xf32>
    %dot_general3A_51 = arith.constant dense<0.000000e+00> : vector<10112x1xf32>
    %dot_general3A_52 = tpu.matmul %mul3A_17, %dot_general3A_40, %dot_general3A_51 {dimension_numbers = #tpu.dot_dimension_numbers<[1], [1], [0], [0], [0, 0, 1, 0], [], []>, transpose_lhs_hint = false} : vector<10112x128xf32>, vector<1x128xf32>, vector<10112x1xf32> -> vector<10112x1xf32>
    %dot_general3A_53 = arith.constant dense<0.000000e+00> : vector<10112x1xf32>
    %dot_general3A_54 = tpu.matmul %get3A_20, %dot_general3A_45, %dot_general3A_53 {dimension_numbers = #tpu.dot_dimension_numbers<[1], [1], [0], [0], [0, 0, 1, 0], [], []>, transpose_lhs_hint = false} : vector<10112x128xf32>, vector<1x128xf32>, vector<10112x1xf32> -> vector<10112x1xf32>
    %add3A_55 = arith.addf %dot_general3A_52, %dot_general3A_54 : vector<10112x1xf32>
    %iota3A = tpu.iota {dimensions = array<i32: 1>} : vector<10112x128xi32>
    %eq3A = arith.constant 0 : i32
    %eq3A_56 = vector.broadcast %eq3A : i32 to vector<10112x128xi32>
    %eq3A_57 = arith.cmpi eq, %iota3A, %eq3A_56 : vector<10112x128xi32>
    %jit3A = arith.constant 0.000000e+00 : f32
    %broadcast_in_dim3A_58 = vector.shape_cast %add3A_50 : vector<10112x1xf32> to vector<10112x1xf32>
    %broadcast_in_dim3A_59 = vector.broadcast %broadcast_in_dim3A_58 : vector<10112x1xf32> to vector<10112x128xf32>
    %broadcast_in_dim3A_60 = vector.broadcast %jit3A : f32 to vector<10112x128xf32>
    %select_n3A = arith.select %eq3A_57, %broadcast_in_dim3A_59, %broadcast_in_dim3A_60 : vector<10112x128xi1>, vector<10112x128xf32>
    %eq3A_61 = arith.constant 1 : i32
    %eq3A_62 = vector.broadcast %eq3A_61 : i32 to vector<10112x128xi32>
    %eq3A_63 = arith.cmpi eq, %iota3A, %eq3A_62 : vector<10112x128xi32>
    %jit3A_64 = arith.constant 0.000000e+00 : f32
    %broadcast_in_dim3A_65 = vector.shape_cast %add3A_55 : vector<10112x1xf32> to vector<10112x1xf32>
    %broadcast_in_dim3A_66 = vector.broadcast %broadcast_in_dim3A_65 : vector<10112x1xf32> to vector<10112x128xf32>
    %broadcast_in_dim3A_67 = vector.broadcast %jit3A_64 : f32 to vector<10112x128xf32>
    %select_n3A_68 = arith.select %eq3A_63, %broadcast_in_dim3A_66, %broadcast_in_dim3A_67 : vector<10112x128xi1>, vector<10112x128xf32>
    %add3A_69 = arith.addf %select_n3A, %select_n3A_68 : vector<10112x128xf32>
    %swap3A = arith.constant 0 : index
    %swap3A_70 = arith.constant 0 : index
    %swap3A_71 = vector.load %arg6[%swap3A, %swap3A_70] : memref<10112x128xf32, #tpu.memory_space<vmem>>, vector<10112x128xf32>
    tpu.vector_store %arg6[%swap3A, %swap3A_70], %add3A_69 {strides = array<i32>} : memref<10112x128xf32, #tpu.memory_space<vmem>>, vector<10112x128xf32>,
    return
  }
}

</mosaic_0001>

<sc_bundles>
// kernel: kernel.11.cloned.1.call-start
scs
__scs_entry_jumppad:
0x0: {  	(pc) =	sbr.rel $0x88, $3  }
0x1: {  	(tag) =	ssettag $0x0;
	lr =	simm.s32 $0x1  }
0x2: {  	[smem:$0x3F97] =	sst lr;
	_ =	strace $0xD0000000  }
0x3: {  	_ = 	snop  }
0x4: {  	_ = 	snop  }
0x5: {  	_ = 	snop  }
0x6: {  	_ = 	snop  }
0x7: {  	_ = 	snop  }
__scs_overlays_trampoline_lowered:
0x8: {  	[smem:$0x3FA6] =	sst s0  }
0x9: {  	[smem:$0x3FA7] =	sst s1  }
0xa: {  	[smem:$0x3FA8] =	sst s2  }
0xb: {  	[smem:$0x3FA9] =	sst s3  }
0xc: {  	[smem:$0x3FAA] =	sst s4  }
0xd: {  	[smem:$0x3FAB] =	sst s5  }
0xe: {  	[smem:$0x3FAC] =	sst s6  }
0xf: {  	[smem:$0x3FAD] =	sst s7  }
0x10: {  	[smem:$0x3FAE] =	sst s8  }
0x11: {  	[smem:$0x3FAF] =	sst s9;
	s0 =	simm.s32 @!p0 $0x0  }
0x12: {  	s1 =	sld [smem:$0x3F95];
	s0 =	simm.s32 @p0 $0x1  }
0x13: {  	[smem:$0x3FB0] =	sst s0;
	s0 =	simm.s32 @!p1 $0x0  }
0x14: {  	s2 =	sld [smem:$0x3F94];
	s0 =	simm.s32 @p1 $0x1  }
0x15: {  	[smem:$0x3FB1] =	sst s0;
	s0 =	simm.s32 @!p2 $0x0  }
0x16: {  	s3 =	sld [smem:$0x3FDB];
	s0 =	simm.s32 @p2 $0x1  }
0x17: {  	s4 =	simm.s32 $0x1BF5;
	[smem:$0x3FB3] =	sst s0  }
0x18: {  	s0 =	sld [smem:$0x3F96];
	_ =	swait.ge [sflag:s4], $0x0  }
0x19: {  	s7 =	sld [smem:$0x3F97]  }
0x1a: {  	s8 =	sadd.s32 $0xFFFFE003, lr  }
0x1b: {  	s9 =	sadd.s32 $0xFFFFFEF7, lr;
	s5 =	simm.s32 $0xFFFFFFFF;
	p2 =	slt.u32 s8, $0xFFFFF086  }
0x1c: {  	p1 =	slt.u32 s9, $0xF7A;
	s5 =	simm.s32 @!p2 $0x0  }
0x1d: {  	s5 =	simm.s32 @p1 $0x1;
	p0 =	seq.s32 s7, s2  }
0x1e: {  	s7 =	smul.u32 @!p0 $0xF7A, s2;
	p2 =	seq.s32 @!p0 s5, $0x0  }
0x1f: {  	s9 =	smul.u32 $0xF7A, s1;
	s8 =	simm.s32 @!p0 $0x1BF5;
	p2 =	por !p2, p0  }
0x20: {  	[sflag:s8] =	ssyncset.s32 @!p0 $0xFFFFF086;
	s6 =	sadd.s32 @!p0 s3, s7;
	s7 =	simm.s32 @!p0 $0x108  }
0x21: {  	s3 =	sadd.s32 s3, s9;
	s6 =	sadd.s32 @!p0 $0x88, s6;
	s7 =	simm.s32 @p2 $0x1082  }
0x22: {  	[simem:s7], [sflag:s8] =	dma.local @!p0 [hbm:s6], $0xF7A  }
0x23: {  	s9 =	sor.u32 $0xD0000000, s2;
	s6 =	simm.s32 $0x108;
	_ =	swait.ge @!p0 [sflag:s8], $0x0  }
0x24: {  	s3 =	sadd.s32 $0x88, s3;
	s6 =	simm.s32 @!p1 $0x1082;
	[sflag:s4] =	ssyncset.s32 $0xFFFFF086  }
0x25: {  	[simem:s6], [sflag:s4] =	dma.local [hbm:s3], $0xF7A  }
0x26: {  	[smem:$0x3F97] =	sst s1;
	(tag) =	ssettag s2;
	_ =	strace s9  }
0x27: {  	s1 =	sld [smem:$0x3FA7]  }
0x28: {  	s2 =	sld [smem:$0x3FA8]  }
0x29: {  	s4 =	sld [smem:$0x3FAA]  }
0x2a: {  	p0 =	seq.s32 s5, $0x0;
	s5 =	sld [smem:$0x3FAB]  }
0x2b: {  	s6 =	sld [smem:$0x3FAC]  }
0x2c: {  	s7 =	sld [smem:$0x3FAD]  }
0x2d: {  	s3 =	simm.s32 $0x108;
	s8 =	sld [smem:$0x3FAE]  }
0x2e: {  	s3 =	simm.s32 @!p0 $0x1082;
	s9 =	sld [smem:$0x3FAF]  }
0x2f: {  	lr =	sadd.s32 s0, s3;
	s0 =	sld [smem:$0x3FA6]  }
0x30: {  	s3 =	sld [smem:$0x3FA9]  }
0x31: {  	[smem:$0x3FB2] =	sst s10  }
0x32: {  	s10 =	sld [smem:$0x3FB0];
	_ =	sdelay $0x3  }
0x33: {  	p0 =	seq.s32 s10, $0x1;
	s10 =	sld [smem:$0x3FB2];
	_ =	sdelay $0x3  }
0x34: {  	[smem:$0x3FB2] =	sst s10  }
0x35: {  	s10 =	sld [smem:$0x3FB1];
	_ =	sdelay $0x3  }
0x36: {  	p1 =	seq.s32 s10, $0x1;
	s10 =	sld [smem:$0x3FB2];
	_ =	sdelay $0x3  }
0x37: {  	[smem:$0x3FB2] =	sst s10  }
0x38: {  	s10 =	sld [smem:$0x3FB3]  }
0x39: {  	_ = 	snop;
	(pc) =	sbr.ind lr, $3  }
0x3a: {  	_ = 	snop  }
0x3b: {  	_ = 	snop  }
0x3c: {  	p2 =	seq.s32 s10, $0x1;
	s10 =	sld [smem:$0x3FB2]  }
0x3d: {  	_ =	shalt  }
0x3e: {  	_ =	shalt  }
0x3f: {  	_ =	shalt  }
0x40: {  	_ =	shalt  }
0x41: {  	_ =	shalt  }
0x42: {  	_ =	shalt  }
0x43: {  	_ =	shalt  }
0x44: {  	_ =	shalt  }
0x45: {  	_ =	shalt  }
0x46: {  	_ =	shalt  }
0x47: {  	_ =	shalt  }
0x48: {  	_ =	shalt  }
0x49: {  	_ =	shalt  }
0x4a: {  	_ =	shalt  }
0x4b: {  	_ =	shalt  }
0x4c: {  	_ =	shalt  }
0x4d: {  	_ =	shalt  }
0x4e: {  	_ =	shalt  }
0x4f: {  	_ =	shalt  }
0x50: {  	_ =	shalt  }
0x51: {  	_ =	shalt  }
0x52: {  	_ =	shalt  }
0x53: {  	_ =	shalt  }
0x54: {  	_ =	shalt  }
0x55: {  	_ =	shalt  }
0x56: {  	_ =	shalt  }
0x57: {  	_ =	shalt  }
0x58: {  	_ =	shalt  }
0x59: {  	_ =	shalt  }
0x5a: {  	_ =	shalt  }
0x5b: {  	_ =	shalt  }
0x5c: {  	_ =	shalt  }
0x5d: {  	_ =	shalt  }
0x5e: {  	_ =	shalt  }
0x5f: {  	_ =	shalt  }
0x60: {  	_ =	shalt  }
0x61: {  	_ =	shalt  }
0x62: {  	_ =	shalt  }
0x63: {  	_ =	shalt  }
0x64: {  	_ =	shalt  }
0x65: {  	_ =	shalt  }
0x66: {  	_ =	shalt  }
0x67: {  	_ =	shalt  }
0x68: {  	_ =	shalt  }
0x69: {  	_ =	shalt  }
0x6a: {  	_ =	shalt  }
0x6b: {  	_ =	shalt  }
0x6c: {  	_ =	shalt  }
0x6d: {  	_ =	shalt  }
0x6e: {  	_ =	shalt  }
0x6f: {  	_ =	shalt  }
0x70: {  	_ =	shalt  }
0x71: {  	_ =	shalt  }
0x72: {  	_ =	shalt  }
0x73: {  	_ =	shalt  }
0x74: {  	_ =	shalt  }
0x75: {  	_ =	shalt  }
0x76: {  	_ =	shalt  }
0x77: {  	_ =	shalt  }
0x78: {  	_ =	shalt  }
0x79: {  	_ =	shalt  }
0x7a: {  	_ =	shalt  }
0x7b: {  	_ =	shalt  }
0x7c: {  	_ =	shalt  }
0x7d: {  	_ =	shalt  }
0x7e: {  	_ =	shalt  }
0x7f: {  	_ =	shalt  }
0x80: {  	_ =	shalt  }
0x81: {  	_ =	shalt  }
0x82: {  	_ =	shalt  }
0x83: {  	_ =	shalt  }
0x84: {  	_ =	shalt  }
0x85: {  	_ =	shalt  }
0x86: {  	_ =	shalt  }
0x87: {  	_ =	shalt  }
.Lfunc_end0:
.L_simem_size_0:
called_computation.1_lowered:
.L_overlay_start_0:
0x88: {  	s2 =	sld [smem:$0x3FD9]  }
0x89: {  	s3 =	sld [smem:$0x3FFE];
	_ =	sdelay $0x1  }
0x8a: {  	s1 =	srdreg.scid  }
0x8b: {  	s0 =	sand.u32 $0x1, s1  }
0x8c: {  	s16 =	sshll.u32 s0, $0xA;
	s2 =	sadd.s32 s3, s2  }
0x8d: {  	s2 =	sadd.s32 s2, s16  }
0x8e: {  	[smem:$0x3FBE] =	sst s2  }
0x8f: {  	_ = 	snop  }
0x90: {  	(tm) =	ssettm $0x1  }
0x91: {  	s17 =	sld [smem:$0x3FFB];
	_ =	sdelay $0x3  }
0x92: {  	_ =	strace s17  }
0x93: {  	s2 =	sld [smem:$0x3FFC];
	_ =	sdelay $0x3  }
0x94: {  	_ =	strace s2  }
0x95: {  	s2 =	sld [smem:$0x3FFD];
	_ =	sdelay $0x3  }
0x96: {  	_ =	strace s2  }
0x97: {  	_ =	strace $0x8FFFFFFF  }
0x98: {  	s18 =	sld [smem:$0x3FDB];
	_ =	sdelay $0x1  }
0x99: {  	s19 =	simm.s32 $_scs_section_size  }
0x9a: {  	s4 =	simm.s32 $_size__tile_overlayer_lowered;
	s5 =	simm.s32 $_tile_overlayer_lowered  }
0x9b: {  	s22 =	simm.s32 $0x1BFF;
	s21 =	sshll.u32 s5, $0x1;
	s2 =	sadd.s32 s19, s18  }
0x9c: {  	s6 =	simm.s32 $0x0;
	s20 =	sshll.u32 s4, $0x1;
	s4 =	sadd.s32 s21, s2  }
0x9d: {  	[timem:s6], [sflag:s22] =	dma.local [hbm:s4], s20  }
0x9e: {  	_ =	swait.ge [sflag:s22], s20  }
0x9f: {  	s3 =	ssub.s32 $0x0, s20;
	[sflag:s22] =	ssyncset.done $0x0  }
0xa0: {  	[sflag:s22] =	ssyncadd.s32 s3;
	_ =	sdelay $0x1  }
0xa1: {  	s23 =	simm.s32 $0x1B8B  }
0xa2: {  	_ =	swait.ge [sflag:s23], $0x1  }
0xa3: {  	[sflag:s23] =	ssyncset.done $0x0  }
0xa4: {  	s25 =	simm.s32 $0x1B8E;
	s24 =	sld [smem:$0x3FFE];
	[sflag:s23] =	ssyncadd.s32 $0xFFFFFFFF  }
0xa5: {  	s26 =	simm.s32 $execute0_lowered;
	[smem:$0x3FD2] =	sst s25  }
0xa6: {  	s4 =	sshll.u32 s26, $0x1;
	_ =	strace $0x80000046;
	[dreg:$0x1] =	wrdreg $0xFFFFFFFF  }
0xa7: {  	s28 =	simm.s32 $_size_execute0_lowered;
	s2 =	sadd.s32 s2, s4;
	[dreg:$0x0] =	wrdreg $0x0  }
0xa8: {  	s4 =	sshll.u32 s28, $0x1;
	[dreg:$0x2] =	wrdreg s2  }
0xa9: {  	[dreg:$0x3] =	wrdreg s4  }
0xaa: {  	[dreg:$0x4] =	wrdreg $0xC0  }
0xab: {  	_ =	task [dreg:s6], $0x5FFFF  }
0xac: {  	[dreg:$0x1] =	wrdreg $0xFFFFFFFF  }
0xad: {  	[dreg:$0x0] =	wrdreg $0x60  }
0xae: {  	[dreg:$0x2] =	wrdreg s24  }
0xaf: {  	[dreg:$0x3] =	wrdreg $0x92000  }
0xb0: {  	[dreg:$0x4] =	wrdreg $0xA  }
0xb1: {  	_ =	task.clear_ibuf [dreg:s6], $0x5FFFF;
	_ =	strace $0x90000046  }
0xb2: {  	s29 =	simm.s32 $0xA;
	_ =	strace $0x80000048  }
0xb3: {  	_ =	swait.ge [sflag:s29], $0x1  }
0xb4: {  	[sflag:s29] =	ssyncadd.s32 $0xFFFFFFFF  }
0xb5: {  	_ =	strace $0x90000048  }
0xb6: {  	_ =	sfence  }
0xb7: {  	s30 =	sld [smem:$0x0];
	_ =	sdelay $0x2  }
0xb8: {  	s31 =	sshll.u32 s1, $0xD;
	s1 =	sshrl.u32 s1, $0x2  }
0xb9: {  	s3 =	sand.u32 $0x4000, s31;
	s1 =	sadd.s32 s1, s30  }
0xba: {  	s0 =	sor.u32 s3, s0;
	s1 =	sshll.u32 s1, $0x11  }
0xbb: {  	s0 =	sor.u32 s1, s0  }
0xbc: {  	s0 =	sadd.s32 $0x8F2B, s0  }
0xbd: {  	[sflag:s0] =	ssyncadd.remote.s32 $0x1  }
0xbe: {  	_ =	sfence.sel $0xFFFF  }
0xbf: {  	[dreg:$0x0] =	wrdreg $0xFFFFFFFF;
	(pc) =	sbr.abs _section_cstart, $3  }
0xc0: {  	[dreg:$0x1] =	wrdreg $0xFFFFFFFF  }
0xc1: {  	_ =	task.clear_ibuf [dreg:s6], $0x2FFFF;
	_ =	strace $0x9FFFFFFF  }
0xc2: {  	(tm) =	ssettm $0x7FFFFFFF  }
0xc3: {  	_ =	shalt  }
tec
execute0_lowered:
.L_overlay_start_1:
0x0: {  	(tag) =	ssettag $0x1  }
0x1: {  	s0 =	rddreg [dreg:$0x0]  }
0x2: {  	s1 =	rddreg [dreg:$0x1];
	s3 =	simm.s32 $0x0;
	s8 =	stileid.u32  }
0x3: {  	s2 =	srdreg.scid;
	s28 =	simm.s32 $0x6900;
	s29 =	simm.s32 $0x6A00  }
0x4: {  	s30 =	simm.s32 $0x1;
	s31 =	simm.s32 $0x4080;
	[smem:$0x7FF] =	sst s3  }
0x5: {  	s4 =	sadd.s32 $0x25600, s0;
	s2 =	sand.u32 $0x1, s2;
	s5 =	smul.u32 $0x4F000, s8  }
0x6: {  	s6 =	sshll.u32 s8, $0xB;
	s13 =	smul.u32 $0x13C00, s8;
	_ =	strace $0x80000047  }
0x7: {  	s7 =	ssub.s32 $0x2, s2;
	s14 =	sadd.s32 s6, s0;
	s0 =	sadd.s32 $0x4CE00, s0  }
0x8: {  	s23 =	smul.u32 $0x13C000, s2;
	s2 =	sshll.u32 s2, $0xF;
	s25 =	sshrl.u32 s7, $0x1  }
0x9: {  	s5 =	sshrl.u32 s5, $0x2;
	s16 =	sadd.s32 $0x2800, s13;
	s17 =	sadd.s32 $0x5000, s13  }
0xa: {  	s18 =	sadd.s32 $0x7800, s13;
	s19 =	sadd.s32 $0xA000, s13;
	s20 =	sadd.s32 $0xC800, s13  }
0xb: {  	s21 =	sadd.s32 $0xF000, s13;
	s22 =	sadd.s32 $0x11800, s13;
	s2 =	sadd.s32 s2, s14  }
0xc: {  	s15 =	ssub.s32 s7, s25;
	s5 =	sadd.s32 s5, s1;
	s6 =	sadd.s32 s16, s1  }
0xd: {  	s7 =	sadd.s32 s17, s1;
	s8 =	sadd.s32 s18, s1;
	s9 =	sadd.s32 s19, s1  }
0xe: {  	s10 =	sadd.s32 s20, s1;
	s11 =	sadd.s32 s21, s1;
	s12 =	sadd.s32 s22, s1  }
0xf: {  	s13 =	sadd.s32 s13, s23;
	s16 =	sadd.s32 s23, s16;
	s2 =	sadd.s32 $0x15600, s2  }
0x10: {  	s17 =	sadd.s32 s23, s17;
	s18 =	sadd.s32 s23, s18;
	s19 =	sadd.s32 s23, s19  }
0x11: {  	s24 =	sadd.s32 s23, s20;
	s25 =	sadd.s32 s23, s21;
	s13 =	sshrl.u32 s13, $0x3  }
0x12: {  	s26 =	sshrl.u32 s16, $0x3;
	[dreg:$0x3] =	wrdreg s2;
	s2 =	sshrl.u32 s17, $0x3  }
0x13: {  	s14 =	sshrl.u32 s19, $0x3;
	s13 =	sadd.s32 s0, s13;
	s16 =	sadd.s32 s0, s26  }
0x14: {  	s26 =	sadd.s32 s23, s22;
	s22 =	smax.u32 s15, $0x1;
	[dreg:$0x4] =	wrdreg s13  }
0x15: {  	s23 =	simm.s32 $0x4100;
	[dreg:$0x5] =	wrdreg s16;
	s13 =	sshrl.u32 s18, $0x3  }
0x16: {  	s16 =	sadd.s32 s0, s2;
	s18 =	sadd.s32 s0, s14;
	s2 =	sshrl.u32 s24, $0x3  }
0x17: {  	s14 =	sshrl.u32 s26, $0x3;
	s24 =	simm.s32 $0x3;
	s26 =	simm.s32 $0x4000  }
0x18: {  	s17 =	sadd.s32 s0, s13;
	s13 =	sshrl.u32 s25, $0x3;
	s19 =	sadd.s32 s0, s2  }
0x19: {  	s21 =	sadd.s32 s0, s14;
	s25 =	simm.s32 $0x50;
	s2 =	simm.s32 $0x6980  }
0x1a: {  	v0 =	vimm.f32 $0.0e+00;
	s20 =	sadd.s32 s0, s13;
	s0 =	simm.s32 $0x2;
	s13 =	simm.s32 $0x0  }
.LBB2_1:
0x1b: {  	s14 =	simm.s32 $0x0;
	s15 =	simm.s32 $0x200  }
.LBB2_2:
0x1c: {  	p0 =	sne.s32 s15, $0x9E00;
	[tilespmem:s14+$0x4170] =	vst v0  }
0x1d: {  	[tilespmem:s14+$0x4100] =	vst v0  }
0x1e: {  	[tilespmem:s14+$0x4110] =	vst v0  }
.Ltmp0:
0x1f: {  	[tilespmem:s14+$0x4120] =	vst v0;
	(pc) =	sbr.rel @p0 .LBB2_2-.Ltmp0, $4  }
0x20: {  	[tilespmem:s14+$0x4130] =	vst v0  }
0x21: {  	[tilespmem:s14+$0x4140] =	vst v0  }
0x22: {  	[tilespmem:s14+$0x4150] =	vst v0  }
0x23: {  	[tilespmem:s14+$0x4160] =	vst v0;
	s14 =	sshra.s32 s15, $0x2;
	s15 =	sadd.s32 $0x200, s15  }
0x24: {  	[tilespmem:s14+$0x4170] =	vst v0  }
0x25: {  	[tilespmem:s14+$0x4100] =	vst v0  }
0x26: {  	[tilespmem:s14+$0x4110] =	vst v0  }
0x27: {  	[tilespmem:s14+$0x4120] =	vst v0  }
0x28: {  	[tilespmem:s14+$0x4130] =	vst v0  }
0x29: {  	[tilespmem:s14+$0x4140] =	vst v0  }
0x2a: {  	[tilespmem:s14+$0x4150] =	vst v0  }
0x2b: {  	[tilespmem:s14+$0x4160] =	vst v0  }
0x2c: {  	[spmem:s5] =	stream.linear.scatter [tilespmem:s23], [sflag:$0x3], $0x2800, $0x38;
	[tilespmem:$0x1CE00] =	vst v63  }
0x2d: {  	_ =	swait.ge [sflag:s24], $0x2800  }
0x2e: {  	[sflag:s24] =	ssyncset.done $0x0  }
0x2f: {  	[sflag:s24] =	ssyncadd.s32 $0xFFFFD800  }
0x30: {  	[spmem:s6] =	stream.linear.scatter [tilespmem:s23], [sflag:$0x3], $0x2800, $0x38;
	[tilespmem:$0x1CE00] =	vst v63  }
0x31: {  	_ =	swait.ge [sflag:s24], $0x2800  }
0x32: {  	[sflag:s24] =	ssyncset.done $0x0  }
0x33: {  	[sflag:s24] =	ssyncadd.s32 $0xFFFFD800  }
0x34: {  	[spmem:s7] =	stream.linear.scatter [tilespmem:s23], [sflag:$0x3], $0x2800, $0x38;
	[tilespmem:$0x1CE00] =	vst v63  }
0x35: {  	_ =	swait.ge [sflag:s24], $0x2800  }
0x36: {  	[sflag:s24] =	ssyncset.done $0x0  }
0x37: {  	[sflag:s24] =	ssyncadd.s32 $0xFFFFD800  }
0x38: {  	[spmem:s8] =	stream.linear.scatter [tilespmem:s23], [sflag:$0x3], $0x2800, $0x38;
	[tilespmem:$0x1CE00] =	vst v63  }
0x39: {  	_ =	swait.ge [sflag:s24], $0x2800  }
0x3a: {  	[sflag:s24] =	ssyncset.done $0x0  }
0x3b: {  	[sflag:s24] =	ssyncadd.s32 $0xFFFFD800  }
0x3c: {  	[spmem:s9] =	stream.linear.scatter [tilespmem:s23], [sflag:$0x3], $0x2800, $0x38;
	[tilespmem:$0x1CE00] =	vst v63  }
0x3d: {  	_ =	swait.ge [sflag:s24], $0x2800  }
0x3e: {  	[sflag:s24] =	ssyncset.done $0x0  }
0x3f: {  	[sflag:s24] =	ssyncadd.s32 $0xFFFFD800  }
0x40: {  	[spmem:s10] =	stream.linear.scatter [tilespmem:s23], [sflag:$0x3], $0x2800, $0x38;
	[tilespmem:$0x1CE00] =	vst v63  }
0x41: {  	_ =	swait.ge [sflag:s24], $0x2800  }
0x42: {  	[sflag:s24] =	ssyncset.done $0x0  }
0x43: {  	[sflag:s24] =	ssyncadd.s32 $0xFFFFD800  }
0x44: {  	[spmem:s11] =	stream.linear.scatter [tilespmem:s23], [sflag:$0x3], $0x2800, $0x38;
	[tilespmem:$0x1CE00] =	vst v63  }
0x45: {  	_ =	swait.ge [sflag:s24], $0x2800  }
0x46: {  	[sflag:s24] =	ssyncset.done $0x0  }
0x47: {  	[sflag:s24] =	ssyncadd.s32 $0xFFFFD800  }
0x48: {  	[spmem:s12] =	stream.linear.scatter [tilespmem:s23], [sflag:$0x3], $0x2400, $0x38;
	[tilespmem:$0x1CE00] =	vst v63  }
0x49: {  	_ =	swait.ge [sflag:s24], $0x2400  }
0x4a: {  	[sflag:s24] =	ssyncset.done $0x0  }
0x4b: {  	s14 =	simm.s32 $0x0;
	s15 =	rddreg [dreg:$0x3];
	[sflag:s24] =	ssyncadd.s32 $0xFFFFDC00  }
0x4c: {  	[tilespmem:s14], [sflag:$0x3] =	stream.linear.gather [hbm4b:s15+s14], $0x3E80, $0x38;
	[tilespmem:$0x1CE00] =	vst v63  }
0x4d: {  	_ =	swait.ge [sflag:s24], $0x3E80  }
0x4e: {  	[sflag:s24] =	ssyncset.done $0x0  }
0x4f: {  	[sflag:s24] =	ssyncadd.s32 $0xFFFFC180  }
0x50: {  	[bflag:$0x0] =	sbarrier.arrive $0xFFFF  }
0x51: {  	v1 =	vld [tilespmem:$0x0];
	_ =	sdelay $0x1  }
0x52: {  	v2 =	vld [tilespmem:$0x10];
	_ =	sdelay $0x1  }
0x53: {  	v3 =	vld [tilespmem:$0x20]  }
0x54: {  	v4 =	vand.u32 $0x3FFF, v1  }
0x55: {  	v63 =	vld [tilespmem:$0x30];
	v1 =	vshrl.u32 v1, $0xE;
	[tilespmem:$0x4000] =	vst v4  }
0x56: {  	[tilespmem:$0x4080] =	vst v1;
	v1 =	vand.u32 $0x3FFF, v2  }
0x57: {  	[tilespmem:$0x4010] =	vst v1;
	v1 =	vshrl.u32 v2, $0xE;
	v2 =	vld [tilespmem:$0x40]  }
0x58: {  	[tilespmem:$0x4090] =	vst v1;
	v1 =	vand.u32 $0x3FFF, v3  }
0x59: {  	[tilespmem:$0x4020] =	vst v1;
	v1 =	vshrl.u32 v3, $0xE  }
0x5a: {  	[tilespmem:$0x40A0] =	vst v1;
	v1 =	vand.u32 $0x3FFF, v63  }
0x5b: {  	[tilespmem:$0x4030] =	vst v1;
	v1 =	vshrl.u32 v63, $0xE  }
0x5c: {  	[tilespmem:$0x40B0] =	vst v1;
	v1 =	vand.u32 $0x3FFF, v2  }
0x5d: {  	[tilespmem:$0x4040] =	vst v1;
	v1 =	vshrl.u32 v2, $0xE  }
0x5e: {  	s15 =	simm.s32 $0x0;
	[tilespmem:$0x40C0] =	vst v1  }
0x5f: {  	[tilespmem:s23], [sflag:$0x1] =	stream.indirect.gather [hbm4b:s4+s25], $0x80, s26, s25, $0xb8;
	[tilespmem:$0x1CE00] =	vst v63  }
0x60: {  	v1 =	vld [tilespmem:s15+$0x80];
	_ =	sdelay $0x4  }
0x61: {  	v2 =	vand.u32 $0x3FFF, v1  }
0x62: {  	v1 =	vshrl.u32 v1, $0xE;
	[tilespmem:$0x6900] =	vst v2  }
0x63: {  	[tilespmem:$0x6980] =	vst v1  }
0x64: {  	v1 =	vld [tilespmem:s15+$0x90];
	_ =	sdelay $0x4  }
0x65: {  	v2 =	vand.u32 $0x3FFF, v1  }
0x66: {  	v1 =	vshrl.u32 v1, $0xE;
	[tilespmem:$0x6910] =	vst v2  }
0x67: {  	[tilespmem:$0x6990] =	vst v1  }
0x68: {  	v1 =	vld [tilespmem:s15+$0xA0];
	_ =	sdelay $0x4  }
0x69: {  	v2 =	vand.u32 $0x3FFF, v1  }
0x6a: {  	v1 =	vshrl.u32 v1, $0xE;
	[tilespmem:$0x6920] =	vst v2  }
0x6b: {  	[tilespmem:$0x69A0] =	vst v1  }
0x6c: {  	v1 =	vld [tilespmem:s15+$0xB0];
	_ =	sdelay $0x4  }
0x6d: {  	v2 =	vand.u32 $0x3FFF, v1  }
0x6e: {  	v1 =	vshrl.u32 v1, $0xE;
	[tilespmem:$0x6930] =	vst v2  }
0x6f: {  	[tilespmem:$0x69B0] =	vst v1  }
0x70: {  	v1 =	vld [tilespmem:s15+$0xC0];
	_ =	sdelay $0x4  }
0x71: {  	v2 =	vand.u32 $0x3FFF, v1  }
0x72: {  	v1 =	vshrl.u32 v1, $0xE;
	[tilespmem:$0x6940] =	vst v2  }
0x73: {  	[tilespmem:$0x69C0] =	vst v1  }
0x74: {  	[tilespmem:s29], [sflag:$0x2] =	stream.indirect.gather [hbm4b:s4+s25], $0x80, s28, s25, $0xb8;
	[tilespmem:$0x1CE00] =	vst v63  }
0x75: {  	_ =	swait.ge [sflag:s30], $0x2800  }
0x76: {  	[sflag:s30] =	ssyncset.done $0x0  }
0x77: {  	[sflag:s30] =	ssyncadd.s32 $0xFFFFD800  }
0x78: {  	[spmem:s1] =	stream.indirect.scatter.add.f32 [tilespmem:s23], [sflag:$0x3], $0x80, s31, s25, $0xb8;
	[tilespmem:$0x1CE00] =	vst v63  }
0x79: {  	_ =	swait.ge [sflag:s24], $0x2800  }
0x7a: {  	[sflag:s24] =	ssyncset.done $0x0  }
0x7b: {  	[sflag:s24] =	ssyncadd.s32 $0xFFFFD800  }
0x7c: {  	v1 =	vld [tilespmem:s15+$0x100];
	_ =	sdelay $0x4  }
0x7d: {  	v2 =	vand.u32 $0x3FFF, v1  }
0x7e: {  	v1 =	vshrl.u32 v1, $0xE;
	[tilespmem:$0x4000] =	vst v2  }
0x7f: {  	[tilespmem:$0x4080] =	vst v1  }
0x80: {  	v1 =	vld [tilespmem:s15+$0x110];
	_ =	sdelay $0x4  }
0x81: {  	v2 =	vand.u32 $0x3FFF, v1  }
0x82: {  	v1 =	vshrl.u32 v1, $0xE;
	[tilespmem:$0x4010] =	vst v2  }
0x83: {  	[tilespmem:$0x4090] =	vst v1  }
0x84: {  	v1 =	vld [tilespmem:s15+$0x120];
	_ =	sdelay $0x4  }
0x85: {  	v2 =	vand.u32 $0x3FFF, v1  }
0x86: {  	v1 =	vshrl.u32 v1, $0xE;
	[tilespmem:$0x4020] =	vst v2  }
0x87: {  	[tilespmem:$0x40A0] =	vst v1  }
0x88: {  	v1 =	vld [tilespmem:s15+$0x130];
	_ =	sdelay $0x4  }
0x89: {  	v2 =	vand.u32 $0x3FFF, v1  }
0x8a: {  	v1 =	vshrl.u32 v1, $0xE;
	[tilespmem:$0x4030] =	vst v2  }
0x8b: {  	[tilespmem:$0x40B0] =	vst v1  }
0x8c: {  	s14 =	simm.s32 $0x400;
	v1 =	vld [tilespmem:s15+$0x140]  }
.LBB2_4:
0x8d: {  	_ =	sdelay $0x3  }
0x8e: {  	p0 =	sne.s32 s14, $0xF400;
	s15 =	smov.u32 s14;
	s14 =	sadd.s32 $0x400, s14;
	v2 =	vand.u32 $0x3FFF, v1;
	v1 =	vshrl.u32 v1, $0xE  }
0x8f: {  	[tilespmem:$0x4040] =	vst v2  }
0x90: {  	[tilespmem:$0x40C0] =	vst v1  }
0x91: {  	[tilespmem:s23], [sflag:$0x1] =	stream.indirect.gather [hbm4b:s4+s25], $0x80, s26, s25, $0xb8;
	[tilespmem:$0x1CE00] =	vst v63  }
0x92: {  	_ =	swait.ge [sflag:s0], $0x2800  }
0x93: {  	[sflag:s0] =	ssyncset.done $0x0  }
0x94: {  	[sflag:s0] =	ssyncadd.s32 $0xFFFFD800  }
0x95: {  	[spmem:s1] =	stream.indirect.scatter.add.f32 [tilespmem:s29], [sflag:$0x3], $0x80, s2, s25, $0xb8;
	[tilespmem:$0x1CE00] =	vst v63  }
0x96: {  	_ =	swait.ge [sflag:s24], $0x2800  }
0x97: {  	[sflag:s24] =	ssyncset.done $0x0  }
0x98: {  	s15 =	sshra.s32 s15, $0x2;
	[sflag:s24] =	ssyncadd.s32 $0xFFFFD800  }
0x99: {  	v1 =	vld [tilespmem:s15+$0x80];
	_ =	sdelay $0x4  }
0x9a: {  	v2 =	vand.u32 $0x3FFF, v1;
	v1 =	vshrl.u32 v1, $0xE  }
0x9b: {  	[tilespmem:$0x6900] =	vst v2  }
0x9c: {  	[tilespmem:$0x6980] =	vst v1  }
0x9d: {  	v1 =	vld [tilespmem:s15+$0x90];
	_ =	sdelay $0x4  }
0x9e: {  	v2 =	vand.u32 $0x3FFF, v1;
	v1 =	vshrl.u32 v1, $0xE  }
0x9f: {  	[tilespmem:$0x6910] =	vst v2  }
0xa0: {  	[tilespmem:$0x6990] =	vst v1  }
0xa1: {  	v1 =	vld [tilespmem:s15+$0xA0];
	_ =	sdelay $0x4  }
0xa2: {  	v2 =	vand.u32 $0x3FFF, v1;
	v1 =	vshrl.u32 v1, $0xE  }
0xa3: {  	[tilespmem:$0x6920] =	vst v2  }
0xa4: {  	[tilespmem:$0x69A0] =	vst v1  }
0xa5: {  	v1 =	vld [tilespmem:s15+$0xB0];
	_ =	sdelay $0x4  }
0xa6: {  	v2 =	vand.u32 $0x3FFF, v1;
	v1 =	vshrl.u32 v1, $0xE  }
0xa7: {  	[tilespmem:$0x6930] =	vst v2  }
0xa8: {  	[tilespmem:$0x69B0] =	vst v1  }
0xa9: {  	v1 =	vld [tilespmem:s15+$0xC0];
	_ =	sdelay $0x4  }
0xaa: {  	v2 =	vand.u32 $0x3FFF, v1;
	v1 =	vshrl.u32 v1, $0xE  }
0xab: {  	[tilespmem:$0x6940] =	vst v2  }
0xac: {  	[tilespmem:$0x69C0] =	vst v1  }
0xad: {  	[tilespmem:s29], [sflag:$0x2] =	stream.indirect.gather [hbm4b:s4+s25], $0x80, s28, s25, $0xb8;
	[tilespmem:$0x1CE00] =	vst v63  }
0xae: {  	_ =	swait.ge [sflag:s30], $0x2800  }
0xaf: {  	[sflag:s30] =	ssyncset.done $0x0  }
0xb0: {  	[sflag:s30] =	ssyncadd.s32 $0xFFFFD800  }
0xb1: {  	[spmem:s1] =	stream.indirect.scatter.add.f32 [tilespmem:s23], [sflag:$0x3], $0x80, s31, s25, $0xb8;
	[tilespmem:$0x1CE00] =	vst v63  }
0xb2: {  	_ =	swait.ge [sflag:s24], $0x2800  }
0xb3: {  	[sflag:s24] =	ssyncset.done $0x0  }
0xb4: {  	[sflag:s24] =	ssyncadd.s32 $0xFFFFD800  }
0xb5: {  	v1 =	vld [tilespmem:s15+$0x100];
	_ =	sdelay $0x4  }
0xb6: {  	v2 =	vand.u32 $0x3FFF, v1;
	v1 =	vshrl.u32 v1, $0xE  }
0xb7: {  	[tilespmem:$0x4000] =	vst v2  }
0xb8: {  	[tilespmem:$0x4080] =	vst v1  }
0xb9: {  	v1 =	vld [tilespmem:s15+$0x110];
	_ =	sdelay $0x4  }
0xba: {  	v2 =	vand.u32 $0x3FFF, v1;
	v1 =	vshrl.u32 v1, $0xE  }
0xbb: {  	[tilespmem:$0x4010] =	vst v2  }
0xbc: {  	[tilespmem:$0x4090] =	vst v1  }
0xbd: {  	v1 =	vld [tilespmem:s15+$0x120];
	_ =	sdelay $0x4  }
0xbe: {  	v2 =	vand.u32 $0x3FFF, v1;
	v1 =	vshrl.u32 v1, $0xE  }
0xbf: {  	[tilespmem:$0x4020] =	vst v2  }
0xc0: {  	[tilespmem:$0x40A0] =	vst v1  }
0xc1: {  	v1 =	vld [tilespmem:s15+$0x130];
	_ =	sdelay $0x3  }
.Ltmp1:
0xc2: {  	(pc) =	sbr.rel @p0 .LBB2_4-.Ltmp1, $4  }
0xc3: {  	v2 =	vand.u32 $0x3FFF, v1;
	v1 =	vshrl.u32 v1, $0xE  }
0xc4: {  	[tilespmem:$0x4030] =	vst v2  }
0xc5: {  	[tilespmem:$0x40B0] =	vst v1  }
0xc6: {  	v1 =	vld [tilespmem:s15+$0x140]  }
0xc7: {  	_ =	sdelay $0x3  }
0xc8: {  	v2 =	vand.u32 $0x3FFF, v1  }
0xc9: {  	v1 =	vshrl.u32 v1, $0xE;
	[tilespmem:$0x4040] =	vst v2  }
0xca: {  	[tilespmem:$0x40C0] =	vst v1  }
0xcb: {  	[tilespmem:s23], [sflag:$0x1] =	stream.indirect.gather [hbm4b:s4+s25], $0x80, s26, s25, $0xb8;
	[tilespmem:$0x1CE00] =	vst v63  }
0xcc: {  	_ =	swait.ge [sflag:s0], $0x2800  }
0xcd: {  	[sflag:s0] =	ssyncset.done $0x0  }
0xce: {  	[sflag:s0] =	ssyncadd.s32 $0xFFFFD800  }
0xcf: {  	[spmem:s1] =	stream.indirect.scatter.add.f32 [tilespmem:s29], [sflag:$0x3], $0x80, s2, s25, $0xb8;
	[tilespmem:$0x1CE00] =	vst v63  }
0xd0: {  	_ =	swait.ge [sflag:s24], $0x2800  }
0xd1: {  	[sflag:s24] =	ssyncset.done $0x0  }
0xd2: {  	[sflag:s24] =	ssyncadd.s32 $0xFFFFD800  }
0xd3: {  	_ =	swait.ge [sflag:s30], $0x2800  }
0xd4: {  	[sflag:s30] =	ssyncset.done $0x0  }
0xd5: {  	[sflag:s30] =	ssyncadd.s32 $0xFFFFD800  }
0xd6: {  	[spmem:s1] =	stream.indirect.scatter.add.f32 [tilespmem:s23], [sflag:$0x3], $0x80, s31, s25, $0xb8;
	[tilespmem:$0x1CE00] =	vst v63  }
0xd7: {  	_ =	swait.ge [sflag:s24], $0x2800  }
0xd8: {  	[sflag:s24] =	ssyncset.done $0x0  }
0xd9: {  	[sflag:s24] =	ssyncadd.s32 $0xFFFFD800  }
0xda: {  	[bflag:$0x0] =	sbarrier.arrive $0xFFFF  }
0xdb: {  	[tilespmem:s23], [sflag:$0x3] =	stream.linear.gather [spmem:s5], $0x2800, $0x38;
	[tilespmem:$0x1CE00] =	vst v63  }
0xdc: {  	_ =	swait.ge [sflag:s24], $0x2800  }
0xdd: {  	[sflag:s24] =	ssyncset.done $0x0  }
0xde: {  	s14 =	rddreg [dreg:$0x4];
	[sflag:s24] =	ssyncadd.s32 $0xFFFFD800  }
0xdf: {  	[hbm4b:s14+s3] =	stream.linear.scatter [tilespmem:s23], [sflag:$0x3], $0x2800, $0x38;
	[tilespmem:$0x1CE00] =	vst v63  }
0xe0: {  	_ =	swait.ge [sflag:s24], $0x2800  }
0xe1: {  	[sflag:s24] =	ssyncset.done $0x0  }
0xe2: {  	[sflag:s24] =	ssyncadd.s32 $0xFFFFD800  }
0xe3: {  	[tilespmem:s29], [sflag:$0x3] =	stream.linear.gather [spmem:s6], $0x2800, $0x38;
	[tilespmem:$0x1CE00] =	vst v63  }
0xe4: {  	_ =	swait.ge [sflag:s24], $0x2800  }
0xe5: {  	[sflag:s24] =	ssyncset.done $0x0  }
0xe6: {  	s15 =	rddreg [dreg:$0x5];
	[sflag:s24] =	ssyncadd.s32 $0xFFFFD800  }
0xe7: {  	[hbm4b:s15+s3] =	stream.linear.scatter [tilespmem:s29], [sflag:$0x3], $0x2800, $0x38;
	[tilespmem:$0x1CE00] =	vst v63  }
0xe8: {  	_ =	swait.ge [sflag:s24], $0x2800  }
0xe9: {  	[sflag:s24] =	ssyncset.done $0x0  }
0xea: {  	[sflag:s24] =	ssyncadd.s32 $0xFFFFD800  }
0xeb: {  	[tilespmem:s23], [sflag:$0x3] =	stream.linear.gather [spmem:s7], $0x2800, $0x38;
	[tilespmem:$0x1CE00] =	vst v63  }
0xec: {  	_ =	swait.ge [sflag:s24], $0x2800  }
0xed: {  	[sflag:s24] =	ssyncset.done $0x0  }
0xee: {  	[sflag:s24] =	ssyncadd.s32 $0xFFFFD800  }
0xef: {  	[hbm4b:s16+s3] =	stream.linear.scatter [tilespmem:s23], [sflag:$0x3], $0x2800, $0x38;
	[tilespmem:$0x1CE00] =	vst v63  }
0xf0: {  	_ =	swait.ge [sflag:s24], $0x2800  }
0xf1: {  	[sflag:s24] =	ssyncset.done $0x0  }
0xf2: {  	[sflag:s24] =	ssyncadd.s32 $0xFFFFD800  }
0xf3: {  	[tilespmem:s29], [sflag:$0x3] =	stream.linear.gather [spmem:s8], $0x2800, $0x38;
	[tilespmem:$0x1CE00] =	vst v63  }
0xf4: {  	_ =	swait.ge [sflag:s24], $0x2800  }
0xf5: {  	[sflag:s24] =	ssyncset.done $0x0  }
0xf6: {  	[sflag:s24] =	ssyncadd.s32 $0xFFFFD800  }
0xf7: {  	[hbm4b:s17+s3] =	stream.linear.scatter [tilespmem:s29], [sflag:$0x3], $0x2800, $0x38;
	[tilespmem:$0x1CE00] =	vst v63  }
0xf8: {  	_ =	swait.ge [sflag:s24], $0x2800  }
0xf9: {  	[sflag:s24] =	ssyncset.done $0x0  }
0xfa: {  	[sflag:s24] =	ssyncadd.s32 $0xFFFFD800  }
0xfb: {  	[tilespmem:s23], [sflag:$0x3] =	stream.linear.gather [spmem:s9], $0x2800, $0x38;
	[tilespmem:$0x1CE00] =	vst v63  }
0xfc: {  	_ =	swait.ge [sflag:s24], $0x2800  }
0xfd: {  	[sflag:s24] =	ssyncset.done $0x0  }
0xfe: {  	[sflag:s24] =	ssyncadd.s32 $0xFFFFD800  }
0xff: {  	[hbm4b:s18+s3] =	stream.linear.scatter [tilespmem:s23], [sflag:$0x3], $0x2800, $0x38;
	[tilespmem:$0x1CE00] =	vst v63  }
0x100: {  	_ =	swait.ge [sflag:s24], $0x2800  }
0x101: {  	[sflag:s24] =	ssyncset.done $0x0  }
0x102: {  	[sflag:s24] =	ssyncadd.s32 $0xFFFFD800  }
0x103: {  	[tilespmem:s29], [sflag:$0x3] =	stream.linear.gather [spmem:s10], $0x2800, $0x38;
	[tilespmem:$0x1CE00] =	vst v63  }
0x104: {  	_ =	swait.ge [sflag:s24], $0x2800  }
0x105: {  	[sflag:s24] =	ssyncset.done $0x0  }
0x106: {  	[sflag:s24] =	ssyncadd.s32 $0xFFFFD800  }
0x107: {  	[hbm4b:s19+s3] =	stream.linear.scatter [tilespmem:s29], [sflag:$0x3], $0x2800, $0x38;
	[tilespmem:$0x1CE00] =	vst v63  }
0x108: {  	_ =	swait.ge [sflag:s24], $0x2800  }
0x109: {  	[sflag:s24] =	ssyncset.done $0x0  }
0x10a: {  	[sflag:s24] =	ssyncadd.s32 $0xFFFFD800  }
0x10b: {  	[tilespmem:s23], [sflag:$0x3] =	stream.linear.gather [spmem:s11], $0x2800, $0x38;
	[tilespmem:$0x1CE00] =	vst v63  }
0x10c: {  	_ =	swait.ge [sflag:s24], $0x2800  }
0x10d: {  	[sflag:s24] =	ssyncset.done $0x0  }
0x10e: {  	[sflag:s24] =	ssyncadd.s32 $0xFFFFD800  }
0x10f: {  	[hbm4b:s20+s3] =	stream.linear.scatter [tilespmem:s23], [sflag:$0x3], $0x2800, $0x38;
	[tilespmem:$0x1CE00] =	vst v63  }
0x110: {  	_ =	swait.ge [sflag:s24], $0x2800  }
0x111: {  	[sflag:s24] =	ssyncset.done $0x0  }
0x112: {  	[sflag:s24] =	ssyncadd.s32 $0xFFFFD800  }
0x113: {  	[tilespmem:s29], [sflag:$0x3] =	stream.linear.gather [spmem:s12], $0x2400, $0x38;
	[tilespmem:$0x1CE00] =	vst v63  }
0x114: {  	s13 =	sadd.s32 $0x1, s13;
	_ =	swait.ge [sflag:s24], $0x2400  }
0x115: {  	p0 =	sne.s32 s13, s22;
	[sflag:s24] =	ssyncset.done $0x0  }
.Ltmp2:
0x116: {  	[sflag:s24] =	ssyncadd.s32 $0xFFFFDC00;
	(pc) =	sbr.rel @p0 .LBB2_1-.Ltmp2, $4  }
0x117: {  	[hbm4b:s21+s3] =	stream.linear.scatter [tilespmem:s29], [sflag:$0x3], $0x2400, $0x38;
	[tilespmem:$0x1CE00] =	vst v63  }
0x118: {  	_ =	swait.ge [sflag:s24], $0x2400  }
0x119: {  	[sflag:s24] =	ssyncset.done $0x0  }
0x11a: {  	[sflag:s24] =	ssyncadd.s32 $0xFFFFDC00  }
0x11b: {  	_ =	sfence.sel $0x180000  }
0x11c: {  	[bflag:$0x0] =	sbarrier.arrive $0xFFFF  }
0x11d: {  	_ =	strace $0x90000047  }
0x11e: {  	s0 =	stileid.u32;
	[bflag:$0x2] =	sbarrier.arrive $0xFFFF  }
0x11f: {  	p0 =	sne.s32 s0, $0x0;
	s0 =	rddreg [dreg:$0x2]  }
0x120: {  	s0 =	sadd.s32 @!p0 $0x100000, s0  }
0x121: {  	[sflag:s0] =	ssyncadd.tile.s32 @!p0 $0x1;
	_ =	shalt  }
.Lfunc_end2:
_tile_overlayer_lowered:
.L_overlay_start_2:
0x122: {  	(tag) =	ssettag $0x2  }
0x123: {  	s0 =	rddreg [dreg:$0x0];
	s2 =	stileid.u32  }
0x124: {  	s1 =	rddreg [dreg:$0x1];
	p0 =	sne.s32 s2, $0x0  }
0x125: {  	s3 =	rddreg [dreg:$0x2];
	[bflag:$0x3] =	sbarrier.arrive $0xFFFF;
	s2 =	simm.s32 @!p0 $0x1C03  }
0x126: {  	[timem:s3], [sflag:s2] =	dma.local @!p0 [hbm:s0], s1  }
0x127: {  	s0 =	simm.s32 @!p0 $0x3  }
0x128: {  	_ =	swait.ge @!p0 [sflag:s0], s1  }
0x129: {  	s1 =	ssub.s32 @!p0 $0x0, s1;
	[sflag:s0] =	ssyncset.done @!p0 $0x0  }
0x12a: {  	[sflag:s0] =	ssyncadd.s32 @!p0 s1  }
0x12b: {  	[bflag:$0x3] =	sbarrier.arrive $0xFFFF  }
0x12c: {  	_ =	shalt  }

// kernel: kernel.14.cloned.1.call-start
scs
__scs_entry_jumppad:
0x0: {  	(pc) =	sbr.rel $0x88, $3  }
0x1: {  	(tag) =	ssettag $0x0;
	lr =	simm.s32 $0x1  }
0x2: {  	[smem:$0x3F97] =	sst lr;
	_ =	strace $0xD0000000  }
0x3: {  	_ = 	snop  }
0x4: {  	_ = 	snop  }
0x5: {  	_ = 	snop  }
0x6: {  	_ = 	snop  }
0x7: {  	_ = 	snop  }
__scs_overlays_trampoline_lowered:
0x8: {  	[smem:$0x3FA6] =	sst s0  }
0x9: {  	[smem:$0x3FA7] =	sst s1  }
0xa: {  	[smem:$0x3FA8] =	sst s2  }
0xb: {  	[smem:$0x3FA9] =	sst s3  }
0xc: {  	[smem:$0x3FAA] =	sst s4  }
0xd: {  	[smem:$0x3FAB] =	sst s5  }
0xe: {  	[smem:$0x3FAC] =	sst s6  }
0xf: {  	[smem:$0x3FAD] =	sst s7  }
0x10: {  	[smem:$0x3FAE] =	sst s8  }
0x11: {  	[smem:$0x3FAF] =	sst s9;
	s0 =	simm.s32 @!p0 $0x0  }
0x12: {  	s1 =	sld [smem:$0x3F95];
	s0 =	simm.s32 @p0 $0x1  }
0x13: {  	[smem:$0x3FB0] =	sst s0;
	s0 =	simm.s32 @!p1 $0x0  }
0x14: {  	s2 =	sld [smem:$0x3F94];
	s0 =	simm.s32 @p1 $0x1  }
0x15: {  	[smem:$0x3FB1] =	sst s0;
	s0 =	simm.s32 @!p2 $0x0  }
0x16: {  	s3 =	sld [smem:$0x3FDB];
	s0 =	simm.s32 @p2 $0x1  }
0x17: {  	s4 =	simm.s32 $0x1BF5;
	[smem:$0x3FB3] =	sst s0  }
0x18: {  	s0 =	sld [smem:$0x3F96];
	_ =	swait.ge [sflag:s4], $0x0  }
0x19: {  	s7 =	sld [smem:$0x3F97]  }
0x1a: {  	s8 =	sadd.s32 $0xFFFFE003, lr  }
0x1b: {  	s9 =	sadd.s32 $0xFFFFFEF7, lr;
	s5 =	simm.s32 $0xFFFFFFFF;
	p2 =	slt.u32 s8, $0xFFFFF086  }
0x1c: {  	p1 =	slt.u32 s9, $0xF7A;
	s5 =	simm.s32 @!p2 $0x0  }
0x1d: {  	s5 =	simm.s32 @p1 $0x1;
	p0 =	seq.s32 s7, s2  }
0x1e: {  	s7 =	smul.u32 @!p0 $0xF7A, s2;
	p2 =	seq.s32 @!p0 s5, $0x0  }
0x1f: {  	s9 =	smul.u32 $0xF7A, s1;
	s8 =	simm.s32 @!p0 $0x1BF5;
	p2 =	por !p2, p0  }
0x20: {  	[sflag:s8] =	ssyncset.s32 @!p0 $0xFFFFF086;
	s6 =	sadd.s32 @!p0 s3, s7;
	s7 =	simm.s32 @!p0 $0x108  }
0x21: {  	s3 =	sadd.s32 s3, s9;
	s6 =	sadd.s32 @!p0 $0x88, s6;
	s7 =	simm.s32 @p2 $0x1082  }
0x22: {  	[simem:s7], [sflag:s8] =	dma.local @!p0 [hbm:s6], $0xF7A  }
0x23: {  	s9 =	sor.u32 $0xD0000000, s2;
	s6 =	simm.s32 $0x108;
	_ =	swait.ge @!p0 [sflag:s8], $0x0  }
0x24: {  	s3 =	sadd.s32 $0x88, s3;
	s6 =	simm.s32 @!p1 $0x1082;
	[sflag:s4] =	ssyncset.s32 $0xFFFFF086  }
0x25: {  	[simem:s6], [sflag:s4] =	dma.local [hbm:s3], $0xF7A  }
0x26: {  	[smem:$0x3F97] =	sst s1;
	(tag) =	ssettag s2;
	_ =	strace s9  }
0x27: {  	s1 =	sld [smem:$0x3FA7]  }
0x28: {  	s2 =	sld [smem:$0x3FA8]  }
0x29: {  	s4 =	sld [smem:$0x3FAA]  }
0x2a: {  	p0 =	seq.s32 s5, $0x0;
	s5 =	sld [smem:$0x3FAB]  }
0x2b: {  	s6 =	sld [smem:$0x3FAC]  }
0x2c: {  	s7 =	sld [smem:$0x3FAD]  }
0x2d: {  	s3 =	simm.s32 $0x108;
	s8 =	sld [smem:$0x3FAE]  }
0x2e: {  	s3 =	simm.s32 @!p0 $0x1082;
	s9 =	sld [smem:$0x3FAF]  }
0x2f: {  	lr =	sadd.s32 s0, s3;
	s0 =	sld [smem:$0x3FA6]  }
0x30: {  	s3 =	sld [smem:$0x3FA9]  }
0x31: {  	[smem:$0x3FB2] =	sst s10  }
0x32: {  	s10 =	sld [smem:$0x3FB0];
	_ =	sdelay $0x3  }
0x33: {  	p0 =	seq.s32 s10, $0x1;
	s10 =	sld [smem:$0x3FB2];
	_ =	sdelay $0x3  }
0x34: {  	[smem:$0x3FB2] =	sst s10  }
0x35: {  	s10 =	sld [smem:$0x3FB1];
	_ =	sdelay $0x3  }
0x36: {  	p1 =	seq.s32 s10, $0x1;
	s10 =	sld [smem:$0x3FB2];
	_ =	sdelay $0x3  }
0x37: {  	[smem:$0x3FB2] =	sst s10  }
0x38: {  	s10 =	sld [smem:$0x3FB3]  }
0x39: {  	_ = 	snop;
	(pc) =	sbr.ind lr, $3  }
0x3a: {  	_ = 	snop  }
0x3b: {  	_ = 	snop  }
0x3c: {  	p2 =	seq.s32 s10, $0x1;
	s10 =	sld [smem:$0x3FB2]  }
0x3d: {  	_ =	shalt  }
0x3e: {  	_ =	shalt  }
0x3f: {  	_ =	shalt  }
0x40: {  	_ =	shalt  }
0x41: {  	_ =	shalt  }
0x42: {  	_ =	shalt  }
0x43: {  	_ =	shalt  }
0x44: {  	_ =	shalt  }
0x45: {  	_ =	shalt  }
0x46: {  	_ =	shalt  }
0x47: {  	_ =	shalt  }
0x48: {  	_ =	shalt  }
0x49: {  	_ =	shalt  }
0x4a: {  	_ =	shalt  }
0x4b: {  	_ =	shalt  }
0x4c: {  	_ =	shalt  }
0x4d: {  	_ =	shalt  }
0x4e: {  	_ =	shalt  }
0x4f: {  	_ =	shalt  }
0x50: {  	_ =	shalt  }
0x51: {  	_ =	shalt  }
0x52: {  	_ =	shalt  }
0x53: {  	_ =	shalt  }
0x54: {  	_ =	shalt  }
0x55: {  	_ =	shalt  }
0x56: {  	_ =	shalt  }
0x57: {  	_ =	shalt  }
0x58: {  	_ =	shalt  }
0x59: {  	_ =	shalt  }
0x5a: {  	_ =	shalt  }
0x5b: {  	_ =	shalt  }
0x5c: {  	_ =	shalt  }
0x5d: {  	_ =	shalt  }
0x5e: {  	_ =	shalt  }
0x5f: {  	_ =	shalt  }
0x60: {  	_ =	shalt  }
0x61: {  	_ =	shalt  }
0x62: {  	_ =	shalt  }
0x63: {  	_ =	shalt  }
0x64: {  	_ =	shalt  }
0x65: {  	_ =	shalt  }
0x66: {  	_ =	shalt  }
0x67: {  	_ =	shalt  }
0x68: {  	_ =	shalt  }
0x69: {  	_ =	shalt  }
0x6a: {  	_ =	shalt  }
0x6b: {  	_ =	shalt  }
0x6c: {  	_ =	shalt  }
0x6d: {  	_ =	shalt  }
0x6e: {  	_ =	shalt  }
0x6f: {  	_ =	shalt  }
0x70: {  	_ =	shalt  }
0x71: {  	_ =	shalt  }
0x72: {  	_ =	shalt  }
0x73: {  	_ =	shalt  }
0x74: {  	_ =	shalt  }
0x75: {  	_ =	shalt  }
0x76: {  	_ =	shalt  }
0x77: {  	_ =	shalt  }
0x78: {  	_ =	shalt  }
0x79: {  	_ =	shalt  }
0x7a: {  	_ =	shalt  }
0x7b: {  	_ =	shalt  }
0x7c: {  	_ =	shalt  }
0x7d: {  	_ =	shalt  }
0x7e: {  	_ =	shalt  }
0x7f: {  	_ =	shalt  }
0x80: {  	_ =	shalt  }
0x81: {  	_ =	shalt  }
0x82: {  	_ =	shalt  }
0x83: {  	_ =	shalt  }
0x84: {  	_ =	shalt  }
0x85: {  	_ =	shalt  }
0x86: {  	_ =	shalt  }
0x87: {  	_ =	shalt  }
.Lfunc_end0:
.L_simem_size_0:
called_computation.2_lowered:
.L_overlay_start_0:
0x88: {  	s2 =	sld [smem:$0x3FD9]  }
0x89: {  	s3 =	sld [smem:$0x3FFE];
	_ =	sdelay $0x1  }
0x8a: {  	s1 =	srdreg.scid  }
0x8b: {  	s0 =	sand.u32 $0x1, s1  }
0x8c: {  	s16 =	sshll.u32 s0, $0xA;
	s2 =	sadd.s32 s3, s2  }
0x8d: {  	s2 =	sadd.s32 s2, s16  }
0x8e: {  	[smem:$0x3FBE] =	sst s2  }
0x8f: {  	_ = 	snop  }
0x90: {  	(tm) =	ssettm $0x1  }
0x91: {  	s17 =	sld [smem:$0x3FFB];
	_ =	sdelay $0x3  }
0x92: {  	_ =	strace s17  }
0x93: {  	s2 =	sld [smem:$0x3FFC];
	_ =	sdelay $0x3  }
0x94: {  	_ =	strace s2  }
0x95: {  	s2 =	sld [smem:$0x3FFD];
	_ =	sdelay $0x3  }
0x96: {  	_ =	strace s2  }
0x97: {  	_ =	strace $0x8FFFFFFF  }
0x98: {  	s18 =	sld [smem:$0x3FDB];
	_ =	sdelay $0x1  }
0x99: {  	s19 =	simm.s32 $_scs_section_size  }
0x9a: {  	s4 =	simm.s32 $_size__tile_overlayer_lowered;
	s5 =	simm.s32 $_tile_overlayer_lowered  }
0x9b: {  	s22 =	simm.s32 $0x1BFF;
	s21 =	sshll.u32 s5, $0x1;
	s2 =	sadd.s32 s19, s18  }
0x9c: {  	s6 =	simm.s32 $0x0;
	s20 =	sshll.u32 s4, $0x1;
	s4 =	sadd.s32 s21, s2  }
0x9d: {  	[timem:s6], [sflag:s22] =	dma.local [hbm:s4], s20  }
0x9e: {  	_ =	swait.ge [sflag:s22], s20  }
0x9f: {  	s3 =	ssub.s32 $0x0, s20;
	[sflag:s22] =	ssyncset.done $0x0  }
0xa0: {  	[sflag:s22] =	ssyncadd.s32 s3;
	_ =	sdelay $0x1  }
0xa1: {  	s23 =	simm.s32 $0x1B8B  }
0xa2: {  	_ =	swait.ge [sflag:s23], $0x1  }
0xa3: {  	[sflag:s23] =	ssyncset.done $0x0  }
0xa4: {  	s25 =	simm.s32 $0x1B8E;
	s24 =	sld [smem:$0x3FFE];
	[sflag:s23] =	ssyncadd.s32 $0xFFFFFFFF  }
0xa5: {  	s26 =	simm.s32 $execute0_lowered;
	[smem:$0x3FD2] =	sst s25  }
0xa6: {  	s4 =	sshll.u32 s26, $0x1;
	_ =	strace $0x8000004C;
	[dreg:$0x1] =	wrdreg $0xFFFFFFFF  }
0xa7: {  	s28 =	simm.s32 $_size_execute0_lowered;
	s2 =	sadd.s32 s2, s4;
	[dreg:$0x0] =	wrdreg $0x0  }
0xa8: {  	s4 =	sshll.u32 s28, $0x1;
	[dreg:$0x2] =	wrdreg s2  }
0xa9: {  	[dreg:$0x3] =	wrdreg s4  }
0xaa: {  	[dreg:$0x4] =	wrdreg $0xC0  }
0xab: {  	_ =	task [dreg:s6], $0x5FFFF  }
0xac: {  	[dreg:$0x1] =	wrdreg $0xFFFFFFFF  }
0xad: {  	[dreg:$0x0] =	wrdreg $0x60  }
0xae: {  	[dreg:$0x2] =	wrdreg s24  }
0xaf: {  	[dreg:$0x3] =	wrdreg $0x92000  }
0xb0: {  	[dreg:$0x4] =	wrdreg $0x9  }
0xb1: {  	_ =	task.clear_ibuf [dreg:s6], $0x5FFFF;
	_ =	strace $0x9000004C  }
0xb2: {  	s29 =	simm.s32 $0x9;
	_ =	strace $0x8000004E  }
0xb3: {  	_ =	swait.ge [sflag:s29], $0x1  }
0xb4: {  	[sflag:s29] =	ssyncadd.s32 $0xFFFFFFFF  }
0xb5: {  	_ =	strace $0x9000004E  }
0xb6: {  	_ =	sfence  }
0xb7: {  	s30 =	sld [smem:$0x0];
	_ =	sdelay $0x2  }
0xb8: {  	s31 =	sshll.u32 s1, $0xD;
	s1 =	sshrl.u32 s1, $0x2  }
0xb9: {  	s3 =	sand.u32 $0x4000, s31;
	s1 =	sadd.s32 s1, s30  }
0xba: {  	s0 =	sor.u32 s3, s0;
	s1 =	sshll.u32 s1, $0x11  }
0xbb: {  	s0 =	sor.u32 s1, s0  }
0xbc: {  	s0 =	sadd.s32 $0x8F2B, s0  }
0xbd: {  	[sflag:s0] =	ssyncadd.remote.s32 $0x1  }
0xbe: {  	_ =	sfence.sel $0xFFFF  }
0xbf: {  	[dreg:$0x0] =	wrdreg $0xFFFFFFFF;
	(pc) =	sbr.abs _section_cstart, $3  }
0xc0: {  	[dreg:$0x1] =	wrdreg $0xFFFFFFFF  }
0xc1: {  	_ =	task.clear_ibuf [dreg:s6], $0x2FFFF;
	_ =	strace $0x9FFFFFFF  }
0xc2: {  	(tm) =	ssettm $0x7FFFFFFF  }
0xc3: {  	_ =	shalt  }
tec
execute0_lowered:
.L_overlay_start_1:
0x0: {  	(tag) =	ssettag $0x1  }
0x1: {  	s0 =	rddreg [dreg:$0x0]  }
0x2: {  	s1 =	rddreg [dreg:$0x1];
	s3 =	simm.s32 $0x0;
	s8 =	stileid.u32  }
0x3: {  	s2 =	srdreg.scid;
	s28 =	simm.s32 $0x6900;
	s29 =	simm.s32 $0x6A00  }
0x4: {  	s30 =	simm.s32 $0x1;
	s31 =	simm.s32 $0x4080;
	[smem:$0x7FF] =	sst s3  }
0x5: {  	s4 =	sadd.s32 $0x25600, s0;
	s2 =	sand.u32 $0x1, s2;
	s5 =	smul.u32 $0x4F000, s8  }
0x6: {  	s6 =	sshll.u32 s8, $0xB;
	s13 =	smul.u32 $0x13C00, s8;
	_ =	strace $0x8000004D  }
0x7: {  	s7 =	ssub.s32 $0x2, s2;
	s14 =	sadd.s32 s6, s0;
	s0 =	sadd.s32 $0x4CE00, s0  }
0x8: {  	s23 =	smul.u32 $0x13C000, s2;
	s2 =	sshll.u32 s2, $0xF;
	s25 =	sshrl.u32 s7, $0x1  }
0x9: {  	s5 =	sshrl.u32 s5, $0x2;
	s16 =	sadd.s32 $0x2800, s13;
	s17 =	sadd.s32 $0x5000, s13  }
0xa: {  	s18 =	sadd.s32 $0x7800, s13;
	s19 =	sadd.s32 $0xA000, s13;
	s20 =	sadd.s32 $0xC800, s13  }
0xb: {  	s21 =	sadd.s32 $0xF000, s13;
	s22 =	sadd.s32 $0x11800, s13;
	s2 =	sadd.s32 s2, s14  }
0xc: {  	s15 =	ssub.s32 s7, s25;
	s5 =	sadd.s32 s5, s1;
	s6 =	sadd.s32 s16, s1  }
0xd: {  	s7 =	sadd.s32 s17, s1;
	s8 =	sadd.s32 s18, s1;
	s9 =	sadd.s32 s19, s1  }
0xe: {  	s10 =	sadd.s32 s20, s1;
	s11 =	sadd.s32 s21, s1;
	s12 =	sadd.s32 s22, s1  }
0xf: {  	s13 =	sadd.s32 s13, s23;
	s16 =	sadd.s32 s23, s16;
	s2 =	sadd.s32 $0x15600, s2  }
0x10: {  	s17 =	sadd.s32 s23, s17;
	s18 =	sadd.s32 s23, s18;
	s19 =	sadd.s32 s23, s19  }
0x11: {  	s24 =	sadd.s32 s23, s20;
	s25 =	sadd.s32 s23, s21;
	s13 =	sshrl.u32 s13, $0x3  }
0x12: {  	s26 =	sshrl.u32 s16, $0x3;
	[dreg:$0x3] =	wrdreg s2;
	s2 =	sshrl.u32 s17, $0x3  }
0x13: {  	s14 =	sshrl.u32 s19, $0x3;
	s13 =	sadd.s32 s0, s13;
	s16 =	sadd.s32 s0, s26  }
0x14: {  	s26 =	sadd.s32 s23, s22;
	s22 =	smax.u32 s15, $0x1;
	[dreg:$0x4] =	wrdreg s13  }
0x15: {  	s23 =	simm.s32 $0x4100;
	[dreg:$0x5] =	wrdreg s16;
	s13 =	sshrl.u32 s18, $0x3  }
0x16: {  	s16 =	sadd.s32 s0, s2;
	s18 =	sadd.s32 s0, s14;
	s2 =	sshrl.u32 s24, $0x3  }
0x17: {  	s14 =	sshrl.u32 s26, $0x3;
	s24 =	simm.s32 $0x3;
	s26 =	simm.s32 $0x4000  }
0x18: {  	s17 =	sadd.s32 s0, s13;
	s13 =	sshrl.u32 s25, $0x3;
	s19 =	sadd.s32 s0, s2  }
0x19: {  	s21 =	sadd.s32 s0, s14;
	s25 =	simm.s32 $0x50;
	s2 =	simm.s32 $0x6980  }
0x1a: {  	v0 =	vimm.f32 $0.0e+00;
	s20 =	sadd.s32 s0, s13;
	s0 =	simm.s32 $0x2;
	s13 =	simm.s32 $0x0  }
.LBB2_1:
0x1b: {  	s14 =	simm.s32 $0x0;
	s15 =	simm.s32 $0x200  }
.LBB2_2:
0x1c: {  	p0 =	sne.s32 s15, $0x9E00;
	[tilespmem:s14+$0x4170] =	vst v0  }
0x1d: {  	[tilespmem:s14+$0x4100] =	vst v0  }
0x1e: {  	[tilespmem:s14+$0x4110] =	vst v0  }
.Ltmp0:
0x1f: {  	[tilespmem:s14+$0x4120] =	vst v0;
	(pc) =	sbr.rel @p0 .LBB2_2-.Ltmp0, $4  }
0x20: {  	[tilespmem:s14+$0x4130] =	vst v0  }
0x21: {  	[tilespmem:s14+$0x4140] =	vst v0  }
0x22: {  	[tilespmem:s14+$0x4150] =	vst v0  }
0x23: {  	[tilespmem:s14+$0x4160] =	vst v0;
	s14 =	sshra.s32 s15, $0x2;
	s15 =	sadd.s32 $0x200, s15  }
0x24: {  	[tilespmem:s14+$0x4170] =	vst v0  }
0x25: {  	[tilespmem:s14+$0x4100] =	vst v0  }
0x26: {  	[tilespmem:s14+$0x4110] =	vst v0  }
0x27: {  	[tilespmem:s14+$0x4120] =	vst v0  }
0x28: {  	[tilespmem:s14+$0x4130] =	vst v0  }
0x29: {  	[tilespmem:s14+$0x4140] =	vst v0  }
0x2a: {  	[tilespmem:s14+$0x4150] =	vst v0  }
0x2b: {  	[tilespmem:s14+$0x4160] =	vst v0  }
0x2c: {  	[spmem:s5] =	stream.linear.scatter [tilespmem:s23], [sflag:$0x3], $0x2800, $0x38;
	[tilespmem:$0x1CE00] =	vst v63  }
0x2d: {  	_ =	swait.ge [sflag:s24], $0x2800  }
0x2e: {  	[sflag:s24] =	ssyncset.done $0x0  }
0x2f: {  	[sflag:s24] =	ssyncadd.s32 $0xFFFFD800  }
0x30: {  	[spmem:s6] =	stream.linear.scatter [tilespmem:s23], [sflag:$0x3], $0x2800, $0x38;
	[tilespmem:$0x1CE00] =	vst v63  }
0x31: {  	_ =	swait.ge [sflag:s24], $0x2800  }
0x32: {  	[sflag:s24] =	ssyncset.done $0x0  }
0x33: {  	[sflag:s24] =	ssyncadd.s32 $0xFFFFD800  }
0x34: {  	[spmem:s7] =	stream.linear.scatter [tilespmem:s23], [sflag:$0x3], $0x2800, $0x38;
	[tilespmem:$0x1CE00] =	vst v63  }
0x35: {  	_ =	swait.ge [sflag:s24], $0x2800  }
0x36: {  	[sflag:s24] =	ssyncset.done $0x0  }
0x37: {  	[sflag:s24] =	ssyncadd.s32 $0xFFFFD800  }
0x38: {  	[spmem:s8] =	stream.linear.scatter [tilespmem:s23], [sflag:$0x3], $0x2800, $0x38;
	[tilespmem:$0x1CE00] =	vst v63  }
0x39: {  	_ =	swait.ge [sflag:s24], $0x2800  }
0x3a: {  	[sflag:s24] =	ssyncset.done $0x0  }
0x3b: {  	[sflag:s24] =	ssyncadd.s32 $0xFFFFD800  }
0x3c: {  	[spmem:s9] =	stream.linear.scatter [tilespmem:s23], [sflag:$0x3], $0x2800, $0x38;
	[tilespmem:$0x1CE00] =	vst v63  }
0x3d: {  	_ =	swait.ge [sflag:s24], $0x2800  }
0x3e: {  	[sflag:s24] =	ssyncset.done $0x0  }
0x3f: {  	[sflag:s24] =	ssyncadd.s32 $0xFFFFD800  }
0x40: {  	[spmem:s10] =	stream.linear.scatter [tilespmem:s23], [sflag:$0x3], $0x2800, $0x38;
	[tilespmem:$0x1CE00] =	vst v63  }
0x41: {  	_ =	swait.ge [sflag:s24], $0x2800  }
0x42: {  	[sflag:s24] =	ssyncset.done $0x0  }
0x43: {  	[sflag:s24] =	ssyncadd.s32 $0xFFFFD800  }
0x44: {  	[spmem:s11] =	stream.linear.scatter [tilespmem:s23], [sflag:$0x3], $0x2800, $0x38;
	[tilespmem:$0x1CE00] =	vst v63  }
0x45: {  	_ =	swait.ge [sflag:s24], $0x2800  }
0x46: {  	[sflag:s24] =	ssyncset.done $0x0  }
0x47: {  	[sflag:s24] =	ssyncadd.s32 $0xFFFFD800  }
0x48: {  	[spmem:s12] =	stream.linear.scatter [tilespmem:s23], [sflag:$0x3], $0x2400, $0x38;
	[tilespmem:$0x1CE00] =	vst v63  }
0x49: {  	_ =	swait.ge [sflag:s24], $0x2400  }
0x4a: {  	[sflag:s24] =	ssyncset.done $0x0  }
0x4b: {  	s14 =	simm.s32 $0x0;
	s15 =	rddreg [dreg:$0x3];
	[sflag:s24] =	ssyncadd.s32 $0xFFFFDC00  }
0x4c: {  	[tilespmem:s14], [sflag:$0x3] =	stream.linear.gather [hbm4b:s15+s14], $0x3E80, $0x38;
	[tilespmem:$0x1CE00] =	vst v63  }
0x4d: {  	_ =	swait.ge [sflag:s24], $0x3E80  }
0x4e: {  	[sflag:s24] =	ssyncset.done $0x0  }
0x4f: {  	[sflag:s24] =	ssyncadd.s32 $0xFFFFC180  }
0x50: {  	[bflag:$0x0] =	sbarrier.arrive $0xFFFF  }
0x51: {  	v1 =	vld [tilespmem:$0x0];
	_ =	sdelay $0x1  }
0x52: {  	v2 =	vld [tilespmem:$0x10];
	_ =	sdelay $0x1  }
0x53: {  	v3 =	vld [tilespmem:$0x20]  }
0x54: {  	v4 =	vand.u32 $0x3FFF, v1  }
0x55: {  	v63 =	vld [tilespmem:$0x30];
	v1 =	vshrl.u32 v1, $0xE;
	[tilespmem:$0x4000] =	vst v4  }
0x56: {  	[tilespmem:$0x4080] =	vst v1;
	v1 =	vand.u32 $0x3FFF, v2  }
0x57: {  	[tilespmem:$0x4010] =	vst v1;
	v1 =	vshrl.u32 v2, $0xE;
	v2 =	vld [tilespmem:$0x40]  }
0x58: {  	[tilespmem:$0x4090] =	vst v1;
	v1 =	vand.u32 $0x3FFF, v3  }
0x59: {  	[tilespmem:$0x4020] =	vst v1;
	v1 =	vshrl.u32 v3, $0xE  }
0x5a: {  	[tilespmem:$0x40A0] =	vst v1;
	v1 =	vand.u32 $0x3FFF, v63  }
0x5b: {  	[tilespmem:$0x4030] =	vst v1;
	v1 =	vshrl.u32 v63, $0xE  }
0x5c: {  	[tilespmem:$0x40B0] =	vst v1;
	v1 =	vand.u32 $0x3FFF, v2  }
0x5d: {  	[tilespmem:$0x4040] =	vst v1;
	v1 =	vshrl.u32 v2, $0xE  }
0x5e: {  	s15 =	simm.s32 $0x0;
	[tilespmem:$0x40C0] =	vst v1  }
0x5f: {  	[tilespmem:s23], [sflag:$0x1] =	stream.indirect.gather [hbm4b:s4+s25], $0x80, s26, s25, $0xb8;
	[tilespmem:$0x1CE00] =	vst v63  }
0x60: {  	v1 =	vld [tilespmem:s15+$0x80];
	_ =	sdelay $0x4  }
0x61: {  	v2 =	vand.u32 $0x3FFF, v1  }
0x62: {  	v1 =	vshrl.u32 v1, $0xE;
	[tilespmem:$0x6900] =	vst v2  }
0x63: {  	[tilespmem:$0x6980] =	vst v1  }
0x64: {  	v1 =	vld [tilespmem:s15+$0x90];
	_ =	sdelay $0x4  }
0x65: {  	v2 =	vand.u32 $0x3FFF, v1  }
0x66: {  	v1 =	vshrl.u32 v1, $0xE;
	[tilespmem:$0x6910] =	vst v2  }
0x67: {  	[tilespmem:$0x6990] =	vst v1  }
0x68: {  	v1 =	vld [tilespmem:s15+$0xA0];
	_ =	sdelay $0x4  }
0x69: {  	v2 =	vand.u32 $0x3FFF, v1  }
0x6a: {  	v1 =	vshrl.u32 v1, $0xE;
	[tilespmem:$0x6920] =	vst v2  }
0x6b: {  	[tilespmem:$0x69A0] =	vst v1  }
0x6c: {  	v1 =	vld [tilespmem:s15+$0xB0];
	_ =	sdelay $0x4  }
0x6d: {  	v2 =	vand.u32 $0x3FFF, v1  }
0x6e: {  	v1 =	vshrl.u32 v1, $0xE;
	[tilespmem:$0x6930] =	vst v2  }
0x6f: {  	[tilespmem:$0x69B0] =	vst v1  }
0x70: {  	v1 =	vld [tilespmem:s15+$0xC0];
	_ =	sdelay $0x4  }
0x71: {  	v2 =	vand.u32 $0x3FFF, v1  }
0x72: {  	v1 =	vshrl.u32 v1, $0xE;
	[tilespmem:$0x6940] =	vst v2  }
0x73: {  	[tilespmem:$0x69C0] =	vst v1  }
0x74: {  	[tilespmem:s29], [sflag:$0x2] =	stream.indirect.gather [hbm4b:s4+s25], $0x80, s28, s25, $0xb8;
	[tilespmem:$0x1CE00] =	vst v63  }
0x75: {  	_ =	swait.ge [sflag:s30], $0x2800  }
0x76: {  	[sflag:s30] =	ssyncset.done $0x0  }
0x77: {  	[sflag:s30] =	ssyncadd.s32 $0xFFFFD800  }
0x78: {  	[spmem:s1] =	stream.indirect.scatter.add.f32 [tilespmem:s23], [sflag:$0x3], $0x80, s31, s25, $0xb8;
	[tilespmem:$0x1CE00] =	vst v63  }
0x79: {  	_ =	swait.ge [sflag:s24], $0x2800  }
0x7a: {  	[sflag:s24] =	ssyncset.done $0x0  }
0x7b: {  	[sflag:s24] =	ssyncadd.s32 $0xFFFFD800  }
0x7c: {  	v1 =	vld [tilespmem:s15+$0x100];
	_ =	sdelay $0x4  }
0x7d: {  	v2 =	vand.u32 $0x3FFF, v1  }
0x7e: {  	v1 =	vshrl.u32 v1, $0xE;
	[tilespmem:$0x4000] =	vst v2  }
0x7f: {  	[tilespmem:$0x4080] =	vst v1  }
0x80: {  	v1 =	vld [tilespmem:s15+$0x110];
	_ =	sdelay $0x4  }
0x81: {  	v2 =	vand.u32 $0x3FFF, v1  }
0x82: {  	v1 =	vshrl.u32 v1, $0xE;
	[tilespmem:$0x4010] =	vst v2  }
0x83: {  	[tilespmem:$0x4090] =	vst v1  }
0x84: {  	v1 =	vld [tilespmem:s15+$0x120];
	_ =	sdelay $0x4  }
0x85: {  	v2 =	vand.u32 $0x3FFF, v1  }
0x86: {  	v1 =	vshrl.u32 v1, $0xE;
	[tilespmem:$0x4020] =	vst v2  }
0x87: {  	[tilespmem:$0x40A0] =	vst v1  }
0x88: {  	v1 =	vld [tilespmem:s15+$0x130];
	_ =	sdelay $0x4  }
0x89: {  	v2 =	vand.u32 $0x3FFF, v1  }
0x8a: {  	v1 =	vshrl.u32 v1, $0xE;
	[tilespmem:$0x4030] =	vst v2  }
0x8b: {  	[tilespmem:$0x40B0] =	vst v1  }
0x8c: {  	s14 =	simm.s32 $0x400;
	v1 =	vld [tilespmem:s15+$0x140]  }
.LBB2_4:
0x8d: {  	_ =	sdelay $0x3  }
0x8e: {  	p0 =	sne.s32 s14, $0xF400;
	s15 =	smov.u32 s14;
	s14 =	sadd.s32 $0x400, s14;
	v2 =	vand.u32 $0x3FFF, v1;
	v1 =	vshrl.u32 v1, $0xE  }
0x8f: {  	[tilespmem:$0x4040] =	vst v2  }
0x90: {  	[tilespmem:$0x40C0] =	vst v1  }
0x91: {  	[tilespmem:s23], [sflag:$0x1] =	stream.indirect.gather [hbm4b:s4+s25], $0x80, s26, s25, $0xb8;
	[tilespmem:$0x1CE00] =	vst v63  }
0x92: {  	_ =	swait.ge [sflag:s0], $0x2800  }
0x93: {  	[sflag:s0] =	ssyncset.done $0x0  }
0x94: {  	[sflag:s0] =	ssyncadd.s32 $0xFFFFD800  }
0x95: {  	[spmem:s1] =	stream.indirect.scatter.add.f32 [tilespmem:s29], [sflag:$0x3], $0x80, s2, s25, $0xb8;
	[tilespmem:$0x1CE00] =	vst v63  }
0x96: {  	_ =	swait.ge [sflag:s24], $0x2800  }
0x97: {  	[sflag:s24] =	ssyncset.done $0x0  }
0x98: {  	s15 =	sshra.s32 s15, $0x2;
	[sflag:s24] =	ssyncadd.s32 $0xFFFFD800  }
0x99: {  	v1 =	vld [tilespmem:s15+$0x80];
	_ =	sdelay $0x4  }
0x9a: {  	v2 =	vand.u32 $0x3FFF, v1;
	v1 =	vshrl.u32 v1, $0xE  }
0x9b: {  	[tilespmem:$0x6900] =	vst v2  }
0x9c: {  	[tilespmem:$0x6980] =	vst v1  }
0x9d: {  	v1 =	vld [tilespmem:s15+$0x90];
	_ =	sdelay $0x4  }
0x9e: {  	v2 =	vand.u32 $0x3FFF, v1;
	v1 =	vshrl.u32 v1, $0xE  }
0x9f: {  	[tilespmem:$0x6910] =	vst v2  }
0xa0: {  	[tilespmem:$0x6990] =	vst v1  }
0xa1: {  	v1 =	vld [tilespmem:s15+$0xA0];
	_ =	sdelay $0x4  }
0xa2: {  	v2 =	vand.u32 $0x3FFF, v1;
	v1 =	vshrl.u32 v1, $0xE  }
0xa3: {  	[tilespmem:$0x6920] =	vst v2  }
0xa4: {  	[tilespmem:$0x69A0] =	vst v1  }
0xa5: {  	v1 =	vld [tilespmem:s15+$0xB0];
	_ =	sdelay $0x4  }
0xa6: {  	v2 =	vand.u32 $0x3FFF, v1;
	v1 =	vshrl.u32 v1, $0xE  }
0xa7: {  	[tilespmem:$0x6930] =	vst v2  }
0xa8: {  	[tilespmem:$0x69B0] =	vst v1  }
0xa9: {  	v1 =	vld [tilespmem:s15+$0xC0];
	_ =	sdelay $0x4  }
0xaa: {  	v2 =	vand.u32 $0x3FFF, v1;
	v1 =	vshrl.u32 v1, $0xE  }
0xab: {  	[tilespmem:$0x6940] =	vst v2  }
0xac: {  	[tilespmem:$0x69C0] =	vst v1  }
0xad: {  	[tilespmem:s29], [sflag:$0x2] =	stream.indirect.gather [hbm4b:s4+s25], $0x80, s28, s25, $0xb8;
	[tilespmem:$0x1CE00] =	vst v63  }
0xae: {  	_ =	swait.ge [sflag:s30], $0x2800  }
0xaf: {  	[sflag:s30] =	ssyncset.done $0x0  }
0xb0: {  	[sflag:s30] =	ssyncadd.s32 $0xFFFFD800  }
0xb1: {  	[spmem:s1] =	stream.indirect.scatter.add.f32 [tilespmem:s23], [sflag:$0x3], $0x80, s31, s25, $0xb8;
	[tilespmem:$0x1CE00] =	vst v63  }
0xb2: {  	_ =	swait.ge [sflag:s24], $0x2800  }
0xb3: {  	[sflag:s24] =	ssyncset.done $0x0  }
0xb4: {  	[sflag:s24] =	ssyncadd.s32 $0xFFFFD800  }
0xb5: {  	v1 =	vld [tilespmem:s15+$0x100];
	_ =	sdelay $0x4  }
0xb6: {  	v2 =	vand.u32 $0x3FFF, v1;
	v1 =	vshrl.u32 v1, $0xE  }
0xb7: {  	[tilespmem:$0x4000] =	vst v2  }
0xb8: {  	[tilespmem:$0x4080] =	vst v1  }
0xb9: {  	v1 =	vld [tilespmem:s15+$0x110];
	_ =	sdelay $0x4  }
0xba: {  	v2 =	vand.u32 $0x3FFF, v1;
	v1 =	vshrl.u32 v1, $0xE  }
0xbb: {  	[tilespmem:$0x4010] =	vst v2  }
0xbc: {  	[tilespmem:$0x4090] =	vst v1  }
0xbd: {  	v1 =	vld [tilespmem:s15+$0x120];
	_ =	sdelay $0x4  }
0xbe: {  	v2 =	vand.u32 $0x3FFF, v1;
	v1 =	vshrl.u32 v1, $0xE  }
0xbf: {  	[tilespmem:$0x4020] =	vst v2  }
0xc0: {  	[tilespmem:$0x40A0] =	vst v1  }
0xc1: {  	v1 =	vld [tilespmem:s15+$0x130];
	_ =	sdelay $0x3  }
.Ltmp1:
0xc2: {  	(pc) =	sbr.rel @p0 .LBB2_4-.Ltmp1, $4  }
0xc3: {  	v2 =	vand.u32 $0x3FFF, v1;
	v1 =	vshrl.u32 v1, $0xE  }
0xc4: {  	[tilespmem:$0x4030] =	vst v2  }
0xc5: {  	[tilespmem:$0x40B0] =	vst v1  }
0xc6: {  	v1 =	vld [tilespmem:s15+$0x140]  }
0xc7: {  	_ =	sdelay $0x3  }
0xc8: {  	v2 =	vand.u32 $0x3FFF, v1  }
0xc9: {  	v1 =	vshrl.u32 v1, $0xE;
	[tilespmem:$0x4040] =	vst v2  }
0xca: {  	[tilespmem:$0x40C0] =	vst v1  }
0xcb: {  	[tilespmem:s23], [sflag:$0x1] =	stream.indirect.gather [hbm4b:s4+s25], $0x80, s26, s25, $0xb8;
	[tilespmem:$0x1CE00] =	vst v63  }
0xcc: {  	_ =	swait.ge [sflag:s0], $0x2800  }
0xcd: {  	[sflag:s0] =	ssyncset.done $0x0  }
0xce: {  	[sflag:s0] =	ssyncadd.s32 $0xFFFFD800  }
0xcf: {  	[spmem:s1] =	stream.indirect.scatter.add.f32 [tilespmem:s29], [sflag:$0x3], $0x80, s2, s25, $0xb8;
	[tilespmem:$0x1CE00] =	vst v63  }
0xd0: {  	_ =	swait.ge [sflag:s24], $0x2800  }
0xd1: {  	[sflag:s24] =	ssyncset.done $0x0  }
0xd2: {  	[sflag:s24] =	ssyncadd.s32 $0xFFFFD800  }
0xd3: {  	_ =	swait.ge [sflag:s30], $0x2800  }
0xd4: {  	[sflag:s30] =	ssyncset.done $0x0  }
0xd5: {  	[sflag:s30] =	ssyncadd.s32 $0xFFFFD800  }
0xd6: {  	[spmem:s1] =	stream.indirect.scatter.add.f32 [tilespmem:s23], [sflag:$0x3], $0x80, s31, s25, $0xb8;
	[tilespmem:$0x1CE00] =	vst v63  }
0xd7: {  	_ =	swait.ge [sflag:s24], $0x2800  }
0xd8: {  	[sflag:s24] =	ssyncset.done $0x0  }
0xd9: {  	[sflag:s24] =	ssyncadd.s32 $0xFFFFD800  }
0xda: {  	[bflag:$0x0] =	sbarrier.arrive $0xFFFF  }
0xdb: {  	[tilespmem:s23], [sflag:$0x3] =	stream.linear.gather [spmem:s5], $0x2800, $0x38;
	[tilespmem:$0x1CE00] =	vst v63  }
0xdc: {  	_ =	swait.ge [sflag:s24], $0x2800  }
0xdd: {  	[sflag:s24] =	ssyncset.done $0x0  }
0xde: {  	s14 =	rddreg [dreg:$0x4];
	[sflag:s24] =	ssyncadd.s32 $0xFFFFD800  }
0xdf: {  	[hbm4b:s14+s3] =	stream.linear.scatter [tilespmem:s23], [sflag:$0x3], $0x2800, $0x38;
	[tilespmem:$0x1CE00] =	vst v63  }
0xe0: {  	_ =	swait.ge [sflag:s24], $0x2800  }
0xe1: {  	[sflag:s24] =	ssyncset.done $0x0  }
0xe2: {  	[sflag:s24] =	ssyncadd.s32 $0xFFFFD800  }
0xe3: {  	[tilespmem:s29], [sflag:$0x3] =	stream.linear.gather [spmem:s6], $0x2800, $0x38;
	[tilespmem:$0x1CE00] =	vst v63  }
0xe4: {  	_ =	swait.ge [sflag:s24], $0x2800  }
0xe5: {  	[sflag:s24] =	ssyncset.done $0x0  }
0xe6: {  	s15 =	rddreg [dreg:$0x5];
	[sflag:s24] =	ssyncadd.s32 $0xFFFFD800  }
0xe7: {  	[hbm4b:s15+s3] =	stream.linear.scatter [tilespmem:s29], [sflag:$0x3], $0x2800, $0x38;
	[tilespmem:$0x1CE00] =	vst v63  }
0xe8: {  	_ =	swait.ge [sflag:s24], $0x2800  }
0xe9: {  	[sflag:s24] =	ssyncset.done $0x0  }
0xea: {  	[sflag:s24] =	ssyncadd.s32 $0xFFFFD800  }
0xeb: {  	[tilespmem:s23], [sflag:$0x3] =	stream.linear.gather [spmem:s7], $0x2800, $0x38;
	[tilespmem:$0x1CE00] =	vst v63  }
0xec: {  	_ =	swait.ge [sflag:s24], $0x2800  }
0xed: {  	[sflag:s24] =	ssyncset.done $0x0  }
0xee: {  	[sflag:s24] =	ssyncadd.s32 $0xFFFFD800  }
0xef: {  	[hbm4b:s16+s3] =	stream.linear.scatter [tilespmem:s23], [sflag:$0x3], $0x2800, $0x38;
	[tilespmem:$0x1CE00] =	vst v63  }
0xf0: {  	_ =	swait.ge [sflag:s24], $0x2800  }
0xf1: {  	[sflag:s24] =	ssyncset.done $0x0  }
0xf2: {  	[sflag:s24] =	ssyncadd.s32 $0xFFFFD800  }
0xf3: {  	[tilespmem:s29], [sflag:$0x3] =	stream.linear.gather [spmem:s8], $0x2800, $0x38;
	[tilespmem:$0x1CE00] =	vst v63  }
0xf4: {  	_ =	swait.ge [sflag:s24], $0x2800  }
0xf5: {  	[sflag:s24] =	ssyncset.done $0x0  }
0xf6: {  	[sflag:s24] =	ssyncadd.s32 $0xFFFFD800  }
0xf7: {  	[hbm4b:s17+s3] =	stream.linear.scatter [tilespmem:s29], [sflag:$0x3], $0x2800, $0x38;
	[tilespmem:$0x1CE00] =	vst v63  }
0xf8: {  	_ =	swait.ge [sflag:s24], $0x2800  }
0xf9: {  	[sflag:s24] =	ssyncset.done $0x0  }
0xfa: {  	[sflag:s24] =	ssyncadd.s32 $0xFFFFD800  }
0xfb: {  	[tilespmem:s23], [sflag:$0x3] =	stream.linear.gather [spmem:s9], $0x2800, $0x38;
	[tilespmem:$0x1CE00] =	vst v63  }
0xfc: {  	_ =	swait.ge [sflag:s24], $0x2800  }
0xfd: {  	[sflag:s24] =	ssyncset.done $0x0  }
0xfe: {  	[sflag:s24] =	ssyncadd.s32 $0xFFFFD800  }
0xff: {  	[hbm4b:s18+s3] =	stream.linear.scatter [tilespmem:s23], [sflag:$0x3], $0x2800, $0x38;
	[tilespmem:$0x1CE00] =	vst v63  }
0x100: {  	_ =	swait.ge [sflag:s24], $0x2800  }
0x101: {  	[sflag:s24] =	ssyncset.done $0x0  }
0x102: {  	[sflag:s24] =	ssyncadd.s32 $0xFFFFD800  }
0x103: {  	[tilespmem:s29], [sflag:$0x3] =	stream.linear.gather [spmem:s10], $0x2800, $0x38;
	[tilespmem:$0x1CE00] =	vst v63  }
0x104: {  	_ =	swait.ge [sflag:s24], $0x2800  }
0x105: {  	[sflag:s24] =	ssyncset.done $0x0  }
0x106: {  	[sflag:s24] =	ssyncadd.s32 $0xFFFFD800  }
0x107: {  	[hbm4b:s19+s3] =	stream.linear.scatter [tilespmem:s29], [sflag:$0x3], $0x2800, $0x38;
	[tilespmem:$0x1CE00] =	vst v63  }
0x108: {  	_ =	swait.ge [sflag:s24], $0x2800  }
0x109: {  	[sflag:s24] =	ssyncset.done $0x0  }
0x10a: {  	[sflag:s24] =	ssyncadd.s32 $0xFFFFD800  }
0x10b: {  	[tilespmem:s23], [sflag:$0x3] =	stream.linear.gather [spmem:s11], $0x2800, $0x38;
	[tilespmem:$0x1CE00] =	vst v63  }
0x10c: {  	_ =	swait.ge [sflag:s24], $0x2800  }
0x10d: {  	[sflag:s24] =	ssyncset.done $0x0  }
0x10e: {  	[sflag:s24] =	ssyncadd.s32 $0xFFFFD800  }
0x10f: {  	[hbm4b:s20+s3] =	stream.linear.scatter [tilespmem:s23], [sflag:$0x3], $0x2800, $0x38;
	[tilespmem:$0x1CE00] =	vst v63  }
0x110: {  	_ =	swait.ge [sflag:s24], $0x2800  }
0x111: {  	[sflag:s24] =	ssyncset.done $0x0  }
0x112: {  	[sflag:s24] =	ssyncadd.s32 $0xFFFFD800  }
0x113: {  	[tilespmem:s29], [sflag:$0x3] =	stream.linear.gather [spmem:s12], $0x2400, $0x38;
	[tilespmem:$0x1CE00] =	vst v63  }
0x114: {  	s13 =	sadd.s32 $0x1, s13;
	_ =	swait.ge [sflag:s24], $0x2400  }
0x115: {  	p0 =	sne.s32 s13, s22;
	[sflag:s24] =	ssyncset.done $0x0  }
.Ltmp2:
0x116: {  	[sflag:s24] =	ssyncadd.s32 $0xFFFFDC00;
	(pc) =	sbr.rel @p0 .LBB2_1-.Ltmp2, $4  }
0x117: {  	[hbm4b:s21+s3] =	stream.linear.scatter [tilespmem:s29], [sflag:$0x3], $0x2400, $0x38;
	[tilespmem:$0x1CE00] =	vst v63  }
0x118: {  	_ =	swait.ge [sflag:s24], $0x2400  }
0x119: {  	[sflag:s24] =	ssyncset.done $0x0  }
0x11a: {  	[sflag:s24] =	ssyncadd.s32 $0xFFFFDC00  }
0x11b: {  	_ =	sfence.sel $0x180000  }
0x11c: {  	[bflag:$0x0] =	sbarrier.arrive $0xFFFF  }
0x11d: {  	_ =	strace $0x9000004D  }
0x11e: {  	s0 =	stileid.u32;
	[bflag:$0x2] =	sbarrier.arrive $0xFFFF  }
0x11f: {  	p0 =	sne.s32 s0, $0x0;
	s0 =	rddreg [dreg:$0x2]  }
0x120: {  	s0 =	sadd.s32 @!p0 $0x100000, s0  }
0x121: {  	[sflag:s0] =	ssyncadd.tile.s32 @!p0 $0x1;
	_ =	shalt  }
.Lfunc_end2:
_tile_overlayer_lowered:
.L_overlay_start_2:
0x122: {  	(tag) =	ssettag $0x2  }
0x123: {  	s0 =	rddreg [dreg:$0x0];
	s2 =	stileid.u32  }
0x124: {  	s1 =	rddreg [dreg:$0x1];
	p0 =	sne.s32 s2, $0x0  }
0x125: {  	s3 =	rddreg [dreg:$0x2];
	[bflag:$0x3] =	sbarrier.arrive $0xFFFF;
	s2 =	simm.s32 @!p0 $0x1C03  }
0x126: {  	[timem:s3], [sflag:s2] =	dma.local @!p0 [hbm:s0], s1  }
0x127: {  	s0 =	simm.s32 @!p0 $0x3  }
0x128: {  	_ =	swait.ge @!p0 [sflag:s0], s1  }
0x129: {  	s1 =	ssub.s32 @!p0 $0x0, s1;
	[sflag:s0] =	ssyncset.done @!p0 $0x0  }
0x12a: {  	[sflag:s0] =	ssyncadd.s32 @!p0 s1  }
0x12b: {  	[bflag:$0x3] =	sbarrier.arrive $0xFFFF  }
0x12c: {  	_ =	shalt  }

// kernel: kernel.17.cloned.1.call-start
scs
__scs_entry_jumppad:
0x0: {  	(pc) =	sbr.rel $0x88, $3  }
0x1: {  	(tag) =	ssettag $0x0;
	lr =	simm.s32 $0x1  }
0x2: {  	[smem:$0x3F97] =	sst lr;
	_ =	strace $0xD0000000  }
0x3: {  	_ = 	snop  }
0x4: {  	_ = 	snop  }
0x5: {  	_ = 	snop  }
0x6: {  	_ = 	snop  }
0x7: {  	_ = 	snop  }
__scs_overlays_trampoline_lowered:
0x8: {  	[smem:$0x3FA6] =	sst s0  }
0x9: {  	[smem:$0x3FA7] =	sst s1  }
0xa: {  	[smem:$0x3FA8] =	sst s2  }
0xb: {  	[smem:$0x3FA9] =	sst s3  }
0xc: {  	[smem:$0x3FAA] =	sst s4  }
0xd: {  	[smem:$0x3FAB] =	sst s5  }
0xe: {  	[smem:$0x3FAC] =	sst s6  }
0xf: {  	[smem:$0x3FAD] =	sst s7  }
0x10: {  	[smem:$0x3FAE] =	sst s8  }
0x11: {  	[smem:$0x3FAF] =	sst s9;
	s0 =	simm.s32 @!p0 $0x0  }
0x12: {  	s1 =	sld [smem:$0x3F95];
	s0 =	simm.s32 @p0 $0x1  }
0x13: {  	[smem:$0x3FB0] =	sst s0;
	s0 =	simm.s32 @!p1 $0x0  }
0x14: {  	s2 =	sld [smem:$0x3F94];
	s0 =	simm.s32 @p1 $0x1  }
0x15: {  	[smem:$0x3FB1] =	sst s0;
	s0 =	simm.s32 @!p2 $0x0  }
0x16: {  	s3 =	sld [smem:$0x3FDB];
	s0 =	simm.s32 @p2 $0x1  }
0x17: {  	s4 =	simm.s32 $0x1BF5;
	[smem:$0x3FB3] =	sst s0  }
0x18: {  	s0 =	sld [smem:$0x3F96];
	_ =	swait.ge [sflag:s4], $0x0  }
0x19: {  	s7 =	sld [smem:$0x3F97]  }
0x1a: {  	s8 =	sadd.s32 $0xFFFFE003, lr  }
0x1b: {  	s9 =	sadd.s32 $0xFFFFFEF7, lr;
	s5 =	simm.s32 $0xFFFFFFFF;
	p2 =	slt.u32 s8, $0xFFFFF086  }
0x1c: {  	p1 =	slt.u32 s9, $0xF7A;
	s5 =	simm.s32 @!p2 $0x0  }
0x1d: {  	s5 =	simm.s32 @p1 $0x1;
	p0 =	seq.s32 s7, s2  }
0x1e: {  	s7 =	smul.u32 @!p0 $0xF7A, s2;
	p2 =	seq.s32 @!p0 s5, $0x0  }
0x1f: {  	s9 =	smul.u32 $0xF7A, s1;
	s8 =	simm.s32 @!p0 $0x1BF5;
	p2 =	por !p2, p0  }
0x20: {  	[sflag:s8] =	ssyncset.s32 @!p0 $0xFFFFF086;
	s6 =	sadd.s32 @!p0 s3, s7;
	s7 =	simm.s32 @!p0 $0x108  }
0x21: {  	s3 =	sadd.s32 s3, s9;
	s6 =	sadd.s32 @!p0 $0x88, s6;
	s7 =	simm.s32 @p2 $0x1082  }
0x22: {  	[simem:s7], [sflag:s8] =	dma.local @!p0 [hbm:s6], $0xF7A  }
0x23: {  	s9 =	sor.u32 $0xD0000000, s2;
	s6 =	simm.s32 $0x108;
	_ =	swait.ge @!p0 [sflag:s8], $0x0  }
0x24: {  	s3 =	sadd.s32 $0x88, s3;
	s6 =	simm.s32 @!p1 $0x1082;
	[sflag:s4] =	ssyncset.s32 $0xFFFFF086  }
0x25: {  	[simem:s6], [sflag:s4] =	dma.local [hbm:s3], $0xF7A  }
0x26: {  	[smem:$0x3F97] =	sst s1;
	(tag) =	ssettag s2;
	_ =	strace s9  }
0x27: {  	s1 =	sld [smem:$0x3FA7]  }
0x28: {  	s2 =	sld [smem:$0x3FA8]  }
0x29: {  	s4 =	sld [smem:$0x3FAA]  }
0x2a: {  	p0 =	seq.s32 s5, $0x0;
	s5 =	sld [smem:$0x3FAB]  }
0x2b: {  	s6 =	sld [smem:$0x3FAC]  }
0x2c: {  	s7 =	sld [smem:$0x3FAD]  }
0x2d: {  	s3 =	simm.s32 $0x108;
	s8 =	sld [smem:$0x3FAE]  }
0x2e: {  	s3 =	simm.s32 @!p0 $0x1082;
	s9 =	sld [smem:$0x3FAF]  }
0x2f: {  	lr =	sadd.s32 s0, s3;
	s0 =	sld [smem:$0x3FA6]  }
0x30: {  	s3 =	sld [smem:$0x3FA9]  }
0x31: {  	[smem:$0x3FB2] =	sst s10  }
0x32: {  	s10 =	sld [smem:$0x3FB0];
	_ =	sdelay $0x3  }
0x33: {  	p0 =	seq.s32 s10, $0x1;
	s10 =	sld [smem:$0x3FB2];
	_ =	sdelay $0x3  }
0x34: {  	[smem:$0x3FB2] =	sst s10  }
0x35: {  	s10 =	sld [smem:$0x3FB1];
	_ =	sdelay $0x3  }
0x36: {  	p1 =	seq.s32 s10, $0x1;
	s10 =	sld [smem:$0x3FB2];
	_ =	sdelay $0x3  }
0x37: {  	[smem:$0x3FB2] =	sst s10  }
0x38: {  	s10 =	sld [smem:$0x3FB3]  }
0x39: {  	_ = 	snop;
	(pc) =	sbr.ind lr, $3  }
0x3a: {  	_ = 	snop  }
0x3b: {  	_ = 	snop  }
0x3c: {  	p2 =	seq.s32 s10, $0x1;
	s10 =	sld [smem:$0x3FB2]  }
0x3d: {  	_ =	shalt  }
0x3e: {  	_ =	shalt  }
0x3f: {  	_ =	shalt  }
0x40: {  	_ =	shalt  }
0x41: {  	_ =	shalt  }
0x42: {  	_ =	shalt  }
0x43: {  	_ =	shalt  }
0x44: {  	_ =	shalt  }
0x45: {  	_ =	shalt  }
0x46: {  	_ =	shalt  }
0x47: {  	_ =	shalt  }
0x48: {  	_ =	shalt  }
0x49: {  	_ =	shalt  }
0x4a: {  	_ =	shalt  }
0x4b: {  	_ =	shalt  }
0x4c: {  	_ =	shalt  }
0x4d: {  	_ =	shalt  }
0x4e: {  	_ =	shalt  }
0x4f: {  	_ =	shalt  }
0x50: {  	_ =	shalt  }
0x51: {  	_ =	shalt  }
0x52: {  	_ =	shalt  }
0x53: {  	_ =	shalt  }
0x54: {  	_ =	shalt  }
0x55: {  	_ =	shalt  }
0x56: {  	_ =	shalt  }
0x57: {  	_ =	shalt  }
0x58: {  	_ =	shalt  }
0x59: {  	_ =	shalt  }
0x5a: {  	_ =	shalt  }
0x5b: {  	_ =	shalt  }
0x5c: {  	_ =	shalt  }
0x5d: {  	_ =	shalt  }
0x5e: {  	_ =	shalt  }
0x5f: {  	_ =	shalt  }
0x60: {  	_ =	shalt  }
0x61: {  	_ =	shalt  }
0x62: {  	_ =	shalt  }
0x63: {  	_ =	shalt  }
0x64: {  	_ =	shalt  }
0x65: {  	_ =	shalt  }
0x66: {  	_ =	shalt  }
0x67: {  	_ =	shalt  }
0x68: {  	_ =	shalt  }
0x69: {  	_ =	shalt  }
0x6a: {  	_ =	shalt  }
0x6b: {  	_ =	shalt  }
0x6c: {  	_ =	shalt  }
0x6d: {  	_ =	shalt  }
0x6e: {  	_ =	shalt  }
0x6f: {  	_ =	shalt  }
0x70: {  	_ =	shalt  }
0x71: {  	_ =	shalt  }
0x72: {  	_ =	shalt  }
0x73: {  	_ =	shalt  }
0x74: {  	_ =	shalt  }
0x75: {  	_ =	shalt  }
0x76: {  	_ =	shalt  }
0x77: {  	_ =	shalt  }
0x78: {  	_ =	shalt  }
0x79: {  	_ =	shalt  }
0x7a: {  	_ =	shalt  }
0x7b: {  	_ =	shalt  }
0x7c: {  	_ =	shalt  }
0x7d: {  	_ =	shalt  }
0x7e: {  	_ =	shalt  }
0x7f: {  	_ =	shalt  }
0x80: {  	_ =	shalt  }
0x81: {  	_ =	shalt  }
0x82: {  	_ =	shalt  }
0x83: {  	_ =	shalt  }
0x84: {  	_ =	shalt  }
0x85: {  	_ =	shalt  }
0x86: {  	_ =	shalt  }
0x87: {  	_ =	shalt  }
.Lfunc_end0:
.L_simem_size_0:
called_computation.3_lowered:
.L_overlay_start_0:
0x88: {  	s2 =	sld [smem:$0x3FD9]  }
0x89: {  	s3 =	sld [smem:$0x3FFE];
	_ =	sdelay $0x1  }
0x8a: {  	s1 =	srdreg.scid  }
0x8b: {  	s0 =	sand.u32 $0x1, s1  }
0x8c: {  	s17 =	sshll.u32 s0, $0xA;
	s2 =	sadd.s32 s3, s2  }
0x8d: {  	s2 =	sadd.s32 s2, s17  }
0x8e: {  	[smem:$0x3FBE] =	sst s2  }
0x8f: {  	_ = 	snop  }
0x90: {  	s2 =	sld [smem:$0x3FC3]  }
0x91: {  	s18 =	sld [smem:$0x3FC1]  }
0x92: {  	s4 =	sld [smem:$0x3FD0];
	(tm) =	ssettm $0x1  }
0x93: {  	s5 =	sld [smem:$0x3FFB];
	_ =	sdelay $0x3  }
0x94: {  	_ =	strace s5  }
0x95: {  	s5 =	sld [smem:$0x3FFC];
	_ =	sdelay $0x3  }
0x96: {  	_ =	strace s5  }
0x97: {  	s5 =	sld [smem:$0x3FFD];
	_ =	sdelay $0x3  }
0x98: {  	_ =	strace s5  }
0x99: {  	_ =	strace $0x8FFFFFFF  }
0x9a: {  	s19 =	sld [smem:$0x3FDB];
	_ =	sdelay $0x1  }
0x9b: {  	s6 =	simm.s32 $_scs_section_size  }
0x9c: {  	s7 =	simm.s32 $_size__tile_overlayer_lowered;
	s8 =	simm.s32 $_tile_overlayer_lowered  }
0x9d: {  	s22 =	simm.s32 $0x1BFF;
	s21 =	sshll.u32 s8, $0x1;
	s5 =	sadd.s32 s6, s19  }
0x9e: {  	s9 =	simm.s32 $0x0;
	s20 =	sshll.u32 s7, $0x1;
	s7 =	sadd.s32 s21, s5  }
0x9f: {  	[timem:s9], [sflag:s22] =	dma.local [hbm:s7], s20  }
0xa0: {  	_ =	swait.ge [sflag:s22], s20  }
0xa1: {  	s6 =	ssub.s32 $0x0, s20;
	[sflag:s22] =	ssyncset.done $0x0  }
0xa2: {  	[sflag:s22] =	ssyncadd.s32 s6;
	_ =	sdelay $0x1  }
0xa3: {  	s23 =	simm.s32 $0x1B8B  }
0xa4: {  	_ =	swait.ge [sflag:s23], $0x1  }
0xa5: {  	[sflag:s23] =	ssyncset.done $0x0  }
0xa6: {  	s25 =	simm.s32 $0x1B8E;
	s24 =	sld [smem:$0x3FFE];
	[sflag:s23] =	ssyncadd.s32 $0xFFFFFFFF  }
0xa7: {  	s26 =	simm.s32 $execute0_lowered;
	[smem:$0x3FD2] =	sst s25  }
0xa8: {  	s7 =	sshll.u32 s26, $0x1;
	_ =	strace $0x8000004F;
	[dreg:$0x1] =	wrdreg $0xFFFFFFFF  }
0xa9: {  	s28 =	simm.s32 $_size_execute0_lowered;
	s5 =	sadd.s32 s5, s7;
	[dreg:$0x0] =	wrdreg $0x0  }
0xaa: {  	s7 =	sshll.u32 s28, $0x1;
	[dreg:$0x2] =	wrdreg s5  }
0xab: {  	[dreg:$0x3] =	wrdreg s7  }
0xac: {  	[dreg:$0x4] =	wrdreg $0xC0  }
0xad: {  	_ =	task [dreg:s9], $0x5FFFF  }
0xae: {  	[dreg:$0x1] =	wrdreg $0xFFFFFFFF  }
0xaf: {  	[dreg:$0x0] =	wrdreg $0x60  }
0xb0: {  	[dreg:$0x2] =	wrdreg s24  }
0xb1: {  	[dreg:$0x3] =	wrdreg s4  }
0xb2: {  	[dreg:$0x4] =	wrdreg s18  }
0xb3: {  	[dreg:$0x5] =	wrdreg s2  }
0xb4: {  	[dreg:$0x6] =	wrdreg $0x9  }
0xb5: {  	_ =	task.clear_ibuf [dreg:s9], $0x7FFFF;
	_ =	strace $0x9000004F  }
0xb6: {  	s29 =	simm.s32 $0x9;
	_ =	strace $0x80000051  }
0xb7: {  	_ =	swait.ge [sflag:s29], $0x1  }
0xb8: {  	[sflag:s29] =	ssyncadd.s32 $0xFFFFFFFF  }
0xb9: {  	_ =	strace $0x90000051  }
0xba: {  	_ =	sfence  }
0xbb: {  	s30 =	sld [smem:$0x0];
	_ =	sdelay $0x2  }
0xbc: {  	s31 =	sshll.u32 s1, $0xD;
	s1 =	sshrl.u32 s1, $0x2  }
0xbd: {  	s3 =	sand.u32 $0x4000, s31;
	s1 =	sadd.s32 s1, s30  }
0xbe: {  	s0 =	sor.u32 s3, s0;
	s1 =	sshll.u32 s1, $0x11  }
0xbf: {  	s0 =	sor.u32 s1, s0  }
0xc0: {  	s0 =	sadd.s32 $0x8F2B, s0  }
0xc1: {  	[sflag:s0] =	ssyncadd.remote.s32 $0x1  }
0xc2: {  	_ =	sfence.sel $0xFFFF  }
0xc3: {  	[dreg:$0x0] =	wrdreg $0xFFFFFFFF;
	(pc) =	sbr.abs _section_cstart, $3  }
0xc4: {  	[dreg:$0x1] =	wrdreg $0xFFFFFFFF  }
0xc5: {  	_ =	task.clear_ibuf [dreg:s9], $0x2FFFF;
	_ =	strace $0x9FFFFFFF  }
0xc6: {  	(tm) =	ssettm $0x7FFFFFFF  }
0xc7: {  	_ =	shalt  }
tec
execute0_lowered:
.L_overlay_start_1:
0x0: {  	(tag) =	ssettag $0x1  }
0x1: {  	s7 =	rddreg [dreg:$0x0]  }
0x2: {  	s0 =	rddreg [dreg:$0x1]  }
0x3: {  	s1 =	srdreg.scid;
	s3 =	rddreg [dreg:$0x2]  }
0x4: {  	s4 =	rddreg [dreg:$0x3];
	s2 =	stileid.u32  }
0x5: {  	s5 =	simm.s32 $0x0;
	s12 =	simm.s32 $0x1;
	s13 =	simm.s32 $0x2780  }
0x6: {  	s14 =	simm.s32 $0x4F00;
	s15 =	simm.s32 $0x7680;
	s16 =	simm.s32 $0xC580  }
0x7: {  	s17 =	simm.s32 $0xC680;
	s18 =	simm.s32 $0xC700;
	s6 =	sand.u32 $0x1, s1  }
0x8: {  	s19 =	simm.s32 $0x9E00;
	s20 =	simm.s32 $0x0;
	s8 =	sshll.u32 s6, $0x4  }
0x9: {  	s1 =	rddreg [dreg:$0x4];
	s9 =	ssub.s32 $0x2, s6;
	s8 =	sor.u32 s2, s8  }
0xa: {  	[smem:$0x7FF] =	sst s5;
	s31 =	sshrl.u32 s9, $0x1;
	s8 =	smul.u32 $0x4E2, s8  }
0xb: {  	_ =	strace $0x80000050;
	s6 =	sadd.s32 $0x15600, s7;
	s11 =	ssub.s32 s9, s31  }
0xc: {  	s11 =	smax.u32 s11, $0x1;
	s10 =	sadd.s32 s8, s7;
	s7 =	sadd.s32 $0x9BE00, s7  }
0xd: {  	s8 =	sadd.s32 $0x1A00, s10;
	s9 =	sadd.s32 $0xB800, s10;
	s10 =	sadd.s32 $0x15C00, s10  }
.LBB2_1:
0xe: {  	[tilespmem:s5], [sflag:$0x1] =	stream.linear.gather [hbm4b:s6+s5], $0x2780, $0x38;
	[tilespmem:$0xC780] =	vst v63  }
0xf: {  	_ =	swait.ge [sflag:s12], $0x2780  }
0x10: {  	[sflag:s12] =	ssyncset.done $0x0  }
0x11: {  	[sflag:s12] =	ssyncadd.s32 $0xFFFFD880  }
0x12: {  	[tilespmem:s13], [sflag:$0x1] =	stream.linear.gather [hbm4b:s0+s5], $0x2780, $0x38;
	[tilespmem:$0xC780] =	vst v63  }
0x13: {  	_ =	swait.ge [sflag:s12], $0x2780  }
0x14: {  	[sflag:s12] =	ssyncset.done $0x0  }
0x15: {  	[sflag:s12] =	ssyncadd.s32 $0xFFFFD880  }
0x16: {  	[tilespmem:s14], [sflag:$0x1] =	stream.linear.gather [hbm4b:s8+s5], $0x2710, $0x38;
	[tilespmem:$0xC780] =	vst v63  }
0x17: {  	_ =	swait.ge [sflag:s12], $0x2710  }
0x18: {  	[sflag:s12] =	ssyncset.done $0x0  }
0x19: {  	[sflag:s12] =	ssyncadd.s32 $0xFFFFD8F0  }
0x1a: {  	[tilespmem:s15], [sflag:$0x1] =	stream.linear.gather [hbm4b:s9+s5], $0x2710, $0x38;
	[tilespmem:$0xC780] =	vst v63  }
0x1b: {  	_ =	swait.ge [sflag:s12], $0x2710  }
0x1c: {  	[sflag:s12] =	ssyncset.done $0x0  }
0x1d: {  	[sflag:s12] =	ssyncadd.s32 $0xFFFFD8F0  }
0x1e: {  	[tilespmem:s16], [sflag:$0x1] =	stream.linear.gather [hbm4b:s3+s5], $0x100, $0x38;
	[tilespmem:$0xC780] =	vst v63  }
0x1f: {  	_ =	swait.ge [sflag:s12], $0x100  }
0x20: {  	[sflag:s12] =	ssyncset.done $0x0  }
0x21: {  	[sflag:s12] =	ssyncadd.s32 $0xFFFFFF00  }
0x22: {  	[tilespmem:s17], [sflag:$0x1] =	stream.linear.gather [hbm4b:s4+s5], $0x80, $0x38;
	[tilespmem:$0xC780] =	vst v63  }
0x23: {  	_ =	swait.ge [sflag:s12], $0x80  }
0x24: {  	[sflag:s12] =	ssyncset.done $0x0  }
0x25: {  	[sflag:s12] =	ssyncadd.s32 $0xFFFFFF80  }
0x26: {  	[tilespmem:s18], [sflag:$0x1] =	stream.linear.gather [hbm4b:s7+s5], $0x80, $0x38;
	[tilespmem:$0xC780] =	vst v63  }
0x27: {  	_ =	swait.ge [sflag:s12], $0x80  }
0x28: {  	[sflag:s12] =	ssyncset.done $0x0  }
0x29: {  	[sflag:s12] =	ssyncadd.s32 $0xFFFFFF80  }
0x2a: {  	v0 =	vld [tilespmem:$0xC700]  }
0x2b: {  	v1 =	vld [tilespmem:$0xC680]  }
0x2c: {  	v2 =	vld [tilespmem:$0xC580]  }
0x2d: {  	v3 =	vld [tilespmem:$0xC600]  }
0x2e: {  	v4 =	vld [tilespmem:$0xC690]  }
0x2f: {  	v5 =	vld [tilespmem:$0xC590]  }
0x30: {  	v6 =	vld [tilespmem:$0xC610]  }
0x31: {  	v7 =	vld [tilespmem:$0xC6A0]  }
0x32: {  	v8 =	vld [tilespmem:$0xC5A0]  }
0x33: {  	v9 =	vld [tilespmem:$0xC620]  }
0x34: {  	v10 =	vld [tilespmem:$0xC6B0]  }
0x35: {  	v11 =	vld [tilespmem:$0xC5B0]  }
0x36: {  	v12 =	vld [tilespmem:$0xC630]  }
0x37: {  	v13 =	vld [tilespmem:$0xC6C0]  }
0x38: {  	v14 =	vld [tilespmem:$0xC640];
	v2 =	vadd.f32 v3, v2  }
0x39: {  	v56 =	vld [tilespmem:$0xC6D0]  }
0x3a: {  	v57 =	vld [tilespmem:$0xC5D0];
	v1 =	vmul.f32 v2, v1;
	v2 =	vadd.f32 v6, v5  }
0x3b: {  	v3 =	vld [tilespmem:$0xC5C0]  }
0x3c: {  	v58 =	vld [tilespmem:$0xC650];
	v0 =	vadd.f32 v1, v0;
	v1 =	vmul.f32 v2, v4;
	v2 =	vadd.f32 v9, v8  }
0x3d: {  	v59 =	vld [tilespmem:$0xC6E0]  }
0x3e: {  	v60 =	vld [tilespmem:$0xC5E0];
	v0 =	vadd.f32 v1, v0;
	v1 =	vmul.f32 v2, v7;
	v2 =	vadd.f32 v12, v11  }
0x3f: {  	v61 =	vld [tilespmem:$0xC660]  }
0x40: {  	v62 =	vld [tilespmem:$0xC670];
	v0 =	vadd.f32 v1, v0;
	v1 =	vmul.f32 v2, v10;
	v2 =	vadd.f32 v14, v3  }
0x41: {  	v3 =	vld [tilespmem:$0xC5F0]  }
0x42: {  	v0 =	vadd.f32 v1, v0;
	v1 =	vmul.f32 v2, v13;
	v2 =	vadd.f32 v58, v57  }
0x43: {  	v63 =	vld [tilespmem:$0xC6F0]  }
0x44: {  	v0 =	vadd.f32 v1, v0;
	v1 =	vmul.f32 v2, v56;
	v2 =	vadd.f32 v61, v60;
	_ =	sdelay $0x1  }
0x45: {  	v0 =	vadd.f32 v1, v0;
	v1 =	vmul.f32 v2, v59;
	v2 =	vadd.f32 v62, v3;
	_ =	sdelay $0x1  }
0x46: {  	s21 =	simm.s32 $0x0;
	v0 =	vadd.f32 v1, v0;
	v1 =	vmul.f32 v2, v63  }
0x47: {  	v2 =	vld [tilespmem:s21+$0x4F00]  }
0x48: {  	v0 =	vadd.f32 v1, v0;
	v1 =	vld [tilespmem:s21+$0x7680];
	_ =	sdelay $0x1  }
0x49: {  	(xrf2) =	vadd.scan.msk.f32 $0xffff, v0;
	_ =	sdelay $0x4  }
0x4a: {  	v2 =	vld.idx.msk [tilespmem:v2+s5+$0x0], $0xffff  }
0x4b: {  	v1 =	vld.idx.msk [tilespmem:v1+s13+$0x0], $0xffff;
	_ =	sdelay $0x3  }
0x4c: {  	v0, _, _ =	vpop (xrf2)  }
0x4d: {  	v0 =	vbroadcast v0, $0xF;
	v1 =	vadd.f32 v1, v2;
	_ =	sdelay $0x1  }
0x4e: {  	v1 =	vadd.f32 v1, v0;
	_ =	sdelay $0x1  }
0x4f: {  	v1 =	vsub.f32 $0.0e+00, v1;
	_ =	sdelay $0x1  }
0x50: {  	v1 =	vmul.f32 $1.442695020e+00, v1;
	_ =	sdelay $0x1  }
0x51: {  	(erf) = vpow2.f32 v1;
	_ =	sdelay $0x8  }
0x52: {  	v1 =	vpop (erf)  }
0x53: {  	v1 =	vadd.f32 $1.000000000e+00, v1;
	_ =	sdelay $0x1  }
0x54: {  	(erf) = vrcp.f32 v1;
	_ =	sdelay $0x2  }
0x55: {  	v1 =	vld [tilespmem:s21+$0x4F10]  }
0x56: {  	v2 =	vld [tilespmem:s21+$0x7690];
	_ =	sdelay $0x4  }
0x57: {  	v3 =	vpop (erf)  }
0x58: {  	[tilespmem:s21+$0x9E00] =	vst v3  }
0x59: {  	v1 =	vld.idx.msk [tilespmem:v1+s5+$0x0], $0xffff  }
0x5a: {  	v2 =	vld.idx.msk [tilespmem:v2+s13+$0x0], $0xffff;
	_ =	sdelay $0x4  }
0x5b: {  	v1 =	vadd.f32 v2, v1;
	_ =	sdelay $0x1  }
0x5c: {  	v1 =	vadd.f32 v1, v0;
	_ =	sdelay $0x1  }
0x5d: {  	v1 =	vsub.f32 $0.0e+00, v1;
	_ =	sdelay $0x1  }
0x5e: {  	v1 =	vmul.f32 $1.442695020e+00, v1;
	_ =	sdelay $0x1  }
0x5f: {  	(erf) = vpow2.f32 v1;
	_ =	sdelay $0x8  }
0x60: {  	v1 =	vpop (erf)  }
0x61: {  	v1 =	vadd.f32 $1.000000000e+00, v1;
	_ =	sdelay $0x1  }
0x62: {  	(erf) = vrcp.f32 v1;
	_ =	sdelay $0x2  }
0x63: {  	v1 =	vld [tilespmem:s21+$0x4F20]  }
0x64: {  	v2 =	vld [tilespmem:s21+$0x76A0];
	_ =	sdelay $0x4  }
0x65: {  	v3 =	vpop (erf)  }
0x66: {  	[tilespmem:s21+$0x9E10] =	vst v3  }
0x67: {  	v1 =	vld.idx.msk [tilespmem:v1+s5+$0x0], $0xffff  }
0x68: {  	v2 =	vld.idx.msk [tilespmem:v2+s13+$0x0], $0xffff;
	_ =	sdelay $0x4  }
0x69: {  	v1 =	vadd.f32 v2, v1;
	_ =	sdelay $0x1  }
0x6a: {  	v1 =	vadd.f32 v1, v0;
	_ =	sdelay $0x1  }
0x6b: {  	v1 =	vsub.f32 $0.0e+00, v1;
	_ =	sdelay $0x1  }
0x6c: {  	v1 =	vmul.f32 $1.442695020e+00, v1;
	_ =	sdelay $0x1  }
0x6d: {  	(erf) = vpow2.f32 v1;
	_ =	sdelay $0x8  }
0x6e: {  	v1 =	vpop (erf)  }
0x6f: {  	v1 =	vadd.f32 $1.000000000e+00, v1;
	_ =	sdelay $0x1  }
0x70: {  	(erf) = vrcp.f32 v1;
	_ =	sdelay $0x2  }
0x71: {  	v1 =	vld [tilespmem:s21+$0x4F30]  }
0x72: {  	v2 =	vld [tilespmem:s21+$0x76B0];
	_ =	sdelay $0x4  }
0x73: {  	v3 =	vpop (erf)  }
0x74: {  	[tilespmem:s21+$0x9E20] =	vst v3  }
0x75: {  	v1 =	vld.idx.msk [tilespmem:v1+s5+$0x0], $0xffff  }
0x76: {  	v2 =	vld.idx.msk [tilespmem:v2+s13+$0x0], $0xffff;
	_ =	sdelay $0x4  }
0x77: {  	v1 =	vadd.f32 v2, v1;
	_ =	sdelay $0x1  }
0x78: {  	v1 =	vadd.f32 v1, v0;
	_ =	sdelay $0x1  }
0x79: {  	v1 =	vsub.f32 $0.0e+00, v1;
	_ =	sdelay $0x1  }
0x7a: {  	v1 =	vmul.f32 $1.442695020e+00, v1;
	_ =	sdelay $0x1  }
0x7b: {  	(erf) = vpow2.f32 v1;
	_ =	sdelay $0x8  }
0x7c: {  	v1 =	vpop (erf)  }
0x7d: {  	v1 =	vadd.f32 $1.000000000e+00, v1;
	_ =	sdelay $0x1  }
0x7e: {  	(erf) = vrcp.f32 v1;
	_ =	sdelay $0x2  }
0x7f: {  	v1 =	vld [tilespmem:s21+$0x4F40]  }
0x80: {  	v2 =	vld [tilespmem:s21+$0x76C0];
	_ =	sdelay $0x4  }
0x81: {  	v3 =	vpop (erf)  }
0x82: {  	[tilespmem:s21+$0x9E30] =	vst v3  }
0x83: {  	v1 =	vld.idx.msk [tilespmem:v1+s5+$0x0], $0xffff  }
0x84: {  	v2 =	vld.idx.msk [tilespmem:v2+s13+$0x0], $0xffff;
	_ =	sdelay $0x4  }
0x85: {  	v1 =	vadd.f32 v2, v1;
	_ =	sdelay $0x1  }
0x86: {  	v1 =	vadd.f32 v1, v0;
	_ =	sdelay $0x1  }
0x87: {  	v1 =	vsub.f32 $0.0e+00, v1;
	_ =	sdelay $0x1  }
0x88: {  	v1 =	vmul.f32 $1.442695020e+00, v1;
	_ =	sdelay $0x1  }
0x89: {  	(erf) = vpow2.f32 v1;
	_ =	sdelay $0x8  }
0x8a: {  	v1 =	vpop (erf)  }
0x8b: {  	v2 =	vadd.f32 $1.000000000e+00, v1;
	_ =	sdelay $0x1  }
0x8c: {  	(erf) = vrcp.f32 v2;
	_ =	sdelay $0x1  }
0x8d: {  	s24 =	simm.s32 $0x50  }
0x8e: {  	v1 =	vld [tilespmem:s24+$0x4F00]  }
0x8f: {  	s22 =	simm.s32 $0x280;
	v2 =	vld [tilespmem:s24+$0x7680]  }
.LBB2_2:
0x90: {  	p0 =	sne.s32 s22, $0x9B00;
	s23 =	smov.u32 s22;
	s22 =	sadd.s32 $0x140, s22  }
0x91: {  	_ =	sdelay $0x2  }
0x92: {  	v3 =	vpop (erf)  }
0x93: {  	[tilespmem:s21+$0x9E40] =	vst v3;
	s21 =	smov.u32 s24  }
0x94: {  	v1 =	vld.idx.msk [tilespmem:v1+s5+$0x0], $0xffff  }
0x95: {  	v2 =	vld.idx.msk [tilespmem:v2+s13+$0x0], $0xffff;
	_ =	sdelay $0x5  }
0x96: {  	v1 =	vadd.f32 v2, v1;
	_ =	sdelay $0x1  }
0x97: {  	v1 =	vadd.f32 v1, v0;
	_ =	sdelay $0x1  }
0x98: {  	v1 =	vsub.f32 $0.0e+00, v1;
	_ =	sdelay $0x1  }
0x99: {  	v1 =	vmul.f32 $1.442695020e+00, v1;
	_ =	sdelay $0x1  }
0x9a: {  	(erf) = vpow2.f32 v1;
	_ =	sdelay $0x8  }
0x9b: {  	v1 =	vpop (erf)  }
0x9c: {  	v1 =	vadd.f32 $1.000000000e+00, v1;
	_ =	sdelay $0x1  }
0x9d: {  	(erf) = vrcp.f32 v1;
	_ =	sdelay $0x1  }
0x9e: {  	v1 =	vld [tilespmem:s21+$0x7690]  }
0x9f: {  	v2 =	vld [tilespmem:s21+$0x4F10];
	_ =	sdelay $0x5  }
0xa0: {  	v3 =	vpop (erf)  }
0xa1: {  	[tilespmem:s21+$0x9E00] =	vst v3  }
0xa2: {  	v2 =	vld.idx.msk [tilespmem:v2+s5+$0x0], $0xffff  }
0xa3: {  	v1 =	vld.idx.msk [tilespmem:v1+s13+$0x0], $0xffff;
	_ =	sdelay $0x5  }
0xa4: {  	v1 =	vadd.f32 v1, v2;
	_ =	sdelay $0x1  }
0xa5: {  	v1 =	vadd.f32 v1, v0;
	_ =	sdelay $0x1  }
0xa6: {  	v1 =	vsub.f32 $0.0e+00, v1;
	_ =	sdelay $0x1  }
0xa7: {  	v1 =	vmul.f32 $1.442695020e+00, v1;
	_ =	sdelay $0x1  }
0xa8: {  	(erf) = vpow2.f32 v1;
	_ =	sdelay $0x8  }
0xa9: {  	v1 =	vpop (erf)  }
0xaa: {  	v1 =	vadd.f32 $1.000000000e+00, v1;
	_ =	sdelay $0x1  }
0xab: {  	(erf) = vrcp.f32 v1;
	_ =	sdelay $0x1  }
0xac: {  	v1 =	vld [tilespmem:s21+$0x76A0]  }
0xad: {  	v2 =	vld [tilespmem:s21+$0x4F20];
	_ =	sdelay $0x5  }
0xae: {  	v3 =	vpop (erf)  }
0xaf: {  	[tilespmem:s21+$0x9E10] =	vst v3  }
0xb0: {  	v2 =	vld.idx.msk [tilespmem:v2+s5+$0x0], $0xffff  }
0xb1: {  	v1 =	vld.idx.msk [tilespmem:v1+s13+$0x0], $0xffff;
	_ =	sdelay $0x5  }
0xb2: {  	v1 =	vadd.f32 v1, v2;
	_ =	sdelay $0x1  }
0xb3: {  	v1 =	vadd.f32 v1, v0;
	_ =	sdelay $0x1  }
0xb4: {  	v1 =	vsub.f32 $0.0e+00, v1;
	_ =	sdelay $0x1  }
0xb5: {  	v1 =	vmul.f32 $1.442695020e+00, v1;
	_ =	sdelay $0x1  }
0xb6: {  	(erf) = vpow2.f32 v1;
	_ =	sdelay $0x8  }
0xb7: {  	v1 =	vpop (erf)  }
0xb8: {  	v1 =	vadd.f32 $1.000000000e+00, v1;
	_ =	sdelay $0x1  }
0xb9: {  	(erf) = vrcp.f32 v1;
	_ =	sdelay $0x1  }
0xba: {  	v1 =	vld [tilespmem:s21+$0x76B0]  }
0xbb: {  	v2 =	vld [tilespmem:s21+$0x4F30];
	_ =	sdelay $0x5  }
0xbc: {  	v3 =	vpop (erf)  }
0xbd: {  	[tilespmem:s21+$0x9E20] =	vst v3  }
0xbe: {  	v2 =	vld.idx.msk [tilespmem:v2+s5+$0x0], $0xffff  }
0xbf: {  	v1 =	vld.idx.msk [tilespmem:v1+s13+$0x0], $0xffff;
	_ =	sdelay $0x5  }
0xc0: {  	v1 =	vadd.f32 v1, v2;
	_ =	sdelay $0x1  }
0xc1: {  	v1 =	vadd.f32 v1, v0;
	_ =	sdelay $0x1  }
0xc2: {  	v1 =	vsub.f32 $0.0e+00, v1;
	_ =	sdelay $0x1  }
0xc3: {  	v1 =	vmul.f32 $1.442695020e+00, v1;
	_ =	sdelay $0x1  }
0xc4: {  	(erf) = vpow2.f32 v1;
	_ =	sdelay $0x8  }
0xc5: {  	v1 =	vpop (erf)  }
0xc6: {  	v1 =	vadd.f32 $1.000000000e+00, v1;
	_ =	sdelay $0x1  }
0xc7: {  	(erf) = vrcp.f32 v1;
	_ =	sdelay $0x1  }
0xc8: {  	v1 =	vld [tilespmem:s21+$0x76C0]  }
0xc9: {  	v2 =	vld [tilespmem:s21+$0x4F40];
	_ =	sdelay $0x5  }
0xca: {  	v3 =	vpop (erf)  }
0xcb: {  	[tilespmem:s21+$0x9E30] =	vst v3  }
0xcc: {  	v2 =	vld.idx.msk [tilespmem:v2+s5+$0x0], $0xffff  }
0xcd: {  	v1 =	vld.idx.msk [tilespmem:v1+s13+$0x0], $0xffff;
	_ =	sdelay $0x5  }
0xce: {  	v1 =	vadd.f32 v1, v2;
	_ =	sdelay $0x1  }
0xcf: {  	v1 =	vadd.f32 v1, v0;
	_ =	sdelay $0x1  }
0xd0: {  	v1 =	vsub.f32 $0.0e+00, v1;
	_ =	sdelay $0x1  }
0xd1: {  	v1 =	vmul.f32 $1.442695020e+00, v1;
	_ =	sdelay $0x1  }
0xd2: {  	(erf) = vpow2.f32 v1;
	_ =	sdelay $0x8  }
0xd3: {  	v1 =	vpop (erf)  }
0xd4: {  	v1 =	vadd.f32 $1.000000000e+00, v1;
	_ =	sdelay $0x1  }
.Ltmp0:
0xd5: {  	(erf) = vrcp.f32 v1;
	(pc) =	sbr.rel @p0 .LBB2_2-.Ltmp0, $4  }
0xd6: {  	_ = 	snop  }
0xd7: {  	s24 =	sshra.s32 s23, $0x2  }
0xd8: {  	v1 =	vld [tilespmem:s24+$0x4F00]  }
0xd9: {  	v2 =	vld [tilespmem:s24+$0x7680]  }
0xda: {  	_ =	sdelay $0x4  }
0xdb: {  	v3 =	vpop (erf)  }
0xdc: {  	[tilespmem:s21+$0x9E40] =	vst v3  }
0xdd: {  	v1 =	vld.idx.msk [tilespmem:v1+s5+$0x0], $0xffff  }
0xde: {  	v2 =	vld.idx.msk [tilespmem:v2+s13+$0x0], $0xffff;
	_ =	sdelay $0x4  }
0xdf: {  	v1 =	vadd.f32 v2, v1;
	_ =	sdelay $0x1  }
0xe0: {  	v1 =	vadd.f32 v1, v0;
	_ =	sdelay $0x1  }
0xe1: {  	v1 =	vsub.f32 $0.0e+00, v1;
	_ =	sdelay $0x1  }
0xe2: {  	v1 =	vmul.f32 $1.442695020e+00, v1;
	_ =	sdelay $0x1  }
0xe3: {  	(erf) = vpow2.f32 v1;
	_ =	sdelay $0x8  }
0xe4: {  	v1 =	vpop (erf)  }
0xe5: {  	v1 =	vadd.f32 $1.000000000e+00, v1;
	_ =	sdelay $0x1  }
0xe6: {  	(erf) = vrcp.f32 v1;
	_ =	sdelay $0x2  }
0xe7: {  	v51 =	vld [tilespmem:s24+$0x4F10]  }
0xe8: {  	v52 =	vld [tilespmem:s24+$0x7690];
	_ =	sdelay $0x4  }
0xe9: {  	v53 =	vpop (erf)  }
0xea: {  	[tilespmem:s24+$0x9E00] =	vst v53  }
0xeb: {  	v1 =	vld.idx.msk [tilespmem:v51+s5+$0x0], $0xffff  }
0xec: {  	v2 =	vld.idx.msk [tilespmem:v52+s13+$0x0], $0xffff;
	_ =	sdelay $0x4  }
0xed: {  	v1 =	vadd.f32 v2, v1;
	_ =	sdelay $0x1  }
0xee: {  	v1 =	vadd.f32 v1, v0;
	_ =	sdelay $0x1  }
0xef: {  	v1 =	vsub.f32 $0.0e+00, v1;
	_ =	sdelay $0x1  }
0xf0: {  	v1 =	vmul.f32 $1.442695020e+00, v1;
	_ =	sdelay $0x1  }
0xf1: {  	(erf) = vpow2.f32 v1;
	_ =	sdelay $0x8  }
0xf2: {  	v1 =	vpop (erf)  }
0xf3: {  	v1 =	vadd.f32 $1.000000000e+00, v1;
	_ =	sdelay $0x1  }
0xf4: {  	(erf) = vrcp.f32 v1;
	_ =	sdelay $0x2  }
0xf5: {  	v54 =	vld [tilespmem:s24+$0x4F20]  }
0xf6: {  	v55 =	vld [tilespmem:s24+$0x76A0];
	_ =	sdelay $0x4  }
0xf7: {  	v56 =	vpop (erf)  }
0xf8: {  	[tilespmem:s24+$0x9E10] =	vst v56  }
0xf9: {  	v1 =	vld.idx.msk [tilespmem:v54+s5+$0x0], $0xffff  }
0xfa: {  	v2 =	vld.idx.msk [tilespmem:v55+s13+$0x0], $0xffff;
	_ =	sdelay $0x4  }
0xfb: {  	v1 =	vadd.f32 v2, v1;
	_ =	sdelay $0x1  }
0xfc: {  	v1 =	vadd.f32 v1, v0;
	_ =	sdelay $0x1  }
0xfd: {  	v1 =	vsub.f32 $0.0e+00, v1;
	_ =	sdelay $0x1  }
0xfe: {  	v1 =	vmul.f32 $1.442695020e+00, v1;
	_ =	sdelay $0x1  }
0xff: {  	(erf) = vpow2.f32 v1;
	_ =	sdelay $0x8  }
0x100: {  	v1 =	vpop (erf)  }
0x101: {  	v1 =	vadd.f32 $1.000000000e+00, v1;
	_ =	sdelay $0x1  }
0x102: {  	(erf) = vrcp.f32 v1;
	_ =	sdelay $0x2  }
0x103: {  	v57 =	vld [tilespmem:s24+$0x4F30]  }
0x104: {  	v58 =	vld [tilespmem:s24+$0x76B0];
	_ =	sdelay $0x4  }
0x105: {  	v59 =	vpop (erf)  }
0x106: {  	[tilespmem:s24+$0x9E20] =	vst v59  }
0x107: {  	v1 =	vld.idx.msk [tilespmem:v57+s5+$0x0], $0xffff  }
0x108: {  	v2 =	vld.idx.msk [tilespmem:v58+s13+$0x0], $0xffff;
	_ =	sdelay $0x4  }
0x109: {  	v1 =	vadd.f32 v2, v1;
	_ =	sdelay $0x1  }
0x10a: {  	v1 =	vadd.f32 v1, v0;
	_ =	sdelay $0x1  }
0x10b: {  	v1 =	vsub.f32 $0.0e+00, v1;
	_ =	sdelay $0x1  }
0x10c: {  	v1 =	vmul.f32 $1.442695020e+00, v1;
	_ =	sdelay $0x1  }
0x10d: {  	(erf) = vpow2.f32 v1;
	_ =	sdelay $0x8  }
0x10e: {  	v1 =	vpop (erf)  }
0x10f: {  	v1 =	vadd.f32 $1.000000000e+00, v1;
	_ =	sdelay $0x1  }
0x110: {  	(erf) = vrcp.f32 v1;
	_ =	sdelay $0x2  }
0x111: {  	v60 =	vld [tilespmem:s24+$0x4F40]  }
0x112: {  	v61 =	vld [tilespmem:s24+$0x76C0];
	_ =	sdelay $0x4  }
0x113: {  	v62 =	vpop (erf)  }
0x114: {  	[tilespmem:s24+$0x9E30] =	vst v62  }
0x115: {  	v1 =	vld.idx.msk [tilespmem:v60+s5+$0x0], $0xffff  }
0x116: {  	v2 =	vld.idx.msk [tilespmem:v61+s13+$0x0], $0xffff;
	_ =	sdelay $0x4  }
0x117: {  	v1 =	vadd.f32 v2, v1;
	_ =	sdelay $0x1  }
0x118: {  	v63 =	vadd.f32 v1, v0;
	_ =	sdelay $0x1  }
0x119: {  	v0 =	vsub.f32 $0.0e+00, v63;
	_ =	sdelay $0x1  }
0x11a: {  	v0 =	vmul.f32 $1.442695020e+00, v0;
	_ =	sdelay $0x1  }
0x11b: {  	(erf) = vpow2.f32 v0;
	_ =	sdelay $0x8  }
0x11c: {  	v0 =	vpop (erf)  }
0x11d: {  	v0 =	vadd.f32 $1.000000000e+00, v0;
	_ =	sdelay $0x1  }
0x11e: {  	(erf) = vrcp.f32 v0;
	_ =	sdelay $0x7  }
0x11f: {  	s20 =	sadd.s32 $0x1, s20  }
0x120: {  	p0 =	sne.s32 s20, s11;
	v0 =	vpop (erf)  }
.Ltmp1:
0x121: {  	[tilespmem:s24+$0x9E40] =	vst v0;
	(pc) =	sbr.rel @p0 .LBB2_1-.Ltmp1, $4  }
0x122: {  	[hbm4b:s10+s5] =	stream.linear.scatter [tilespmem:s19], [sflag:$0x1], $0x2710, $0x38;
	[tilespmem:$0xC780] =	vst v63  }
0x123: {  	_ =	swait.ge [sflag:s12], $0x2710  }
0x124: {  	[sflag:s12] =	ssyncset.done $0x0  }
0x125: {  	[sflag:s12] =	ssyncadd.s32 $0xFFFFD8F0  }
0x126: {  	_ =	sfence.sel $0x180000  }
0x127: {  	[bflag:$0x0] =	sbarrier.arrive $0xFFFF  }
0x128: {  	p0 =	sne.s32 s2, $0x0;
	_ =	strace $0x90000050  }
0x129: {  	s0 =	sadd.s32 @!p0 $0x100000, s1;
	[bflag:$0x2] =	sbarrier.arrive $0xFFFF  }
0x12a: {  	[sflag:s0] =	ssyncadd.tile.s32 @!p0 $0x1;
	_ =	shalt  }
.Lfunc_end2:
_tile_overlayer_lowered:
.L_overlay_start_2:
0x12b: {  	(tag) =	ssettag $0x2  }
0x12c: {  	s0 =	rddreg [dreg:$0x0];
	s2 =	stileid.u32  }
0x12d: {  	s1 =	rddreg [dreg:$0x1];
	p0 =	sne.s32 s2, $0x0  }
0x12e: {  	s3 =	rddreg [dreg:$0x2];
	[bflag:$0x3] =	sbarrier.arrive $0xFFFF;
	s2 =	simm.s32 @!p0 $0x1C01  }
0x12f: {  	[timem:s3], [sflag:s2] =	dma.local @!p0 [hbm:s0], s1  }
0x130: {  	s0 =	simm.s32 @!p0 $0x1  }
0x131: {  	_ =	swait.ge @!p0 [sflag:s0], s1  }
0x132: {  	s1 =	ssub.s32 @!p0 $0x0, s1;
	[sflag:s0] =	ssyncset.done @!p0 $0x0  }
0x133: {  	[sflag:s0] =	ssyncadd.s32 @!p0 s1  }
0x134: {  	[bflag:$0x3] =	sbarrier.arrive $0xFFFF  }
0x135: {  	_ =	shalt  }

// kernel: kernel.8.cloned.1.call-start
scs
__scs_entry_jumppad:
0x0: {  	(pc) =	sbr.rel $0x88, $3  }
0x1: {  	(tag) =	ssettag $0x0;
	lr =	simm.s32 $0x1  }
0x2: {  	[smem:$0x3F97] =	sst lr;
	_ =	strace $0xD0000000  }
0x3: {  	_ = 	snop  }
0x4: {  	_ = 	snop  }
0x5: {  	_ = 	snop  }
0x6: {  	_ = 	snop  }
0x7: {  	_ = 	snop  }
__scs_overlays_trampoline_lowered:
0x8: {  	[smem:$0x3FA6] =	sst s0  }
0x9: {  	[smem:$0x3FA7] =	sst s1  }
0xa: {  	[smem:$0x3FA8] =	sst s2  }
0xb: {  	[smem:$0x3FA9] =	sst s3  }
0xc: {  	[smem:$0x3FAA] =	sst s4  }
0xd: {  	[smem:$0x3FAB] =	sst s5  }
0xe: {  	[smem:$0x3FAC] =	sst s6  }
0xf: {  	[smem:$0x3FAD] =	sst s7  }
0x10: {  	[smem:$0x3FAE] =	sst s8  }
0x11: {  	[smem:$0x3FAF] =	sst s9;
	s0 =	simm.s32 @!p0 $0x0  }
0x12: {  	s1 =	sld [smem:$0x3F95];
	s0 =	simm.s32 @p0 $0x1  }
0x13: {  	[smem:$0x3FB0] =	sst s0;
	s0 =	simm.s32 @!p1 $0x0  }
0x14: {  	s2 =	sld [smem:$0x3F94];
	s0 =	simm.s32 @p1 $0x1  }
0x15: {  	[smem:$0x3FB1] =	sst s0;
	s0 =	simm.s32 @!p2 $0x0  }
0x16: {  	s3 =	sld [smem:$0x3FDB];
	s0 =	simm.s32 @p2 $0x1  }
0x17: {  	s4 =	simm.s32 $0x1BF5;
	[smem:$0x3FB3] =	sst s0  }
0x18: {  	s0 =	sld [smem:$0x3F96];
	_ =	swait.ge [sflag:s4], $0x0  }
0x19: {  	s7 =	sld [smem:$0x3F97]  }
0x1a: {  	s8 =	sadd.s32 $0xFFFFE003, lr  }
0x1b: {  	s9 =	sadd.s32 $0xFFFFFEF7, lr;
	s5 =	simm.s32 $0xFFFFFFFF;
	p2 =	slt.u32 s8, $0xFFFFF086  }
0x1c: {  	p1 =	slt.u32 s9, $0xF7A;
	s5 =	simm.s32 @!p2 $0x0  }
0x1d: {  	s5 =	simm.s32 @p1 $0x1;
	p0 =	seq.s32 s7, s2  }
0x1e: {  	s7 =	smul.u32 @!p0 $0xF7A, s2;
	p2 =	seq.s32 @!p0 s5, $0x0  }
0x1f: {  	s9 =	smul.u32 $0xF7A, s1;
	s8 =	simm.s32 @!p0 $0x1BF5;
	p2 =	por !p2, p0  }
0x20: {  	[sflag:s8] =	ssyncset.s32 @!p0 $0xFFFFF086;
	s6 =	sadd.s32 @!p0 s3, s7;
	s7 =	simm.s32 @!p0 $0x108  }
0x21: {  	s3 =	sadd.s32 s3, s9;
	s6 =	sadd.s32 @!p0 $0x88, s6;
	s7 =	simm.s32 @p2 $0x1082  }
0x22: {  	[simem:s7], [sflag:s8] =	dma.local @!p0 [hbm:s6], $0xF7A  }
0x23: {  	s9 =	sor.u32 $0xD0000000, s2;
	s6 =	simm.s32 $0x108;
	_ =	swait.ge @!p0 [sflag:s8], $0x0  }
0x24: {  	s3 =	sadd.s32 $0x88, s3;
	s6 =	simm.s32 @!p1 $0x1082;
	[sflag:s4] =	ssyncset.s32 $0xFFFFF086  }
0x25: {  	[simem:s6], [sflag:s4] =	dma.local [hbm:s3], $0xF7A  }
0x26: {  	[smem:$0x3F97] =	sst s1;
	(tag) =	ssettag s2;
	_ =	strace s9  }
0x27: {  	s1 =	sld [smem:$0x3FA7]  }
0x28: {  	s2 =	sld [smem:$0x3FA8]  }
0x29: {  	s4 =	sld [smem:$0x3FAA]  }
0x2a: {  	p0 =	seq.s32 s5, $0x0;
	s5 =	sld [smem:$0x3FAB]  }
0x2b: {  	s6 =	sld [smem:$0x3FAC]  }
0x2c: {  	s7 =	sld [smem:$0x3FAD]  }
0x2d: {  	s3 =	simm.s32 $0x108;
	s8 =	sld [smem:$0x3FAE]  }
0x2e: {  	s3 =	simm.s32 @!p0 $0x1082;
	s9 =	sld [smem:$0x3FAF]  }
0x2f: {  	lr =	sadd.s32 s0, s3;
	s0 =	sld [smem:$0x3FA6]  }
0x30: {  	s3 =	sld [smem:$0x3FA9]  }
0x31: {  	[smem:$0x3FB2] =	sst s10  }
0x32: {  	s10 =	sld [smem:$0x3FB0];
	_ =	sdelay $0x3  }
0x33: {  	p0 =	seq.s32 s10, $0x1;
	s10 =	sld [smem:$0x3FB2];
	_ =	sdelay $0x3  }
0x34: {  	[smem:$0x3FB2] =	sst s10  }
0x35: {  	s10 =	sld [smem:$0x3FB1];
	_ =	sdelay $0x3  }
0x36: {  	p1 =	seq.s32 s10, $0x1;
	s10 =	sld [smem:$0x3FB2];
	_ =	sdelay $0x3  }
0x37: {  	[smem:$0x3FB2] =	sst s10  }
0x38: {  	s10 =	sld [smem:$0x3FB3]  }
0x39: {  	_ = 	snop;
	(pc) =	sbr.ind lr, $3  }
0x3a: {  	_ = 	snop  }
0x3b: {  	_ = 	snop  }
0x3c: {  	p2 =	seq.s32 s10, $0x1;
	s10 =	sld [smem:$0x3FB2]  }
0x3d: {  	_ =	shalt  }
0x3e: {  	_ =	shalt  }
0x3f: {  	_ =	shalt  }
0x40: {  	_ =	shalt  }
0x41: {  	_ =	shalt  }
0x42: {  	_ =	shalt  }
0x43: {  	_ =	shalt  }
0x44: {  	_ =	shalt  }
0x45: {  	_ =	shalt  }
0x46: {  	_ =	shalt  }
0x47: {  	_ =	shalt  }
0x48: {  	_ =	shalt  }
0x49: {  	_ =	shalt  }
0x4a: {  	_ =	shalt  }
0x4b: {  	_ =	shalt  }
0x4c: {  	_ =	shalt  }
0x4d: {  	_ =	shalt  }
0x4e: {  	_ =	shalt  }
0x4f: {  	_ =	shalt  }
0x50: {  	_ =	shalt  }
0x51: {  	_ =	shalt  }
0x52: {  	_ =	shalt  }
0x53: {  	_ =	shalt  }
0x54: {  	_ =	shalt  }
0x55: {  	_ =	shalt  }
0x56: {  	_ =	shalt  }
0x57: {  	_ =	shalt  }
0x58: {  	_ =	shalt  }
0x59: {  	_ =	shalt  }
0x5a: {  	_ =	shalt  }
0x5b: {  	_ =	shalt  }
0x5c: {  	_ =	shalt  }
0x5d: {  	_ =	shalt  }
0x5e: {  	_ =	shalt  }
0x5f: {  	_ =	shalt  }
0x60: {  	_ =	shalt  }
0x61: {  	_ =	shalt  }
0x62: {  	_ =	shalt  }
0x63: {  	_ =	shalt  }
0x64: {  	_ =	shalt  }
0x65: {  	_ =	shalt  }
0x66: {  	_ =	shalt  }
0x67: {  	_ =	shalt  }
0x68: {  	_ =	shalt  }
0x69: {  	_ =	shalt  }
0x6a: {  	_ =	shalt  }
0x6b: {  	_ =	shalt  }
0x6c: {  	_ =	shalt  }
0x6d: {  	_ =	shalt  }
0x6e: {  	_ =	shalt  }
0x6f: {  	_ =	shalt  }
0x70: {  	_ =	shalt  }
0x71: {  	_ =	shalt  }
0x72: {  	_ =	shalt  }
0x73: {  	_ =	shalt  }
0x74: {  	_ =	shalt  }
0x75: {  	_ =	shalt  }
0x76: {  	_ =	shalt  }
0x77: {  	_ =	shalt  }
0x78: {  	_ =	shalt  }
0x79: {  	_ =	shalt  }
0x7a: {  	_ =	shalt  }
0x7b: {  	_ =	shalt  }
0x7c: {  	_ =	shalt  }
0x7d: {  	_ =	shalt  }
0x7e: {  	_ =	shalt  }
0x7f: {  	_ =	shalt  }
0x80: {  	_ =	shalt  }
0x81: {  	_ =	shalt  }
0x82: {  	_ =	shalt  }
0x83: {  	_ =	shalt  }
0x84: {  	_ =	shalt  }
0x85: {  	_ =	shalt  }
0x86: {  	_ =	shalt  }
0x87: {  	_ =	shalt  }
.Lfunc_end0:
.L_simem_size_0:
called_computation_lowered:
.L_overlay_start_0:
0x88: {  	s2 =	sld [smem:$0x3FD9]  }
0x89: {  	s3 =	sld [smem:$0x3FFE];
	_ =	sdelay $0x1  }
0x8a: {  	s1 =	srdreg.scid  }
0x8b: {  	s0 =	sand.u32 $0x1, s1  }
0x8c: {  	s17 =	sshll.u32 s0, $0xA;
	s2 =	sadd.s32 s3, s2  }
0x8d: {  	s2 =	sadd.s32 s2, s17  }
0x8e: {  	[smem:$0x3FBE] =	sst s2  }
0x8f: {  	_ = 	snop  }
0x90: {  	(tm) =	ssettm $0x1  }
0x91: {  	s18 =	sld [smem:$0x3FFB];
	_ =	sdelay $0x3  }
0x92: {  	_ =	strace s18  }
0x93: {  	s2 =	sld [smem:$0x3FFC];
	_ =	sdelay $0x3  }
0x94: {  	_ =	strace s2  }
0x95: {  	s2 =	sld [smem:$0x3FFD];
	_ =	sdelay $0x3  }
0x96: {  	_ =	strace s2  }
0x97: {  	_ =	strace $0x8FFFFFFF  }
0x98: {  	s19 =	sld [smem:$0x3FDB];
	_ =	sdelay $0x1  }
0x99: {  	s20 =	simm.s32 $_scs_section_size  }
0x9a: {  	s4 =	simm.s32 $_size__tile_overlayer_lowered;
	s5 =	simm.s32 $_tile_overlayer_lowered  }
0x9b: {  	s6 =	simm.s32 $0x1BFF;
	s21 =	sshll.u32 s5, $0x1;
	s3 =	sadd.s32 s20, s19  }
0x9c: {  	s22 =	simm.s32 $0x0;
	s4 =	sshll.u32 s4, $0x1;
	s5 =	sadd.s32 s21, s3  }
0x9d: {  	[timem:s22], [sflag:s6] =	dma.local [hbm:s5], s4  }
0x9e: {  	_ =	swait.ge [sflag:s6], s4  }
0x9f: {  	s4 =	ssub.s32 $0x0, s4;
	[sflag:s6] =	ssyncset.done $0x0  }
0xa0: {  	[sflag:s6] =	ssyncadd.s32 s4;
	_ =	sdelay $0x1  }
0xa1: {  	s23 =	simm.s32 $0x1B8B  }
0xa2: {  	_ =	swait.ge [sflag:s23], $0x1  }
0xa3: {  	[sflag:s23] =	ssyncset.done $0x0  }
0xa4: {  	[sflag:s23] =	ssyncadd.s32 $0xFFFFFFFF  }
0xa5: {  	s4 =	sld [smem:$0x0]  }
0xa6: {  	s5 =	sand.u32 $0xFFFFFFFE, s1  }
0xa7: {  	p0 =	sne.s32 s1, s5  }
0xa8: {  	s5 =	sshll.u32 @p0 s5, $0xE  }
0xa9: {  	s5 =	sadd.s32 @p0 $0x11B8D, s5;
	s6 =	sshll.u32 @p0 s4, $0x11  }
0xaa: {  	s5 =	sor.u32 @p0 s6, s5  }
0xab: {  	[sflag:s5] =	ssyncadd.remote.s32 @p0 $0x1;
	_ =	sdelay $0x1  }
0xac: {  	s5 =	simm.s32 @p0 $0x1B8D  }
0xad: {  	_ =	swait.eq @p0 [sflag:s5], $0x1  }
0xae: {  	[sflag:s5] =	ssyncadd.s32 @p0 $0xFFFFFFFF  }
0xaf: {  	s6 =	sshll.u32 @!p0 s1, $0xE  }
0xb0: {  	s6 =	sor.u32 @!p0 $0x4000, s6;
	s5 =	simm.s32 @!p0 $0x1B8D  }
0xb1: {  	s4 =	sshll.u32 @!p0 s4, $0x11;
	s6 =	sadd.s32 @!p0 $0x11B8D, s6;
	_ =	swait.eq @!p0 [sflag:s5], $0x1  }
0xb2: {  	s4 =	sor.u32 @!p0 s4, s6;
	[sflag:s5] =	ssyncadd.s32 @!p0 $0xFFFFFFFF  }
0xb3: {  	s25 =	simm.s32 $0x1B8E;
	s24 =	sld [smem:$0x3FFE];
	[sflag:s4] =	ssyncadd.remote.s32 @!p0 $0x1  }
0xb4: {  	s26 =	simm.s32 $execute0_lowered;
	[smem:$0x3FD2] =	sst s25  }
0xb5: {  	s5 =	sshll.u32 s26, $0x1;
	_ =	strace $0x80000049;
	[dreg:$0x1] =	wrdreg $0xFFFFFFFF  }
0xb6: {  	s28 =	simm.s32 $_size_execute0_lowered;
	s3 =	sadd.s32 s3, s5;
	[dreg:$0x0] =	wrdreg $0x0  }
0xb7: {  	s5 =	sshll.u32 s28, $0x1;
	[dreg:$0x2] =	wrdreg s3  }
0xb8: {  	[dreg:$0x3] =	wrdreg s5  }
0xb9: {  	[dreg:$0x4] =	wrdreg $0xC0  }
0xba: {  	_ =	task [dreg:s22], $0x5FFFF  }
0xbb: {  	[dreg:$0x1] =	wrdreg $0xFFFFFFFF  }
0xbc: {  	[dreg:$0x0] =	wrdreg $0x60  }
0xbd: {  	[dreg:$0x2] =	wrdreg s24  }
0xbe: {  	[dreg:$0x3] =	wrdreg $0x9  }
0xbf: {  	_ =	task.clear_ibuf [dreg:s22], $0x4FFFF;
	_ =	strace $0x90000049  }
0xc0: {  	s29 =	simm.s32 $0x9;
	_ =	strace $0x8000004B  }
0xc1: {  	_ =	swait.ge [sflag:s29], $0x1  }
0xc2: {  	[sflag:s29] =	ssyncadd.s32 $0xFFFFFFFF  }
0xc3: {  	_ =	strace $0x9000004B  }
0xc4: {  	_ =	sfence  }
0xc5: {  	s30 =	sld [smem:$0x0];
	_ =	sdelay $0x2  }
0xc6: {  	s31 =	sshll.u32 s1, $0xD;
	s1 =	sshrl.u32 s1, $0x2  }
0xc7: {  	s4 =	sand.u32 $0x4000, s31;
	s1 =	sadd.s32 s1, s30  }
0xc8: {  	s0 =	sor.u32 s4, s0;
	s1 =	sshll.u32 s1, $0x11  }
0xc9: {  	s0 =	sor.u32 s1, s0  }
0xca: {  	s0 =	sadd.s32 $0x8F2B, s0  }
0xcb: {  	[sflag:s0] =	ssyncadd.remote.s32 $0x1  }
0xcc: {  	_ =	sfence.sel $0xFFFF  }
0xcd: {  	[dreg:$0x0] =	wrdreg $0xFFFFFFFF;
	(pc) =	sbr.abs _section_cstart, $3  }
0xce: {  	[dreg:$0x1] =	wrdreg $0xFFFFFFFF  }
0xcf: {  	_ =	task.clear_ibuf [dreg:s22], $0x2FFFF;
	_ =	strace $0x9FFFFFFF  }
0xd0: {  	(tm) =	ssettm $0x7FFFFFFF  }
0xd1: {  	_ =	shalt  }
tec
execute0_lowered:
.L_overlay_start_1:
0x0: {  	(tag) =	ssettag $0x1  }
0x1: {  	s0 =	srdreg.scid  }
0x2: {  	s3 =	sand.u32 $0x1, s0  }
0x3: {  	s0 =	stileid.u32;
	s1 =	sshll.u32 s3, $0x4  }
0x4: {  	s4 =	rddreg [dreg:$0x0];
	s1 =	sor.u32 s0, s1  }
0x5: {  	s6 =	simm.s32 $0x80;
	s7 =	simm.s32 $0x400;
	s1 =	sshrl.u32 s1, $0x3  }
0x6: {  	s8 =	simm.s32 $0x1;
	s30 =	sshll.u32 s0, $0x7;
	s2 =	smul.u32 $0x13C00, s1  }
0x7: {  	s9 =	simm.s32 $0x2780;
	s3 =	ssub.s32 $0x2, s3;
	s5 =	sand.u32 $0x380, s30  }
0x8: {  	s1 =	rddreg [dreg:$0x1];
	s5 =	sor.u32 s5, s2;
	s2 =	simm.s32 $0x0  }
0x9: {  	s31 =	sshrl.u32 s3, $0x1;
	s5 =	sshrl.u32 s5, $0x3;
	[smem:$0x7FF] =	sst s2  }
0xa: {  	s4 =	sadd.s32 s5, s4;
	_ =	strace $0x8000004A;
	s5 =	ssub.s32 s3, s31  }
0xb: {  	v0 =	vimm.f32 $0.0e+00;
	v1 =	vimm.f32 $1.000000000e+00;
	s3 =	sadd.s32 $0x9BE00, s4;
	s4 =	sadd.s32 $0xA5C00, s4;
	s5 =	smax.u32 s5, $0x1  }
.LBB2_1:
0xc: {  	s10 =	simm.s32 $0x40;
	s11 =	simm.s32 $0x0  }
.LBB2_2:
0xd: {  	p0 =	sne.s32 s10, $0x9DC0;
	[tilespmem:s11+$0x2780] =	vst v0;
	s11 =	smov.u32 s10;
	s10 =	sadd.s32 $0x40, s10  }
.Ltmp0:
0xe: {  	(pc) =	sbr.rel @p0 .LBB2_2-.Ltmp0, $2  }
0xf: {  	_ =	sdelay $0x2  }
0x10: {  	s11 =	sshra.s32 s11, $0x2  }
0x11: {  	[tilespmem:s11+$0x2780] =	vst v0;
	s10 =	simm.s32 $0x0  }
0x12: {  	[tilespmem:s10], [sflag:$0x1] =	stream.strided.gather [hbm4b:s3+s6], $0x2780, s7, s6, $0x38;
	[tilespmem:$0x4F00] =	vst v63  }
0x13: {  	_ =	swait.ge [sflag:s8], $0x2780  }
0x14: {  	[sflag:s8] =	ssyncset.done $0x0  }
0x15: {  	s11 =	simm.s32 $0x0;
	s10 =	simm.s32 $0x40;
	[sflag:s8] =	ssyncadd.s32 $0xFFFFD880  }
.LBB2_4:
0x16: {  	p0 =	sne.s32 s10, $0x9C00;
	v2 =	vld [tilespmem:s11+$0x0];
	_ =	sdelay $0x3  }
.Ltmp1:
0x17: {  	(pc) =	sbr.rel @p0 .LBB2_4-.Ltmp1, $2  }
0x18: {  	_ =	sdelay $0x2  }
0x19: {  	s11 =	sshra.s32 s10, $0x2;
	s10 =	sadd.s32 $0x40, s10;
	[tilespmem:v2+s9+$0x0] =	vst.idx.add.f32.msk $0xffff, v1  }
0x1a: {  	v2 =	vld [tilespmem:s11+$0x0];
	_ =	sdelay $0x5  }
0x1b: {  	s2 =	sadd.s32 $0x1, s2  }
0x1c: {  	p0 =	sne.s32 s2, s5  }
.Ltmp2:
0x1d: {  	[tilespmem:v2+s9+$0x0] =	vst.idx.add.f32.msk $0xffff, v1;
	(pc) =	sbr.rel @p0 .LBB2_1-.Ltmp2, $4  }
0x1e: {  	[hbm4b:s4+s6] =	stream.strided.scatter [tilespmem:s9], [sflag:$0x1], $0x2780, s7, s6, $0x38;
	[tilespmem:$0x4F00] =	vst v63  }
0x1f: {  	_ =	swait.ge [sflag:s8], $0x2780  }
0x20: {  	[sflag:s8] =	ssyncset.done $0x0  }
0x21: {  	[sflag:s8] =	ssyncadd.s32 $0xFFFFD880  }
0x22: {  	_ =	sfence.sel $0x180000  }
0x23: {  	[bflag:$0x0] =	sbarrier.arrive $0xFFFF  }
0x24: {  	p0 =	sne.s32 s0, $0x0;
	_ =	strace $0x9000004A  }
0x25: {  	s0 =	sadd.s32 @!p0 $0x100000, s1;
	[bflag:$0x2] =	sbarrier.arrive $0xFFFF  }
0x26: {  	[sflag:s0] =	ssyncadd.tile.s32 @!p0 $0x1;
	_ =	shalt  }
.Lfunc_end2:
_tile_overlayer_lowered:
.L_overlay_start_2:
0x27: {  	(tag) =	ssettag $0x2  }
0x28: {  	s0 =	rddreg [dreg:$0x0];
	s2 =	stileid.u32  }
0x29: {  	s1 =	rddreg [dreg:$0x1];
	p0 =	sne.s32 s2, $0x0  }
0x2a: {  	s3 =	rddreg [dreg:$0x2];
	[bflag:$0x3] =	sbarrier.arrive $0xFFFF;
	s2 =	simm.s32 @!p0 $0x1C01  }
0x2b: {  	[timem:s3], [sflag:s2] =	dma.local @!p0 [hbm:s0], s1  }
0x2c: {  	s0 =	simm.s32 @!p0 $0x1  }
0x2d: {  	_ =	swait.ge @!p0 [sflag:s0], s1  }
0x2e: {  	s1 =	ssub.s32 @!p0 $0x0, s1;
	[sflag:s0] =	ssyncset.done @!p0 $0x0  }
0x2f: {  	[sflag:s0] =	ssyncadd.s32 @!p0 s1  }
0x30: {  	[bflag:$0x3] =	sbarrier.arrive $0xFFFF  }
0x31: {  	_ =	shalt  }

</sc_bundles>
